<compile_context>
chip_gen: v7x
topology: tpu7x:2x2x1
jax: 0.10.2.dev20260603
libtpu: 0.0.44.dev20260713+nightly
codegen_flags: <defaults>
</compile_context>

<pallas_src>
import jax
import jax.numpy as jnp
from jax import lax
from jax.experimental import pallas as pl
from jax.experimental.pallas import tpu as pltpu
from jax.experimental.pallas import tpu_sc as plsc

_EMBED = 64
_OUT = 2
_SEQ = 200
_BATCH = 4096
_SEQP = 256
_PAD = _SEQP - _SEQ
_G1 = 128
_G2 = _SEQ - _G1
_NC = 2
_NS = 16
_NW = _NC * _NS
_BPW = _BATCH // _NW


_VOCAB = 1000000
_CH = 4096
_NCH = (_VOCAB + _CH - 1) // _CH


def _tc_repack_body(x_ref, o_ref):
    xt = x_ref[...].T
    x3 = xt.reshape(_CH // 2, 2, _EMBED)
    evens = x3[:, 0, :]
    odds = x3[:, 1, :]
    o_ref[...] = jnp.concatenate([evens, odds], axis=1)


def _tc_repack(tableT):
    return pl.pallas_call(
        _tc_repack_body,
        grid=(_NCH,),
        in_specs=[pl.BlockSpec((_EMBED, _CH), lambda i: (0, i))],
        out_specs=pl.BlockSpec((_CH // 2, 2 * _EMBED), lambda i: (i, 0)),
        out_shape=jax.ShapeDtypeStruct((_VOCAB // 2, 2 * _EMBED), jnp.float32),
    )(tableT)


def _sc_body(textp_hbm, textq_hbm, table_hbm, sums_hbm, idx_v, idx2_v,
             rows0_v, rows1_v, out_v, sem0a, sem0b, sem1a, sem1b):
    wid = lax.axis_index("s") * _NC + lax.axis_index("c")
    base = wid * _BPW
    pltpu.sync_copy(textp_hbm.at[pl.ds(base * 2, 2 * _BPW)], idx_v)
    pltpu.sync_copy(textq_hbm.at[pl.ds(base * 2, 2 * _BPW)], idx2_v)

    def issue(b, rows_ref, sema, semb):
        pltpu.async_copy(
            table_hbm.at[idx2_v.at[2 * b]],
            rows_ref.at[pl.ds(0, _G1)], sema)
        pltpu.async_copy(
            table_hbm.at[idx2_v.at[2 * b + 1, pl.ds(0, _G2)]],
            rows_ref.at[pl.ds(_G1, _G2)], semb)

    def wait_rows(b, rows_ref, sema, semb):
        pltpu.make_async_copy(
            table_hbm.at[idx2_v.at[2 * b]],
            rows_ref.at[pl.ds(0, _G1)], sema).wait()
        pltpu.make_async_copy(
            table_hbm.at[idx2_v.at[2 * b + 1, pl.ds(0, _G2)]],
            rows_ref.at[pl.ds(_G1, _G2)], semb).wait()

    def acc_store(b, rows_ref):
        zero = jnp.zeros((16,), jnp.float32)

        def group(g, accs, row0_idx, par_row, nrows):
            par = idx_v[par_row, pl.ds(g * 16, 16)] & 1
            for j in range(nrows):
                off = par[j] * _EMBED
                s = row0_idx + g * 16 + j
                accs = tuple(
                    accs[c] + rows_ref[s, pl.ds(off + c * 16, 16)]
                    for c in range(4))
            return accs

        accs = lax.fori_loop(
            0, _G1 // 16,
            lambda g, a: group(g, a, 0, 2 * b, 16),
            (zero,) * 4)
        accs = lax.fori_loop(
            0, _G2 // 16,
            lambda g, a: group(g, a, _G1, 2 * b + 1, 16),
            accs)
        accs = group(_G2 // 16, accs, _G1, 2 * b + 1, _G2 % 16)
        half = (b & 1) * _EMBED
        for c in range(4):
            out_v[b // 2, pl.ds(half + c * 16, 16)] = accs[c]

    issue(0, rows0_v, sem0a, sem0b)

    def pairb(j, carry):
        b0 = 2 * j
        issue(b0 + 1, rows1_v, sem1a, sem1b)
        wait_rows(b0, rows0_v, sem0a, sem0b)
        acc_store(b0, rows0_v)

        @pl.when(b0 + 2 < _BPW)
        def _():
            issue(b0 + 2, rows0_v, sem0a, sem0b)
        wait_rows(b0 + 1, rows1_v, sem1a, sem1b)
        acc_store(b0 + 1, rows1_v)
        return carry

    lax.fori_loop(0, _BPW // 2, pairb, None)
    pltpu.sync_copy(out_v, sums_hbm.at[pl.ds(wid * (_BPW // 2), _BPW // 2)])


def _sc_gather_sum(textp, textq, table2):
    f = pl.kernel(
        _sc_body,
        out_type=jax.ShapeDtypeStruct((_BATCH // 2, 2 * _EMBED), jnp.float32),
        mesh=plsc.VectorSubcoreMesh(core_axis_name="c", subcore_axis_name="s"),
        scratch_types=[
            pltpu.VMEM((2 * _BPW, 128), jnp.int32),
            pltpu.VMEM((2 * _BPW, 128), jnp.int32),
            pltpu.VMEM((_SEQ, 128), jnp.float32),
            pltpu.VMEM((_SEQ, 128), jnp.float32),
            pltpu.VMEM((_BPW // 2, 2 * _EMBED), jnp.float32),
            pltpu.SemaphoreType.DMA,
            pltpu.SemaphoreType.DMA,
            pltpu.SemaphoreType.DMA,
            pltpu.SemaphoreType.DMA,
        ],
    )
    return f(textp, textq, table2)


def _tc_body(sums_ref, text_ref, row0_ref, w_ref, b_ref, out_ref):
    cnt = jnp.sum((text_ref[...] == 0).astype(jnp.float32),
                  axis=1, keepdims=True) - float(_PAD)
    pooled = (sums_ref[...] - cnt * row0_ref[...]) * (1.0 / _SEQ)
    out_ref[...] = lax.dot_general(
        pooled, w_ref[...], (((1,), (1,)), ((), ())),
        preferred_element_type=jnp.float32,
        precision=lax.Precision.HIGHEST) + b_ref[...]


def _tc_finish(sums, textp2, row0, w, b2):
    return pl.pallas_call(
        _tc_body,
        out_shape=jax.ShapeDtypeStruct((_BATCH, _OUT), jnp.float32),
    )(sums, textp2, row0, w, b2)


def kernel(text, embed_weight, linear_W, linear_b):
    idx = text.astype(jnp.int32).T
    idxp = jnp.pad(idx, ((0, 0), (0, _PAD)))
    textp = idxp.reshape(2 * _BATCH, 128)
    textq = jnp.right_shift(textp, 1)
    table2 = _tc_repack(embed_weight.T)
    sums2 = _sc_gather_sum(textp, textq, table2)
    sums = sums2.reshape(_BATCH, _EMBED)
    row0 = table2[0:1, :_EMBED]
    out = _tc_finish(sums, idxp, row0, linear_W,
                     linear_b.reshape(1, _OUT))
    return out

# --- scband reference (transcript-rebuilt; emitter-appended) ---
"""Pipeline reference for scband-word-avgmodel-11424613007479 (READ-ONLY COPY).

The authoritative reference and input builder live on the scoring server;
editing this copy changes nothing except your own understanding.
"""

import jax, jax.numpy as jnp
import numpy as np

VOCAB = 1000000
EMBED = 64
OUT = 2
PAD_IDX = 0
SEQ = 200
BATCH = 4096

def setup_inputs(seed: int = 0) -> dict:
    key = jax.random.key(seed)
    k1, k2, k3 = jax.random.split(key, 3)
    text = jax.random.randint(k1, (SEQ, BATCH), 0, VOCAB, dtype=jnp.int64) if jax.config.jax_enable_x64 else jax.random.randint(k1, (SEQ, BATCH), 0, VOCAB, dtype=jnp.int32)
    embed_weight = jax.random.normal(k2, (VOCAB, EMBED), dtype=jnp.float32)
    linear_W = jax.random.normal(k3, (OUT, EMBED), dtype=jnp.float32) * 0.05
    linear_b = jnp.zeros((OUT,), dtype=jnp.float32)
    return {"text": text, "embed_weight": embed_weight, "linear_W": linear_W, "linear_b": linear_b}

def reference(text, embed_weight, linear_W, linear_b):
    # nn.Embedding with padding_idx: pad row is zeros
    table = embed_weight.at[PAD_IDX].set(0.0)
    embedded = jnp.take(table, text, axis=0)          # [S, B, E]
    embedded = jnp.transpose(embedded, (1, 0, 2))     # [B, S, E]
    # F.avg_pool2d with kernel (S, 1) == mean over sequence axis, then squeeze
    pooled = jnp.mean(embedded, axis=1)               # [B, E]
    out = pooled @ linear_W.T + linear_b              # [B, OUT]
    return out

if __name__ == "__main__":
    import jax
    _d = setup_inputs()
    print(jax.jit(kernel)(*tuple(_d.values())))

</pallas_src>

<mosaic_0001>
#map = affine_map<(d0, d1) -> (0, 0)>
module attributes {stable_mosaic.version = 14 : i64} {
  func.func @_sc_body(%arg0: i32, %arg1: i32, %arg2: memref<8192x128xi32, #tpu.memory_space<hbm>>, %arg3: memref<8192x128xi32, #tpu.memory_space<hbm>>, %arg4: memref<500000x128xf32, #tpu.memory_space<hbm>>, %arg5: memref<2048x128xf32, #tpu.memory_space<hbm>>, %arg6: memref<256x128xi32, #tpu.memory_space<vmem>>, %arg7: memref<256x128xi32, #tpu.memory_space<vmem>>, %arg8: memref<200x128xf32, #tpu.memory_space<vmem>>, %arg9: memref<200x128xf32, #tpu.memory_space<vmem>>, %arg10: memref<64x128xf32, #tpu.memory_space<vmem>>, %arg11: memref<!tpu.dma_semaphore, #tpu.memory_space<semaphore_mem>>, %arg12: memref<!tpu.dma_semaphore, #tpu.memory_space<semaphore_mem>>, %arg13: memref<!tpu.dma_semaphore, #tpu.memory_space<semaphore_mem>>, %arg14: memref<!tpu.dma_semaphore, #tpu.memory_space<semaphore_mem>>) attributes {dimension_semantics = [#tpu.dimension_semantics<core_parallel>, #tpu.dimension_semantics<subcore_parallel>], iteration_bounds = array<i64: 2, 16>, scalar_prefetch = 0 : i64, scratch_operands = 9 : i64, tpu.core_type = #tpu.core_type<sc_vector_subcore>, window_params = [{transform_indices = #map}, {transform_indices = #map}, {transform_indices = #map}, {transform_indices = #map}]} {
    %mul3A = arith.constant 2 : i32
    %mul3A_0 = arith.muli %arg1, %mul3A : i32
    %add3A = arith.addi %mul3A_0, %arg0 : i32
    %mul3A_1 = arith.constant 128 : i32
    %mul3A_2 = arith.muli %add3A, %mul3A_1 : i32
    %mul3A_3 = arith.constant 2 : i32
    %mul3A_4 = arith.muli %mul3A_2, %mul3A_3 : i32
    "tpu.region"() ({
      %run_scoped3A = tpu.sem_alloc : memref<!tpu.dma_semaphore, #tpu.memory_space<semaphore_mem>>
      %dma_start3A_32 = arith.constant 0 : i32
      %dma_start3A_33 = tpu.memref_slice %arg2[%mul3A_4, %dma_start3A_32] : memref<8192x128xi32, #tpu.memory_space<hbm>> -> memref<256x128xi32, #tpu.memory_space<hbm>>
      %dma_start3A_34 = arith.constant 0 : i32
      %dma_start3A_35 = tpu.memref_slice %arg2[%mul3A_4, %dma_start3A_34] : memref<8192x128xi32, #tpu.memory_space<hbm>> -> memref<256x128xi32, #tpu.memory_space<hbm>>
      tpu.enqueue_dma source(%dma_start3A_35 : memref<256x128xi32, #tpu.memory_space<hbm>>) target(%arg6 : memref<256x128xi32, #tpu.memory_space<vmem>>) target_semaphore(%run_scoped3A : memref<!tpu.dma_semaphore, #tpu.memory_space<semaphore_mem>>)
      %dma_wait3A = arith.constant 0 : i32
      %dma_wait3A_36 = tpu.memref_slice %arg2[%mul3A_4, %dma_wait3A] : memref<8192x128xi32, #tpu.memory_space<hbm>> -> memref<256x128xi32, #tpu.memory_space<hbm>>
      %dma_wait3A_37 = arith.constant 0 : i32
      %dma_wait3A_38 = tpu.memref_slice %arg2[%mul3A_4, %dma_wait3A_37] : memref<8192x128xi32, #tpu.memory_space<hbm>> -> memref<256x128xi32, #tpu.memory_space<hbm>>
      tpu.wait_dma2 semaphore(%run_scoped3A : memref<!tpu.dma_semaphore, #tpu.memory_space<semaphore_mem>>) src(%dma_wait3A_38 : memref<256x128xi32, #tpu.memory_space<hbm>>) dst(%arg6 : memref<256x128xi32, #tpu.memory_space<vmem>>)
      tpu.yield
    }) : () -> ()
    %mul3A_5 = arith.constant 2 : i32
    %mul3A_6 = arith.muli %mul3A_2, %mul3A_5 : i32
    "tpu.region"() ({
      %run_scoped3A = tpu.sem_alloc : memref<!tpu.dma_semaphore, #tpu.memory_space<semaphore_mem>>
      %dma_start3A_32 = arith.constant 0 : i32
      %dma_start3A_33 = tpu.memref_slice %arg3[%mul3A_6, %dma_start3A_32] : memref<8192x128xi32, #tpu.memory_space<hbm>> -> memref<256x128xi32, #tpu.memory_space<hbm>>
      %dma_start3A_34 = arith.constant 0 : i32
      %dma_start3A_35 = tpu.memref_slice %arg3[%mul3A_6, %dma_start3A_34] : memref<8192x128xi32, #tpu.memory_space<hbm>> -> memref<256x128xi32, #tpu.memory_space<hbm>>
      tpu.enqueue_dma source(%dma_start3A_35 : memref<256x128xi32, #tpu.memory_space<hbm>>) target(%arg7 : memref<256x128xi32, #tpu.memory_space<vmem>>) target_semaphore(%run_scoped3A : memref<!tpu.dma_semaphore, #tpu.memory_space<semaphore_mem>>)
      %dma_wait3A = arith.constant 0 : i32
      %dma_wait3A_36 = tpu.memref_slice %arg3[%mul3A_6, %dma_wait3A] : memref<8192x128xi32, #tpu.memory_space<hbm>> -> memref<256x128xi32, #tpu.memory_space<hbm>>
      %dma_wait3A_37 = arith.constant 0 : i32
      %dma_wait3A_38 = tpu.memref_slice %arg3[%mul3A_6, %dma_wait3A_37] : memref<8192x128xi32, #tpu.memory_space<hbm>> -> memref<256x128xi32, #tpu.memory_space<hbm>>
      tpu.wait_dma2 semaphore(%run_scoped3A : memref<!tpu.dma_semaphore, #tpu.memory_space<semaphore_mem>>) src(%dma_wait3A_38 : memref<256x128xi32, #tpu.memory_space<hbm>>) dst(%arg7 : memref<256x128xi32, #tpu.memory_space<vmem>>)
      tpu.yield
    }) : () -> ()
    %dma_start3A = arith.constant 0 : i32
    %dma_start3A_7 = arith.constant 0 : i32
    %dma_start3A_8 = arith.constant 0 : i32
    %dma_start3A_9 = tpu.memref_slice %arg8[%dma_start3A_7, %dma_start3A_8] : memref<200x128xf32, #tpu.memory_space<vmem>> -> memref<128x128xf32, #tpu.memory_space<vmem>>
    %dma_start3A_10 = arith.constant 0 : i32
    %dma_start3A_11 = tpu.memref_slice %arg7[%dma_start3A, %dma_start3A_10] : memref<256x128xi32, #tpu.memory_space<vmem>> -> memref<1x128xi32, #tpu.memory_space<vmem>>
    %dma_start3A_12 = tpu.memref_squeeze %dma_start3A_11 : memref<1x128xi32, #tpu.memory_space<vmem>> -> memref<128xi32, #tpu.memory_space<vmem>>
    %dma_start3A_13 = arith.constant 0 : i32
    %dma_start3A_14 = arith.constant 0 : i32
    %dma_start3A_15 = tpu.memref_slice %arg4[%dma_start3A_13, %dma_start3A_14] : memref<500000x128xf32, #tpu.memory_space<hbm>> -> memref<500000x128xf32, #tpu.memory_space<hbm>>
    tpu.enqueue_indirect_dma source(%dma_start3A_15 : memref<500000x128xf32, #tpu.memory_space<hbm>>) target(%dma_start3A_9 : memref<128x128xf32, #tpu.memory_space<vmem>>) offsets(%dma_start3A_12 : memref<128xi32, #tpu.memory_space<vmem>>) semaphore(%arg11 : memref<!tpu.dma_semaphore, #tpu.memory_space<semaphore_mem>>)
    %dma_start3A_16 = arith.constant 1 : i32
    %dma_start3A_17 = arith.constant 128 : i32
    %dma_start3A_18 = arith.constant 0 : i32
    %dma_start3A_19 = tpu.memref_slice %arg8[%dma_start3A_17, %dma_start3A_18] : memref<200x128xf32, #tpu.memory_space<vmem>> -> memref<72x128xf32, #tpu.memory_space<vmem>>
    %dma_start3A_20 = arith.constant 0 : i32
    %dma_start3A_21 = tpu.memref_slice %arg7[%dma_start3A_16, %dma_start3A_20] : memref<256x128xi32, #tpu.memory_space<vmem>> -> memref<1x72xi32, #tpu.memory_space<vmem>>
    %dma_start3A_22 = tpu.memref_squeeze %dma_start3A_21 : memref<1x72xi32, #tpu.memory_space<vmem>> -> memref<72xi32, #tpu.memory_space<vmem>>
    %dma_start3A_23 = arith.constant 0 : i32
    %dma_start3A_24 = arith.constant 0 : i32
    %dma_start3A_25 = tpu.memref_slice %arg4[%dma_start3A_23, %dma_start3A_24] : memref<500000x128xf32, #tpu.memory_space<hbm>> -> memref<500000x128xf32, #tpu.memory_space<hbm>>
    tpu.enqueue_indirect_dma source(%dma_start3A_25 : memref<500000x128xf32, #tpu.memory_space<hbm>>) target(%dma_start3A_19 : memref<72x128xf32, #tpu.memory_space<vmem>>) offsets(%dma_start3A_22 : memref<72xi32, #tpu.memory_space<vmem>>) semaphore(%arg12 : memref<!tpu.dma_semaphore, #tpu.memory_space<semaphore_mem>>)
    %scan3A = arith.constant 0 : i32
    %scan3A_26 = arith.constant 64 : i32
    %scan3A_27 = arith.addi %scan3A, %scan3A_26 : i32
    %scan3A_28 = arith.constant 1 : i32
    scf.for %scan3A_32 = %scan3A to %scan3A_27 step %scan3A_28  : i32 {
      %mul3A_33 = arith.constant 2 : i32
      %mul3A_34 = arith.muli %mul3A_33, %scan3A_32 : i32
      %add3A_35 = arith.constant 1 : i32
      %add3A_36 = arith.addi %mul3A_34, %add3A_35 : i32
      %mul3A_37 = arith.constant 2 : i32
      %mul3A_38 = arith.muli %mul3A_37, %add3A_36 : i32
      %dma_start3A_39 = arith.constant 0 : i32
      %dma_start3A_40 = arith.constant 0 : i32
      %dma_start3A_41 = tpu.memref_slice %arg9[%dma_start3A_39, %dma_start3A_40] : memref<200x128xf32, #tpu.memory_space<vmem>> -> memref<128x128xf32, #tpu.memory_space<vmem>>
      %dma_start3A_42 = arith.constant 0 : i32
      %dma_start3A_43 = tpu.memref_slice %arg7[%mul3A_38, %dma_start3A_42] : memref<256x128xi32, #tpu.memory_space<vmem>> -> memref<1x128xi32, #tpu.memory_space<vmem>>
      %dma_start3A_44 = tpu.memref_squeeze %dma_start3A_43 : memref<1x128xi32, #tpu.memory_space<vmem>> -> memref<128xi32, #tpu.memory_space<vmem>>
      %dma_start3A_45 = arith.constant 0 : i32
      %dma_start3A_46 = arith.constant 0 : i32
      %dma_start3A_47 = tpu.memref_slice %arg4[%dma_start3A_45, %dma_start3A_46] : memref<500000x128xf32, #tpu.memory_space<hbm>> -> memref<500000x128xf32, #tpu.memory_space<hbm>>
      tpu.enqueue_indirect_dma source(%dma_start3A_47 : memref<500000x128xf32, #tpu.memory_space<hbm>>) target(%dma_start3A_41 : memref<128x128xf32, #tpu.memory_space<vmem>>) offsets(%dma_start3A_44 : memref<128xi32, #tpu.memory_space<vmem>>) semaphore(%arg13 : memref<!tpu.dma_semaphore, #tpu.memory_space<semaphore_mem>>)
      %mul3A_48 = arith.constant 2 : i32
      %mul3A_49 = arith.muli %mul3A_48, %add3A_36 : i32
      %add3A_50 = arith.constant 1 : i32
      %add3A_51 = arith.addi %mul3A_49, %add3A_50 : i32
      %dma_start3A_52 = arith.constant 128 : i32
      %dma_start3A_53 = arith.constant 0 : i32
      %dma_start3A_54 = tpu.memref_slice %arg9[%dma_start3A_52, %dma_start3A_53] : memref<200x128xf32, #tpu.memory_space<vmem>> -> memref<72x128xf32, #tpu.memory_space<vmem>>
      %dma_start3A_55 = arith.constant 0 : i32
      %dma_start3A_56 = tpu.memref_slice %arg7[%add3A_51, %dma_start3A_55] : memref<256x128xi32, #tpu.memory_space<vmem>> -> memref<1x72xi32, #tpu.memory_space<vmem>>
      %dma_start3A_57 = tpu.memref_squeeze %dma_start3A_56 : memref<1x72xi32, #tpu.memory_space<vmem>> -> memref<72xi32, #tpu.memory_space<vmem>>
      %dma_start3A_58 = arith.constant 0 : i32
      %dma_start3A_59 = arith.constant 0 : i32
      %dma_start3A_60 = tpu.memref_slice %arg4[%dma_start3A_58, %dma_start3A_59] : memref<500000x128xf32, #tpu.memory_space<hbm>> -> memref<500000x128xf32, #tpu.memory_space<hbm>>
      tpu.enqueue_indirect_dma source(%dma_start3A_60 : memref<500000x128xf32, #tpu.memory_space<hbm>>) target(%dma_start3A_54 : memref<72x128xf32, #tpu.memory_space<vmem>>) offsets(%dma_start3A_57 : memref<72xi32, #tpu.memory_space<vmem>>) semaphore(%arg14 : memref<!tpu.dma_semaphore, #tpu.memory_space<semaphore_mem>>)
      %mul3A_61 = arith.constant 2 : i32
      %mul3A_62 = arith.muli %mul3A_61, %mul3A_34 : i32
      %dma_wait3A = arith.constant 0 : i32
      %dma_wait3A_63 = arith.constant 0 : i32
      %dma_wait3A_64 = tpu.memref_slice %arg8[%dma_wait3A, %dma_wait3A_63] : memref<200x128xf32, #tpu.memory_space<vmem>> -> memref<128x128xf32, #tpu.memory_space<vmem>>
      %dma_wait3A_65 = arith.constant 0 : i32
      %dma_wait3A_66 = tpu.memref_slice %arg7[%mul3A_62, %dma_wait3A_65] : memref<256x128xi32, #tpu.memory_space<vmem>> -> memref<1x128xi32, #tpu.memory_space<vmem>>
      %dma_wait3A_67 = tpu.memref_squeeze %dma_wait3A_66 : memref<1x128xi32, #tpu.memory_space<vmem>> -> memref<128xi32, #tpu.memory_space<vmem>>
      %dma_wait3A_68 = arith.constant 0 : i32
      %dma_wait3A_69 = arith.constant 0 : i32
      %dma_wait3A_70 = tpu.memref_slice %arg4[%dma_wait3A_68, %dma_wait3A_69] : memref<500000x128xf32, #tpu.memory_space<hbm>> -> memref<500000x128xf32, #tpu.memory_space<hbm>>
      tpu.wait_indirect_dma semaphore(%arg11 : memref<!tpu.dma_semaphore, #tpu.memory_space<semaphore_mem>>) src(%dma_wait3A_70 : memref<500000x128xf32, #tpu.memory_space<hbm>>) dst(%dma_wait3A_64 : memref<128x128xf32, #tpu.memory_space<vmem>>)
      %mul3A_71 = arith.constant 2 : i32
      %mul3A_72 = arith.muli %mul3A_71, %mul3A_34 : i32
      %add3A_73 = arith.constant 1 : i32
      %add3A_74 = arith.addi %mul3A_72, %add3A_73 : i32
      %dma_wait3A_75 = arith.constant 128 : i32
      %dma_wait3A_76 = arith.constant 0 : i32
      %dma_wait3A_77 = tpu.memref_slice %arg8[%dma_wait3A_75, %dma_wait3A_76] : memref<200x128xf32, #tpu.memory_space<vmem>> -> memref<72x128xf32, #tpu.memory_space<vmem>>
      %dma_wait3A_78 = arith.constant 0 : i32
      %dma_wait3A_79 = tpu.memref_slice %arg7[%add3A_74, %dma_wait3A_78] : memref<256x128xi32, #tpu.memory_space<vmem>> -> memref<1x72xi32, #tpu.memory_space<vmem>>
      %dma_wait3A_80 = tpu.memref_squeeze %dma_wait3A_79 : memref<1x72xi32, #tpu.memory_space<vmem>> -> memref<72xi32, #tpu.memory_space<vmem>>
      %dma_wait3A_81 = arith.constant 0 : i32
      %dma_wait3A_82 = arith.constant 0 : i32
      %dma_wait3A_83 = tpu.memref_slice %arg4[%dma_wait3A_81, %dma_wait3A_82] : memref<500000x128xf32, #tpu.memory_space<hbm>> -> memref<500000x128xf32, #tpu.memory_space<hbm>>
      tpu.wait_indirect_dma semaphore(%arg12 : memref<!tpu.dma_semaphore, #tpu.memory_space<semaphore_mem>>) src(%dma_wait3A_83 : memref<500000x128xf32, #tpu.memory_space<hbm>>) dst(%dma_wait3A_77 : memref<72x128xf32, #tpu.memory_space<vmem>>)
      %broadcast_in_dim3A = arith.constant 0.000000e+00 : f32
      %broadcast_in_dim3A_84 = vector.broadcast %broadcast_in_dim3A : f32 to vector<16xf32>
      %scan3A_85 = arith.constant 0 : i32
      %scan3A_86 = arith.constant 8 : i32
      %scan3A_87 = arith.addi %scan3A_85, %scan3A_86 : i32
      %scan3A_88 = arith.constant 1 : i32
      %scan3A_89:4 = scf.for %scan3A_985 = %scan3A_85 to %scan3A_87 step %scan3A_88 iter_args(%scan3A_986 = %broadcast_in_dim3A_84, %scan3A_987 = %broadcast_in_dim3A_84, %scan3A_988 = %broadcast_in_dim3A_84, %scan3A_989 = %broadcast_in_dim3A_84) -> (vector<16xf32>, vector<16xf32>, vector<16xf32>, vector<16xf32>)  : i32 {
        %mul3A_990 = arith.constant 2 : i32
        %mul3A_991 = arith.muli %mul3A_990, %mul3A_34 : i32
        %mul3A_992 = arith.constant 16 : i32
        %mul3A_993 = arith.muli %scan3A_985, %mul3A_992 : i32
        %get3A_994 = arith.index_cast %mul3A_991 : i32 to index
        %get3A_995 = arith.index_cast %mul3A_993 : i32 to index
        %get3A_996 = tpu.vector_load %arg6[%get3A_994, %get3A_995] {strides = array<i32>} : memref<256x128xi32, #tpu.memory_space<vmem>>, vector<1x16xi32>,
        %get3A_997 = vector.shape_cast %get3A_996 : vector<1x16xi32> to vector<16xi32>
        %and3A_998 = arith.constant 1 : i32
        %and3A_999 = vector.broadcast %and3A_998 : i32 to vector<16xi32>
        %and3A_1000 = arith.andi %get3A_997, %and3A_999 : vector<16xi32>
        %slice3A_1001 = vector.extract_strided_slice %and3A_1000 {offsets = [0], sizes = [1], strides = [1]} : vector<16xi32> to vector<1xi32>
        %squeeze3A_1002 = vector.extract %slice3A_1001[0] : i32 from vector<1xi32>
        %mul3A_1003 = arith.constant 64 : i32
        %mul3A_1004 = arith.muli %squeeze3A_1002, %mul3A_1003 : i32
        %mul3A_1005 = arith.constant 16 : i32
        %mul3A_1006 = arith.muli %scan3A_985, %mul3A_1005 : i32
        %add3A_1007 = arith.constant 0 : i32
        %add3A_1008 = arith.addi %add3A_1007, %mul3A_1006 : i32
        %add3A_1009 = arith.constant 0 : i32
        %add3A_1010 = arith.addi %add3A_1008, %add3A_1009 : i32
        %add3A_1011 = arith.constant 0 : i32
        %add3A_1012 = arith.addi %mul3A_1004, %add3A_1011 : i32
        %get3A_1013 = arith.index_cast %add3A_1010 : i32 to index
        %get3A_1014 = arith.index_cast %add3A_1012 : i32 to index
        %get3A_1015 = tpu.vector_load %arg8[%get3A_1013, %get3A_1014] {strides = array<i32>} : memref<200x128xf32, #tpu.memory_space<vmem>>, vector<1x16xf32>,
        %get3A_1016 = vector.shape_cast %get3A_1015 : vector<1x16xf32> to vector<16xf32>
        %add3A_1017 = arith.addf %scan3A_986, %get3A_1016 : vector<16xf32>
        %add3A_1018 = arith.constant 16 : i32
        %add3A_1019 = arith.addi %mul3A_1004, %add3A_1018 : i32
        %get3A_1020 = arith.index_cast %add3A_1010 : i32 to index
        %get3A_1021 = arith.index_cast %add3A_1019 : i32 to index
        %get3A_1022 = tpu.vector_load %arg8[%get3A_1020, %get3A_1021] {strides = array<i32>} : memref<200x128xf32, #tpu.memory_space<vmem>>, vector<1x16xf32>,
        %get3A_1023 = vector.shape_cast %get3A_1022 : vector<1x16xf32> to vector<16xf32>
        %add3A_1024 = arith.addf %scan3A_987, %get3A_1023 : vector<16xf32>
        %add3A_1025 = arith.constant 32 : i32
        %add3A_1026 = arith.addi %mul3A_1004, %add3A_1025 : i32
        %get3A_1027 = arith.index_cast %add3A_1010 : i32 to index
        %get3A_1028 = arith.index_cast %add3A_1026 : i32 to index
        %get3A_1029 = tpu.vector_load %arg8[%get3A_1027, %get3A_1028] {strides = array<i32>} : memref<200x128xf32, #tpu.memory_space<vmem>>, vector<1x16xf32>,
        %get3A_1030 = vector.shape_cast %get3A_1029 : vector<1x16xf32> to vector<16xf32>
        %add3A_1031 = arith.addf %scan3A_988, %get3A_1030 : vector<16xf32>
        %add3A_1032 = arith.constant 48 : i32
        %add3A_1033 = arith.addi %mul3A_1004, %add3A_1032 : i32
        %get3A_1034 = arith.index_cast %add3A_1010 : i32 to index
        %get3A_1035 = arith.index_cast %add3A_1033 : i32 to index
        %get3A_1036 = tpu.vector_load %arg8[%get3A_1034, %get3A_1035] {strides = array<i32>} : memref<200x128xf32, #tpu.memory_space<vmem>>, vector<1x16xf32>,
        %get3A_1037 = vector.shape_cast %get3A_1036 : vector<1x16xf32> to vector<16xf32>
        %add3A_1038 = arith.addf %scan3A_989, %get3A_1037 : vector<16xf32>
        %slice3A_1039 = vector.extract_strided_slice %and3A_1000 {offsets = [1], sizes = [1], strides = [1]} : vector<16xi32> to vector<1xi32>
        %squeeze3A_1040 = vector.extract %slice3A_1039[0] : i32 from vector<1xi32>
        %mul3A_1041 = arith.constant 64 : i32
        %mul3A_1042 = arith.muli %squeeze3A_1040, %mul3A_1041 : i32
        %mul3A_1043 = arith.constant 16 : i32
        %mul3A_1044 = arith.muli %scan3A_985, %mul3A_1043 : i32
        %add3A_1045 = arith.constant 0 : i32
        %add3A_1046 = arith.addi %add3A_1045, %mul3A_1044 : i32
        %add3A_1047 = arith.constant 1 : i32
        %add3A_1048 = arith.addi %add3A_1046, %add3A_1047 : i32
        %add3A_1049 = arith.constant 0 : i32
        %add3A_1050 = arith.addi %mul3A_1042, %add3A_1049 : i32
        %get3A_1051 = arith.index_cast %add3A_1048 : i32 to index
        %get3A_1052 = arith.index_cast %add3A_1050 : i32 to index
        %get3A_1053 = tpu.vector_load %arg8[%get3A_1051, %get3A_1052] {strides = array<i32>} : memref<200x128xf32, #tpu.memory_space<vmem>>, vector<1x16xf32>,
        %get3A_1054 = vector.shape_cast %get3A_1053 : vector<1x16xf32> to vector<16xf32>
        %add3A_1055 = arith.addf %add3A_1017, %get3A_1054 : vector<16xf32>
        %add3A_1056 = arith.constant 16 : i32
        %add3A_1057 = arith.addi %mul3A_1042, %add3A_1056 : i32
        %get3A_1058 = arith.index_cast %add3A_1048 : i32 to index
        %get3A_1059 = arith.index_cast %add3A_1057 : i32 to index
        %get3A_1060 = tpu.vector_load %arg8[%get3A_1058, %get3A_1059] {strides = array<i32>} : memref<200x128xf32, #tpu.memory_space<vmem>>, vector<1x16xf32>,
        %get3A_1061 = vector.shape_cast %get3A_1060 : vector<1x16xf32> to vector<16xf32>
        %add3A_1062 = arith.addf %add3A_1024, %get3A_1061 : vector<16xf32>
        %add3A_1063 = arith.constant 32 : i32
        %add3A_1064 = arith.addi %mul3A_1042, %add3A_1063 : i32
        %get3A_1065 = arith.index_cast %add3A_1048 : i32 to index
        %get3A_1066 = arith.index_cast %add3A_1064 : i32 to index
        %get3A_1067 = tpu.vector_load %arg8[%get3A_1065, %get3A_1066] {strides = array<i32>} : memref<200x128xf32, #tpu.memory_space<vmem>>, vector<1x16xf32>,
        %get3A_1068 = vector.shape_cast %get3A_1067 : vector<1x16xf32> to vector<16xf32>
        %add3A_1069 = arith.addf %add3A_1031, %get3A_1068 : vector<16xf32>
        %add3A_1070 = arith.constant 48 : i32
        %add3A_1071 = arith.addi %mul3A_1042, %add3A_1070 : i32
        %get3A_1072 = arith.index_cast %add3A_1048 : i32 to index
        %get3A_1073 = arith.index_cast %add3A_1071 : i32 to index
        %get3A_1074 = tpu.vector_load %arg8[%get3A_1072, %get3A_1073] {strides = array<i32>} : memref<200x128xf32, #tpu.memory_space<vmem>>, vector<1x16xf32>,
        %get3A_1075 = vector.shape_cast %get3A_1074 : vector<1x16xf32> to vector<16xf32>
        %add3A_1076 = arith.addf %add3A_1038, %get3A_1075 : vector<16xf32>
        %slice3A_1077 = vector.extract_strided_slice %and3A_1000 {offsets = [2], sizes = [1], strides = [1]} : vector<16xi32> to vector<1xi32>
        %squeeze3A_1078 = vector.extract %slice3A_1077[0] : i32 from vector<1xi32>
        %mul3A_1079 = arith.constant 64 : i32
        %mul3A_1080 = arith.muli %squeeze3A_1078, %mul3A_1079 : i32
        %mul3A_1081 = arith.constant 16 : i32
        %mul3A_1082 = arith.muli %scan3A_985, %mul3A_1081 : i32
        %add3A_1083 = arith.constant 0 : i32
        %add3A_1084 = arith.addi %add3A_1083, %mul3A_1082 : i32
        %add3A_1085 = arith.constant 2 : i32
        %add3A_1086 = arith.addi %add3A_1084, %add3A_1085 : i32
        %add3A_1087 = arith.constant 0 : i32
        %add3A_1088 = arith.addi %mul3A_1080, %add3A_1087 : i32
        %get3A_1089 = arith.index_cast %add3A_1086 : i32 to index
        %get3A_1090 = arith.index_cast %add3A_1088 : i32 to index
        %get3A_1091 = tpu.vector_load %arg8[%get3A_1089, %get3A_1090] {strides = array<i32>} : memref<200x128xf32, #tpu.memory_space<vmem>>, vector<1x16xf32>,
        %get3A_1092 = vector.shape_cast %get3A_1091 : vector<1x16xf32> to vector<16xf32>
        %add3A_1093 = arith.addf %add3A_1055, %get3A_1092 : vector<16xf32>
        %add3A_1094 = arith.constant 16 : i32
        %add3A_1095 = arith.addi %mul3A_1080, %add3A_1094 : i32
        %get3A_1096 = arith.index_cast %add3A_1086 : i32 to index
        %get3A_1097 = arith.index_cast %add3A_1095 : i32 to index
        %get3A_1098 = tpu.vector_load %arg8[%get3A_1096, %get3A_1097] {strides = array<i32>} : memref<200x128xf32, #tpu.memory_space<vmem>>, vector<1x16xf32>,
        %get3A_1099 = vector.shape_cast %get3A_1098 : vector<1x16xf32> to vector<16xf32>
        %add3A_1100 = arith.addf %add3A_1062, %get3A_1099 : vector<16xf32>
        %add3A_1101 = arith.constant 32 : i32
        %add3A_1102 = arith.addi %mul3A_1080, %add3A_1101 : i32
        %get3A_1103 = arith.index_cast %add3A_1086 : i32 to index
        %get3A_1104 = arith.index_cast %add3A_1102 : i32 to index
        %get3A_1105 = tpu.vector_load %arg8[%get3A_1103, %get3A_1104] {strides = array<i32>} : memref<200x128xf32, #tpu.memory_space<vmem>>, vector<1x16xf32>,
        %get3A_1106 = vector.shape_cast %get3A_1105 : vector<1x16xf32> to vector<16xf32>
        %add3A_1107 = arith.addf %add3A_1069, %get3A_1106 : vector<16xf32>
        %add3A_1108 = arith.constant 48 : i32
        %add3A_1109 = arith.addi %mul3A_1080, %add3A_1108 : i32
        %get3A_1110 = arith.index_cast %add3A_1086 : i32 to index
        %get3A_1111 = arith.index_cast %add3A_1109 : i32 to index
        %get3A_1112 = tpu.vector_load %arg8[%get3A_1110, %get3A_1111] {strides = array<i32>} : memref<200x128xf32, #tpu.memory_space<vmem>>, vector<1x16xf32>,
        %get3A_1113 = vector.shape_cast %get3A_1112 : vector<1x16xf32> to vector<16xf32>
        %add3A_1114 = arith.addf %add3A_1076, %get3A_1113 : vector<16xf32>
        %slice3A_1115 = vector.extract_strided_slice %and3A_1000 {offsets = [3], sizes = [1], strides = [1]} : vector<16xi32> to vector<1xi32>
        %squeeze3A_1116 = vector.extract %slice3A_1115[0] : i32 from vector<1xi32>
        %mul3A_1117 = arith.constant 64 : i32
        %mul3A_1118 = arith.muli %squeeze3A_1116, %mul3A_1117 : i32
        %mul3A_1119 = arith.constant 16 : i32
        %mul3A_1120 = arith.muli %scan3A_985, %mul3A_1119 : i32
        %add3A_1121 = arith.constant 0 : i32
        %add3A_1122 = arith.addi %add3A_1121, %mul3A_1120 : i32
        %add3A_1123 = arith.constant 3 : i32
        %add3A_1124 = arith.addi %add3A_1122, %add3A_1123 : i32
        %add3A_1125 = arith.constant 0 : i32
        %add3A_1126 = arith.addi %mul3A_1118, %add3A_1125 : i32
        %get3A_1127 = arith.index_cast %add3A_1124 : i32 to index
        %get3A_1128 = arith.index_cast %add3A_1126 : i32 to index
        %get3A_1129 = tpu.vector_load %arg8[%get3A_1127, %get3A_1128] {strides = array<i32>} : memref<200x128xf32, #tpu.memory_space<vmem>>, vector<1x16xf32>,
        %get3A_1130 = vector.shape_cast %get3A_1129 : vector<1x16xf32> to vector<16xf32>
        %add3A_1131 = arith.addf %add3A_1093, %get3A_1130 : vector<16xf32>
        %add3A_1132 = arith.constant 16 : i32
        %add3A_1133 = arith.addi %mul3A_1118, %add3A_1132 : i32
        %get3A_1134 = arith.index_cast %add3A_1124 : i32 to index
        %get3A_1135 = arith.index_cast %add3A_1133 : i32 to index
        %get3A_1136 = tpu.vector_load %arg8[%get3A_1134, %get3A_1135] {strides = array<i32>} : memref<200x128xf32, #tpu.memory_space<vmem>>, vector<1x16xf32>,
        %get3A_1137 = vector.shape_cast %get3A_1136 : vector<1x16xf32> to vector<16xf32>
        %add3A_1138 = arith.addf %add3A_1100, %get3A_1137 : vector<16xf32>
        %add3A_1139 = arith.constant 32 : i32
        %add3A_1140 = arith.addi %mul3A_1118, %add3A_1139 : i32
        %get3A_1141 = arith.index_cast %add3A_1124 : i32 to index
        %get3A_1142 = arith.index_cast %add3A_1140 : i32 to index
        %get3A_1143 = tpu.vector_load %arg8[%get3A_1141, %get3A_1142] {strides = array<i32>} : memref<200x128xf32, #tpu.memory_space<vmem>>, vector<1x16xf32>,
        %get3A_1144 = vector.shape_cast %get3A_1143 : vector<1x16xf32> to vector<16xf32>
        %add3A_1145 = arith.addf %add3A_1107, %get3A_1144 : vector<16xf32>
        %add3A_1146 = arith.constant 48 : i32
        %add3A_1147 = arith.addi %mul3A_1118, %add3A_1146 : i32
        %get3A_1148 = arith.index_cast %add3A_1124 : i32 to index
        %get3A_1149 = arith.index_cast %add3A_1147 : i32 to index
        %get3A_1150 = tpu.vector_load %arg8[%get3A_1148, %get3A_1149] {strides = array<i32>} : memref<200x128xf32, #tpu.memory_space<vmem>>, vector<1x16xf32>,
        %get3A_1151 = vector.shape_cast %get3A_1150 : vector<1x16xf32> to vector<16xf32>
        %add3A_1152 = arith.addf %add3A_1114, %get3A_1151 : vector<16xf32>
        %slice3A_1153 = vector.extract_strided_slice %and3A_1000 {offsets = [4], sizes = [1], strides = [1]} : vector<16xi32> to vector<1xi32>
        %squeeze3A_1154 = vector.extract %slice3A_1153[0] : i32 from vector<1xi32>
        %mul3A_1155 = arith.constant 64 : i32
        %mul3A_1156 = arith.muli %squeeze3A_1154, %mul3A_1155 : i32
        %mul3A_1157 = arith.constant 16 : i32
        %mul3A_1158 = arith.muli %scan3A_985, %mul3A_1157 : i32
        %add3A_1159 = arith.constant 0 : i32
        %add3A_1160 = arith.addi %add3A_1159, %mul3A_1158 : i32
        %add3A_1161 = arith.constant 4 : i32
        %add3A_1162 = arith.addi %add3A_1160, %add3A_1161 : i32
        %add3A_1163 = arith.constant 0 : i32
        %add3A_1164 = arith.addi %mul3A_1156, %add3A_1163 : i32
        %get3A_1165 = arith.index_cast %add3A_1162 : i32 to index
        %get3A_1166 = arith.index_cast %add3A_1164 : i32 to index
        %get3A_1167 = tpu.vector_load %arg8[%get3A_1165, %get3A_1166] {strides = array<i32>} : memref<200x128xf32, #tpu.memory_space<vmem>>, vector<1x16xf32>,
        %get3A_1168 = vector.shape_cast %get3A_1167 : vector<1x16xf32> to vector<16xf32>
        %add3A_1169 = arith.addf %add3A_1131, %get3A_1168 : vector<16xf32>
        %add3A_1170 = arith.constant 16 : i32
        %add3A_1171 = arith.addi %mul3A_1156, %add3A_1170 : i32
        %get3A_1172 = arith.index_cast %add3A_1162 : i32 to index
        %get3A_1173 = arith.index_cast %add3A_1171 : i32 to index
        %get3A_1174 = tpu.vector_load %arg8[%get3A_1172, %get3A_1173] {strides = array<i32>} : memref<200x128xf32, #tpu.memory_space<vmem>>, vector<1x16xf32>,
        %get3A_1175 = vector.shape_cast %get3A_1174 : vector<1x16xf32> to vector<16xf32>
        %add3A_1176 = arith.addf %add3A_1138, %get3A_1175 : vector<16xf32>
        %add3A_1177 = arith.constant 32 : i32
        %add3A_1178 = arith.addi %mul3A_1156, %add3A_1177 : i32
        %get3A_1179 = arith.index_cast %add3A_1162 : i32 to index
        %get3A_1180 = arith.index_cast %add3A_1178 : i32 to index
        %get3A_1181 = tpu.vector_load %arg8[%get3A_1179, %get3A_1180] {strides = array<i32>} : memref<200x128xf32, #tpu.memory_space<vmem>>, vector<1x16xf32>,
        %get3A_1182 = vector.shape_cast %get3A_1181 : vector<1x16xf32> to vector<16xf32>
        %add3A_1183 = arith.addf %add3A_1145, %get3A_1182 : vector<16xf32>
        %add3A_1184 = arith.constant 48 : i32
        %add3A_1185 = arith.addi %mul3A_1156, %add3A_1184 : i32
        %get3A_1186 = arith.index_cast %add3A_1162 : i32 to index
        %get3A_1187 = arith.index_cast %add3A_1185 : i32 to index
        %get3A_1188 = tpu.vector_load %arg8[%get3A_1186, %get3A_1187] {strides = array<i32>} : memref<200x128xf32, #tpu.memory_space<vmem>>, vector<1x16xf32>,
        %get3A_1189 = vector.shape_cast %get3A_1188 : vector<1x16xf32> to vector<16xf32>
        %add3A_1190 = arith.addf %add3A_1152, %get3A_1189 : vector<16xf32>
        %slice3A_1191 = vector.extract_strided_slice %and3A_1000 {offsets = [5], sizes = [1], strides = [1]} : vector<16xi32> to vector<1xi32>
        %squeeze3A_1192 = vector.extract %slice3A_1191[0] : i32 from vector<1xi32>
        %mul3A_1193 = arith.constant 64 : i32
        %mul3A_1194 = arith.muli %squeeze3A_1192, %mul3A_1193 : i32
        %mul3A_1195 = arith.constant 16 : i32
        %mul3A_1196 = arith.muli %scan3A_985, %mul3A_1195 : i32
        %add3A_1197 = arith.constant 0 : i32
        %add3A_1198 = arith.addi %add3A_1197, %mul3A_1196 : i32
        %add3A_1199 = arith.constant 5 : i32
        %add3A_1200 = arith.addi %add3A_1198, %add3A_1199 : i32
        %add3A_1201 = arith.constant 0 : i32
        %add3A_1202 = arith.addi %mul3A_1194, %add3A_1201 : i32
        %get3A_1203 = arith.index_cast %add3A_1200 : i32 to index
        %get3A_1204 = arith.index_cast %add3A_1202 : i32 to index
        %get3A_1205 = tpu.vector_load %arg8[%get3A_1203, %get3A_1204] {strides = array<i32>} : memref<200x128xf32, #tpu.memory_space<vmem>>, vector<1x16xf32>,
        %get3A_1206 = vector.shape_cast %get3A_1205 : vector<1x16xf32> to vector<16xf32>
        %add3A_1207 = arith.addf %add3A_1169, %get3A_1206 : vector<16xf32>
        %add3A_1208 = arith.constant 16 : i32
        %add3A_1209 = arith.addi %mul3A_1194, %add3A_1208 : i32
        %get3A_1210 = arith.index_cast %add3A_1200 : i32 to index
        %get3A_1211 = arith.index_cast %add3A_1209 : i32 to index
        %get3A_1212 = tpu.vector_load %arg8[%get3A_1210, %get3A_1211] {strides = array<i32>} : memref<200x128xf32, #tpu.memory_space<vmem>>, vector<1x16xf32>,
        %get3A_1213 = vector.shape_cast %get3A_1212 : vector<1x16xf32> to vector<16xf32>
        %add3A_1214 = arith.addf %add3A_1176, %get3A_1213 : vector<16xf32>
        %add3A_1215 = arith.constant 32 : i32
        %add3A_1216 = arith.addi %mul3A_1194, %add3A_1215 : i32
        %get3A_1217 = arith.index_cast %add3A_1200 : i32 to index
        %get3A_1218 = arith.index_cast %add3A_1216 : i32 to index
        %get3A_1219 = tpu.vector_load %arg8[%get3A_1217, %get3A_1218] {strides = array<i32>} : memref<200x128xf32, #tpu.memory_space<vmem>>, vector<1x16xf32>,
        %get3A_1220 = vector.shape_cast %get3A_1219 : vector<1x16xf32> to vector<16xf32>
        %add3A_1221 = arith.addf %add3A_1183, %get3A_1220 : vector<16xf32>
        %add3A_1222 = arith.constant 48 : i32
        %add3A_1223 = arith.addi %mul3A_1194, %add3A_1222 : i32
        %get3A_1224 = arith.index_cast %add3A_1200 : i32 to index
        %get3A_1225 = arith.index_cast %add3A_1223 : i32 to index
        %get3A_1226 = tpu.vector_load %arg8[%get3A_1224, %get3A_1225] {strides = array<i32>} : memref<200x128xf32, #tpu.memory_space<vmem>>, vector<1x16xf32>,
        %get3A_1227 = vector.shape_cast %get3A_1226 : vector<1x16xf32> to vector<16xf32>
        %add3A_1228 = arith.addf %add3A_1190, %get3A_1227 : vector<16xf32>
        %slice3A_1229 = vector.extract_strided_slice %and3A_1000 {offsets = [6], sizes = [1], strides = [1]} : vector<16xi32> to vector<1xi32>
        %squeeze3A_1230 = vector.extract %slice3A_1229[0] : i32 from vector<1xi32>
        %mul3A_1231 = arith.constant 64 : i32
        %mul3A_1232 = arith.muli %squeeze3A_1230, %mul3A_1231 : i32
        %mul3A_1233 = arith.constant 16 : i32
        %mul3A_1234 = arith.muli %scan3A_985, %mul3A_1233 : i32
        %add3A_1235 = arith.constant 0 : i32
        %add3A_1236 = arith.addi %add3A_1235, %mul3A_1234 : i32
        %add3A_1237 = arith.constant 6 : i32
        %add3A_1238 = arith.addi %add3A_1236, %add3A_1237 : i32
        %add3A_1239 = arith.constant 0 : i32
        %add3A_1240 = arith.addi %mul3A_1232, %add3A_1239 : i32
        %get3A_1241 = arith.index_cast %add3A_1238 : i32 to index
        %get3A_1242 = arith.index_cast %add3A_1240 : i32 to index
        %get3A_1243 = tpu.vector_load %arg8[%get3A_1241, %get3A_1242] {strides = array<i32>} : memref<200x128xf32, #tpu.memory_space<vmem>>, vector<1x16xf32>,
        %get3A_1244 = vector.shape_cast %get3A_1243 : vector<1x16xf32> to vector<16xf32>
        %add3A_1245 = arith.addf %add3A_1207, %get3A_1244 : vector<16xf32>
        %add3A_1246 = arith.constant 16 : i32
        %add3A_1247 = arith.addi %mul3A_1232, %add3A_1246 : i32
        %get3A_1248 = arith.index_cast %add3A_1238 : i32 to index
        %get3A_1249 = arith.index_cast %add3A_1247 : i32 to index
        %get3A_1250 = tpu.vector_load %arg8[%get3A_1248, %get3A_1249] {strides = array<i32>} : memref<200x128xf32, #tpu.memory_space<vmem>>, vector<1x16xf32>,
        %get3A_1251 = vector.shape_cast %get3A_1250 : vector<1x16xf32> to vector<16xf32>
        %add3A_1252 = arith.addf %add3A_1214, %get3A_1251 : vector<16xf32>
        %add3A_1253 = arith.constant 32 : i32
        %add3A_1254 = arith.addi %mul3A_1232, %add3A_1253 : i32
        %get3A_1255 = arith.index_cast %add3A_1238 : i32 to index
        %get3A_1256 = arith.index_cast %add3A_1254 : i32 to index
        %get3A_1257 = tpu.vector_load %arg8[%get3A_1255, %get3A_1256] {strides = array<i32>} : memref<200x128xf32, #tpu.memory_space<vmem>>, vector<1x16xf32>,
        %get3A_1258 = vector.shape_cast %get3A_1257 : vector<1x16xf32> to vector<16xf32>
        %add3A_1259 = arith.addf %add3A_1221, %get3A_1258 : vector<16xf32>
        %add3A_1260 = arith.constant 48 : i32
        %add3A_1261 = arith.addi %mul3A_1232, %add3A_1260 : i32
        %get3A_1262 = arith.index_cast %add3A_1238 : i32 to index
        %get3A_1263 = arith.index_cast %add3A_1261 : i32 to index
        %get3A_1264 = tpu.vector_load %arg8[%get3A_1262, %get3A_1263] {strides = array<i32>} : memref<200x128xf32, #tpu.memory_space<vmem>>, vector<1x16xf32>,
        %get3A_1265 = vector.shape_cast %get3A_1264 : vector<1x16xf32> to vector<16xf32>
        %add3A_1266 = arith.addf %add3A_1228, %get3A_1265 : vector<16xf32>
        %slice3A_1267 = vector.extract_strided_slice %and3A_1000 {offsets = [7], sizes = [1], strides = [1]} : vector<16xi32> to vector<1xi32>
        %squeeze3A_1268 = vector.extract %slice3A_1267[0] : i32 from vector<1xi32>
        %mul3A_1269 = arith.constant 64 : i32
        %mul3A_1270 = arith.muli %squeeze3A_1268, %mul3A_1269 : i32
        %mul3A_1271 = arith.constant 16 : i32
        %mul3A_1272 = arith.muli %scan3A_985, %mul3A_1271 : i32
        %add3A_1273 = arith.constant 0 : i32
        %add3A_1274 = arith.addi %add3A_1273, %mul3A_1272 : i32
        %add3A_1275 = arith.constant 7 : i32
        %add3A_1276 = arith.addi %add3A_1274, %add3A_1275 : i32
        %add3A_1277 = arith.constant 0 : i32
        %add3A_1278 = arith.addi %mul3A_1270, %add3A_1277 : i32
        %get3A_1279 = arith.index_cast %add3A_1276 : i32 to index
        %get3A_1280 = arith.index_cast %add3A_1278 : i32 to index
        %get3A_1281 = tpu.vector_load %arg8[%get3A_1279, %get3A_1280] {strides = array<i32>} : memref<200x128xf32, #tpu.memory_space<vmem>>, vector<1x16xf32>,
        %get3A_1282 = vector.shape_cast %get3A_1281 : vector<1x16xf32> to vector<16xf32>
        %add3A_1283 = arith.addf %add3A_1245, %get3A_1282 : vector<16xf32>
        %add3A_1284 = arith.constant 16 : i32
        %add3A_1285 = arith.addi %mul3A_1270, %add3A_1284 : i32
        %get3A_1286 = arith.index_cast %add3A_1276 : i32 to index
        %get3A_1287 = arith.index_cast %add3A_1285 : i32 to index
        %get3A_1288 = tpu.vector_load %arg8[%get3A_1286, %get3A_1287] {strides = array<i32>} : memref<200x128xf32, #tpu.memory_space<vmem>>, vector<1x16xf32>,
        %get3A_1289 = vector.shape_cast %get3A_1288 : vector<1x16xf32> to vector<16xf32>
        %add3A_1290 = arith.addf %add3A_1252, %get3A_1289 : vector<16xf32>
        %add3A_1291 = arith.constant 32 : i32
        %add3A_1292 = arith.addi %mul3A_1270, %add3A_1291 : i32
        %get3A_1293 = arith.index_cast %add3A_1276 : i32 to index
        %get3A_1294 = arith.index_cast %add3A_1292 : i32 to index
        %get3A_1295 = tpu.vector_load %arg8[%get3A_1293, %get3A_1294] {strides = array<i32>} : memref<200x128xf32, #tpu.memory_space<vmem>>, vector<1x16xf32>,
        %get3A_1296 = vector.shape_cast %get3A_1295 : vector<1x16xf32> to vector<16xf32>
        %add3A_1297 = arith.addf %add3A_1259, %get3A_1296 : vector<16xf32>
        %add3A_1298 = arith.constant 48 : i32
        %add3A_1299 = arith.addi %mul3A_1270, %add3A_1298 : i32
        %get3A_1300 = arith.index_cast %add3A_1276 : i32 to index
        %get3A_1301 = arith.index_cast %add3A_1299 : i32 to index
        %get3A_1302 = tpu.vector_load %arg8[%get3A_1300, %get3A_1301] {strides = array<i32>} : memref<200x128xf32, #tpu.memory_space<vmem>>, vector<1x16xf32>,
        %get3A_1303 = vector.shape_cast %get3A_1302 : vector<1x16xf32> to vector<16xf32>
        %add3A_1304 = arith.addf %add3A_1266, %get3A_1303 : vector<16xf32>
        %slice3A_1305 = vector.extract_strided_slice %and3A_1000 {offsets = [8], sizes = [1], strides = [1]} : vector<16xi32> to vector<1xi32>
        %squeeze3A_1306 = vector.extract %slice3A_1305[0] : i32 from vector<1xi32>
        %mul3A_1307 = arith.constant 64 : i32
        %mul3A_1308 = arith.muli %squeeze3A_1306, %mul3A_1307 : i32
        %mul3A_1309 = arith.constant 16 : i32
        %mul3A_1310 = arith.muli %scan3A_985, %mul3A_1309 : i32
        %add3A_1311 = arith.constant 0 : i32
        %add3A_1312 = arith.addi %add3A_1311, %mul3A_1310 : i32
        %add3A_1313 = arith.constant 8 : i32
        %add3A_1314 = arith.addi %add3A_1312, %add3A_1313 : i32
        %add3A_1315 = arith.constant 0 : i32
        %add3A_1316 = arith.addi %mul3A_1308, %add3A_1315 : i32
        %get3A_1317 = arith.index_cast %add3A_1314 : i32 to index
        %get3A_1318 = arith.index_cast %add3A_1316 : i32 to index
        %get3A_1319 = tpu.vector_load %arg8[%get3A_1317, %get3A_1318] {strides = array<i32>} : memref<200x128xf32, #tpu.memory_space<vmem>>, vector<1x16xf32>,
        %get3A_1320 = vector.shape_cast %get3A_1319 : vector<1x16xf32> to vector<16xf32>
        %add3A_1321 = arith.addf %add3A_1283, %get3A_1320 : vector<16xf32>
        %add3A_1322 = arith.constant 16 : i32
        %add3A_1323 = arith.addi %mul3A_1308, %add3A_1322 : i32
        %get3A_1324 = arith.index_cast %add3A_1314 : i32 to index
        %get3A_1325 = arith.index_cast %add3A_1323 : i32 to index
        %get3A_1326 = tpu.vector_load %arg8[%get3A_1324, %get3A_1325] {strides = array<i32>} : memref<200x128xf32, #tpu.memory_space<vmem>>, vector<1x16xf32>,
        %get3A_1327 = vector.shape_cast %get3A_1326 : vector<1x16xf32> to vector<16xf32>
        %add3A_1328 = arith.addf %add3A_1290, %get3A_1327 : vector<16xf32>
        %add3A_1329 = arith.constant 32 : i32
        %add3A_1330 = arith.addi %mul3A_1308, %add3A_1329 : i32
        %get3A_1331 = arith.index_cast %add3A_1314 : i32 to index
        %get3A_1332 = arith.index_cast %add3A_1330 : i32 to index
        %get3A_1333 = tpu.vector_load %arg8[%get3A_1331, %get3A_1332] {strides = array<i32>} : memref<200x128xf32, #tpu.memory_space<vmem>>, vector<1x16xf32>,
        %get3A_1334 = vector.shape_cast %get3A_1333 : vector<1x16xf32> to vector<16xf32>
        %add3A_1335 = arith.addf %add3A_1297, %get3A_1334 : vector<16xf32>
        %add3A_1336 = arith.constant 48 : i32
        %add3A_1337 = arith.addi %mul3A_1308, %add3A_1336 : i32
        %get3A_1338 = arith.index_cast %add3A_1314 : i32 to index
        %get3A_1339 = arith.index_cast %add3A_1337 : i32 to index
        %get3A_1340 = tpu.vector_load %arg8[%get3A_1338, %get3A_1339] {strides = array<i32>} : memref<200x128xf32, #tpu.memory_space<vmem>>, vector<1x16xf32>,
        %get3A_1341 = vector.shape_cast %get3A_1340 : vector<1x16xf32> to vector<16xf32>
        %add3A_1342 = arith.addf %add3A_1304, %get3A_1341 : vector<16xf32>
        %slice3A_1343 = vector.extract_strided_slice %and3A_1000 {offsets = [9], sizes = [1], strides = [1]} : vector<16xi32> to vector<1xi32>
        %squeeze3A_1344 = vector.extract %slice3A_1343[0] : i32 from vector<1xi32>
        %mul3A_1345 = arith.constant 64 : i32
        %mul3A_1346 = arith.muli %squeeze3A_1344, %mul3A_1345 : i32
        %mul3A_1347 = arith.constant 16 : i32
        %mul3A_1348 = arith.muli %scan3A_985, %mul3A_1347 : i32
        %add3A_1349 = arith.constant 0 : i32
        %add3A_1350 = arith.addi %add3A_1349, %mul3A_1348 : i32
        %add3A_1351 = arith.constant 9 : i32
        %add3A_1352 = arith.addi %add3A_1350, %add3A_1351 : i32
        %add3A_1353 = arith.constant 0 : i32
        %add3A_1354 = arith.addi %mul3A_1346, %add3A_1353 : i32
        %get3A_1355 = arith.index_cast %add3A_1352 : i32 to index
        %get3A_1356 = arith.index_cast %add3A_1354 : i32 to index
        %get3A_1357 = tpu.vector_load %arg8[%get3A_1355, %get3A_1356] {strides = array<i32>} : memref<200x128xf32, #tpu.memory_space<vmem>>, vector<1x16xf32>,
        %get3A_1358 = vector.shape_cast %get3A_1357 : vector<1x16xf32> to vector<16xf32>
        %add3A_1359 = arith.addf %add3A_1321, %get3A_1358 : vector<16xf32>
        %add3A_1360 = arith.constant 16 : i32
        %add3A_1361 = arith.addi %mul3A_1346, %add3A_1360 : i32
        %get3A_1362 = arith.index_cast %add3A_1352 : i32 to index
        %get3A_1363 = arith.index_cast %add3A_1361 : i32 to index
        %get3A_1364 = tpu.vector_load %arg8[%get3A_1362, %get3A_1363] {strides = array<i32>} : memref<200x128xf32, #tpu.memory_space<vmem>>, vector<1x16xf32>,
        %get3A_1365 = vector.shape_cast %get3A_1364 : vector<1x16xf32> to vector<16xf32>
        %add3A_1366 = arith.addf %add3A_1328, %get3A_1365 : vector<16xf32>
        %add3A_1367 = arith.constant 32 : i32
        %add3A_1368 = arith.addi %mul3A_1346, %add3A_1367 : i32
        %get3A_1369 = arith.index_cast %add3A_1352 : i32 to index
        %get3A_1370 = arith.index_cast %add3A_1368 : i32 to index
        %get3A_1371 = tpu.vector_load %arg8[%get3A_1369, %get3A_1370] {strides = array<i32>} : memref<200x128xf32, #tpu.memory_space<vmem>>, vector<1x16xf32>,
        %get3A_1372 = vector.shape_cast %get3A_1371 : vector<1x16xf32> to vector<16xf32>
        %add3A_1373 = arith.addf %add3A_1335, %get3A_1372 : vector<16xf32>
        %add3A_1374 = arith.constant 48 : i32
        %add3A_1375 = arith.addi %mul3A_1346, %add3A_1374 : i32
        %get3A_1376 = arith.index_cast %add3A_1352 : i32 to index
        %get3A_1377 = arith.index_cast %add3A_1375 : i32 to index
        %get3A_1378 = tpu.vector_load %arg8[%get3A_1376, %get3A_1377] {strides = array<i32>} : memref<200x128xf32, #tpu.memory_space<vmem>>, vector<1x16xf32>,
        %get3A_1379 = vector.shape_cast %get3A_1378 : vector<1x16xf32> to vector<16xf32>
        %add3A_1380 = arith.addf %add3A_1342, %get3A_1379 : vector<16xf32>
        %slice3A_1381 = vector.extract_strided_slice %and3A_1000 {offsets = [10], sizes = [1], strides = [1]} : vector<16xi32> to vector<1xi32>
        %squeeze3A_1382 = vector.extract %slice3A_1381[0] : i32 from vector<1xi32>
        %mul3A_1383 = arith.constant 64 : i32
        %mul3A_1384 = arith.muli %squeeze3A_1382, %mul3A_1383 : i32
        %mul3A_1385 = arith.constant 16 : i32
        %mul3A_1386 = arith.muli %scan3A_985, %mul3A_1385 : i32
        %add3A_1387 = arith.constant 0 : i32
        %add3A_1388 = arith.addi %add3A_1387, %mul3A_1386 : i32
        %add3A_1389 = arith.constant 10 : i32
        %add3A_1390 = arith.addi %add3A_1388, %add3A_1389 : i32
        %add3A_1391 = arith.constant 0 : i32
        %add3A_1392 = arith.addi %mul3A_1384, %add3A_1391 : i32
        %get3A_1393 = arith.index_cast %add3A_1390 : i32 to index
        %get3A_1394 = arith.index_cast %add3A_1392 : i32 to index
        %get3A_1395 = tpu.vector_load %arg8[%get3A_1393, %get3A_1394] {strides = array<i32>} : memref<200x128xf32, #tpu.memory_space<vmem>>, vector<1x16xf32>,
        %get3A_1396 = vector.shape_cast %get3A_1395 : vector<1x16xf32> to vector<16xf32>
        %add3A_1397 = arith.addf %add3A_1359, %get3A_1396 : vector<16xf32>
        %add3A_1398 = arith.constant 16 : i32
        %add3A_1399 = arith.addi %mul3A_1384, %add3A_1398 : i32
        %get3A_1400 = arith.index_cast %add3A_1390 : i32 to index
        %get3A_1401 = arith.index_cast %add3A_1399 : i32 to index
        %get3A_1402 = tpu.vector_load %arg8[%get3A_1400, %get3A_1401] {strides = array<i32>} : memref<200x128xf32, #tpu.memory_space<vmem>>, vector<1x16xf32>,
        %get3A_1403 = vector.shape_cast %get3A_1402 : vector<1x16xf32> to vector<16xf32>
        %add3A_1404 = arith.addf %add3A_1366, %get3A_1403 : vector<16xf32>
        %add3A_1405 = arith.constant 32 : i32
        %add3A_1406 = arith.addi %mul3A_1384, %add3A_1405 : i32
        %get3A_1407 = arith.index_cast %add3A_1390 : i32 to index
        %get3A_1408 = arith.index_cast %add3A_1406 : i32 to index
        %get3A_1409 = tpu.vector_load %arg8[%get3A_1407, %get3A_1408] {strides = array<i32>} : memref<200x128xf32, #tpu.memory_space<vmem>>, vector<1x16xf32>,
        %get3A_1410 = vector.shape_cast %get3A_1409 : vector<1x16xf32> to vector<16xf32>
        %add3A_1411 = arith.addf %add3A_1373, %get3A_1410 : vector<16xf32>
        %add3A_1412 = arith.constant 48 : i32
        %add3A_1413 = arith.addi %mul3A_1384, %add3A_1412 : i32
        %get3A_1414 = arith.index_cast %add3A_1390 : i32 to index
        %get3A_1415 = arith.index_cast %add3A_1413 : i32 to index
        %get3A_1416 = tpu.vector_load %arg8[%get3A_1414, %get3A_1415] {strides = array<i32>} : memref<200x128xf32, #tpu.memory_space<vmem>>, vector<1x16xf32>,
        %get3A_1417 = vector.shape_cast %get3A_1416 : vector<1x16xf32> to vector<16xf32>
        %add3A_1418 = arith.addf %add3A_1380, %get3A_1417 : vector<16xf32>
        %slice3A_1419 = vector.extract_strided_slice %and3A_1000 {offsets = [11], sizes = [1], strides = [1]} : vector<16xi32> to vector<1xi32>
        %squeeze3A_1420 = vector.extract %slice3A_1419[0] : i32 from vector<1xi32>
        %mul3A_1421 = arith.constant 64 : i32
        %mul3A_1422 = arith.muli %squeeze3A_1420, %mul3A_1421 : i32
        %mul3A_1423 = arith.constant 16 : i32
        %mul3A_1424 = arith.muli %scan3A_985, %mul3A_1423 : i32
        %add3A_1425 = arith.constant 0 : i32
        %add3A_1426 = arith.addi %add3A_1425, %mul3A_1424 : i32
        %add3A_1427 = arith.constant 11 : i32
        %add3A_1428 = arith.addi %add3A_1426, %add3A_1427 : i32
        %add3A_1429 = arith.constant 0 : i32
        %add3A_1430 = arith.addi %mul3A_1422, %add3A_1429 : i32
        %get3A_1431 = arith.index_cast %add3A_1428 : i32 to index
        %get3A_1432 = arith.index_cast %add3A_1430 : i32 to index
        %get3A_1433 = tpu.vector_load %arg8[%get3A_1431, %get3A_1432] {strides = array<i32>} : memref<200x128xf32, #tpu.memory_space<vmem>>, vector<1x16xf32>,
        %get3A_1434 = vector.shape_cast %get3A_1433 : vector<1x16xf32> to vector<16xf32>
        %add3A_1435 = arith.addf %add3A_1397, %get3A_1434 : vector<16xf32>
        %add3A_1436 = arith.constant 16 : i32
        %add3A_1437 = arith.addi %mul3A_1422, %add3A_1436 : i32
        %get3A_1438 = arith.index_cast %add3A_1428 : i32 to index
        %get3A_1439 = arith.index_cast %add3A_1437 : i32 to index
        %get3A_1440 = tpu.vector_load %arg8[%get3A_1438, %get3A_1439] {strides = array<i32>} : memref<200x128xf32, #tpu.memory_space<vmem>>, vector<1x16xf32>,
        %get3A_1441 = vector.shape_cast %get3A_1440 : vector<1x16xf32> to vector<16xf32>
        %add3A_1442 = arith.addf %add3A_1404, %get3A_1441 : vector<16xf32>
        %add3A_1443 = arith.constant 32 : i32
        %add3A_1444 = arith.addi %mul3A_1422, %add3A_1443 : i32
        %get3A_1445 = arith.index_cast %add3A_1428 : i32 to index
        %get3A_1446 = arith.index_cast %add3A_1444 : i32 to index
        %get3A_1447 = tpu.vector_load %arg8[%get3A_1445, %get3A_1446] {strides = array<i32>} : memref<200x128xf32, #tpu.memory_space<vmem>>, vector<1x16xf32>,
        %get3A_1448 = vector.shape_cast %get3A_1447 : vector<1x16xf32> to vector<16xf32>
        %add3A_1449 = arith.addf %add3A_1411, %get3A_1448 : vector<16xf32>
        %add3A_1450 = arith.constant 48 : i32
        %add3A_1451 = arith.addi %mul3A_1422, %add3A_1450 : i32
        %get3A_1452 = arith.index_cast %add3A_1428 : i32 to index
        %get3A_1453 = arith.index_cast %add3A_1451 : i32 to index
        %get3A_1454 = tpu.vector_load %arg8[%get3A_1452, %get3A_1453] {strides = array<i32>} : memref<200x128xf32, #tpu.memory_space<vmem>>, vector<1x16xf32>,
        %get3A_1455 = vector.shape_cast %get3A_1454 : vector<1x16xf32> to vector<16xf32>
        %add3A_1456 = arith.addf %add3A_1418, %get3A_1455 : vector<16xf32>
        %slice3A_1457 = vector.extract_strided_slice %and3A_1000 {offsets = [12], sizes = [1], strides = [1]} : vector<16xi32> to vector<1xi32>
        %squeeze3A_1458 = vector.extract %slice3A_1457[0] : i32 from vector<1xi32>
        %mul3A_1459 = arith.constant 64 : i32
        %mul3A_1460 = arith.muli %squeeze3A_1458, %mul3A_1459 : i32
        %mul3A_1461 = arith.constant 16 : i32
        %mul3A_1462 = arith.muli %scan3A_985, %mul3A_1461 : i32
        %add3A_1463 = arith.constant 0 : i32
        %add3A_1464 = arith.addi %add3A_1463, %mul3A_1462 : i32
        %add3A_1465 = arith.constant 12 : i32
        %add3A_1466 = arith.addi %add3A_1464, %add3A_1465 : i32
        %add3A_1467 = arith.constant 0 : i32
        %add3A_1468 = arith.addi %mul3A_1460, %add3A_1467 : i32
        %get3A_1469 = arith.index_cast %add3A_1466 : i32 to index
        %get3A_1470 = arith.index_cast %add3A_1468 : i32 to index
        %get3A_1471 = tpu.vector_load %arg8[%get3A_1469, %get3A_1470] {strides = array<i32>} : memref<200x128xf32, #tpu.memory_space<vmem>>, vector<1x16xf32>,
        %get3A_1472 = vector.shape_cast %get3A_1471 : vector<1x16xf32> to vector<16xf32>
        %add3A_1473 = arith.addf %add3A_1435, %get3A_1472 : vector<16xf32>
        %add3A_1474 = arith.constant 16 : i32
        %add3A_1475 = arith.addi %mul3A_1460, %add3A_1474 : i32
        %get3A_1476 = arith.index_cast %add3A_1466 : i32 to index
        %get3A_1477 = arith.index_cast %add3A_1475 : i32 to index
        %get3A_1478 = tpu.vector_load %arg8[%get3A_1476, %get3A_1477] {strides = array<i32>} : memref<200x128xf32, #tpu.memory_space<vmem>>, vector<1x16xf32>,
        %get3A_1479 = vector.shape_cast %get3A_1478 : vector<1x16xf32> to vector<16xf32>
        %add3A_1480 = arith.addf %add3A_1442, %get3A_1479 : vector<16xf32>
        %add3A_1481 = arith.constant 32 : i32
        %add3A_1482 = arith.addi %mul3A_1460, %add3A_1481 : i32
        %get3A_1483 = arith.index_cast %add3A_1466 : i32 to index
        %get3A_1484 = arith.index_cast %add3A_1482 : i32 to index
        %get3A_1485 = tpu.vector_load %arg8[%get3A_1483, %get3A_1484] {strides = array<i32>} : memref<200x128xf32, #tpu.memory_space<vmem>>, vector<1x16xf32>,
        %get3A_1486 = vector.shape_cast %get3A_1485 : vector<1x16xf32> to vector<16xf32>
        %add3A_1487 = arith.addf %add3A_1449, %get3A_1486 : vector<16xf32>
        %add3A_1488 = arith.constant 48 : i32
        %add3A_1489 = arith.addi %mul3A_1460, %add3A_1488 : i32
        %get3A_1490 = arith.index_cast %add3A_1466 : i32 to index
        %get3A_1491 = arith.index_cast %add3A_1489 : i32 to index
        %get3A_1492 = tpu.vector_load %arg8[%get3A_1490, %get3A_1491] {strides = array<i32>} : memref<200x128xf32, #tpu.memory_space<vmem>>, vector<1x16xf32>,
        %get3A_1493 = vector.shape_cast %get3A_1492 : vector<1x16xf32> to vector<16xf32>
        %add3A_1494 = arith.addf %add3A_1456, %get3A_1493 : vector<16xf32>
        %slice3A_1495 = vector.extract_strided_slice %and3A_1000 {offsets = [13], sizes = [1], strides = [1]} : vector<16xi32> to vector<1xi32>
        %squeeze3A_1496 = vector.extract %slice3A_1495[0] : i32 from vector<1xi32>
        %mul3A_1497 = arith.constant 64 : i32
        %mul3A_1498 = arith.muli %squeeze3A_1496, %mul3A_1497 : i32
        %mul3A_1499 = arith.constant 16 : i32
        %mul3A_1500 = arith.muli %scan3A_985, %mul3A_1499 : i32
        %add3A_1501 = arith.constant 0 : i32
        %add3A_1502 = arith.addi %add3A_1501, %mul3A_1500 : i32
        %add3A_1503 = arith.constant 13 : i32
        %add3A_1504 = arith.addi %add3A_1502, %add3A_1503 : i32
        %add3A_1505 = arith.constant 0 : i32
        %add3A_1506 = arith.addi %mul3A_1498, %add3A_1505 : i32
        %get3A_1507 = arith.index_cast %add3A_1504 : i32 to index
        %get3A_1508 = arith.index_cast %add3A_1506 : i32 to index
        %get3A_1509 = tpu.vector_load %arg8[%get3A_1507, %get3A_1508] {strides = array<i32>} : memref<200x128xf32, #tpu.memory_space<vmem>>, vector<1x16xf32>,
        %get3A_1510 = vector.shape_cast %get3A_1509 : vector<1x16xf32> to vector<16xf32>
        %add3A_1511 = arith.addf %add3A_1473, %get3A_1510 : vector<16xf32>
        %add3A_1512 = arith.constant 16 : i32
        %add3A_1513 = arith.addi %mul3A_1498, %add3A_1512 : i32
        %get3A_1514 = arith.index_cast %add3A_1504 : i32 to index
        %get3A_1515 = arith.index_cast %add3A_1513 : i32 to index
        %get3A_1516 = tpu.vector_load %arg8[%get3A_1514, %get3A_1515] {strides = array<i32>} : memref<200x128xf32, #tpu.memory_space<vmem>>, vector<1x16xf32>,
        %get3A_1517 = vector.shape_cast %get3A_1516 : vector<1x16xf32> to vector<16xf32>
        %add3A_1518 = arith.addf %add3A_1480, %get3A_1517 : vector<16xf32>
        %add3A_1519 = arith.constant 32 : i32
        %add3A_1520 = arith.addi %mul3A_1498, %add3A_1519 : i32
        %get3A_1521 = arith.index_cast %add3A_1504 : i32 to index
        %get3A_1522 = arith.index_cast %add3A_1520 : i32 to index
        %get3A_1523 = tpu.vector_load %arg8[%get3A_1521, %get3A_1522] {strides = array<i32>} : memref<200x128xf32, #tpu.memory_space<vmem>>, vector<1x16xf32>,
        %get3A_1524 = vector.shape_cast %get3A_1523 : vector<1x16xf32> to vector<16xf32>
        %add3A_1525 = arith.addf %add3A_1487, %get3A_1524 : vector<16xf32>
        %add3A_1526 = arith.constant 48 : i32
        %add3A_1527 = arith.addi %mul3A_1498, %add3A_1526 : i32
        %get3A_1528 = arith.index_cast %add3A_1504 : i32 to index
        %get3A_1529 = arith.index_cast %add3A_1527 : i32 to index
        %get3A_1530 = tpu.vector_load %arg8[%get3A_1528, %get3A_1529] {strides = array<i32>} : memref<200x128xf32, #tpu.memory_space<vmem>>, vector<1x16xf32>,
        %get3A_1531 = vector.shape_cast %get3A_1530 : vector<1x16xf32> to vector<16xf32>
        %add3A_1532 = arith.addf %add3A_1494, %get3A_1531 : vector<16xf32>
        %slice3A_1533 = vector.extract_strided_slice %and3A_1000 {offsets = [14], sizes = [1], strides = [1]} : vector<16xi32> to vector<1xi32>
        %squeeze3A_1534 = vector.extract %slice3A_1533[0] : i32 from vector<1xi32>
        %mul3A_1535 = arith.constant 64 : i32
        %mul3A_1536 = arith.muli %squeeze3A_1534, %mul3A_1535 : i32
        %mul3A_1537 = arith.constant 16 : i32
        %mul3A_1538 = arith.muli %scan3A_985, %mul3A_1537 : i32
        %add3A_1539 = arith.constant 0 : i32
        %add3A_1540 = arith.addi %add3A_1539, %mul3A_1538 : i32
        %add3A_1541 = arith.constant 14 : i32
        %add3A_1542 = arith.addi %add3A_1540, %add3A_1541 : i32
        %add3A_1543 = arith.constant 0 : i32
        %add3A_1544 = arith.addi %mul3A_1536, %add3A_1543 : i32
        %get3A_1545 = arith.index_cast %add3A_1542 : i32 to index
        %get3A_1546 = arith.index_cast %add3A_1544 : i32 to index
        %get3A_1547 = tpu.vector_load %arg8[%get3A_1545, %get3A_1546] {strides = array<i32>} : memref<200x128xf32, #tpu.memory_space<vmem>>, vector<1x16xf32>,
        %get3A_1548 = vector.shape_cast %get3A_1547 : vector<1x16xf32> to vector<16xf32>
        %add3A_1549 = arith.addf %add3A_1511, %get3A_1548 : vector<16xf32>
        %add3A_1550 = arith.constant 16 : i32
        %add3A_1551 = arith.addi %mul3A_1536, %add3A_1550 : i32
        %get3A_1552 = arith.index_cast %add3A_1542 : i32 to index
        %get3A_1553 = arith.index_cast %add3A_1551 : i32 to index
        %get3A_1554 = tpu.vector_load %arg8[%get3A_1552, %get3A_1553] {strides = array<i32>} : memref<200x128xf32, #tpu.memory_space<vmem>>, vector<1x16xf32>,
        %get3A_1555 = vector.shape_cast %get3A_1554 : vector<1x16xf32> to vector<16xf32>
        %add3A_1556 = arith.addf %add3A_1518, %get3A_1555 : vector<16xf32>
        %add3A_1557 = arith.constant 32 : i32
        %add3A_1558 = arith.addi %mul3A_1536, %add3A_1557 : i32
        %get3A_1559 = arith.index_cast %add3A_1542 : i32 to index
        %get3A_1560 = arith.index_cast %add3A_1558 : i32 to index
        %get3A_1561 = tpu.vector_load %arg8[%get3A_1559, %get3A_1560] {strides = array<i32>} : memref<200x128xf32, #tpu.memory_space<vmem>>, vector<1x16xf32>,
        %get3A_1562 = vector.shape_cast %get3A_1561 : vector<1x16xf32> to vector<16xf32>
        %add3A_1563 = arith.addf %add3A_1525, %get3A_1562 : vector<16xf32>
        %add3A_1564 = arith.constant 48 : i32
        %add3A_1565 = arith.addi %mul3A_1536, %add3A_1564 : i32
        %get3A_1566 = arith.index_cast %add3A_1542 : i32 to index
        %get3A_1567 = arith.index_cast %add3A_1565 : i32 to index
        %get3A_1568 = tpu.vector_load %arg8[%get3A_1566, %get3A_1567] {strides = array<i32>} : memref<200x128xf32, #tpu.memory_space<vmem>>, vector<1x16xf32>,
        %get3A_1569 = vector.shape_cast %get3A_1568 : vector<1x16xf32> to vector<16xf32>
        %add3A_1570 = arith.addf %add3A_1532, %get3A_1569 : vector<16xf32>
        %slice3A_1571 = vector.extract_strided_slice %and3A_1000 {offsets = [15], sizes = [1], strides = [1]} : vector<16xi32> to vector<1xi32>
        %squeeze3A_1572 = vector.extract %slice3A_1571[0] : i32 from vector<1xi32>
        %mul3A_1573 = arith.constant 64 : i32
        %mul3A_1574 = arith.muli %squeeze3A_1572, %mul3A_1573 : i32
        %mul3A_1575 = arith.constant 16 : i32
        %mul3A_1576 = arith.muli %scan3A_985, %mul3A_1575 : i32
        %add3A_1577 = arith.constant 0 : i32
        %add3A_1578 = arith.addi %add3A_1577, %mul3A_1576 : i32
        %add3A_1579 = arith.constant 15 : i32
        %add3A_1580 = arith.addi %add3A_1578, %add3A_1579 : i32
        %add3A_1581 = arith.constant 0 : i32
        %add3A_1582 = arith.addi %mul3A_1574, %add3A_1581 : i32
        %get3A_1583 = arith.index_cast %add3A_1580 : i32 to index
        %get3A_1584 = arith.index_cast %add3A_1582 : i32 to index
        %get3A_1585 = tpu.vector_load %arg8[%get3A_1583, %get3A_1584] {strides = array<i32>} : memref<200x128xf32, #tpu.memory_space<vmem>>, vector<1x16xf32>,
        %get3A_1586 = vector.shape_cast %get3A_1585 : vector<1x16xf32> to vector<16xf32>
        %add3A_1587 = arith.addf %add3A_1549, %get3A_1586 : vector<16xf32>
        %add3A_1588 = arith.constant 16 : i32
        %add3A_1589 = arith.addi %mul3A_1574, %add3A_1588 : i32
        %get3A_1590 = arith.index_cast %add3A_1580 : i32 to index
        %get3A_1591 = arith.index_cast %add3A_1589 : i32 to index
        %get3A_1592 = tpu.vector_load %arg8[%get3A_1590, %get3A_1591] {strides = array<i32>} : memref<200x128xf32, #tpu.memory_space<vmem>>, vector<1x16xf32>,
        %get3A_1593 = vector.shape_cast %get3A_1592 : vector<1x16xf32> to vector<16xf32>
        %add3A_1594 = arith.addf %add3A_1556, %get3A_1593 : vector<16xf32>
        %add3A_1595 = arith.constant 32 : i32
        %add3A_1596 = arith.addi %mul3A_1574, %add3A_1595 : i32
        %get3A_1597 = arith.index_cast %add3A_1580 : i32 to index
        %get3A_1598 = arith.index_cast %add3A_1596 : i32 to index
        %get3A_1599 = tpu.vector_load %arg8[%get3A_1597, %get3A_1598] {strides = array<i32>} : memref<200x128xf32, #tpu.memory_space<vmem>>, vector<1x16xf32>,
        %get3A_1600 = vector.shape_cast %get3A_1599 : vector<1x16xf32> to vector<16xf32>
        %add3A_1601 = arith.addf %add3A_1563, %get3A_1600 : vector<16xf32>
        %add3A_1602 = arith.constant 48 : i32
        %add3A_1603 = arith.addi %mul3A_1574, %add3A_1602 : i32
        %get3A_1604 = arith.index_cast %add3A_1580 : i32 to index
        %get3A_1605 = arith.index_cast %add3A_1603 : i32 to index
        %get3A_1606 = tpu.vector_load %arg8[%get3A_1604, %get3A_1605] {strides = array<i32>} : memref<200x128xf32, #tpu.memory_space<vmem>>, vector<1x16xf32>,
        %get3A_1607 = vector.shape_cast %get3A_1606 : vector<1x16xf32> to vector<16xf32>
        %add3A_1608 = arith.addf %add3A_1570, %get3A_1607 : vector<16xf32>
        scf.yield %add3A_1587, %add3A_1594, %add3A_1601, %add3A_1608 : vector<16xf32>, vector<16xf32>, vector<16xf32>, vector<16xf32>
      }
      %scan3A_90 = arith.constant 8 : i32
      %scan3A_91 = arith.constant 0 : i32
      %scan3A_92 = arith.constant 4 : i32
      %scan3A_93 = arith.addi %scan3A_91, %scan3A_92 : i32
      %scan3A_94 = arith.constant 1 : i32
      %scan3A_95:4 = scf.for %scan3A_985 = %scan3A_91 to %scan3A_93 step %scan3A_94 iter_args(%scan3A_986 = %scan3A_89#0, %scan3A_987 = %scan3A_89#1, %scan3A_988 = %scan3A_89#2, %scan3A_989 = %scan3A_89#3) -> (vector<16xf32>, vector<16xf32>, vector<16xf32>, vector<16xf32>)  : i32 {
        %mul3A_990 = arith.constant 2 : i32
        %mul3A_991 = arith.muli %mul3A_990, %mul3A_34 : i32
        %add3A_992 = arith.constant 1 : i32
        %add3A_993 = arith.addi %mul3A_991, %add3A_992 : i32
        %mul3A_994 = arith.constant 16 : i32
        %mul3A_995 = arith.muli %scan3A_985, %mul3A_994 : i32
        %get3A_996 = arith.index_cast %add3A_993 : i32 to index
        %get3A_997 = arith.index_cast %mul3A_995 : i32 to index
        %get3A_998 = tpu.vector_load %arg6[%get3A_996, %get3A_997] {strides = array<i32>} : memref<256x128xi32, #tpu.memory_space<vmem>>, vector<1x16xi32>,
        %get3A_999 = vector.shape_cast %get3A_998 : vector<1x16xi32> to vector<16xi32>
        %and3A_1000 = arith.constant 1 : i32
        %and3A_1001 = vector.broadcast %and3A_1000 : i32 to vector<16xi32>
        %and3A_1002 = arith.andi %get3A_999, %and3A_1001 : vector<16xi32>
        %slice3A_1003 = vector.extract_strided_slice %and3A_1002 {offsets = [0], sizes = [1], strides = [1]} : vector<16xi32> to vector<1xi32>
        %squeeze3A_1004 = vector.extract %slice3A_1003[0] : i32 from vector<1xi32>
        %mul3A_1005 = arith.constant 64 : i32
        %mul3A_1006 = arith.muli %squeeze3A_1004, %mul3A_1005 : i32
        %mul3A_1007 = arith.constant 16 : i32
        %mul3A_1008 = arith.muli %scan3A_985, %mul3A_1007 : i32
        %add3A_1009 = arith.constant 128 : i32
        %add3A_1010 = arith.addi %add3A_1009, %mul3A_1008 : i32
        %add3A_1011 = arith.constant 0 : i32
        %add3A_1012 = arith.addi %add3A_1010, %add3A_1011 : i32
        %add3A_1013 = arith.constant 0 : i32
        %add3A_1014 = arith.addi %mul3A_1006, %add3A_1013 : i32
        %get3A_1015 = arith.index_cast %add3A_1012 : i32 to index
        %get3A_1016 = arith.index_cast %add3A_1014 : i32 to index
        %get3A_1017 = tpu.vector_load %arg8[%get3A_1015, %get3A_1016] {strides = array<i32>} : memref<200x128xf32, #tpu.memory_space<vmem>>, vector<1x16xf32>,
        %get3A_1018 = vector.shape_cast %get3A_1017 : vector<1x16xf32> to vector<16xf32>
        %add3A_1019 = arith.addf %scan3A_986, %get3A_1018 : vector<16xf32>
        %add3A_1020 = arith.constant 16 : i32
        %add3A_1021 = arith.addi %mul3A_1006, %add3A_1020 : i32
        %get3A_1022 = arith.index_cast %add3A_1012 : i32 to index
        %get3A_1023 = arith.index_cast %add3A_1021 : i32 to index
        %get3A_1024 = tpu.vector_load %arg8[%get3A_1022, %get3A_1023] {strides = array<i32>} : memref<200x128xf32, #tpu.memory_space<vmem>>, vector<1x16xf32>,
        %get3A_1025 = vector.shape_cast %get3A_1024 : vector<1x16xf32> to vector<16xf32>
        %add3A_1026 = arith.addf %scan3A_987, %get3A_1025 : vector<16xf32>
        %add3A_1027 = arith.constant 32 : i32
        %add3A_1028 = arith.addi %mul3A_1006, %add3A_1027 : i32
        %get3A_1029 = arith.index_cast %add3A_1012 : i32 to index
        %get3A_1030 = arith.index_cast %add3A_1028 : i32 to index
        %get3A_1031 = tpu.vector_load %arg8[%get3A_1029, %get3A_1030] {strides = array<i32>} : memref<200x128xf32, #tpu.memory_space<vmem>>, vector<1x16xf32>,
        %get3A_1032 = vector.shape_cast %get3A_1031 : vector<1x16xf32> to vector<16xf32>
        %add3A_1033 = arith.addf %scan3A_988, %get3A_1032 : vector<16xf32>
        %add3A_1034 = arith.constant 48 : i32
        %add3A_1035 = arith.addi %mul3A_1006, %add3A_1034 : i32
        %get3A_1036 = arith.index_cast %add3A_1012 : i32 to index
        %get3A_1037 = arith.index_cast %add3A_1035 : i32 to index
        %get3A_1038 = tpu.vector_load %arg8[%get3A_1036, %get3A_1037] {strides = array<i32>} : memref<200x128xf32, #tpu.memory_space<vmem>>, vector<1x16xf32>,
        %get3A_1039 = vector.shape_cast %get3A_1038 : vector<1x16xf32> to vector<16xf32>
        %add3A_1040 = arith.addf %scan3A_989, %get3A_1039 : vector<16xf32>
        %slice3A_1041 = vector.extract_strided_slice %and3A_1002 {offsets = [1], sizes = [1], strides = [1]} : vector<16xi32> to vector<1xi32>
        %squeeze3A_1042 = vector.extract %slice3A_1041[0] : i32 from vector<1xi32>
        %mul3A_1043 = arith.constant 64 : i32
        %mul3A_1044 = arith.muli %squeeze3A_1042, %mul3A_1043 : i32
        %mul3A_1045 = arith.constant 16 : i32
        %mul3A_1046 = arith.muli %scan3A_985, %mul3A_1045 : i32
        %add3A_1047 = arith.constant 128 : i32
        %add3A_1048 = arith.addi %add3A_1047, %mul3A_1046 : i32
        %add3A_1049 = arith.constant 1 : i32
        %add3A_1050 = arith.addi %add3A_1048, %add3A_1049 : i32
        %add3A_1051 = arith.constant 0 : i32
        %add3A_1052 = arith.addi %mul3A_1044, %add3A_1051 : i32
        %get3A_1053 = arith.index_cast %add3A_1050 : i32 to index
        %get3A_1054 = arith.index_cast %add3A_1052 : i32 to index
        %get3A_1055 = tpu.vector_load %arg8[%get3A_1053, %get3A_1054] {strides = array<i32>} : memref<200x128xf32, #tpu.memory_space<vmem>>, vector<1x16xf32>,
        %get3A_1056 = vector.shape_cast %get3A_1055 : vector<1x16xf32> to vector<16xf32>
        %add3A_1057 = arith.addf %add3A_1019, %get3A_1056 : vector<16xf32>
        %add3A_1058 = arith.constant 16 : i32
        %add3A_1059 = arith.addi %mul3A_1044, %add3A_1058 : i32
        %get3A_1060 = arith.index_cast %add3A_1050 : i32 to index
        %get3A_1061 = arith.index_cast %add3A_1059 : i32 to index
        %get3A_1062 = tpu.vector_load %arg8[%get3A_1060, %get3A_1061] {strides = array<i32>} : memref<200x128xf32, #tpu.memory_space<vmem>>, vector<1x16xf32>,
        %get3A_1063 = vector.shape_cast %get3A_1062 : vector<1x16xf32> to vector<16xf32>
        %add3A_1064 = arith.addf %add3A_1026, %get3A_1063 : vector<16xf32>
        %add3A_1065 = arith.constant 32 : i32
        %add3A_1066 = arith.addi %mul3A_1044, %add3A_1065 : i32
        %get3A_1067 = arith.index_cast %add3A_1050 : i32 to index
        %get3A_1068 = arith.index_cast %add3A_1066 : i32 to index
        %get3A_1069 = tpu.vector_load %arg8[%get3A_1067, %get3A_1068] {strides = array<i32>} : memref<200x128xf32, #tpu.memory_space<vmem>>, vector<1x16xf32>,
        %get3A_1070 = vector.shape_cast %get3A_1069 : vector<1x16xf32> to vector<16xf32>
        %add3A_1071 = arith.addf %add3A_1033, %get3A_1070 : vector<16xf32>
        %add3A_1072 = arith.constant 48 : i32
        %add3A_1073 = arith.addi %mul3A_1044, %add3A_1072 : i32
        %get3A_1074 = arith.index_cast %add3A_1050 : i32 to index
        %get3A_1075 = arith.index_cast %add3A_1073 : i32 to index
        %get3A_1076 = tpu.vector_load %arg8[%get3A_1074, %get3A_1075] {strides = array<i32>} : memref<200x128xf32, #tpu.memory_space<vmem>>, vector<1x16xf32>,
        %get3A_1077 = vector.shape_cast %get3A_1076 : vector<1x16xf32> to vector<16xf32>
        %add3A_1078 = arith.addf %add3A_1040, %get3A_1077 : vector<16xf32>
        %slice3A_1079 = vector.extract_strided_slice %and3A_1002 {offsets = [2], sizes = [1], strides = [1]} : vector<16xi32> to vector<1xi32>
        %squeeze3A_1080 = vector.extract %slice3A_1079[0] : i32 from vector<1xi32>
        %mul3A_1081 = arith.constant 64 : i32
        %mul3A_1082 = arith.muli %squeeze3A_1080, %mul3A_1081 : i32
        %mul3A_1083 = arith.constant 16 : i32
        %mul3A_1084 = arith.muli %scan3A_985, %mul3A_1083 : i32
        %add3A_1085 = arith.constant 128 : i32
        %add3A_1086 = arith.addi %add3A_1085, %mul3A_1084 : i32
        %add3A_1087 = arith.constant 2 : i32
        %add3A_1088 = arith.addi %add3A_1086, %add3A_1087 : i32
        %add3A_1089 = arith.constant 0 : i32
        %add3A_1090 = arith.addi %mul3A_1082, %add3A_1089 : i32
        %get3A_1091 = arith.index_cast %add3A_1088 : i32 to index
        %get3A_1092 = arith.index_cast %add3A_1090 : i32 to index
        %get3A_1093 = tpu.vector_load %arg8[%get3A_1091, %get3A_1092] {strides = array<i32>} : memref<200x128xf32, #tpu.memory_space<vmem>>, vector<1x16xf32>,
        %get3A_1094 = vector.shape_cast %get3A_1093 : vector<1x16xf32> to vector<16xf32>
        %add3A_1095 = arith.addf %add3A_1057, %get3A_1094 : vector<16xf32>
        %add3A_1096 = arith.constant 16 : i32
        %add3A_1097 = arith.addi %mul3A_1082, %add3A_1096 : i32
        %get3A_1098 = arith.index_cast %add3A_1088 : i32 to index
        %get3A_1099 = arith.index_cast %add3A_1097 : i32 to index
        %get3A_1100 = tpu.vector_load %arg8[%get3A_1098, %get3A_1099] {strides = array<i32>} : memref<200x128xf32, #tpu.memory_space<vmem>>, vector<1x16xf32>,
        %get3A_1101 = vector.shape_cast %get3A_1100 : vector<1x16xf32> to vector<16xf32>
        %add3A_1102 = arith.addf %add3A_1064, %get3A_1101 : vector<16xf32>
        %add3A_1103 = arith.constant 32 : i32
        %add3A_1104 = arith.addi %mul3A_1082, %add3A_1103 : i32
        %get3A_1105 = arith.index_cast %add3A_1088 : i32 to index
        %get3A_1106 = arith.index_cast %add3A_1104 : i32 to index
        %get3A_1107 = tpu.vector_load %arg8[%get3A_1105, %get3A_1106] {strides = array<i32>} : memref<200x128xf32, #tpu.memory_space<vmem>>, vector<1x16xf32>,
        %get3A_1108 = vector.shape_cast %get3A_1107 : vector<1x16xf32> to vector<16xf32>
        %add3A_1109 = arith.addf %add3A_1071, %get3A_1108 : vector<16xf32>
        %add3A_1110 = arith.constant 48 : i32
        %add3A_1111 = arith.addi %mul3A_1082, %add3A_1110 : i32
        %get3A_1112 = arith.index_cast %add3A_1088 : i32 to index
        %get3A_1113 = arith.index_cast %add3A_1111 : i32 to index
        %get3A_1114 = tpu.vector_load %arg8[%get3A_1112, %get3A_1113] {strides = array<i32>} : memref<200x128xf32, #tpu.memory_space<vmem>>, vector<1x16xf32>,
        %get3A_1115 = vector.shape_cast %get3A_1114 : vector<1x16xf32> to vector<16xf32>
        %add3A_1116 = arith.addf %add3A_1078, %get3A_1115 : vector<16xf32>
        %slice3A_1117 = vector.extract_strided_slice %and3A_1002 {offsets = [3], sizes = [1], strides = [1]} : vector<16xi32> to vector<1xi32>
        %squeeze3A_1118 = vector.extract %slice3A_1117[0] : i32 from vector<1xi32>
        %mul3A_1119 = arith.constant 64 : i32
        %mul3A_1120 = arith.muli %squeeze3A_1118, %mul3A_1119 : i32
        %mul3A_1121 = arith.constant 16 : i32
        %mul3A_1122 = arith.muli %scan3A_985, %mul3A_1121 : i32
        %add3A_1123 = arith.constant 128 : i32
        %add3A_1124 = arith.addi %add3A_1123, %mul3A_1122 : i32
        %add3A_1125 = arith.constant 3 : i32
        %add3A_1126 = arith.addi %add3A_1124, %add3A_1125 : i32
        %add3A_1127 = arith.constant 0 : i32
        %add3A_1128 = arith.addi %mul3A_1120, %add3A_1127 : i32
        %get3A_1129 = arith.index_cast %add3A_1126 : i32 to index
        %get3A_1130 = arith.index_cast %add3A_1128 : i32 to index
        %get3A_1131 = tpu.vector_load %arg8[%get3A_1129, %get3A_1130] {strides = array<i32>} : memref<200x128xf32, #tpu.memory_space<vmem>>, vector<1x16xf32>,
        %get3A_1132 = vector.shape_cast %get3A_1131 : vector<1x16xf32> to vector<16xf32>
        %add3A_1133 = arith.addf %add3A_1095, %get3A_1132 : vector<16xf32>
        %add3A_1134 = arith.constant 16 : i32
        %add3A_1135 = arith.addi %mul3A_1120, %add3A_1134 : i32
        %get3A_1136 = arith.index_cast %add3A_1126 : i32 to index
        %get3A_1137 = arith.index_cast %add3A_1135 : i32 to index
        %get3A_1138 = tpu.vector_load %arg8[%get3A_1136, %get3A_1137] {strides = array<i32>} : memref<200x128xf32, #tpu.memory_space<vmem>>, vector<1x16xf32>,
        %get3A_1139 = vector.shape_cast %get3A_1138 : vector<1x16xf32> to vector<16xf32>
        %add3A_1140 = arith.addf %add3A_1102, %get3A_1139 : vector<16xf32>
        %add3A_1141 = arith.constant 32 : i32
        %add3A_1142 = arith.addi %mul3A_1120, %add3A_1141 : i32
        %get3A_1143 = arith.index_cast %add3A_1126 : i32 to index
        %get3A_1144 = arith.index_cast %add3A_1142 : i32 to index
        %get3A_1145 = tpu.vector_load %arg8[%get3A_1143, %get3A_1144] {strides = array<i32>} : memref<200x128xf32, #tpu.memory_space<vmem>>, vector<1x16xf32>,
        %get3A_1146 = vector.shape_cast %get3A_1145 : vector<1x16xf32> to vector<16xf32>
        %add3A_1147 = arith.addf %add3A_1109, %get3A_1146 : vector<16xf32>
        %add3A_1148 = arith.constant 48 : i32
        %add3A_1149 = arith.addi %mul3A_1120, %add3A_1148 : i32
        %get3A_1150 = arith.index_cast %add3A_1126 : i32 to index
        %get3A_1151 = arith.index_cast %add3A_1149 : i32 to index
        %get3A_1152 = tpu.vector_load %arg8[%get3A_1150, %get3A_1151] {strides = array<i32>} : memref<200x128xf32, #tpu.memory_space<vmem>>, vector<1x16xf32>,
        %get3A_1153 = vector.shape_cast %get3A_1152 : vector<1x16xf32> to vector<16xf32>
        %add3A_1154 = arith.addf %add3A_1116, %get3A_1153 : vector<16xf32>
        %slice3A_1155 = vector.extract_strided_slice %and3A_1002 {offsets = [4], sizes = [1], strides = [1]} : vector<16xi32> to vector<1xi32>
        %squeeze3A_1156 = vector.extract %slice3A_1155[0] : i32 from vector<1xi32>
        %mul3A_1157 = arith.constant 64 : i32
        %mul3A_1158 = arith.muli %squeeze3A_1156, %mul3A_1157 : i32
        %mul3A_1159 = arith.constant 16 : i32
        %mul3A_1160 = arith.muli %scan3A_985, %mul3A_1159 : i32
        %add3A_1161 = arith.constant 128 : i32
        %add3A_1162 = arith.addi %add3A_1161, %mul3A_1160 : i32
        %add3A_1163 = arith.constant 4 : i32
        %add3A_1164 = arith.addi %add3A_1162, %add3A_1163 : i32
        %add3A_1165 = arith.constant 0 : i32
        %add3A_1166 = arith.addi %mul3A_1158, %add3A_1165 : i32
        %get3A_1167 = arith.index_cast %add3A_1164 : i32 to index
        %get3A_1168 = arith.index_cast %add3A_1166 : i32 to index
        %get3A_1169 = tpu.vector_load %arg8[%get3A_1167, %get3A_1168] {strides = array<i32>} : memref<200x128xf32, #tpu.memory_space<vmem>>, vector<1x16xf32>,
        %get3A_1170 = vector.shape_cast %get3A_1169 : vector<1x16xf32> to vector<16xf32>
        %add3A_1171 = arith.addf %add3A_1133, %get3A_1170 : vector<16xf32>
        %add3A_1172 = arith.constant 16 : i32
        %add3A_1173 = arith.addi %mul3A_1158, %add3A_1172 : i32
        %get3A_1174 = arith.index_cast %add3A_1164 : i32 to index
        %get3A_1175 = arith.index_cast %add3A_1173 : i32 to index
        %get3A_1176 = tpu.vector_load %arg8[%get3A_1174, %get3A_1175] {strides = array<i32>} : memref<200x128xf32, #tpu.memory_space<vmem>>, vector<1x16xf32>,
        %get3A_1177 = vector.shape_cast %get3A_1176 : vector<1x16xf32> to vector<16xf32>
        %add3A_1178 = arith.addf %add3A_1140, %get3A_1177 : vector<16xf32>
        %add3A_1179 = arith.constant 32 : i32
        %add3A_1180 = arith.addi %mul3A_1158, %add3A_1179 : i32
        %get3A_1181 = arith.index_cast %add3A_1164 : i32 to index
        %get3A_1182 = arith.index_cast %add3A_1180 : i32 to index
        %get3A_1183 = tpu.vector_load %arg8[%get3A_1181, %get3A_1182] {strides = array<i32>} : memref<200x128xf32, #tpu.memory_space<vmem>>, vector<1x16xf32>,
        %get3A_1184 = vector.shape_cast %get3A_1183 : vector<1x16xf32> to vector<16xf32>
        %add3A_1185 = arith.addf %add3A_1147, %get3A_1184 : vector<16xf32>
        %add3A_1186 = arith.constant 48 : i32
        %add3A_1187 = arith.addi %mul3A_1158, %add3A_1186 : i32
        %get3A_1188 = arith.index_cast %add3A_1164 : i32 to index
        %get3A_1189 = arith.index_cast %add3A_1187 : i32 to index
        %get3A_1190 = tpu.vector_load %arg8[%get3A_1188, %get3A_1189] {strides = array<i32>} : memref<200x128xf32, #tpu.memory_space<vmem>>, vector<1x16xf32>,
        %get3A_1191 = vector.shape_cast %get3A_1190 : vector<1x16xf32> to vector<16xf32>
        %add3A_1192 = arith.addf %add3A_1154, %get3A_1191 : vector<16xf32>
        %slice3A_1193 = vector.extract_strided_slice %and3A_1002 {offsets = [5], sizes = [1], strides = [1]} : vector<16xi32> to vector<1xi32>
        %squeeze3A_1194 = vector.extract %slice3A_1193[0] : i32 from vector<1xi32>
        %mul3A_1195 = arith.constant 64 : i32
        %mul3A_1196 = arith.muli %squeeze3A_1194, %mul3A_1195 : i32
        %mul3A_1197 = arith.constant 16 : i32
        %mul3A_1198 = arith.muli %scan3A_985, %mul3A_1197 : i32
        %add3A_1199 = arith.constant 128 : i32
        %add3A_1200 = arith.addi %add3A_1199, %mul3A_1198 : i32
        %add3A_1201 = arith.constant 5 : i32
        %add3A_1202 = arith.addi %add3A_1200, %add3A_1201 : i32
        %add3A_1203 = arith.constant 0 : i32
        %add3A_1204 = arith.addi %mul3A_1196, %add3A_1203 : i32
        %get3A_1205 = arith.index_cast %add3A_1202 : i32 to index
        %get3A_1206 = arith.index_cast %add3A_1204 : i32 to index
        %get3A_1207 = tpu.vector_load %arg8[%get3A_1205, %get3A_1206] {strides = array<i32>} : memref<200x128xf32, #tpu.memory_space<vmem>>, vector<1x16xf32>,
        %get3A_1208 = vector.shape_cast %get3A_1207 : vector<1x16xf32> to vector<16xf32>
        %add3A_1209 = arith.addf %add3A_1171, %get3A_1208 : vector<16xf32>
        %add3A_1210 = arith.constant 16 : i32
        %add3A_1211 = arith.addi %mul3A_1196, %add3A_1210 : i32
        %get3A_1212 = arith.index_cast %add3A_1202 : i32 to index
        %get3A_1213 = arith.index_cast %add3A_1211 : i32 to index
        %get3A_1214 = tpu.vector_load %arg8[%get3A_1212, %get3A_1213] {strides = array<i32>} : memref<200x128xf32, #tpu.memory_space<vmem>>, vector<1x16xf32>,
        %get3A_1215 = vector.shape_cast %get3A_1214 : vector<1x16xf32> to vector<16xf32>
        %add3A_1216 = arith.addf %add3A_1178, %get3A_1215 : vector<16xf32>
        %add3A_1217 = arith.constant 32 : i32
        %add3A_1218 = arith.addi %mul3A_1196, %add3A_1217 : i32
        %get3A_1219 = arith.index_cast %add3A_1202 : i32 to index
        %get3A_1220 = arith.index_cast %add3A_1218 : i32 to index
        %get3A_1221 = tpu.vector_load %arg8[%get3A_1219, %get3A_1220] {strides = array<i32>} : memref<200x128xf32, #tpu.memory_space<vmem>>, vector<1x16xf32>,
        %get3A_1222 = vector.shape_cast %get3A_1221 : vector<1x16xf32> to vector<16xf32>
        %add3A_1223 = arith.addf %add3A_1185, %get3A_1222 : vector<16xf32>
        %add3A_1224 = arith.constant 48 : i32
        %add3A_1225 = arith.addi %mul3A_1196, %add3A_1224 : i32
        %get3A_1226 = arith.index_cast %add3A_1202 : i32 to index
        %get3A_1227 = arith.index_cast %add3A_1225 : i32 to index
        %get3A_1228 = tpu.vector_load %arg8[%get3A_1226, %get3A_1227] {strides = array<i32>} : memref<200x128xf32, #tpu.memory_space<vmem>>, vector<1x16xf32>,
        %get3A_1229 = vector.shape_cast %get3A_1228 : vector<1x16xf32> to vector<16xf32>
        %add3A_1230 = arith.addf %add3A_1192, %get3A_1229 : vector<16xf32>
        %slice3A_1231 = vector.extract_strided_slice %and3A_1002 {offsets = [6], sizes = [1], strides = [1]} : vector<16xi32> to vector<1xi32>
        %squeeze3A_1232 = vector.extract %slice3A_1231[0] : i32 from vector<1xi32>
        %mul3A_1233 = arith.constant 64 : i32
        %mul3A_1234 = arith.muli %squeeze3A_1232, %mul3A_1233 : i32
        %mul3A_1235 = arith.constant 16 : i32
        %mul3A_1236 = arith.muli %scan3A_985, %mul3A_1235 : i32
        %add3A_1237 = arith.constant 128 : i32
        %add3A_1238 = arith.addi %add3A_1237, %mul3A_1236 : i32
        %add3A_1239 = arith.constant 6 : i32
        %add3A_1240 = arith.addi %add3A_1238, %add3A_1239 : i32
        %add3A_1241 = arith.constant 0 : i32
        %add3A_1242 = arith.addi %mul3A_1234, %add3A_1241 : i32
        %get3A_1243 = arith.index_cast %add3A_1240 : i32 to index
        %get3A_1244 = arith.index_cast %add3A_1242 : i32 to index
        %get3A_1245 = tpu.vector_load %arg8[%get3A_1243, %get3A_1244] {strides = array<i32>} : memref<200x128xf32, #tpu.memory_space<vmem>>, vector<1x16xf32>,
        %get3A_1246 = vector.shape_cast %get3A_1245 : vector<1x16xf32> to vector<16xf32>
        %add3A_1247 = arith.addf %add3A_1209, %get3A_1246 : vector<16xf32>
        %add3A_1248 = arith.constant 16 : i32
        %add3A_1249 = arith.addi %mul3A_1234, %add3A_1248 : i32
        %get3A_1250 = arith.index_cast %add3A_1240 : i32 to index
        %get3A_1251 = arith.index_cast %add3A_1249 : i32 to index
        %get3A_1252 = tpu.vector_load %arg8[%get3A_1250, %get3A_1251] {strides = array<i32>} : memref<200x128xf32, #tpu.memory_space<vmem>>, vector<1x16xf32>,
        %get3A_1253 = vector.shape_cast %get3A_1252 : vector<1x16xf32> to vector<16xf32>
        %add3A_1254 = arith.addf %add3A_1216, %get3A_1253 : vector<16xf32>
        %add3A_1255 = arith.constant 32 : i32
        %add3A_1256 = arith.addi %mul3A_1234, %add3A_1255 : i32
        %get3A_1257 = arith.index_cast %add3A_1240 : i32 to index
        %get3A_1258 = arith.index_cast %add3A_1256 : i32 to index
        %get3A_1259 = tpu.vector_load %arg8[%get3A_1257, %get3A_1258] {strides = array<i32>} : memref<200x128xf32, #tpu.memory_space<vmem>>, vector<1x16xf32>,
        %get3A_1260 = vector.shape_cast %get3A_1259 : vector<1x16xf32> to vector<16xf32>
        %add3A_1261 = arith.addf %add3A_1223, %get3A_1260 : vector<16xf32>
        %add3A_1262 = arith.constant 48 : i32
        %add3A_1263 = arith.addi %mul3A_1234, %add3A_1262 : i32
        %get3A_1264 = arith.index_cast %add3A_1240 : i32 to index
        %get3A_1265 = arith.index_cast %add3A_1263 : i32 to index
        %get3A_1266 = tpu.vector_load %arg8[%get3A_1264, %get3A_1265] {strides = array<i32>} : memref<200x128xf32, #tpu.memory_space<vmem>>, vector<1x16xf32>,
        %get3A_1267 = vector.shape_cast %get3A_1266 : vector<1x16xf32> to vector<16xf32>
        %add3A_1268 = arith.addf %add3A_1230, %get3A_1267 : vector<16xf32>
        %slice3A_1269 = vector.extract_strided_slice %and3A_1002 {offsets = [7], sizes = [1], strides = [1]} : vector<16xi32> to vector<1xi32>
        %squeeze3A_1270 = vector.extract %slice3A_1269[0] : i32 from vector<1xi32>
        %mul3A_1271 = arith.constant 64 : i32
        %mul3A_1272 = arith.muli %squeeze3A_1270, %mul3A_1271 : i32
        %mul3A_1273 = arith.constant 16 : i32
        %mul3A_1274 = arith.muli %scan3A_985, %mul3A_1273 : i32
        %add3A_1275 = arith.constant 128 : i32
        %add3A_1276 = arith.addi %add3A_1275, %mul3A_1274 : i32
        %add3A_1277 = arith.constant 7 : i32
        %add3A_1278 = arith.addi %add3A_1276, %add3A_1277 : i32
        %add3A_1279 = arith.constant 0 : i32
        %add3A_1280 = arith.addi %mul3A_1272, %add3A_1279 : i32
        %get3A_1281 = arith.index_cast %add3A_1278 : i32 to index
        %get3A_1282 = arith.index_cast %add3A_1280 : i32 to index
        %get3A_1283 = tpu.vector_load %arg8[%get3A_1281, %get3A_1282] {strides = array<i32>} : memref<200x128xf32, #tpu.memory_space<vmem>>, vector<1x16xf32>,
        %get3A_1284 = vector.shape_cast %get3A_1283 : vector<1x16xf32> to vector<16xf32>
        %add3A_1285 = arith.addf %add3A_1247, %get3A_1284 : vector<16xf32>
        %add3A_1286 = arith.constant 16 : i32
        %add3A_1287 = arith.addi %mul3A_1272, %add3A_1286 : i32
        %get3A_1288 = arith.index_cast %add3A_1278 : i32 to index
        %get3A_1289 = arith.index_cast %add3A_1287 : i32 to index
        %get3A_1290 = tpu.vector_load %arg8[%get3A_1288, %get3A_1289] {strides = array<i32>} : memref<200x128xf32, #tpu.memory_space<vmem>>, vector<1x16xf32>,
        %get3A_1291 = vector.shape_cast %get3A_1290 : vector<1x16xf32> to vector<16xf32>
        %add3A_1292 = arith.addf %add3A_1254, %get3A_1291 : vector<16xf32>
        %add3A_1293 = arith.constant 32 : i32
        %add3A_1294 = arith.addi %mul3A_1272, %add3A_1293 : i32
        %get3A_1295 = arith.index_cast %add3A_1278 : i32 to index
        %get3A_1296 = arith.index_cast %add3A_1294 : i32 to index
        %get3A_1297 = tpu.vector_load %arg8[%get3A_1295, %get3A_1296] {strides = array<i32>} : memref<200x128xf32, #tpu.memory_space<vmem>>, vector<1x16xf32>,
        %get3A_1298 = vector.shape_cast %get3A_1297 : vector<1x16xf32> to vector<16xf32>
        %add3A_1299 = arith.addf %add3A_1261, %get3A_1298 : vector<16xf32>
        %add3A_1300 = arith.constant 48 : i32
        %add3A_1301 = arith.addi %mul3A_1272, %add3A_1300 : i32
        %get3A_1302 = arith.index_cast %add3A_1278 : i32 to index
        %get3A_1303 = arith.index_cast %add3A_1301 : i32 to index
        %get3A_1304 = tpu.vector_load %arg8[%get3A_1302, %get3A_1303] {strides = array<i32>} : memref<200x128xf32, #tpu.memory_space<vmem>>, vector<1x16xf32>,
        %get3A_1305 = vector.shape_cast %get3A_1304 : vector<1x16xf32> to vector<16xf32>
        %add3A_1306 = arith.addf %add3A_1268, %get3A_1305 : vector<16xf32>
        %slice3A_1307 = vector.extract_strided_slice %and3A_1002 {offsets = [8], sizes = [1], strides = [1]} : vector<16xi32> to vector<1xi32>
        %squeeze3A_1308 = vector.extract %slice3A_1307[0] : i32 from vector<1xi32>
        %mul3A_1309 = arith.constant 64 : i32
        %mul3A_1310 = arith.muli %squeeze3A_1308, %mul3A_1309 : i32
        %mul3A_1311 = arith.constant 16 : i32
        %mul3A_1312 = arith.muli %scan3A_985, %mul3A_1311 : i32
        %add3A_1313 = arith.constant 128 : i32
        %add3A_1314 = arith.addi %add3A_1313, %mul3A_1312 : i32
        %add3A_1315 = arith.constant 8 : i32
        %add3A_1316 = arith.addi %add3A_1314, %add3A_1315 : i32
        %add3A_1317 = arith.constant 0 : i32
        %add3A_1318 = arith.addi %mul3A_1310, %add3A_1317 : i32
        %get3A_1319 = arith.index_cast %add3A_1316 : i32 to index
        %get3A_1320 = arith.index_cast %add3A_1318 : i32 to index
        %get3A_1321 = tpu.vector_load %arg8[%get3A_1319, %get3A_1320] {strides = array<i32>} : memref<200x128xf32, #tpu.memory_space<vmem>>, vector<1x16xf32>,
        %get3A_1322 = vector.shape_cast %get3A_1321 : vector<1x16xf32> to vector<16xf32>
        %add3A_1323 = arith.addf %add3A_1285, %get3A_1322 : vector<16xf32>
        %add3A_1324 = arith.constant 16 : i32
        %add3A_1325 = arith.addi %mul3A_1310, %add3A_1324 : i32
        %get3A_1326 = arith.index_cast %add3A_1316 : i32 to index
        %get3A_1327 = arith.index_cast %add3A_1325 : i32 to index
        %get3A_1328 = tpu.vector_load %arg8[%get3A_1326, %get3A_1327] {strides = array<i32>} : memref<200x128xf32, #tpu.memory_space<vmem>>, vector<1x16xf32>,
        %get3A_1329 = vector.shape_cast %get3A_1328 : vector<1x16xf32> to vector<16xf32>
        %add3A_1330 = arith.addf %add3A_1292, %get3A_1329 : vector<16xf32>
        %add3A_1331 = arith.constant 32 : i32
        %add3A_1332 = arith.addi %mul3A_1310, %add3A_1331 : i32
        %get3A_1333 = arith.index_cast %add3A_1316 : i32 to index
        %get3A_1334 = arith.index_cast %add3A_1332 : i32 to index
        %get3A_1335 = tpu.vector_load %arg8[%get3A_1333, %get3A_1334] {strides = array<i32>} : memref<200x128xf32, #tpu.memory_space<vmem>>, vector<1x16xf32>,
        %get3A_1336 = vector.shape_cast %get3A_1335 : vector<1x16xf32> to vector<16xf32>
        %add3A_1337 = arith.addf %add3A_1299, %get3A_1336 : vector<16xf32>
        %add3A_1338 = arith.constant 48 : i32
        %add3A_1339 = arith.addi %mul3A_1310, %add3A_1338 : i32
        %get3A_1340 = arith.index_cast %add3A_1316 : i32 to index
        %get3A_1341 = arith.index_cast %add3A_1339 : i32 to index
        %get3A_1342 = tpu.vector_load %arg8[%get3A_1340, %get3A_1341] {strides = array<i32>} : memref<200x128xf32, #tpu.memory_space<vmem>>, vector<1x16xf32>,
        %get3A_1343 = vector.shape_cast %get3A_1342 : vector<1x16xf32> to vector<16xf32>
        %add3A_1344 = arith.addf %add3A_1306, %get3A_1343 : vector<16xf32>
        %slice3A_1345 = vector.extract_strided_slice %and3A_1002 {offsets = [9], sizes = [1], strides = [1]} : vector<16xi32> to vector<1xi32>
        %squeeze3A_1346 = vector.extract %slice3A_1345[0] : i32 from vector<1xi32>
        %mul3A_1347 = arith.constant 64 : i32
        %mul3A_1348 = arith.muli %squeeze3A_1346, %mul3A_1347 : i32
        %mul3A_1349 = arith.constant 16 : i32
        %mul3A_1350 = arith.muli %scan3A_985, %mul3A_1349 : i32
        %add3A_1351 = arith.constant 128 : i32
        %add3A_1352 = arith.addi %add3A_1351, %mul3A_1350 : i32
        %add3A_1353 = arith.constant 9 : i32
        %add3A_1354 = arith.addi %add3A_1352, %add3A_1353 : i32
        %add3A_1355 = arith.constant 0 : i32
        %add3A_1356 = arith.addi %mul3A_1348, %add3A_1355 : i32
        %get3A_1357 = arith.index_cast %add3A_1354 : i32 to index
        %get3A_1358 = arith.index_cast %add3A_1356 : i32 to index
        %get3A_1359 = tpu.vector_load %arg8[%get3A_1357, %get3A_1358] {strides = array<i32>} : memref<200x128xf32, #tpu.memory_space<vmem>>, vector<1x16xf32>,
        %get3A_1360 = vector.shape_cast %get3A_1359 : vector<1x16xf32> to vector<16xf32>
        %add3A_1361 = arith.addf %add3A_1323, %get3A_1360 : vector<16xf32>
        %add3A_1362 = arith.constant 16 : i32
        %add3A_1363 = arith.addi %mul3A_1348, %add3A_1362 : i32
        %get3A_1364 = arith.index_cast %add3A_1354 : i32 to index
        %get3A_1365 = arith.index_cast %add3A_1363 : i32 to index
        %get3A_1366 = tpu.vector_load %arg8[%get3A_1364, %get3A_1365] {strides = array<i32>} : memref<200x128xf32, #tpu.memory_space<vmem>>, vector<1x16xf32>,
        %get3A_1367 = vector.shape_cast %get3A_1366 : vector<1x16xf32> to vector<16xf32>
        %add3A_1368 = arith.addf %add3A_1330, %get3A_1367 : vector<16xf32>
        %add3A_1369 = arith.constant 32 : i32
        %add3A_1370 = arith.addi %mul3A_1348, %add3A_1369 : i32
        %get3A_1371 = arith.index_cast %add3A_1354 : i32 to index
        %get3A_1372 = arith.index_cast %add3A_1370 : i32 to index
        %get3A_1373 = tpu.vector_load %arg8[%get3A_1371, %get3A_1372] {strides = array<i32>} : memref<200x128xf32, #tpu.memory_space<vmem>>, vector<1x16xf32>,
        %get3A_1374 = vector.shape_cast %get3A_1373 : vector<1x16xf32> to vector<16xf32>
        %add3A_1375 = arith.addf %add3A_1337, %get3A_1374 : vector<16xf32>
        %add3A_1376 = arith.constant 48 : i32
        %add3A_1377 = arith.addi %mul3A_1348, %add3A_1376 : i32
        %get3A_1378 = arith.index_cast %add3A_1354 : i32 to index
        %get3A_1379 = arith.index_cast %add3A_1377 : i32 to index
        %get3A_1380 = tpu.vector_load %arg8[%get3A_1378, %get3A_1379] {strides = array<i32>} : memref<200x128xf32, #tpu.memory_space<vmem>>, vector<1x16xf32>,
        %get3A_1381 = vector.shape_cast %get3A_1380 : vector<1x16xf32> to vector<16xf32>
        %add3A_1382 = arith.addf %add3A_1344, %get3A_1381 : vector<16xf32>
        %slice3A_1383 = vector.extract_strided_slice %and3A_1002 {offsets = [10], sizes = [1], strides = [1]} : vector<16xi32> to vector<1xi32>
        %squeeze3A_1384 = vector.extract %slice3A_1383[0] : i32 from vector<1xi32>
        %mul3A_1385 = arith.constant 64 : i32
        %mul3A_1386 = arith.muli %squeeze3A_1384, %mul3A_1385 : i32
        %mul3A_1387 = arith.constant 16 : i32
        %mul3A_1388 = arith.muli %scan3A_985, %mul3A_1387 : i32
        %add3A_1389 = arith.constant 128 : i32
        %add3A_1390 = arith.addi %add3A_1389, %mul3A_1388 : i32
        %add3A_1391 = arith.constant 10 : i32
        %add3A_1392 = arith.addi %add3A_1390, %add3A_1391 : i32
        %add3A_1393 = arith.constant 0 : i32
        %add3A_1394 = arith.addi %mul3A_1386, %add3A_1393 : i32
        %get3A_1395 = arith.index_cast %add3A_1392 : i32 to index
        %get3A_1396 = arith.index_cast %add3A_1394 : i32 to index
        %get3A_1397 = tpu.vector_load %arg8[%get3A_1395, %get3A_1396] {strides = array<i32>} : memref<200x128xf32, #tpu.memory_space<vmem>>, vector<1x16xf32>,
        %get3A_1398 = vector.shape_cast %get3A_1397 : vector<1x16xf32> to vector<16xf32>
        %add3A_1399 = arith.addf %add3A_1361, %get3A_1398 : vector<16xf32>
        %add3A_1400 = arith.constant 16 : i32
        %add3A_1401 = arith.addi %mul3A_1386, %add3A_1400 : i32
        %get3A_1402 = arith.index_cast %add3A_1392 : i32 to index
        %get3A_1403 = arith.index_cast %add3A_1401 : i32 to index
        %get3A_1404 = tpu.vector_load %arg8[%get3A_1402, %get3A_1403] {strides = array<i32>} : memref<200x128xf32, #tpu.memory_space<vmem>>, vector<1x16xf32>,
        %get3A_1405 = vector.shape_cast %get3A_1404 : vector<1x16xf32> to vector<16xf32>
        %add3A_1406 = arith.addf %add3A_1368, %get3A_1405 : vector<16xf32>
        %add3A_1407 = arith.constant 32 : i32
        %add3A_1408 = arith.addi %mul3A_1386, %add3A_1407 : i32
        %get3A_1409 = arith.index_cast %add3A_1392 : i32 to index
        %get3A_1410 = arith.index_cast %add3A_1408 : i32 to index
        %get3A_1411 = tpu.vector_load %arg8[%get3A_1409, %get3A_1410] {strides = array<i32>} : memref<200x128xf32, #tpu.memory_space<vmem>>, vector<1x16xf32>,
        %get3A_1412 = vector.shape_cast %get3A_1411 : vector<1x16xf32> to vector<16xf32>
        %add3A_1413 = arith.addf %add3A_1375, %get3A_1412 : vector<16xf32>
        %add3A_1414 = arith.constant 48 : i32
        %add3A_1415 = arith.addi %mul3A_1386, %add3A_1414 : i32
        %get3A_1416 = arith.index_cast %add3A_1392 : i32 to index
        %get3A_1417 = arith.index_cast %add3A_1415 : i32 to index
        %get3A_1418 = tpu.vector_load %arg8[%get3A_1416, %get3A_1417] {strides = array<i32>} : memref<200x128xf32, #tpu.memory_space<vmem>>, vector<1x16xf32>,
        %get3A_1419 = vector.shape_cast %get3A_1418 : vector<1x16xf32> to vector<16xf32>
        %add3A_1420 = arith.addf %add3A_1382, %get3A_1419 : vector<16xf32>
        %slice3A_1421 = vector.extract_strided_slice %and3A_1002 {offsets = [11], sizes = [1], strides = [1]} : vector<16xi32> to vector<1xi32>
        %squeeze3A_1422 = vector.extract %slice3A_1421[0] : i32 from vector<1xi32>
        %mul3A_1423 = arith.constant 64 : i32
        %mul3A_1424 = arith.muli %squeeze3A_1422, %mul3A_1423 : i32
        %mul3A_1425 = arith.constant 16 : i32
        %mul3A_1426 = arith.muli %scan3A_985, %mul3A_1425 : i32
        %add3A_1427 = arith.constant 128 : i32
        %add3A_1428 = arith.addi %add3A_1427, %mul3A_1426 : i32
        %add3A_1429 = arith.constant 11 : i32
        %add3A_1430 = arith.addi %add3A_1428, %add3A_1429 : i32
        %add3A_1431 = arith.constant 0 : i32
        %add3A_1432 = arith.addi %mul3A_1424, %add3A_1431 : i32
        %get3A_1433 = arith.index_cast %add3A_1430 : i32 to index
        %get3A_1434 = arith.index_cast %add3A_1432 : i32 to index
        %get3A_1435 = tpu.vector_load %arg8[%get3A_1433, %get3A_1434] {strides = array<i32>} : memref<200x128xf32, #tpu.memory_space<vmem>>, vector<1x16xf32>,
        %get3A_1436 = vector.shape_cast %get3A_1435 : vector<1x16xf32> to vector<16xf32>
        %add3A_1437 = arith.addf %add3A_1399, %get3A_1436 : vector<16xf32>
        %add3A_1438 = arith.constant 16 : i32
        %add3A_1439 = arith.addi %mul3A_1424, %add3A_1438 : i32
        %get3A_1440 = arith.index_cast %add3A_1430 : i32 to index
        %get3A_1441 = arith.index_cast %add3A_1439 : i32 to index
        %get3A_1442 = tpu.vector_load %arg8[%get3A_1440, %get3A_1441] {strides = array<i32>} : memref<200x128xf32, #tpu.memory_space<vmem>>, vector<1x16xf32>,
        %get3A_1443 = vector.shape_cast %get3A_1442 : vector<1x16xf32> to vector<16xf32>
        %add3A_1444 = arith.addf %add3A_1406, %get3A_1443 : vector<16xf32>
        %add3A_1445 = arith.constant 32 : i32
        %add3A_1446 = arith.addi %mul3A_1424, %add3A_1445 : i32
        %get3A_1447 = arith.index_cast %add3A_1430 : i32 to index
        %get3A_1448 = arith.index_cast %add3A_1446 : i32 to index
        %get3A_1449 = tpu.vector_load %arg8[%get3A_1447, %get3A_1448] {strides = array<i32>} : memref<200x128xf32, #tpu.memory_space<vmem>>, vector<1x16xf32>,
        %get3A_1450 = vector.shape_cast %get3A_1449 : vector<1x16xf32> to vector<16xf32>
        %add3A_1451 = arith.addf %add3A_1413, %get3A_1450 : vector<16xf32>
        %add3A_1452 = arith.constant 48 : i32
        %add3A_1453 = arith.addi %mul3A_1424, %add3A_1452 : i32
        %get3A_1454 = arith.index_cast %add3A_1430 : i32 to index
        %get3A_1455 = arith.index_cast %add3A_1453 : i32 to index
        %get3A_1456 = tpu.vector_load %arg8[%get3A_1454, %get3A_1455] {strides = array<i32>} : memref<200x128xf32, #tpu.memory_space<vmem>>, vector<1x16xf32>,
        %get3A_1457 = vector.shape_cast %get3A_1456 : vector<1x16xf32> to vector<16xf32>
        %add3A_1458 = arith.addf %add3A_1420, %get3A_1457 : vector<16xf32>
        %slice3A_1459 = vector.extract_strided_slice %and3A_1002 {offsets = [12], sizes = [1], strides = [1]} : vector<16xi32> to vector<1xi32>
        %squeeze3A_1460 = vector.extract %slice3A_1459[0] : i32 from vector<1xi32>
        %mul3A_1461 = arith.constant 64 : i32
        %mul3A_1462 = arith.muli %squeeze3A_1460, %mul3A_1461 : i32
        %mul3A_1463 = arith.constant 16 : i32
        %mul3A_1464 = arith.muli %scan3A_985, %mul3A_1463 : i32
        %add3A_1465 = arith.constant 128 : i32
        %add3A_1466 = arith.addi %add3A_1465, %mul3A_1464 : i32
        %add3A_1467 = arith.constant 12 : i32
        %add3A_1468 = arith.addi %add3A_1466, %add3A_1467 : i32
        %add3A_1469 = arith.constant 0 : i32
        %add3A_1470 = arith.addi %mul3A_1462, %add3A_1469 : i32
        %get3A_1471 = arith.index_cast %add3A_1468 : i32 to index
        %get3A_1472 = arith.index_cast %add3A_1470 : i32 to index
        %get3A_1473 = tpu.vector_load %arg8[%get3A_1471, %get3A_1472] {strides = array<i32>} : memref<200x128xf32, #tpu.memory_space<vmem>>, vector<1x16xf32>,
        %get3A_1474 = vector.shape_cast %get3A_1473 : vector<1x16xf32> to vector<16xf32>
        %add3A_1475 = arith.addf %add3A_1437, %get3A_1474 : vector<16xf32>
        %add3A_1476 = arith.constant 16 : i32
        %add3A_1477 = arith.addi %mul3A_1462, %add3A_1476 : i32
        %get3A_1478 = arith.index_cast %add3A_1468 : i32 to index
        %get3A_1479 = arith.index_cast %add3A_1477 : i32 to index
        %get3A_1480 = tpu.vector_load %arg8[%get3A_1478, %get3A_1479] {strides = array<i32>} : memref<200x128xf32, #tpu.memory_space<vmem>>, vector<1x16xf32>,
        %get3A_1481 = vector.shape_cast %get3A_1480 : vector<1x16xf32> to vector<16xf32>
        %add3A_1482 = arith.addf %add3A_1444, %get3A_1481 : vector<16xf32>
        %add3A_1483 = arith.constant 32 : i32
        %add3A_1484 = arith.addi %mul3A_1462, %add3A_1483 : i32
        %get3A_1485 = arith.index_cast %add3A_1468 : i32 to index
        %get3A_1486 = arith.index_cast %add3A_1484 : i32 to index
        %get3A_1487 = tpu.vector_load %arg8[%get3A_1485, %get3A_1486] {strides = array<i32>} : memref<200x128xf32, #tpu.memory_space<vmem>>, vector<1x16xf32>,
        %get3A_1488 = vector.shape_cast %get3A_1487 : vector<1x16xf32> to vector<16xf32>
        %add3A_1489 = arith.addf %add3A_1451, %get3A_1488 : vector<16xf32>
        %add3A_1490 = arith.constant 48 : i32
        %add3A_1491 = arith.addi %mul3A_1462, %add3A_1490 : i32
        %get3A_1492 = arith.index_cast %add3A_1468 : i32 to index
        %get3A_1493 = arith.index_cast %add3A_1491 : i32 to index
        %get3A_1494 = tpu.vector_load %arg8[%get3A_1492, %get3A_1493] {strides = array<i32>} : memref<200x128xf32, #tpu.memory_space<vmem>>, vector<1x16xf32>,
        %get3A_1495 = vector.shape_cast %get3A_1494 : vector<1x16xf32> to vector<16xf32>
        %add3A_1496 = arith.addf %add3A_1458, %get3A_1495 : vector<16xf32>
        %slice3A_1497 = vector.extract_strided_slice %and3A_1002 {offsets = [13], sizes = [1], strides = [1]} : vector<16xi32> to vector<1xi32>
        %squeeze3A_1498 = vector.extract %slice3A_1497[0] : i32 from vector<1xi32>
        %mul3A_1499 = arith.constant 64 : i32
        %mul3A_1500 = arith.muli %squeeze3A_1498, %mul3A_1499 : i32
        %mul3A_1501 = arith.constant 16 : i32
        %mul3A_1502 = arith.muli %scan3A_985, %mul3A_1501 : i32
        %add3A_1503 = arith.constant 128 : i32
        %add3A_1504 = arith.addi %add3A_1503, %mul3A_1502 : i32
        %add3A_1505 = arith.constant 13 : i32
        %add3A_1506 = arith.addi %add3A_1504, %add3A_1505 : i32
        %add3A_1507 = arith.constant 0 : i32
        %add3A_1508 = arith.addi %mul3A_1500, %add3A_1507 : i32
        %get3A_1509 = arith.index_cast %add3A_1506 : i32 to index
        %get3A_1510 = arith.index_cast %add3A_1508 : i32 to index
        %get3A_1511 = tpu.vector_load %arg8[%get3A_1509, %get3A_1510] {strides = array<i32>} : memref<200x128xf32, #tpu.memory_space<vmem>>, vector<1x16xf32>,
        %get3A_1512 = vector.shape_cast %get3A_1511 : vector<1x16xf32> to vector<16xf32>
        %add3A_1513 = arith.addf %add3A_1475, %get3A_1512 : vector<16xf32>
        %add3A_1514 = arith.constant 16 : i32
        %add3A_1515 = arith.addi %mul3A_1500, %add3A_1514 : i32
        %get3A_1516 = arith.index_cast %add3A_1506 : i32 to index
        %get3A_1517 = arith.index_cast %add3A_1515 : i32 to index
        %get3A_1518 = tpu.vector_load %arg8[%get3A_1516, %get3A_1517] {strides = array<i32>} : memref<200x128xf32, #tpu.memory_space<vmem>>, vector<1x16xf32>,
        %get3A_1519 = vector.shape_cast %get3A_1518 : vector<1x16xf32> to vector<16xf32>
        %add3A_1520 = arith.addf %add3A_1482, %get3A_1519 : vector<16xf32>
        %add3A_1521 = arith.constant 32 : i32
        %add3A_1522 = arith.addi %mul3A_1500, %add3A_1521 : i32
        %get3A_1523 = arith.index_cast %add3A_1506 : i32 to index
        %get3A_1524 = arith.index_cast %add3A_1522 : i32 to index
        %get3A_1525 = tpu.vector_load %arg8[%get3A_1523, %get3A_1524] {strides = array<i32>} : memref<200x128xf32, #tpu.memory_space<vmem>>, vector<1x16xf32>,
        %get3A_1526 = vector.shape_cast %get3A_1525 : vector<1x16xf32> to vector<16xf32>
        %add3A_1527 = arith.addf %add3A_1489, %get3A_1526 : vector<16xf32>
        %add3A_1528 = arith.constant 48 : i32
        %add3A_1529 = arith.addi %mul3A_1500, %add3A_1528 : i32
        %get3A_1530 = arith.index_cast %add3A_1506 : i32 to index
        %get3A_1531 = arith.index_cast %add3A_1529 : i32 to index
        %get3A_1532 = tpu.vector_load %arg8[%get3A_1530, %get3A_1531] {strides = array<i32>} : memref<200x128xf32, #tpu.memory_space<vmem>>, vector<1x16xf32>,
        %get3A_1533 = vector.shape_cast %get3A_1532 : vector<1x16xf32> to vector<16xf32>
        %add3A_1534 = arith.addf %add3A_1496, %get3A_1533 : vector<16xf32>
        %slice3A_1535 = vector.extract_strided_slice %and3A_1002 {offsets = [14], sizes = [1], strides = [1]} : vector<16xi32> to vector<1xi32>
        %squeeze3A_1536 = vector.extract %slice3A_1535[0] : i32 from vector<1xi32>
        %mul3A_1537 = arith.constant 64 : i32
        %mul3A_1538 = arith.muli %squeeze3A_1536, %mul3A_1537 : i32
        %mul3A_1539 = arith.constant 16 : i32
        %mul3A_1540 = arith.muli %scan3A_985, %mul3A_1539 : i32
        %add3A_1541 = arith.constant 128 : i32
        %add3A_1542 = arith.addi %add3A_1541, %mul3A_1540 : i32
        %add3A_1543 = arith.constant 14 : i32
        %add3A_1544 = arith.addi %add3A_1542, %add3A_1543 : i32
        %add3A_1545 = arith.constant 0 : i32
        %add3A_1546 = arith.addi %mul3A_1538, %add3A_1545 : i32
        %get3A_1547 = arith.index_cast %add3A_1544 : i32 to index
        %get3A_1548 = arith.index_cast %add3A_1546 : i32 to index
        %get3A_1549 = tpu.vector_load %arg8[%get3A_1547, %get3A_1548] {strides = array<i32>} : memref<200x128xf32, #tpu.memory_space<vmem>>, vector<1x16xf32>,
        %get3A_1550 = vector.shape_cast %get3A_1549 : vector<1x16xf32> to vector<16xf32>
        %add3A_1551 = arith.addf %add3A_1513, %get3A_1550 : vector<16xf32>
        %add3A_1552 = arith.constant 16 : i32
        %add3A_1553 = arith.addi %mul3A_1538, %add3A_1552 : i32
        %get3A_1554 = arith.index_cast %add3A_1544 : i32 to index
        %get3A_1555 = arith.index_cast %add3A_1553 : i32 to index
        %get3A_1556 = tpu.vector_load %arg8[%get3A_1554, %get3A_1555] {strides = array<i32>} : memref<200x128xf32, #tpu.memory_space<vmem>>, vector<1x16xf32>,
        %get3A_1557 = vector.shape_cast %get3A_1556 : vector<1x16xf32> to vector<16xf32>
        %add3A_1558 = arith.addf %add3A_1520, %get3A_1557 : vector<16xf32>
        %add3A_1559 = arith.constant 32 : i32
        %add3A_1560 = arith.addi %mul3A_1538, %add3A_1559 : i32
        %get3A_1561 = arith.index_cast %add3A_1544 : i32 to index
        %get3A_1562 = arith.index_cast %add3A_1560 : i32 to index
        %get3A_1563 = tpu.vector_load %arg8[%get3A_1561, %get3A_1562] {strides = array<i32>} : memref<200x128xf32, #tpu.memory_space<vmem>>, vector<1x16xf32>,
        %get3A_1564 = vector.shape_cast %get3A_1563 : vector<1x16xf32> to vector<16xf32>
        %add3A_1565 = arith.addf %add3A_1527, %get3A_1564 : vector<16xf32>
        %add3A_1566 = arith.constant 48 : i32
        %add3A_1567 = arith.addi %mul3A_1538, %add3A_1566 : i32
        %get3A_1568 = arith.index_cast %add3A_1544 : i32 to index
        %get3A_1569 = arith.index_cast %add3A_1567 : i32 to index
        %get3A_1570 = tpu.vector_load %arg8[%get3A_1568, %get3A_1569] {strides = array<i32>} : memref<200x128xf32, #tpu.memory_space<vmem>>, vector<1x16xf32>,
        %get3A_1571 = vector.shape_cast %get3A_1570 : vector<1x16xf32> to vector<16xf32>
        %add3A_1572 = arith.addf %add3A_1534, %get3A_1571 : vector<16xf32>
        %slice3A_1573 = vector.extract_strided_slice %and3A_1002 {offsets = [15], sizes = [1], strides = [1]} : vector<16xi32> to vector<1xi32>
        %squeeze3A_1574 = vector.extract %slice3A_1573[0] : i32 from vector<1xi32>
        %mul3A_1575 = arith.constant 64 : i32
        %mul3A_1576 = arith.muli %squeeze3A_1574, %mul3A_1575 : i32
        %mul3A_1577 = arith.constant 16 : i32
        %mul3A_1578 = arith.muli %scan3A_985, %mul3A_1577 : i32
        %add3A_1579 = arith.constant 128 : i32
        %add3A_1580 = arith.addi %add3A_1579, %mul3A_1578 : i32
        %add3A_1581 = arith.constant 15 : i32
        %add3A_1582 = arith.addi %add3A_1580, %add3A_1581 : i32
        %add3A_1583 = arith.constant 0 : i32
        %add3A_1584 = arith.addi %mul3A_1576, %add3A_1583 : i32
        %get3A_1585 = arith.index_cast %add3A_1582 : i32 to index
        %get3A_1586 = arith.index_cast %add3A_1584 : i32 to index
        %get3A_1587 = tpu.vector_load %arg8[%get3A_1585, %get3A_1586] {strides = array<i32>} : memref<200x128xf32, #tpu.memory_space<vmem>>, vector<1x16xf32>,
        %get3A_1588 = vector.shape_cast %get3A_1587 : vector<1x16xf32> to vector<16xf32>
        %add3A_1589 = arith.addf %add3A_1551, %get3A_1588 : vector<16xf32>
        %add3A_1590 = arith.constant 16 : i32
        %add3A_1591 = arith.addi %mul3A_1576, %add3A_1590 : i32
        %get3A_1592 = arith.index_cast %add3A_1582 : i32 to index
        %get3A_1593 = arith.index_cast %add3A_1591 : i32 to index
        %get3A_1594 = tpu.vector_load %arg8[%get3A_1592, %get3A_1593] {strides = array<i32>} : memref<200x128xf32, #tpu.memory_space<vmem>>, vector<1x16xf32>,
        %get3A_1595 = vector.shape_cast %get3A_1594 : vector<1x16xf32> to vector<16xf32>
        %add3A_1596 = arith.addf %add3A_1558, %get3A_1595 : vector<16xf32>
        %add3A_1597 = arith.constant 32 : i32
        %add3A_1598 = arith.addi %mul3A_1576, %add3A_1597 : i32
        %get3A_1599 = arith.index_cast %add3A_1582 : i32 to index
        %get3A_1600 = arith.index_cast %add3A_1598 : i32 to index
        %get3A_1601 = tpu.vector_load %arg8[%get3A_1599, %get3A_1600] {strides = array<i32>} : memref<200x128xf32, #tpu.memory_space<vmem>>, vector<1x16xf32>,
        %get3A_1602 = vector.shape_cast %get3A_1601 : vector<1x16xf32> to vector<16xf32>
        %add3A_1603 = arith.addf %add3A_1565, %get3A_1602 : vector<16xf32>
        %add3A_1604 = arith.constant 48 : i32
        %add3A_1605 = arith.addi %mul3A_1576, %add3A_1604 : i32
        %get3A_1606 = arith.index_cast %add3A_1582 : i32 to index
        %get3A_1607 = arith.index_cast %add3A_1605 : i32 to index
        %get3A_1608 = tpu.vector_load %arg8[%get3A_1606, %get3A_1607] {strides = array<i32>} : memref<200x128xf32, #tpu.memory_space<vmem>>, vector<1x16xf32>,
        %get3A_1609 = vector.shape_cast %get3A_1608 : vector<1x16xf32> to vector<16xf32>
        %add3A_1610 = arith.addf %add3A_1572, %get3A_1609 : vector<16xf32>
        scf.yield %add3A_1589, %add3A_1596, %add3A_1603, %add3A_1610 : vector<16xf32>, vector<16xf32>, vector<16xf32>, vector<16xf32>
      }
      %scan3A_96 = arith.constant 4 : i32
      %mul3A_97 = arith.constant 2 : i32
      %mul3A_98 = arith.muli %mul3A_97, %mul3A_34 : i32
      %add3A_99 = arith.constant 1 : i32
      %add3A_100 = arith.addi %mul3A_98, %add3A_99 : i32
      %get3A = arith.index_cast %add3A_100 : i32 to index
      %get3A_101 = arith.constant 64 : index
      %get3A_102 = tpu.vector_load %arg6[%get3A, %get3A_101] {strides = array<i32>} : memref<256x128xi32, #tpu.memory_space<vmem>>, vector<1x16xi32>,
      %get3A_103 = vector.shape_cast %get3A_102 : vector<1x16xi32> to vector<16xi32>
      %and3A = arith.constant 1 : i32
      %and3A_104 = vector.broadcast %and3A : i32 to vector<16xi32>
      %and3A_105 = arith.andi %get3A_103, %and3A_104 : vector<16xi32>
      %slice3A = vector.extract_strided_slice %and3A_105 {offsets = [0], sizes = [1], strides = [1]} : vector<16xi32> to vector<1xi32>
      %squeeze3A = vector.extract %slice3A[0] : i32 from vector<1xi32>
      %mul3A_106 = arith.constant 64 : i32
      %mul3A_107 = arith.muli %squeeze3A, %mul3A_106 : i32
      %add3A_108 = arith.constant 0 : i32
      %add3A_109 = arith.addi %mul3A_107, %add3A_108 : i32
      %get3A_110 = arith.constant 192 : i32
      %get3A_111 = arith.index_cast %get3A_110 : i32 to index
      %get3A_112 = arith.index_cast %add3A_109 : i32 to index
      %get3A_113 = tpu.vector_load %arg8[%get3A_111, %get3A_112] {strides = array<i32>} : memref<200x128xf32, #tpu.memory_space<vmem>>, vector<1x16xf32>,
      %get3A_114 = vector.shape_cast %get3A_113 : vector<1x16xf32> to vector<16xf32>
      %add3A_115 = arith.addf %scan3A_95#0, %get3A_114 : vector<16xf32>
      %add3A_116 = arith.constant 16 : i32
      %add3A_117 = arith.addi %mul3A_107, %add3A_116 : i32
      %get3A_118 = arith.constant 192 : i32
      %get3A_119 = arith.index_cast %get3A_118 : i32 to index
      %get3A_120 = arith.index_cast %add3A_117 : i32 to index
      %get3A_121 = tpu.vector_load %arg8[%get3A_119, %get3A_120] {strides = array<i32>} : memref<200x128xf32, #tpu.memory_space<vmem>>, vector<1x16xf32>,
      %get3A_122 = vector.shape_cast %get3A_121 : vector<1x16xf32> to vector<16xf32>
      %add3A_123 = arith.addf %scan3A_95#1, %get3A_122 : vector<16xf32>
      %add3A_124 = arith.constant 32 : i32
      %add3A_125 = arith.addi %mul3A_107, %add3A_124 : i32
      %get3A_126 = arith.constant 192 : i32
      %get3A_127 = arith.index_cast %get3A_126 : i32 to index
      %get3A_128 = arith.index_cast %add3A_125 : i32 to index
      %get3A_129 = tpu.vector_load %arg8[%get3A_127, %get3A_128] {strides = array<i32>} : memref<200x128xf32, #tpu.memory_space<vmem>>, vector<1x16xf32>,
      %get3A_130 = vector.shape_cast %get3A_129 : vector<1x16xf32> to vector<16xf32>
      %add3A_131 = arith.addf %scan3A_95#2, %get3A_130 : vector<16xf32>
      %add3A_132 = arith.constant 48 : i32
      %add3A_133 = arith.addi %mul3A_107, %add3A_132 : i32
      %get3A_134 = arith.constant 192 : i32
      %get3A_135 = arith.index_cast %get3A_134 : i32 to index
      %get3A_136 = arith.index_cast %add3A_133 : i32 to index
      %get3A_137 = tpu.vector_load %arg8[%get3A_135, %get3A_136] {strides = array<i32>} : memref<200x128xf32, #tpu.memory_space<vmem>>, vector<1x16xf32>,
      %get3A_138 = vector.shape_cast %get3A_137 : vector<1x16xf32> to vector<16xf32>
      %add3A_139 = arith.addf %scan3A_95#3, %get3A_138 : vector<16xf32>
      %slice3A_140 = vector.extract_strided_slice %and3A_105 {offsets = [1], sizes = [1], strides = [1]} : vector<16xi32> to vector<1xi32>
      %squeeze3A_141 = vector.extract %slice3A_140[0] : i32 from vector<1xi32>
      %mul3A_142 = arith.constant 64 : i32
      %mul3A_143 = arith.muli %squeeze3A_141, %mul3A_142 : i32
      %add3A_144 = arith.constant 0 : i32
      %add3A_145 = arith.addi %mul3A_143, %add3A_144 : i32
      %get3A_146 = arith.constant 193 : i32
      %get3A_147 = arith.index_cast %get3A_146 : i32 to index
      %get3A_148 = arith.index_cast %add3A_145 : i32 to index
      %get3A_149 = tpu.vector_load %arg8[%get3A_147, %get3A_148] {strides = array<i32>} : memref<200x128xf32, #tpu.memory_space<vmem>>, vector<1x16xf32>,
      %get3A_150 = vector.shape_cast %get3A_149 : vector<1x16xf32> to vector<16xf32>
      %add3A_151 = arith.addf %add3A_115, %get3A_150 : vector<16xf32>
      %add3A_152 = arith.constant 16 : i32
      %add3A_153 = arith.addi %mul3A_143, %add3A_152 : i32
      %get3A_154 = arith.constant 193 : i32
      %get3A_155 = arith.index_cast %get3A_154 : i32 to index
      %get3A_156 = arith.index_cast %add3A_153 : i32 to index
      %get3A_157 = tpu.vector_load %arg8[%get3A_155, %get3A_156] {strides = array<i32>} : memref<200x128xf32, #tpu.memory_space<vmem>>, vector<1x16xf32>,
      %get3A_158 = vector.shape_cast %get3A_157 : vector<1x16xf32> to vector<16xf32>
      %add3A_159 = arith.addf %add3A_123, %get3A_158 : vector<16xf32>
      %add3A_160 = arith.constant 32 : i32
      %add3A_161 = arith.addi %mul3A_143, %add3A_160 : i32
      %get3A_162 = arith.constant 193 : i32
      %get3A_163 = arith.index_cast %get3A_162 : i32 to index
      %get3A_164 = arith.index_cast %add3A_161 : i32 to index
      %get3A_165 = tpu.vector_load %arg8[%get3A_163, %get3A_164] {strides = array<i32>} : memref<200x128xf32, #tpu.memory_space<vmem>>, vector<1x16xf32>,
      %get3A_166 = vector.shape_cast %get3A_165 : vector<1x16xf32> to vector<16xf32>
      %add3A_167 = arith.addf %add3A_131, %get3A_166 : vector<16xf32>
      %add3A_168 = arith.constant 48 : i32
      %add3A_169 = arith.addi %mul3A_143, %add3A_168 : i32
      %get3A_170 = arith.constant 193 : i32
      %get3A_171 = arith.index_cast %get3A_170 : i32 to index
      %get3A_172 = arith.index_cast %add3A_169 : i32 to index
      %get3A_173 = tpu.vector_load %arg8[%get3A_171, %get3A_172] {strides = array<i32>} : memref<200x128xf32, #tpu.memory_space<vmem>>, vector<1x16xf32>,
      %get3A_174 = vector.shape_cast %get3A_173 : vector<1x16xf32> to vector<16xf32>
      %add3A_175 = arith.addf %add3A_139, %get3A_174 : vector<16xf32>
      %slice3A_176 = vector.extract_strided_slice %and3A_105 {offsets = [2], sizes = [1], strides = [1]} : vector<16xi32> to vector<1xi32>
      %squeeze3A_177 = vector.extract %slice3A_176[0] : i32 from vector<1xi32>
      %mul3A_178 = arith.constant 64 : i32
      %mul3A_179 = arith.muli %squeeze3A_177, %mul3A_178 : i32
      %add3A_180 = arith.constant 0 : i32
      %add3A_181 = arith.addi %mul3A_179, %add3A_180 : i32
      %get3A_182 = arith.constant 194 : i32
      %get3A_183 = arith.index_cast %get3A_182 : i32 to index
      %get3A_184 = arith.index_cast %add3A_181 : i32 to index
      %get3A_185 = tpu.vector_load %arg8[%get3A_183, %get3A_184] {strides = array<i32>} : memref<200x128xf32, #tpu.memory_space<vmem>>, vector<1x16xf32>,
      %get3A_186 = vector.shape_cast %get3A_185 : vector<1x16xf32> to vector<16xf32>
      %add3A_187 = arith.addf %add3A_151, %get3A_186 : vector<16xf32>
      %add3A_188 = arith.constant 16 : i32
      %add3A_189 = arith.addi %mul3A_179, %add3A_188 : i32
      %get3A_190 = arith.constant 194 : i32
      %get3A_191 = arith.index_cast %get3A_190 : i32 to index
      %get3A_192 = arith.index_cast %add3A_189 : i32 to index
      %get3A_193 = tpu.vector_load %arg8[%get3A_191, %get3A_192] {strides = array<i32>} : memref<200x128xf32, #tpu.memory_space<vmem>>, vector<1x16xf32>,
      %get3A_194 = vector.shape_cast %get3A_193 : vector<1x16xf32> to vector<16xf32>
      %add3A_195 = arith.addf %add3A_159, %get3A_194 : vector<16xf32>
      %add3A_196 = arith.constant 32 : i32
      %add3A_197 = arith.addi %mul3A_179, %add3A_196 : i32
      %get3A_198 = arith.constant 194 : i32
      %get3A_199 = arith.index_cast %get3A_198 : i32 to index
      %get3A_200 = arith.index_cast %add3A_197 : i32 to index
      %get3A_201 = tpu.vector_load %arg8[%get3A_199, %get3A_200] {strides = array<i32>} : memref<200x128xf32, #tpu.memory_space<vmem>>, vector<1x16xf32>,
      %get3A_202 = vector.shape_cast %get3A_201 : vector<1x16xf32> to vector<16xf32>
      %add3A_203 = arith.addf %add3A_167, %get3A_202 : vector<16xf32>
      %add3A_204 = arith.constant 48 : i32
      %add3A_205 = arith.addi %mul3A_179, %add3A_204 : i32
      %get3A_206 = arith.constant 194 : i32
      %get3A_207 = arith.index_cast %get3A_206 : i32 to index
      %get3A_208 = arith.index_cast %add3A_205 : i32 to index
      %get3A_209 = tpu.vector_load %arg8[%get3A_207, %get3A_208] {strides = array<i32>} : memref<200x128xf32, #tpu.memory_space<vmem>>, vector<1x16xf32>,
      %get3A_210 = vector.shape_cast %get3A_209 : vector<1x16xf32> to vector<16xf32>
      %add3A_211 = arith.addf %add3A_175, %get3A_210 : vector<16xf32>
      %slice3A_212 = vector.extract_strided_slice %and3A_105 {offsets = [3], sizes = [1], strides = [1]} : vector<16xi32> to vector<1xi32>
      %squeeze3A_213 = vector.extract %slice3A_212[0] : i32 from vector<1xi32>
      %mul3A_214 = arith.constant 64 : i32
      %mul3A_215 = arith.muli %squeeze3A_213, %mul3A_214 : i32
      %add3A_216 = arith.constant 0 : i32
      %add3A_217 = arith.addi %mul3A_215, %add3A_216 : i32
      %get3A_218 = arith.constant 195 : i32
      %get3A_219 = arith.index_cast %get3A_218 : i32 to index
      %get3A_220 = arith.index_cast %add3A_217 : i32 to index
      %get3A_221 = tpu.vector_load %arg8[%get3A_219, %get3A_220] {strides = array<i32>} : memref<200x128xf32, #tpu.memory_space<vmem>>, vector<1x16xf32>,
      %get3A_222 = vector.shape_cast %get3A_221 : vector<1x16xf32> to vector<16xf32>
      %add3A_223 = arith.addf %add3A_187, %get3A_222 : vector<16xf32>
      %add3A_224 = arith.constant 16 : i32
      %add3A_225 = arith.addi %mul3A_215, %add3A_224 : i32
      %get3A_226 = arith.constant 195 : i32
      %get3A_227 = arith.index_cast %get3A_226 : i32 to index
      %get3A_228 = arith.index_cast %add3A_225 : i32 to index
      %get3A_229 = tpu.vector_load %arg8[%get3A_227, %get3A_228] {strides = array<i32>} : memref<200x128xf32, #tpu.memory_space<vmem>>, vector<1x16xf32>,
      %get3A_230 = vector.shape_cast %get3A_229 : vector<1x16xf32> to vector<16xf32>
      %add3A_231 = arith.addf %add3A_195, %get3A_230 : vector<16xf32>
      %add3A_232 = arith.constant 32 : i32
      %add3A_233 = arith.addi %mul3A_215, %add3A_232 : i32
      %get3A_234 = arith.constant 195 : i32
      %get3A_235 = arith.index_cast %get3A_234 : i32 to index
      %get3A_236 = arith.index_cast %add3A_233 : i32 to index
      %get3A_237 = tpu.vector_load %arg8[%get3A_235, %get3A_236] {strides = array<i32>} : memref<200x128xf32, #tpu.memory_space<vmem>>, vector<1x16xf32>,
      %get3A_238 = vector.shape_cast %get3A_237 : vector<1x16xf32> to vector<16xf32>
      %add3A_239 = arith.addf %add3A_203, %get3A_238 : vector<16xf32>
      %add3A_240 = arith.constant 48 : i32
      %add3A_241 = arith.addi %mul3A_215, %add3A_240 : i32
      %get3A_242 = arith.constant 195 : i32
      %get3A_243 = arith.index_cast %get3A_242 : i32 to index
      %get3A_244 = arith.index_cast %add3A_241 : i32 to index
      %get3A_245 = tpu.vector_load %arg8[%get3A_243, %get3A_244] {strides = array<i32>} : memref<200x128xf32, #tpu.memory_space<vmem>>, vector<1x16xf32>,
      %get3A_246 = vector.shape_cast %get3A_245 : vector<1x16xf32> to vector<16xf32>
      %add3A_247 = arith.addf %add3A_211, %get3A_246 : vector<16xf32>
      %slice3A_248 = vector.extract_strided_slice %and3A_105 {offsets = [4], sizes = [1], strides = [1]} : vector<16xi32> to vector<1xi32>
      %squeeze3A_249 = vector.extract %slice3A_248[0] : i32 from vector<1xi32>
      %mul3A_250 = arith.constant 64 : i32
      %mul3A_251 = arith.muli %squeeze3A_249, %mul3A_250 : i32
      %add3A_252 = arith.constant 0 : i32
      %add3A_253 = arith.addi %mul3A_251, %add3A_252 : i32
      %get3A_254 = arith.constant 196 : i32
      %get3A_255 = arith.index_cast %get3A_254 : i32 to index
      %get3A_256 = arith.index_cast %add3A_253 : i32 to index
      %get3A_257 = tpu.vector_load %arg8[%get3A_255, %get3A_256] {strides = array<i32>} : memref<200x128xf32, #tpu.memory_space<vmem>>, vector<1x16xf32>,
      %get3A_258 = vector.shape_cast %get3A_257 : vector<1x16xf32> to vector<16xf32>
      %add3A_259 = arith.addf %add3A_223, %get3A_258 : vector<16xf32>
      %add3A_260 = arith.constant 16 : i32
      %add3A_261 = arith.addi %mul3A_251, %add3A_260 : i32
      %get3A_262 = arith.constant 196 : i32
      %get3A_263 = arith.index_cast %get3A_262 : i32 to index
      %get3A_264 = arith.index_cast %add3A_261 : i32 to index
      %get3A_265 = tpu.vector_load %arg8[%get3A_263, %get3A_264] {strides = array<i32>} : memref<200x128xf32, #tpu.memory_space<vmem>>, vector<1x16xf32>,
      %get3A_266 = vector.shape_cast %get3A_265 : vector<1x16xf32> to vector<16xf32>
      %add3A_267 = arith.addf %add3A_231, %get3A_266 : vector<16xf32>
      %add3A_268 = arith.constant 32 : i32
      %add3A_269 = arith.addi %mul3A_251, %add3A_268 : i32
      %get3A_270 = arith.constant 196 : i32
      %get3A_271 = arith.index_cast %get3A_270 : i32 to index
      %get3A_272 = arith.index_cast %add3A_269 : i32 to index
      %get3A_273 = tpu.vector_load %arg8[%get3A_271, %get3A_272] {strides = array<i32>} : memref<200x128xf32, #tpu.memory_space<vmem>>, vector<1x16xf32>,
      %get3A_274 = vector.shape_cast %get3A_273 : vector<1x16xf32> to vector<16xf32>
      %add3A_275 = arith.addf %add3A_239, %get3A_274 : vector<16xf32>
      %add3A_276 = arith.constant 48 : i32
      %add3A_277 = arith.addi %mul3A_251, %add3A_276 : i32
      %get3A_278 = arith.constant 196 : i32
      %get3A_279 = arith.index_cast %get3A_278 : i32 to index
      %get3A_280 = arith.index_cast %add3A_277 : i32 to index
      %get3A_281 = tpu.vector_load %arg8[%get3A_279, %get3A_280] {strides = array<i32>} : memref<200x128xf32, #tpu.memory_space<vmem>>, vector<1x16xf32>,
      %get3A_282 = vector.shape_cast %get3A_281 : vector<1x16xf32> to vector<16xf32>
      %add3A_283 = arith.addf %add3A_247, %get3A_282 : vector<16xf32>
      %slice3A_284 = vector.extract_strided_slice %and3A_105 {offsets = [5], sizes = [1], strides = [1]} : vector<16xi32> to vector<1xi32>
      %squeeze3A_285 = vector.extract %slice3A_284[0] : i32 from vector<1xi32>
      %mul3A_286 = arith.constant 64 : i32
      %mul3A_287 = arith.muli %squeeze3A_285, %mul3A_286 : i32
      %add3A_288 = arith.constant 0 : i32
      %add3A_289 = arith.addi %mul3A_287, %add3A_288 : i32
      %get3A_290 = arith.constant 197 : i32
      %get3A_291 = arith.index_cast %get3A_290 : i32 to index
      %get3A_292 = arith.index_cast %add3A_289 : i32 to index
      %get3A_293 = tpu.vector_load %arg8[%get3A_291, %get3A_292] {strides = array<i32>} : memref<200x128xf32, #tpu.memory_space<vmem>>, vector<1x16xf32>,
      %get3A_294 = vector.shape_cast %get3A_293 : vector<1x16xf32> to vector<16xf32>
      %add3A_295 = arith.addf %add3A_259, %get3A_294 : vector<16xf32>
      %add3A_296 = arith.constant 16 : i32
      %add3A_297 = arith.addi %mul3A_287, %add3A_296 : i32
      %get3A_298 = arith.constant 197 : i32
      %get3A_299 = arith.index_cast %get3A_298 : i32 to index
      %get3A_300 = arith.index_cast %add3A_297 : i32 to index
      %get3A_301 = tpu.vector_load %arg8[%get3A_299, %get3A_300] {strides = array<i32>} : memref<200x128xf32, #tpu.memory_space<vmem>>, vector<1x16xf32>,
      %get3A_302 = vector.shape_cast %get3A_301 : vector<1x16xf32> to vector<16xf32>
      %add3A_303 = arith.addf %add3A_267, %get3A_302 : vector<16xf32>
      %add3A_304 = arith.constant 32 : i32
      %add3A_305 = arith.addi %mul3A_287, %add3A_304 : i32
      %get3A_306 = arith.constant 197 : i32
      %get3A_307 = arith.index_cast %get3A_306 : i32 to index
      %get3A_308 = arith.index_cast %add3A_305 : i32 to index
      %get3A_309 = tpu.vector_load %arg8[%get3A_307, %get3A_308] {strides = array<i32>} : memref<200x128xf32, #tpu.memory_space<vmem>>, vector<1x16xf32>,
      %get3A_310 = vector.shape_cast %get3A_309 : vector<1x16xf32> to vector<16xf32>
      %add3A_311 = arith.addf %add3A_275, %get3A_310 : vector<16xf32>
      %add3A_312 = arith.constant 48 : i32
      %add3A_313 = arith.addi %mul3A_287, %add3A_312 : i32
      %get3A_314 = arith.constant 197 : i32
      %get3A_315 = arith.index_cast %get3A_314 : i32 to index
      %get3A_316 = arith.index_cast %add3A_313 : i32 to index
      %get3A_317 = tpu.vector_load %arg8[%get3A_315, %get3A_316] {strides = array<i32>} : memref<200x128xf32, #tpu.memory_space<vmem>>, vector<1x16xf32>,
      %get3A_318 = vector.shape_cast %get3A_317 : vector<1x16xf32> to vector<16xf32>
      %add3A_319 = arith.addf %add3A_283, %get3A_318 : vector<16xf32>
      %slice3A_320 = vector.extract_strided_slice %and3A_105 {offsets = [6], sizes = [1], strides = [1]} : vector<16xi32> to vector<1xi32>
      %squeeze3A_321 = vector.extract %slice3A_320[0] : i32 from vector<1xi32>
      %mul3A_322 = arith.constant 64 : i32
      %mul3A_323 = arith.muli %squeeze3A_321, %mul3A_322 : i32
      %add3A_324 = arith.constant 0 : i32
      %add3A_325 = arith.addi %mul3A_323, %add3A_324 : i32
      %get3A_326 = arith.constant 198 : i32
      %get3A_327 = arith.index_cast %get3A_326 : i32 to index
      %get3A_328 = arith.index_cast %add3A_325 : i32 to index
      %get3A_329 = tpu.vector_load %arg8[%get3A_327, %get3A_328] {strides = array<i32>} : memref<200x128xf32, #tpu.memory_space<vmem>>, vector<1x16xf32>,
      %get3A_330 = vector.shape_cast %get3A_329 : vector<1x16xf32> to vector<16xf32>
      %add3A_331 = arith.addf %add3A_295, %get3A_330 : vector<16xf32>
      %add3A_332 = arith.constant 16 : i32
      %add3A_333 = arith.addi %mul3A_323, %add3A_332 : i32
      %get3A_334 = arith.constant 198 : i32
      %get3A_335 = arith.index_cast %get3A_334 : i32 to index
      %get3A_336 = arith.index_cast %add3A_333 : i32 to index
      %get3A_337 = tpu.vector_load %arg8[%get3A_335, %get3A_336] {strides = array<i32>} : memref<200x128xf32, #tpu.memory_space<vmem>>, vector<1x16xf32>,
      %get3A_338 = vector.shape_cast %get3A_337 : vector<1x16xf32> to vector<16xf32>
      %add3A_339 = arith.addf %add3A_303, %get3A_338 : vector<16xf32>
      %add3A_340 = arith.constant 32 : i32
      %add3A_341 = arith.addi %mul3A_323, %add3A_340 : i32
      %get3A_342 = arith.constant 198 : i32
      %get3A_343 = arith.index_cast %get3A_342 : i32 to index
      %get3A_344 = arith.index_cast %add3A_341 : i32 to index
      %get3A_345 = tpu.vector_load %arg8[%get3A_343, %get3A_344] {strides = array<i32>} : memref<200x128xf32, #tpu.memory_space<vmem>>, vector<1x16xf32>,
      %get3A_346 = vector.shape_cast %get3A_345 : vector<1x16xf32> to vector<16xf32>
      %add3A_347 = arith.addf %add3A_311, %get3A_346 : vector<16xf32>
      %add3A_348 = arith.constant 48 : i32
      %add3A_349 = arith.addi %mul3A_323, %add3A_348 : i32
      %get3A_350 = arith.constant 198 : i32
      %get3A_351 = arith.index_cast %get3A_350 : i32 to index
      %get3A_352 = arith.index_cast %add3A_349 : i32 to index
      %get3A_353 = tpu.vector_load %arg8[%get3A_351, %get3A_352] {strides = array<i32>} : memref<200x128xf32, #tpu.memory_space<vmem>>, vector<1x16xf32>,
      %get3A_354 = vector.shape_cast %get3A_353 : vector<1x16xf32> to vector<16xf32>
      %add3A_355 = arith.addf %add3A_319, %get3A_354 : vector<16xf32>
      %slice3A_356 = vector.extract_strided_slice %and3A_105 {offsets = [7], sizes = [1], strides = [1]} : vector<16xi32> to vector<1xi32>
      %squeeze3A_357 = vector.extract %slice3A_356[0] : i32 from vector<1xi32>
      %mul3A_358 = arith.constant 64 : i32
      %mul3A_359 = arith.muli %squeeze3A_357, %mul3A_358 : i32
      %add3A_360 = arith.constant 0 : i32
      %add3A_361 = arith.addi %mul3A_359, %add3A_360 : i32
      %get3A_362 = arith.constant 199 : i32
      %get3A_363 = arith.index_cast %get3A_362 : i32 to index
      %get3A_364 = arith.index_cast %add3A_361 : i32 to index
      %get3A_365 = tpu.vector_load %arg8[%get3A_363, %get3A_364] {strides = array<i32>} : memref<200x128xf32, #tpu.memory_space<vmem>>, vector<1x16xf32>,
      %get3A_366 = vector.shape_cast %get3A_365 : vector<1x16xf32> to vector<16xf32>
      %add3A_367 = arith.addf %add3A_331, %get3A_366 : vector<16xf32>
      %add3A_368 = arith.constant 16 : i32
      %add3A_369 = arith.addi %mul3A_359, %add3A_368 : i32
      %get3A_370 = arith.constant 199 : i32
      %get3A_371 = arith.index_cast %get3A_370 : i32 to index
      %get3A_372 = arith.index_cast %add3A_369 : i32 to index
      %get3A_373 = tpu.vector_load %arg8[%get3A_371, %get3A_372] {strides = array<i32>} : memref<200x128xf32, #tpu.memory_space<vmem>>, vector<1x16xf32>,
      %get3A_374 = vector.shape_cast %get3A_373 : vector<1x16xf32> to vector<16xf32>
      %add3A_375 = arith.addf %add3A_339, %get3A_374 : vector<16xf32>
      %add3A_376 = arith.constant 32 : i32
      %add3A_377 = arith.addi %mul3A_359, %add3A_376 : i32
      %get3A_378 = arith.constant 199 : i32
      %get3A_379 = arith.index_cast %get3A_378 : i32 to index
      %get3A_380 = arith.index_cast %add3A_377 : i32 to index
      %get3A_381 = tpu.vector_load %arg8[%get3A_379, %get3A_380] {strides = array<i32>} : memref<200x128xf32, #tpu.memory_space<vmem>>, vector<1x16xf32>,
      %get3A_382 = vector.shape_cast %get3A_381 : vector<1x16xf32> to vector<16xf32>
      %add3A_383 = arith.addf %add3A_347, %get3A_382 : vector<16xf32>
      %add3A_384 = arith.constant 48 : i32
      %add3A_385 = arith.addi %mul3A_359, %add3A_384 : i32
      %get3A_386 = arith.constant 199 : i32
      %get3A_387 = arith.index_cast %get3A_386 : i32 to index
      %get3A_388 = arith.index_cast %add3A_385 : i32 to index
      %get3A_389 = tpu.vector_load %arg8[%get3A_387, %get3A_388] {strides = array<i32>} : memref<200x128xf32, #tpu.memory_space<vmem>>, vector<1x16xf32>,
      %get3A_390 = vector.shape_cast %get3A_389 : vector<1x16xf32> to vector<16xf32>
      %add3A_391 = arith.addf %add3A_355, %get3A_390 : vector<16xf32>
      %and3A_392 = arith.constant 1 : i32
      %and3A_393 = arith.andi %mul3A_34, %and3A_392 : i32
      %mul3A_394 = arith.constant 64 : i32
      %mul3A_395 = arith.muli %and3A_393, %mul3A_394 : i32
      %jit3A = arith.constant 2 : i32
      %div3A = arith.divsi %mul3A_34, %jit3A : i32
      %sign3A = arith.constant 0 : i32
      %sign3A_396 = arith.cmpi sgt, %mul3A_34, %sign3A : i32
      %sign3A_397 = arith.extui %sign3A_396 : i1 to i32
      %sign3A_398 = arith.constant 0 : i32
      %sign3A_399 = arith.cmpi slt, %mul3A_34, %sign3A_398 : i32
      %sign3A_400 = arith.extui %sign3A_399 : i1 to i32
      %sign3A_401 = arith.subi %sign3A_397, %sign3A_400 : i32
      %sign3A_402 = arith.constant 0 : i32
      %sign3A_403 = arith.cmpi sgt, %jit3A, %sign3A_402 : i32
      %sign3A_404 = arith.extui %sign3A_403 : i1 to i32
      %sign3A_405 = arith.constant 0 : i32
      %sign3A_406 = arith.cmpi slt, %jit3A, %sign3A_405 : i32
      %sign3A_407 = arith.extui %sign3A_406 : i1 to i32
      %sign3A_408 = arith.subi %sign3A_404, %sign3A_407 : i32
      %ne3A = arith.cmpi ne, %sign3A_401, %sign3A_408 : i32
      %rem3A = arith.remsi %mul3A_34, %jit3A : i32
      %ne3A_409 = arith.constant 0 : i32
      %ne3A_410 = arith.cmpi ne, %rem3A, %ne3A_409 : i32
      %and3A_411 = arith.andi %ne3A, %ne3A_410 : i1
      %sub3A = arith.constant 1 : i32
      %sub3A_412 = arith.subi %div3A, %sub3A : i32
      %select_n3A = arith.select %and3A_411, %sub3A_412, %div3A : i32
      %add3A_413 = arith.constant 0 : i32
      %add3A_414 = arith.addi %mul3A_395, %add3A_413 : i32
      %swap3A = arith.index_cast %select_n3A : i32 to index
      %swap3A_415 = arith.index_cast %add3A_414 : i32 to index
      %swap3A_416 = tpu.vector_load %arg10[%swap3A, %swap3A_415] {strides = array<i32>} : memref<64x128xf32, #tpu.memory_space<vmem>>, vector<1x16xf32>,
      %swap3A_417 = vector.shape_cast %swap3A_416 : vector<1x16xf32> to vector<16xf32>
      %swap3A_418 = vector.shape_cast %add3A_367 : vector<16xf32> to vector<1x16xf32>
      tpu.vector_store %arg10[%swap3A, %swap3A_415], %swap3A_418 {strides = array<i32>} : memref<64x128xf32, #tpu.memory_space<vmem>>, vector<1x16xf32>,
      %jit3A_419 = arith.constant 2 : i32
      %div3A_420 = arith.divsi %mul3A_34, %jit3A_419 : i32
      %sign3A_421 = arith.constant 0 : i32
      %sign3A_422 = arith.cmpi sgt, %mul3A_34, %sign3A_421 : i32
      %sign3A_423 = arith.extui %sign3A_422 : i1 to i32
      %sign3A_424 = arith.constant 0 : i32
      %sign3A_425 = arith.cmpi slt, %mul3A_34, %sign3A_424 : i32
      %sign3A_426 = arith.extui %sign3A_425 : i1 to i32
      %sign3A_427 = arith.subi %sign3A_423, %sign3A_426 : i32
      %sign3A_428 = arith.constant 0 : i32
      %sign3A_429 = arith.cmpi sgt, %jit3A_419, %sign3A_428 : i32
      %sign3A_430 = arith.extui %sign3A_429 : i1 to i32
      %sign3A_431 = arith.constant 0 : i32
      %sign3A_432 = arith.cmpi slt, %jit3A_419, %sign3A_431 : i32
      %sign3A_433 = arith.extui %sign3A_432 : i1 to i32
      %sign3A_434 = arith.subi %sign3A_430, %sign3A_433 : i32
      %ne3A_435 = arith.cmpi ne, %sign3A_427, %sign3A_434 : i32
      %rem3A_436 = arith.remsi %mul3A_34, %jit3A_419 : i32
      %ne3A_437 = arith.constant 0 : i32
      %ne3A_438 = arith.cmpi ne, %rem3A_436, %ne3A_437 : i32
      %and3A_439 = arith.andi %ne3A_435, %ne3A_438 : i1
      %sub3A_440 = arith.constant 1 : i32
      %sub3A_441 = arith.subi %div3A_420, %sub3A_440 : i32
      %select_n3A_442 = arith.select %and3A_439, %sub3A_441, %div3A_420 : i32
      %add3A_443 = arith.constant 16 : i32
      %add3A_444 = arith.addi %mul3A_395, %add3A_443 : i32
      %swap3A_445 = arith.index_cast %select_n3A_442 : i32 to index
      %swap3A_446 = arith.index_cast %add3A_444 : i32 to index
      %swap3A_447 = tpu.vector_load %arg10[%swap3A_445, %swap3A_446] {strides = array<i32>} : memref<64x128xf32, #tpu.memory_space<vmem>>, vector<1x16xf32>,
      %swap3A_448 = vector.shape_cast %swap3A_447 : vector<1x16xf32> to vector<16xf32>
      %swap3A_449 = vector.shape_cast %add3A_375 : vector<16xf32> to vector<1x16xf32>
      tpu.vector_store %arg10[%swap3A_445, %swap3A_446], %swap3A_449 {strides = array<i32>} : memref<64x128xf32, #tpu.memory_space<vmem>>, vector<1x16xf32>,
      %jit3A_450 = arith.constant 2 : i32
      %div3A_451 = arith.divsi %mul3A_34, %jit3A_450 : i32
      %sign3A_452 = arith.constant 0 : i32
      %sign3A_453 = arith.cmpi sgt, %mul3A_34, %sign3A_452 : i32
      %sign3A_454 = arith.extui %sign3A_453 : i1 to i32
      %sign3A_455 = arith.constant 0 : i32
      %sign3A_456 = arith.cmpi slt, %mul3A_34, %sign3A_455 : i32
      %sign3A_457 = arith.extui %sign3A_456 : i1 to i32
      %sign3A_458 = arith.subi %sign3A_454, %sign3A_457 : i32
      %sign3A_459 = arith.constant 0 : i32
      %sign3A_460 = arith.cmpi sgt, %jit3A_450, %sign3A_459 : i32
      %sign3A_461 = arith.extui %sign3A_460 : i1 to i32
      %sign3A_462 = arith.constant 0 : i32
      %sign3A_463 = arith.cmpi slt, %jit3A_450, %sign3A_462 : i32
      %sign3A_464 = arith.extui %sign3A_463 : i1 to i32
      %sign3A_465 = arith.subi %sign3A_461, %sign3A_464 : i32
      %ne3A_466 = arith.cmpi ne, %sign3A_458, %sign3A_465 : i32
      %rem3A_467 = arith.remsi %mul3A_34, %jit3A_450 : i32
      %ne3A_468 = arith.constant 0 : i32
      %ne3A_469 = arith.cmpi ne, %rem3A_467, %ne3A_468 : i32
      %and3A_470 = arith.andi %ne3A_466, %ne3A_469 : i1
      %sub3A_471 = arith.constant 1 : i32
      %sub3A_472 = arith.subi %div3A_451, %sub3A_471 : i32
      %select_n3A_473 = arith.select %and3A_470, %sub3A_472, %div3A_451 : i32
      %add3A_474 = arith.constant 32 : i32
      %add3A_475 = arith.addi %mul3A_395, %add3A_474 : i32
      %swap3A_476 = arith.index_cast %select_n3A_473 : i32 to index
      %swap3A_477 = arith.index_cast %add3A_475 : i32 to index
      %swap3A_478 = tpu.vector_load %arg10[%swap3A_476, %swap3A_477] {strides = array<i32>} : memref<64x128xf32, #tpu.memory_space<vmem>>, vector<1x16xf32>,
      %swap3A_479 = vector.shape_cast %swap3A_478 : vector<1x16xf32> to vector<16xf32>
      %swap3A_480 = vector.shape_cast %add3A_383 : vector<16xf32> to vector<1x16xf32>
      tpu.vector_store %arg10[%swap3A_476, %swap3A_477], %swap3A_480 {strides = array<i32>} : memref<64x128xf32, #tpu.memory_space<vmem>>, vector<1x16xf32>,
      %jit3A_481 = arith.constant 2 : i32
      %div3A_482 = arith.divsi %mul3A_34, %jit3A_481 : i32
      %sign3A_483 = arith.constant 0 : i32
      %sign3A_484 = arith.cmpi sgt, %mul3A_34, %sign3A_483 : i32
      %sign3A_485 = arith.extui %sign3A_484 : i1 to i32
      %sign3A_486 = arith.constant 0 : i32
      %sign3A_487 = arith.cmpi slt, %mul3A_34, %sign3A_486 : i32
      %sign3A_488 = arith.extui %sign3A_487 : i1 to i32
      %sign3A_489 = arith.subi %sign3A_485, %sign3A_488 : i32
      %sign3A_490 = arith.constant 0 : i32
      %sign3A_491 = arith.cmpi sgt, %jit3A_481, %sign3A_490 : i32
      %sign3A_492 = arith.extui %sign3A_491 : i1 to i32
      %sign3A_493 = arith.constant 0 : i32
      %sign3A_494 = arith.cmpi slt, %jit3A_481, %sign3A_493 : i32
      %sign3A_495 = arith.extui %sign3A_494 : i1 to i32
      %sign3A_496 = arith.subi %sign3A_492, %sign3A_495 : i32
      %ne3A_497 = arith.cmpi ne, %sign3A_489, %sign3A_496 : i32
      %rem3A_498 = arith.remsi %mul3A_34, %jit3A_481 : i32
      %ne3A_499 = arith.constant 0 : i32
      %ne3A_500 = arith.cmpi ne, %rem3A_498, %ne3A_499 : i32
      %and3A_501 = arith.andi %ne3A_497, %ne3A_500 : i1
      %sub3A_502 = arith.constant 1 : i32
      %sub3A_503 = arith.subi %div3A_482, %sub3A_502 : i32
      %select_n3A_504 = arith.select %and3A_501, %sub3A_503, %div3A_482 : i32
      %add3A_505 = arith.constant 48 : i32
      %add3A_506 = arith.addi %mul3A_395, %add3A_505 : i32
      %swap3A_507 = arith.index_cast %select_n3A_504 : i32 to index
      %swap3A_508 = arith.index_cast %add3A_506 : i32 to index
      %swap3A_509 = tpu.vector_load %arg10[%swap3A_507, %swap3A_508] {strides = array<i32>} : memref<64x128xf32, #tpu.memory_space<vmem>>, vector<1x16xf32>,
      %swap3A_510 = vector.shape_cast %swap3A_509 : vector<1x16xf32> to vector<16xf32>
      %swap3A_511 = vector.shape_cast %add3A_391 : vector<16xf32> to vector<1x16xf32>
      tpu.vector_store %arg10[%swap3A_507, %swap3A_508], %swap3A_511 {strides = array<i32>} : memref<64x128xf32, #tpu.memory_space<vmem>>, vector<1x16xf32>,
      %add3A_512 = arith.constant 2 : i32
      %add3A_513 = arith.addi %mul3A_34, %add3A_512 : i32
      %lt3A = arith.constant 128 : i32
      %lt3A_514 = arith.cmpi slt, %add3A_513, %lt3A : i32
      %convert_element_type3A = arith.extui %lt3A_514 : i1 to i32
      %cond3A = arith.constant 0 : i32
      %cond3A_515 = arith.cmpi ne, %convert_element_type3A, %cond3A : i32
      scf.if %cond3A_515 {
        %add3A_985 = arith.constant 2 : i32
        %add3A_986 = arith.addi %mul3A_34, %add3A_985 : i32
        %mul3A_987 = arith.constant 2 : i32
        %mul3A_988 = arith.muli %mul3A_987, %add3A_986 : i32
        %dma_start3A_989 = arith.constant 0 : i32
        %dma_start3A_990 = arith.constant 0 : i32
        %dma_start3A_991 = tpu.memref_slice %arg8[%dma_start3A_989, %dma_start3A_990] : memref<200x128xf32, #tpu.memory_space<vmem>> -> memref<128x128xf32, #tpu.memory_space<vmem>>
        %dma_start3A_992 = arith.constant 0 : i32
        %dma_start3A_993 = tpu.memref_slice %arg7[%mul3A_988, %dma_start3A_992] : memref<256x128xi32, #tpu.memory_space<vmem>> -> memref<1x128xi32, #tpu.memory_space<vmem>>
        %dma_start3A_994 = tpu.memref_squeeze %dma_start3A_993 : memref<1x128xi32, #tpu.memory_space<vmem>> -> memref<128xi32, #tpu.memory_space<vmem>>
        %dma_start3A_995 = arith.constant 0 : i32
        %dma_start3A_996 = arith.constant 0 : i32
        %dma_start3A_997 = tpu.memref_slice %arg4[%dma_start3A_995, %dma_start3A_996] : memref<500000x128xf32, #tpu.memory_space<hbm>> -> memref<500000x128xf32, #tpu.memory_space<hbm>>
        tpu.enqueue_indirect_dma source(%dma_start3A_997 : memref<500000x128xf32, #tpu.memory_space<hbm>>) target(%dma_start3A_991 : memref<128x128xf32, #tpu.memory_space<vmem>>) offsets(%dma_start3A_994 : memref<128xi32, #tpu.memory_space<vmem>>) semaphore(%arg11 : memref<!tpu.dma_semaphore, #tpu.memory_space<semaphore_mem>>)
        %mul3A_998 = arith.constant 2 : i32
        %mul3A_999 = arith.muli %mul3A_998, %add3A_986 : i32
        %add3A_1000 = arith.constant 1 : i32
        %add3A_1001 = arith.addi %mul3A_999, %add3A_1000 : i32
        %dma_start3A_1002 = arith.constant 128 : i32
        %dma_start3A_1003 = arith.constant 0 : i32
        %dma_start3A_1004 = tpu.memref_slice %arg8[%dma_start3A_1002, %dma_start3A_1003] : memref<200x128xf32, #tpu.memory_space<vmem>> -> memref<72x128xf32, #tpu.memory_space<vmem>>
        %dma_start3A_1005 = arith.constant 0 : i32
        %dma_start3A_1006 = tpu.memref_slice %arg7[%add3A_1001, %dma_start3A_1005] : memref<256x128xi32, #tpu.memory_space<vmem>> -> memref<1x72xi32, #tpu.memory_space<vmem>>
        %dma_start3A_1007 = tpu.memref_squeeze %dma_start3A_1006 : memref<1x72xi32, #tpu.memory_space<vmem>> -> memref<72xi32, #tpu.memory_space<vmem>>
        %dma_start3A_1008 = arith.constant 0 : i32
        %dma_start3A_1009 = arith.constant 0 : i32
        %dma_start3A_1010 = tpu.memref_slice %arg4[%dma_start3A_1008, %dma_start3A_1009] : memref<500000x128xf32, #tpu.memory_space<hbm>> -> memref<500000x128xf32, #tpu.memory_space<hbm>>
        tpu.enqueue_indirect_dma source(%dma_start3A_1010 : memref<500000x128xf32, #tpu.memory_space<hbm>>) target(%dma_start3A_1004 : memref<72x128xf32, #tpu.memory_space<vmem>>) offsets(%dma_start3A_1007 : memref<72xi32, #tpu.memory_space<vmem>>) semaphore(%arg12 : memref<!tpu.dma_semaphore, #tpu.memory_space<semaphore_mem>>)
      } else {
      }
      %add3A_516 = arith.constant 1 : i32
      %add3A_517 = arith.addi %mul3A_34, %add3A_516 : i32
      %mul3A_518 = arith.constant 2 : i32
      %mul3A_519 = arith.muli %mul3A_518, %add3A_517 : i32
      %dma_wait3A_520 = arith.constant 0 : i32
      %dma_wait3A_521 = arith.constant 0 : i32
      %dma_wait3A_522 = tpu.memref_slice %arg9[%dma_wait3A_520, %dma_wait3A_521] : memref<200x128xf32, #tpu.memory_space<vmem>> -> memref<128x128xf32, #tpu.memory_space<vmem>>
      %dma_wait3A_523 = arith.constant 0 : i32
      %dma_wait3A_524 = tpu.memref_slice %arg7[%mul3A_519, %dma_wait3A_523] : memref<256x128xi32, #tpu.memory_space<vmem>> -> memref<1x128xi32, #tpu.memory_space<vmem>>
      %dma_wait3A_525 = tpu.memref_squeeze %dma_wait3A_524 : memref<1x128xi32, #tpu.memory_space<vmem>> -> memref<128xi32, #tpu.memory_space<vmem>>
      %dma_wait3A_526 = arith.constant 0 : i32
      %dma_wait3A_527 = arith.constant 0 : i32
      %dma_wait3A_528 = tpu.memref_slice %arg4[%dma_wait3A_526, %dma_wait3A_527] : memref<500000x128xf32, #tpu.memory_space<hbm>> -> memref<500000x128xf32, #tpu.memory_space<hbm>>
      tpu.wait_indirect_dma semaphore(%arg13 : memref<!tpu.dma_semaphore, #tpu.memory_space<semaphore_mem>>) src(%dma_wait3A_528 : memref<500000x128xf32, #tpu.memory_space<hbm>>) dst(%dma_wait3A_522 : memref<128x128xf32, #tpu.memory_space<vmem>>)
      %mul3A_529 = arith.constant 2 : i32
      %mul3A_530 = arith.muli %mul3A_529, %add3A_517 : i32
      %add3A_531 = arith.constant 1 : i32
      %add3A_532 = arith.addi %mul3A_530, %add3A_531 : i32
      %dma_wait3A_533 = arith.constant 128 : i32
      %dma_wait3A_534 = arith.constant 0 : i32
      %dma_wait3A_535 = tpu.memref_slice %arg9[%dma_wait3A_533, %dma_wait3A_534] : memref<200x128xf32, #tpu.memory_space<vmem>> -> memref<72x128xf32, #tpu.memory_space<vmem>>
      %dma_wait3A_536 = arith.constant 0 : i32
      %dma_wait3A_537 = tpu.memref_slice %arg7[%add3A_532, %dma_wait3A_536] : memref<256x128xi32, #tpu.memory_space<vmem>> -> memref<1x72xi32, #tpu.memory_space<vmem>>
      %dma_wait3A_538 = tpu.memref_squeeze %dma_wait3A_537 : memref<1x72xi32, #tpu.memory_space<vmem>> -> memref<72xi32, #tpu.memory_space<vmem>>
      %dma_wait3A_539 = arith.constant 0 : i32
      %dma_wait3A_540 = arith.constant 0 : i32
      %dma_wait3A_541 = tpu.memref_slice %arg4[%dma_wait3A_539, %dma_wait3A_540] : memref<500000x128xf32, #tpu.memory_space<hbm>> -> memref<500000x128xf32, #tpu.memory_space<hbm>>
      tpu.wait_indirect_dma semaphore(%arg14 : memref<!tpu.dma_semaphore, #tpu.memory_space<semaphore_mem>>) src(%dma_wait3A_541 : memref<500000x128xf32, #tpu.memory_space<hbm>>) dst(%dma_wait3A_535 : memref<72x128xf32, #tpu.memory_space<vmem>>)
      %add3A_542 = arith.constant 1 : i32
      %add3A_543 = arith.addi %mul3A_34, %add3A_542 : i32
      %broadcast_in_dim3A_544 = arith.constant 0.000000e+00 : f32
      %broadcast_in_dim3A_545 = vector.broadcast %broadcast_in_dim3A_544 : f32 to vector<16xf32>
      %scan3A_546 = arith.constant 0 : i32
      %scan3A_547 = arith.constant 8 : i32
      %scan3A_548 = arith.addi %scan3A_546, %scan3A_547 : i32
      %scan3A_549 = arith.constant 1 : i32
      %scan3A_550:4 = scf.for %scan3A_985 = %scan3A_546 to %scan3A_548 step %scan3A_549 iter_args(%scan3A_986 = %broadcast_in_dim3A_545, %scan3A_987 = %broadcast_in_dim3A_545, %scan3A_988 = %broadcast_in_dim3A_545, %scan3A_989 = %broadcast_in_dim3A_545) -> (vector<16xf32>, vector<16xf32>, vector<16xf32>, vector<16xf32>)  : i32 {
        %mul3A_990 = arith.constant 2 : i32
        %mul3A_991 = arith.muli %mul3A_990, %add3A_543 : i32
        %mul3A_992 = arith.constant 16 : i32
        %mul3A_993 = arith.muli %scan3A_985, %mul3A_992 : i32
        %get3A_994 = arith.index_cast %mul3A_991 : i32 to index
        %get3A_995 = arith.index_cast %mul3A_993 : i32 to index
        %get3A_996 = tpu.vector_load %arg6[%get3A_994, %get3A_995] {strides = array<i32>} : memref<256x128xi32, #tpu.memory_space<vmem>>, vector<1x16xi32>,
        %get3A_997 = vector.shape_cast %get3A_996 : vector<1x16xi32> to vector<16xi32>
        %and3A_998 = arith.constant 1 : i32
        %and3A_999 = vector.broadcast %and3A_998 : i32 to vector<16xi32>
        %and3A_1000 = arith.andi %get3A_997, %and3A_999 : vector<16xi32>
        %slice3A_1001 = vector.extract_strided_slice %and3A_1000 {offsets = [0], sizes = [1], strides = [1]} : vector<16xi32> to vector<1xi32>
        %squeeze3A_1002 = vector.extract %slice3A_1001[0] : i32 from vector<1xi32>
        %mul3A_1003 = arith.constant 64 : i32
        %mul3A_1004 = arith.muli %squeeze3A_1002, %mul3A_1003 : i32
        %mul3A_1005 = arith.constant 16 : i32
        %mul3A_1006 = arith.muli %scan3A_985, %mul3A_1005 : i32
        %add3A_1007 = arith.constant 0 : i32
        %add3A_1008 = arith.addi %add3A_1007, %mul3A_1006 : i32
        %add3A_1009 = arith.constant 0 : i32
        %add3A_1010 = arith.addi %add3A_1008, %add3A_1009 : i32
        %add3A_1011 = arith.constant 0 : i32
        %add3A_1012 = arith.addi %mul3A_1004, %add3A_1011 : i32
        %get3A_1013 = arith.index_cast %add3A_1010 : i32 to index
        %get3A_1014 = arith.index_cast %add3A_1012 : i32 to index
        %get3A_1015 = tpu.vector_load %arg9[%get3A_1013, %get3A_1014] {strides = array<i32>} : memref<200x128xf32, #tpu.memory_space<vmem>>, vector<1x16xf32>,
        %get3A_1016 = vector.shape_cast %get3A_1015 : vector<1x16xf32> to vector<16xf32>
        %add3A_1017 = arith.addf %scan3A_986, %get3A_1016 : vector<16xf32>
        %add3A_1018 = arith.constant 16 : i32
        %add3A_1019 = arith.addi %mul3A_1004, %add3A_1018 : i32
        %get3A_1020 = arith.index_cast %add3A_1010 : i32 to index
        %get3A_1021 = arith.index_cast %add3A_1019 : i32 to index
        %get3A_1022 = tpu.vector_load %arg9[%get3A_1020, %get3A_1021] {strides = array<i32>} : memref<200x128xf32, #tpu.memory_space<vmem>>, vector<1x16xf32>,
        %get3A_1023 = vector.shape_cast %get3A_1022 : vector<1x16xf32> to vector<16xf32>
        %add3A_1024 = arith.addf %scan3A_987, %get3A_1023 : vector<16xf32>
        %add3A_1025 = arith.constant 32 : i32
        %add3A_1026 = arith.addi %mul3A_1004, %add3A_1025 : i32
        %get3A_1027 = arith.index_cast %add3A_1010 : i32 to index
        %get3A_1028 = arith.index_cast %add3A_1026 : i32 to index
        %get3A_1029 = tpu.vector_load %arg9[%get3A_1027, %get3A_1028] {strides = array<i32>} : memref<200x128xf32, #tpu.memory_space<vmem>>, vector<1x16xf32>,
        %get3A_1030 = vector.shape_cast %get3A_1029 : vector<1x16xf32> to vector<16xf32>
        %add3A_1031 = arith.addf %scan3A_988, %get3A_1030 : vector<16xf32>
        %add3A_1032 = arith.constant 48 : i32
        %add3A_1033 = arith.addi %mul3A_1004, %add3A_1032 : i32
        %get3A_1034 = arith.index_cast %add3A_1010 : i32 to index
        %get3A_1035 = arith.index_cast %add3A_1033 : i32 to index
        %get3A_1036 = tpu.vector_load %arg9[%get3A_1034, %get3A_1035] {strides = array<i32>} : memref<200x128xf32, #tpu.memory_space<vmem>>, vector<1x16xf32>,
        %get3A_1037 = vector.shape_cast %get3A_1036 : vector<1x16xf32> to vector<16xf32>
        %add3A_1038 = arith.addf %scan3A_989, %get3A_1037 : vector<16xf32>
        %slice3A_1039 = vector.extract_strided_slice %and3A_1000 {offsets = [1], sizes = [1], strides = [1]} : vector<16xi32> to vector<1xi32>
        %squeeze3A_1040 = vector.extract %slice3A_1039[0] : i32 from vector<1xi32>
        %mul3A_1041 = arith.constant 64 : i32
        %mul3A_1042 = arith.muli %squeeze3A_1040, %mul3A_1041 : i32
        %mul3A_1043 = arith.constant 16 : i32
        %mul3A_1044 = arith.muli %scan3A_985, %mul3A_1043 : i32
        %add3A_1045 = arith.constant 0 : i32
        %add3A_1046 = arith.addi %add3A_1045, %mul3A_1044 : i32
        %add3A_1047 = arith.constant 1 : i32
        %add3A_1048 = arith.addi %add3A_1046, %add3A_1047 : i32
        %add3A_1049 = arith.constant 0 : i32
        %add3A_1050 = arith.addi %mul3A_1042, %add3A_1049 : i32
        %get3A_1051 = arith.index_cast %add3A_1048 : i32 to index
        %get3A_1052 = arith.index_cast %add3A_1050 : i32 to index
        %get3A_1053 = tpu.vector_load %arg9[%get3A_1051, %get3A_1052] {strides = array<i32>} : memref<200x128xf32, #tpu.memory_space<vmem>>, vector<1x16xf32>,
        %get3A_1054 = vector.shape_cast %get3A_1053 : vector<1x16xf32> to vector<16xf32>
        %add3A_1055 = arith.addf %add3A_1017, %get3A_1054 : vector<16xf32>
        %add3A_1056 = arith.constant 16 : i32
        %add3A_1057 = arith.addi %mul3A_1042, %add3A_1056 : i32
        %get3A_1058 = arith.index_cast %add3A_1048 : i32 to index
        %get3A_1059 = arith.index_cast %add3A_1057 : i32 to index
        %get3A_1060 = tpu.vector_load %arg9[%get3A_1058, %get3A_1059] {strides = array<i32>} : memref<200x128xf32, #tpu.memory_space<vmem>>, vector<1x16xf32>,
        %get3A_1061 = vector.shape_cast %get3A_1060 : vector<1x16xf32> to vector<16xf32>
        %add3A_1062 = arith.addf %add3A_1024, %get3A_1061 : vector<16xf32>
        %add3A_1063 = arith.constant 32 : i32
        %add3A_1064 = arith.addi %mul3A_1042, %add3A_1063 : i32
        %get3A_1065 = arith.index_cast %add3A_1048 : i32 to index
        %get3A_1066 = arith.index_cast %add3A_1064 : i32 to index
        %get3A_1067 = tpu.vector_load %arg9[%get3A_1065, %get3A_1066] {strides = array<i32>} : memref<200x128xf32, #tpu.memory_space<vmem>>, vector<1x16xf32>,
        %get3A_1068 = vector.shape_cast %get3A_1067 : vector<1x16xf32> to vector<16xf32>
        %add3A_1069 = arith.addf %add3A_1031, %get3A_1068 : vector<16xf32>
        %add3A_1070 = arith.constant 48 : i32
        %add3A_1071 = arith.addi %mul3A_1042, %add3A_1070 : i32
        %get3A_1072 = arith.index_cast %add3A_1048 : i32 to index
        %get3A_1073 = arith.index_cast %add3A_1071 : i32 to index
        %get3A_1074 = tpu.vector_load %arg9[%get3A_1072, %get3A_1073] {strides = array<i32>} : memref<200x128xf32, #tpu.memory_space<vmem>>, vector<1x16xf32>,
        %get3A_1075 = vector.shape_cast %get3A_1074 : vector<1x16xf32> to vector<16xf32>
        %add3A_1076 = arith.addf %add3A_1038, %get3A_1075 : vector<16xf32>
        %slice3A_1077 = vector.extract_strided_slice %and3A_1000 {offsets = [2], sizes = [1], strides = [1]} : vector<16xi32> to vector<1xi32>
        %squeeze3A_1078 = vector.extract %slice3A_1077[0] : i32 from vector<1xi32>
        %mul3A_1079 = arith.constant 64 : i32
        %mul3A_1080 = arith.muli %squeeze3A_1078, %mul3A_1079 : i32
        %mul3A_1081 = arith.constant 16 : i32
        %mul3A_1082 = arith.muli %scan3A_985, %mul3A_1081 : i32
        %add3A_1083 = arith.constant 0 : i32
        %add3A_1084 = arith.addi %add3A_1083, %mul3A_1082 : i32
        %add3A_1085 = arith.constant 2 : i32
        %add3A_1086 = arith.addi %add3A_1084, %add3A_1085 : i32
        %add3A_1087 = arith.constant 0 : i32
        %add3A_1088 = arith.addi %mul3A_1080, %add3A_1087 : i32
        %get3A_1089 = arith.index_cast %add3A_1086 : i32 to index
        %get3A_1090 = arith.index_cast %add3A_1088 : i32 to index
        %get3A_1091 = tpu.vector_load %arg9[%get3A_1089, %get3A_1090] {strides = array<i32>} : memref<200x128xf32, #tpu.memory_space<vmem>>, vector<1x16xf32>,
        %get3A_1092 = vector.shape_cast %get3A_1091 : vector<1x16xf32> to vector<16xf32>
        %add3A_1093 = arith.addf %add3A_1055, %get3A_1092 : vector<16xf32>
        %add3A_1094 = arith.constant 16 : i32
        %add3A_1095 = arith.addi %mul3A_1080, %add3A_1094 : i32
        %get3A_1096 = arith.index_cast %add3A_1086 : i32 to index
        %get3A_1097 = arith.index_cast %add3A_1095 : i32 to index
        %get3A_1098 = tpu.vector_load %arg9[%get3A_1096, %get3A_1097] {strides = array<i32>} : memref<200x128xf32, #tpu.memory_space<vmem>>, vector<1x16xf32>,
        %get3A_1099 = vector.shape_cast %get3A_1098 : vector<1x16xf32> to vector<16xf32>
        %add3A_1100 = arith.addf %add3A_1062, %get3A_1099 : vector<16xf32>
        %add3A_1101 = arith.constant 32 : i32
        %add3A_1102 = arith.addi %mul3A_1080, %add3A_1101 : i32
        %get3A_1103 = arith.index_cast %add3A_1086 : i32 to index
        %get3A_1104 = arith.index_cast %add3A_1102 : i32 to index
        %get3A_1105 = tpu.vector_load %arg9[%get3A_1103, %get3A_1104] {strides = array<i32>} : memref<200x128xf32, #tpu.memory_space<vmem>>, vector<1x16xf32>,
        %get3A_1106 = vector.shape_cast %get3A_1105 : vector<1x16xf32> to vector<16xf32>
        %add3A_1107 = arith.addf %add3A_1069, %get3A_1106 : vector<16xf32>
        %add3A_1108 = arith.constant 48 : i32
        %add3A_1109 = arith.addi %mul3A_1080, %add3A_1108 : i32
        %get3A_1110 = arith.index_cast %add3A_1086 : i32 to index
        %get3A_1111 = arith.index_cast %add3A_1109 : i32 to index
        %get3A_1112 = tpu.vector_load %arg9[%get3A_1110, %get3A_1111] {strides = array<i32>} : memref<200x128xf32, #tpu.memory_space<vmem>>, vector<1x16xf32>,
        %get3A_1113 = vector.shape_cast %get3A_1112 : vector<1x16xf32> to vector<16xf32>
        %add3A_1114 = arith.addf %add3A_1076, %get3A_1113 : vector<16xf32>
        %slice3A_1115 = vector.extract_strided_slice %and3A_1000 {offsets = [3], sizes = [1], strides = [1]} : vector<16xi32> to vector<1xi32>
        %squeeze3A_1116 = vector.extract %slice3A_1115[0] : i32 from vector<1xi32>
        %mul3A_1117 = arith.constant 64 : i32
        %mul3A_1118 = arith.muli %squeeze3A_1116, %mul3A_1117 : i32
        %mul3A_1119 = arith.constant 16 : i32
        %mul3A_1120 = arith.muli %scan3A_985, %mul3A_1119 : i32
        %add3A_1121 = arith.constant 0 : i32
        %add3A_1122 = arith.addi %add3A_1121, %mul3A_1120 : i32
        %add3A_1123 = arith.constant 3 : i32
        %add3A_1124 = arith.addi %add3A_1122, %add3A_1123 : i32
        %add3A_1125 = arith.constant 0 : i32
        %add3A_1126 = arith.addi %mul3A_1118, %add3A_1125 : i32
        %get3A_1127 = arith.index_cast %add3A_1124 : i32 to index
        %get3A_1128 = arith.index_cast %add3A_1126 : i32 to index
        %get3A_1129 = tpu.vector_load %arg9[%get3A_1127, %get3A_1128] {strides = array<i32>} : memref<200x128xf32, #tpu.memory_space<vmem>>, vector<1x16xf32>,
        %get3A_1130 = vector.shape_cast %get3A_1129 : vector<1x16xf32> to vector<16xf32>
        %add3A_1131 = arith.addf %add3A_1093, %get3A_1130 : vector<16xf32>
        %add3A_1132 = arith.constant 16 : i32
        %add3A_1133 = arith.addi %mul3A_1118, %add3A_1132 : i32
        %get3A_1134 = arith.index_cast %add3A_1124 : i32 to index
        %get3A_1135 = arith.index_cast %add3A_1133 : i32 to index
        %get3A_1136 = tpu.vector_load %arg9[%get3A_1134, %get3A_1135] {strides = array<i32>} : memref<200x128xf32, #tpu.memory_space<vmem>>, vector<1x16xf32>,
        %get3A_1137 = vector.shape_cast %get3A_1136 : vector<1x16xf32> to vector<16xf32>
        %add3A_1138 = arith.addf %add3A_1100, %get3A_1137 : vector<16xf32>
        %add3A_1139 = arith.constant 32 : i32
        %add3A_1140 = arith.addi %mul3A_1118, %add3A_1139 : i32
        %get3A_1141 = arith.index_cast %add3A_1124 : i32 to index
        %get3A_1142 = arith.index_cast %add3A_1140 : i32 to index
        %get3A_1143 = tpu.vector_load %arg9[%get3A_1141, %get3A_1142] {strides = array<i32>} : memref<200x128xf32, #tpu.memory_space<vmem>>, vector<1x16xf32>,
        %get3A_1144 = vector.shape_cast %get3A_1143 : vector<1x16xf32> to vector<16xf32>
        %add3A_1145 = arith.addf %add3A_1107, %get3A_1144 : vector<16xf32>
        %add3A_1146 = arith.constant 48 : i32
        %add3A_1147 = arith.addi %mul3A_1118, %add3A_1146 : i32
        %get3A_1148 = arith.index_cast %add3A_1124 : i32 to index
        %get3A_1149 = arith.index_cast %add3A_1147 : i32 to index
        %get3A_1150 = tpu.vector_load %arg9[%get3A_1148, %get3A_1149] {strides = array<i32>} : memref<200x128xf32, #tpu.memory_space<vmem>>, vector<1x16xf32>,
        %get3A_1151 = vector.shape_cast %get3A_1150 : vector<1x16xf32> to vector<16xf32>
        %add3A_1152 = arith.addf %add3A_1114, %get3A_1151 : vector<16xf32>
        %slice3A_1153 = vector.extract_strided_slice %and3A_1000 {offsets = [4], sizes = [1], strides = [1]} : vector<16xi32> to vector<1xi32>
        %squeeze3A_1154 = vector.extract %slice3A_1153[0] : i32 from vector<1xi32>
        %mul3A_1155 = arith.constant 64 : i32
        %mul3A_1156 = arith.muli %squeeze3A_1154, %mul3A_1155 : i32
        %mul3A_1157 = arith.constant 16 : i32
        %mul3A_1158 = arith.muli %scan3A_985, %mul3A_1157 : i32
        %add3A_1159 = arith.constant 0 : i32
        %add3A_1160 = arith.addi %add3A_1159, %mul3A_1158 : i32
        %add3A_1161 = arith.constant 4 : i32
        %add3A_1162 = arith.addi %add3A_1160, %add3A_1161 : i32
        %add3A_1163 = arith.constant 0 : i32
        %add3A_1164 = arith.addi %mul3A_1156, %add3A_1163 : i32
        %get3A_1165 = arith.index_cast %add3A_1162 : i32 to index
        %get3A_1166 = arith.index_cast %add3A_1164 : i32 to index
        %get3A_1167 = tpu.vector_load %arg9[%get3A_1165, %get3A_1166] {strides = array<i32>} : memref<200x128xf32, #tpu.memory_space<vmem>>, vector<1x16xf32>,
        %get3A_1168 = vector.shape_cast %get3A_1167 : vector<1x16xf32> to vector<16xf32>
        %add3A_1169 = arith.addf %add3A_1131, %get3A_1168 : vector<16xf32>
        %add3A_1170 = arith.constant 16 : i32
        %add3A_1171 = arith.addi %mul3A_1156, %add3A_1170 : i32
        %get3A_1172 = arith.index_cast %add3A_1162 : i32 to index
        %get3A_1173 = arith.index_cast %add3A_1171 : i32 to index
        %get3A_1174 = tpu.vector_load %arg9[%get3A_1172, %get3A_1173] {strides = array<i32>} : memref<200x128xf32, #tpu.memory_space<vmem>>, vector<1x16xf32>,
        %get3A_1175 = vector.shape_cast %get3A_1174 : vector<1x16xf32> to vector<16xf32>
        %add3A_1176 = arith.addf %add3A_1138, %get3A_1175 : vector<16xf32>
        %add3A_1177 = arith.constant 32 : i32
        %add3A_1178 = arith.addi %mul3A_1156, %add3A_1177 : i32
        %get3A_1179 = arith.index_cast %add3A_1162 : i32 to index
        %get3A_1180 = arith.index_cast %add3A_1178 : i32 to index
        %get3A_1181 = tpu.vector_load %arg9[%get3A_1179, %get3A_1180] {strides = array<i32>} : memref<200x128xf32, #tpu.memory_space<vmem>>, vector<1x16xf32>,
        %get3A_1182 = vector.shape_cast %get3A_1181 : vector<1x16xf32> to vector<16xf32>
        %add3A_1183 = arith.addf %add3A_1145, %get3A_1182 : vector<16xf32>
        %add3A_1184 = arith.constant 48 : i32
        %add3A_1185 = arith.addi %mul3A_1156, %add3A_1184 : i32
        %get3A_1186 = arith.index_cast %add3A_1162 : i32 to index
        %get3A_1187 = arith.index_cast %add3A_1185 : i32 to index
        %get3A_1188 = tpu.vector_load %arg9[%get3A_1186, %get3A_1187] {strides = array<i32>} : memref<200x128xf32, #tpu.memory_space<vmem>>, vector<1x16xf32>,
        %get3A_1189 = vector.shape_cast %get3A_1188 : vector<1x16xf32> to vector<16xf32>
        %add3A_1190 = arith.addf %add3A_1152, %get3A_1189 : vector<16xf32>
        %slice3A_1191 = vector.extract_strided_slice %and3A_1000 {offsets = [5], sizes = [1], strides = [1]} : vector<16xi32> to vector<1xi32>
        %squeeze3A_1192 = vector.extract %slice3A_1191[0] : i32 from vector<1xi32>
        %mul3A_1193 = arith.constant 64 : i32
        %mul3A_1194 = arith.muli %squeeze3A_1192, %mul3A_1193 : i32
        %mul3A_1195 = arith.constant 16 : i32
        %mul3A_1196 = arith.muli %scan3A_985, %mul3A_1195 : i32
        %add3A_1197 = arith.constant 0 : i32
        %add3A_1198 = arith.addi %add3A_1197, %mul3A_1196 : i32
        %add3A_1199 = arith.constant 5 : i32
        %add3A_1200 = arith.addi %add3A_1198, %add3A_1199 : i32
        %add3A_1201 = arith.constant 0 : i32
        %add3A_1202 = arith.addi %mul3A_1194, %add3A_1201 : i32
        %get3A_1203 = arith.index_cast %add3A_1200 : i32 to index
        %get3A_1204 = arith.index_cast %add3A_1202 : i32 to index
        %get3A_1205 = tpu.vector_load %arg9[%get3A_1203, %get3A_1204] {strides = array<i32>} : memref<200x128xf32, #tpu.memory_space<vmem>>, vector<1x16xf32>,
        %get3A_1206 = vector.shape_cast %get3A_1205 : vector<1x16xf32> to vector<16xf32>
        %add3A_1207 = arith.addf %add3A_1169, %get3A_1206 : vector<16xf32>
        %add3A_1208 = arith.constant 16 : i32
        %add3A_1209 = arith.addi %mul3A_1194, %add3A_1208 : i32
        %get3A_1210 = arith.index_cast %add3A_1200 : i32 to index
        %get3A_1211 = arith.index_cast %add3A_1209 : i32 to index
        %get3A_1212 = tpu.vector_load %arg9[%get3A_1210, %get3A_1211] {strides = array<i32>} : memref<200x128xf32, #tpu.memory_space<vmem>>, vector<1x16xf32>,
        %get3A_1213 = vector.shape_cast %get3A_1212 : vector<1x16xf32> to vector<16xf32>
        %add3A_1214 = arith.addf %add3A_1176, %get3A_1213 : vector<16xf32>
        %add3A_1215 = arith.constant 32 : i32
        %add3A_1216 = arith.addi %mul3A_1194, %add3A_1215 : i32
        %get3A_1217 = arith.index_cast %add3A_1200 : i32 to index
        %get3A_1218 = arith.index_cast %add3A_1216 : i32 to index
        %get3A_1219 = tpu.vector_load %arg9[%get3A_1217, %get3A_1218] {strides = array<i32>} : memref<200x128xf32, #tpu.memory_space<vmem>>, vector<1x16xf32>,
        %get3A_1220 = vector.shape_cast %get3A_1219 : vector<1x16xf32> to vector<16xf32>
        %add3A_1221 = arith.addf %add3A_1183, %get3A_1220 : vector<16xf32>
        %add3A_1222 = arith.constant 48 : i32
        %add3A_1223 = arith.addi %mul3A_1194, %add3A_1222 : i32
        %get3A_1224 = arith.index_cast %add3A_1200 : i32 to index
        %get3A_1225 = arith.index_cast %add3A_1223 : i32 to index
        %get3A_1226 = tpu.vector_load %arg9[%get3A_1224, %get3A_1225] {strides = array<i32>} : memref<200x128xf32, #tpu.memory_space<vmem>>, vector<1x16xf32>,
        %get3A_1227 = vector.shape_cast %get3A_1226 : vector<1x16xf32> to vector<16xf32>
        %add3A_1228 = arith.addf %add3A_1190, %get3A_1227 : vector<16xf32>
        %slice3A_1229 = vector.extract_strided_slice %and3A_1000 {offsets = [6], sizes = [1], strides = [1]} : vector<16xi32> to vector<1xi32>
        %squeeze3A_1230 = vector.extract %slice3A_1229[0] : i32 from vector<1xi32>
        %mul3A_1231 = arith.constant 64 : i32
        %mul3A_1232 = arith.muli %squeeze3A_1230, %mul3A_1231 : i32
        %mul3A_1233 = arith.constant 16 : i32
        %mul3A_1234 = arith.muli %scan3A_985, %mul3A_1233 : i32
        %add3A_1235 = arith.constant 0 : i32
        %add3A_1236 = arith.addi %add3A_1235, %mul3A_1234 : i32
        %add3A_1237 = arith.constant 6 : i32
        %add3A_1238 = arith.addi %add3A_1236, %add3A_1237 : i32
        %add3A_1239 = arith.constant 0 : i32
        %add3A_1240 = arith.addi %mul3A_1232, %add3A_1239 : i32
        %get3A_1241 = arith.index_cast %add3A_1238 : i32 to index
        %get3A_1242 = arith.index_cast %add3A_1240 : i32 to index
        %get3A_1243 = tpu.vector_load %arg9[%get3A_1241, %get3A_1242] {strides = array<i32>} : memref<200x128xf32, #tpu.memory_space<vmem>>, vector<1x16xf32>,
        %get3A_1244 = vector.shape_cast %get3A_1243 : vector<1x16xf32> to vector<16xf32>
        %add3A_1245 = arith.addf %add3A_1207, %get3A_1244 : vector<16xf32>
        %add3A_1246 = arith.constant 16 : i32
        %add3A_1247 = arith.addi %mul3A_1232, %add3A_1246 : i32
        %get3A_1248 = arith.index_cast %add3A_1238 : i32 to index
        %get3A_1249 = arith.index_cast %add3A_1247 : i32 to index
        %get3A_1250 = tpu.vector_load %arg9[%get3A_1248, %get3A_1249] {strides = array<i32>} : memref<200x128xf32, #tpu.memory_space<vmem>>, vector<1x16xf32>,
        %get3A_1251 = vector.shape_cast %get3A_1250 : vector<1x16xf32> to vector<16xf32>
        %add3A_1252 = arith.addf %add3A_1214, %get3A_1251 : vector<16xf32>
        %add3A_1253 = arith.constant 32 : i32
        %add3A_1254 = arith.addi %mul3A_1232, %add3A_1253 : i32
        %get3A_1255 = arith.index_cast %add3A_1238 : i32 to index
        %get3A_1256 = arith.index_cast %add3A_1254 : i32 to index
        %get3A_1257 = tpu.vector_load %arg9[%get3A_1255, %get3A_1256] {strides = array<i32>} : memref<200x128xf32, #tpu.memory_space<vmem>>, vector<1x16xf32>,
        %get3A_1258 = vector.shape_cast %get3A_1257 : vector<1x16xf32> to vector<16xf32>
        %add3A_1259 = arith.addf %add3A_1221, %get3A_1258 : vector<16xf32>
        %add3A_1260 = arith.constant 48 : i32
        %add3A_1261 = arith.addi %mul3A_1232, %add3A_1260 : i32
        %get3A_1262 = arith.index_cast %add3A_1238 : i32 to index
        %get3A_1263 = arith.index_cast %add3A_1261 : i32 to index
        %get3A_1264 = tpu.vector_load %arg9[%get3A_1262, %get3A_1263] {strides = array<i32>} : memref<200x128xf32, #tpu.memory_space<vmem>>, vector<1x16xf32>,
        %get3A_1265 = vector.shape_cast %get3A_1264 : vector<1x16xf32> to vector<16xf32>
        %add3A_1266 = arith.addf %add3A_1228, %get3A_1265 : vector<16xf32>
        %slice3A_1267 = vector.extract_strided_slice %and3A_1000 {offsets = [7], sizes = [1], strides = [1]} : vector<16xi32> to vector<1xi32>
        %squeeze3A_1268 = vector.extract %slice3A_1267[0] : i32 from vector<1xi32>
        %mul3A_1269 = arith.constant 64 : i32
        %mul3A_1270 = arith.muli %squeeze3A_1268, %mul3A_1269 : i32
        %mul3A_1271 = arith.constant 16 : i32
        %mul3A_1272 = arith.muli %scan3A_985, %mul3A_1271 : i32
        %add3A_1273 = arith.constant 0 : i32
        %add3A_1274 = arith.addi %add3A_1273, %mul3A_1272 : i32
        %add3A_1275 = arith.constant 7 : i32
        %add3A_1276 = arith.addi %add3A_1274, %add3A_1275 : i32
        %add3A_1277 = arith.constant 0 : i32
        %add3A_1278 = arith.addi %mul3A_1270, %add3A_1277 : i32
        %get3A_1279 = arith.index_cast %add3A_1276 : i32 to index
        %get3A_1280 = arith.index_cast %add3A_1278 : i32 to index
        %get3A_1281 = tpu.vector_load %arg9[%get3A_1279, %get3A_1280] {strides = array<i32>} : memref<200x128xf32, #tpu.memory_space<vmem>>, vector<1x16xf32>,
        %get3A_1282 = vector.shape_cast %get3A_1281 : vector<1x16xf32> to vector<16xf32>
        %add3A_1283 = arith.addf %add3A_1245, %get3A_1282 : vector<16xf32>
        %add3A_1284 = arith.constant 16 : i32
        %add3A_1285 = arith.addi %mul3A_1270, %add3A_1284 : i32
        %get3A_1286 = arith.index_cast %add3A_1276 : i32 to index
        %get3A_1287 = arith.index_cast %add3A_1285 : i32 to index
        %get3A_1288 = tpu.vector_load %arg9[%get3A_1286, %get3A_1287] {strides = array<i32>} : memref<200x128xf32, #tpu.memory_space<vmem>>, vector<1x16xf32>,
        %get3A_1289 = vector.shape_cast %get3A_1288 : vector<1x16xf32> to vector<16xf32>
        %add3A_1290 = arith.addf %add3A_1252, %get3A_1289 : vector<16xf32>
        %add3A_1291 = arith.constant 32 : i32
        %add3A_1292 = arith.addi %mul3A_1270, %add3A_1291 : i32
        %get3A_1293 = arith.index_cast %add3A_1276 : i32 to index
        %get3A_1294 = arith.index_cast %add3A_1292 : i32 to index
        %get3A_1295 = tpu.vector_load %arg9[%get3A_1293, %get3A_1294] {strides = array<i32>} : memref<200x128xf32, #tpu.memory_space<vmem>>, vector<1x16xf32>,
        %get3A_1296 = vector.shape_cast %get3A_1295 : vector<1x16xf32> to vector<16xf32>
        %add3A_1297 = arith.addf %add3A_1259, %get3A_1296 : vector<16xf32>
        %add3A_1298 = arith.constant 48 : i32
        %add3A_1299 = arith.addi %mul3A_1270, %add3A_1298 : i32
        %get3A_1300 = arith.index_cast %add3A_1276 : i32 to index
        %get3A_1301 = arith.index_cast %add3A_1299 : i32 to index
        %get3A_1302 = tpu.vector_load %arg9[%get3A_1300, %get3A_1301] {strides = array<i32>} : memref<200x128xf32, #tpu.memory_space<vmem>>, vector<1x16xf32>,
        %get3A_1303 = vector.shape_cast %get3A_1302 : vector<1x16xf32> to vector<16xf32>
        %add3A_1304 = arith.addf %add3A_1266, %get3A_1303 : vector<16xf32>
        %slice3A_1305 = vector.extract_strided_slice %and3A_1000 {offsets = [8], sizes = [1], strides = [1]} : vector<16xi32> to vector<1xi32>
        %squeeze3A_1306 = vector.extract %slice3A_1305[0] : i32 from vector<1xi32>
        %mul3A_1307 = arith.constant 64 : i32
        %mul3A_1308 = arith.muli %squeeze3A_1306, %mul3A_1307 : i32
        %mul3A_1309 = arith.constant 16 : i32
        %mul3A_1310 = arith.muli %scan3A_985, %mul3A_1309 : i32
        %add3A_1311 = arith.constant 0 : i32
        %add3A_1312 = arith.addi %add3A_1311, %mul3A_1310 : i32
        %add3A_1313 = arith.constant 8 : i32
        %add3A_1314 = arith.addi %add3A_1312, %add3A_1313 : i32
        %add3A_1315 = arith.constant 0 : i32
        %add3A_1316 = arith.addi %mul3A_1308, %add3A_1315 : i32
        %get3A_1317 = arith.index_cast %add3A_1314 : i32 to index
        %get3A_1318 = arith.index_cast %add3A_1316 : i32 to index
        %get3A_1319 = tpu.vector_load %arg9[%get3A_1317, %get3A_1318] {strides = array<i32>} : memref<200x128xf32, #tpu.memory_space<vmem>>, vector<1x16xf32>,
        %get3A_1320 = vector.shape_cast %get3A_1319 : vector<1x16xf32> to vector<16xf32>
        %add3A_1321 = arith.addf %add3A_1283, %get3A_1320 : vector<16xf32>
        %add3A_1322 = arith.constant 16 : i32
        %add3A_1323 = arith.addi %mul3A_1308, %add3A_1322 : i32
        %get3A_1324 = arith.index_cast %add3A_1314 : i32 to index
        %get3A_1325 = arith.index_cast %add3A_1323 : i32 to index
        %get3A_1326 = tpu.vector_load %arg9[%get3A_1324, %get3A_1325] {strides = array<i32>} : memref<200x128xf32, #tpu.memory_space<vmem>>, vector<1x16xf32>,
        %get3A_1327 = vector.shape_cast %get3A_1326 : vector<1x16xf32> to vector<16xf32>
        %add3A_1328 = arith.addf %add3A_1290, %get3A_1327 : vector<16xf32>
        %add3A_1329 = arith.constant 32 : i32
        %add3A_1330 = arith.addi %mul3A_1308, %add3A_1329 : i32
        %get3A_1331 = arith.index_cast %add3A_1314 : i32 to index
        %get3A_1332 = arith.index_cast %add3A_1330 : i32 to index
        %get3A_1333 = tpu.vector_load %arg9[%get3A_1331, %get3A_1332] {strides = array<i32>} : memref<200x128xf32, #tpu.memory_space<vmem>>, vector<1x16xf32>,
        %get3A_1334 = vector.shape_cast %get3A_1333 : vector<1x16xf32> to vector<16xf32>
        %add3A_1335 = arith.addf %add3A_1297, %get3A_1334 : vector<16xf32>
        %add3A_1336 = arith.constant 48 : i32
        %add3A_1337 = arith.addi %mul3A_1308, %add3A_1336 : i32
        %get3A_1338 = arith.index_cast %add3A_1314 : i32 to index
        %get3A_1339 = arith.index_cast %add3A_1337 : i32 to index
        %get3A_1340 = tpu.vector_load %arg9[%get3A_1338, %get3A_1339] {strides = array<i32>} : memref<200x128xf32, #tpu.memory_space<vmem>>, vector<1x16xf32>,
        %get3A_1341 = vector.shape_cast %get3A_1340 : vector<1x16xf32> to vector<16xf32>
        %add3A_1342 = arith.addf %add3A_1304, %get3A_1341 : vector<16xf32>
        %slice3A_1343 = vector.extract_strided_slice %and3A_1000 {offsets = [9], sizes = [1], strides = [1]} : vector<16xi32> to vector<1xi32>
        %squeeze3A_1344 = vector.extract %slice3A_1343[0] : i32 from vector<1xi32>
        %mul3A_1345 = arith.constant 64 : i32
        %mul3A_1346 = arith.muli %squeeze3A_1344, %mul3A_1345 : i32
        %mul3A_1347 = arith.constant 16 : i32
        %mul3A_1348 = arith.muli %scan3A_985, %mul3A_1347 : i32
        %add3A_1349 = arith.constant 0 : i32
        %add3A_1350 = arith.addi %add3A_1349, %mul3A_1348 : i32
        %add3A_1351 = arith.constant 9 : i32
        %add3A_1352 = arith.addi %add3A_1350, %add3A_1351 : i32
        %add3A_1353 = arith.constant 0 : i32
        %add3A_1354 = arith.addi %mul3A_1346, %add3A_1353 : i32
        %get3A_1355 = arith.index_cast %add3A_1352 : i32 to index
        %get3A_1356 = arith.index_cast %add3A_1354 : i32 to index
        %get3A_1357 = tpu.vector_load %arg9[%get3A_1355, %get3A_1356] {strides = array<i32>} : memref<200x128xf32, #tpu.memory_space<vmem>>, vector<1x16xf32>,
        %get3A_1358 = vector.shape_cast %get3A_1357 : vector<1x16xf32> to vector<16xf32>
        %add3A_1359 = arith.addf %add3A_1321, %get3A_1358 : vector<16xf32>
        %add3A_1360 = arith.constant 16 : i32
        %add3A_1361 = arith.addi %mul3A_1346, %add3A_1360 : i32
        %get3A_1362 = arith.index_cast %add3A_1352 : i32 to index
        %get3A_1363 = arith.index_cast %add3A_1361 : i32 to index
        %get3A_1364 = tpu.vector_load %arg9[%get3A_1362, %get3A_1363] {strides = array<i32>} : memref<200x128xf32, #tpu.memory_space<vmem>>, vector<1x16xf32>,
        %get3A_1365 = vector.shape_cast %get3A_1364 : vector<1x16xf32> to vector<16xf32>
        %add3A_1366 = arith.addf %add3A_1328, %get3A_1365 : vector<16xf32>
        %add3A_1367 = arith.constant 32 : i32
        %add3A_1368 = arith.addi %mul3A_1346, %add3A_1367 : i32
        %get3A_1369 = arith.index_cast %add3A_1352 : i32 to index
        %get3A_1370 = arith.index_cast %add3A_1368 : i32 to index
        %get3A_1371 = tpu.vector_load %arg9[%get3A_1369, %get3A_1370] {strides = array<i32>} : memref<200x128xf32, #tpu.memory_space<vmem>>, vector<1x16xf32>,
        %get3A_1372 = vector.shape_cast %get3A_1371 : vector<1x16xf32> to vector<16xf32>
        %add3A_1373 = arith.addf %add3A_1335, %get3A_1372 : vector<16xf32>
        %add3A_1374 = arith.constant 48 : i32
        %add3A_1375 = arith.addi %mul3A_1346, %add3A_1374 : i32
        %get3A_1376 = arith.index_cast %add3A_1352 : i32 to index
        %get3A_1377 = arith.index_cast %add3A_1375 : i32 to index
        %get3A_1378 = tpu.vector_load %arg9[%get3A_1376, %get3A_1377] {strides = array<i32>} : memref<200x128xf32, #tpu.memory_space<vmem>>, vector<1x16xf32>,
        %get3A_1379 = vector.shape_cast %get3A_1378 : vector<1x16xf32> to vector<16xf32>
        %add3A_1380 = arith.addf %add3A_1342, %get3A_1379 : vector<16xf32>
        %slice3A_1381 = vector.extract_strided_slice %and3A_1000 {offsets = [10], sizes = [1], strides = [1]} : vector<16xi32> to vector<1xi32>
        %squeeze3A_1382 = vector.extract %slice3A_1381[0] : i32 from vector<1xi32>
        %mul3A_1383 = arith.constant 64 : i32
        %mul3A_1384 = arith.muli %squeeze3A_1382, %mul3A_1383 : i32
        %mul3A_1385 = arith.constant 16 : i32
        %mul3A_1386 = arith.muli %scan3A_985, %mul3A_1385 : i32
        %add3A_1387 = arith.constant 0 : i32
        %add3A_1388 = arith.addi %add3A_1387, %mul3A_1386 : i32
        %add3A_1389 = arith.constant 10 : i32
        %add3A_1390 = arith.addi %add3A_1388, %add3A_1389 : i32
        %add3A_1391 = arith.constant 0 : i32
        %add3A_1392 = arith.addi %mul3A_1384, %add3A_1391 : i32
        %get3A_1393 = arith.index_cast %add3A_1390 : i32 to index
        %get3A_1394 = arith.index_cast %add3A_1392 : i32 to index
        %get3A_1395 = tpu.vector_load %arg9[%get3A_1393, %get3A_1394] {strides = array<i32>} : memref<200x128xf32, #tpu.memory_space<vmem>>, vector<1x16xf32>,
        %get3A_1396 = vector.shape_cast %get3A_1395 : vector<1x16xf32> to vector<16xf32>
        %add3A_1397 = arith.addf %add3A_1359, %get3A_1396 : vector<16xf32>
        %add3A_1398 = arith.constant 16 : i32
        %add3A_1399 = arith.addi %mul3A_1384, %add3A_1398 : i32
        %get3A_1400 = arith.index_cast %add3A_1390 : i32 to index
        %get3A_1401 = arith.index_cast %add3A_1399 : i32 to index
        %get3A_1402 = tpu.vector_load %arg9[%get3A_1400, %get3A_1401] {strides = array<i32>} : memref<200x128xf32, #tpu.memory_space<vmem>>, vector<1x16xf32>,
        %get3A_1403 = vector.shape_cast %get3A_1402 : vector<1x16xf32> to vector<16xf32>
        %add3A_1404 = arith.addf %add3A_1366, %get3A_1403 : vector<16xf32>
        %add3A_1405 = arith.constant 32 : i32
        %add3A_1406 = arith.addi %mul3A_1384, %add3A_1405 : i32
        %get3A_1407 = arith.index_cast %add3A_1390 : i32 to index
        %get3A_1408 = arith.index_cast %add3A_1406 : i32 to index
        %get3A_1409 = tpu.vector_load %arg9[%get3A_1407, %get3A_1408] {strides = array<i32>} : memref<200x128xf32, #tpu.memory_space<vmem>>, vector<1x16xf32>,
        %get3A_1410 = vector.shape_cast %get3A_1409 : vector<1x16xf32> to vector<16xf32>
        %add3A_1411 = arith.addf %add3A_1373, %get3A_1410 : vector<16xf32>
        %add3A_1412 = arith.constant 48 : i32
        %add3A_1413 = arith.addi %mul3A_1384, %add3A_1412 : i32
        %get3A_1414 = arith.index_cast %add3A_1390 : i32 to index
        %get3A_1415 = arith.index_cast %add3A_1413 : i32 to index
        %get3A_1416 = tpu.vector_load %arg9[%get3A_1414, %get3A_1415] {strides = array<i32>} : memref<200x128xf32, #tpu.memory_space<vmem>>, vector<1x16xf32>,
        %get3A_1417 = vector.shape_cast %get3A_1416 : vector<1x16xf32> to vector<16xf32>
        %add3A_1418 = arith.addf %add3A_1380, %get3A_1417 : vector<16xf32>
        %slice3A_1419 = vector.extract_strided_slice %and3A_1000 {offsets = [11], sizes = [1], strides = [1]} : vector<16xi32> to vector<1xi32>
        %squeeze3A_1420 = vector.extract %slice3A_1419[0] : i32 from vector<1xi32>
        %mul3A_1421 = arith.constant 64 : i32
        %mul3A_1422 = arith.muli %squeeze3A_1420, %mul3A_1421 : i32
        %mul3A_1423 = arith.constant 16 : i32
        %mul3A_1424 = arith.muli %scan3A_985, %mul3A_1423 : i32
        %add3A_1425 = arith.constant 0 : i32
        %add3A_1426 = arith.addi %add3A_1425, %mul3A_1424 : i32
        %add3A_1427 = arith.constant 11 : i32
        %add3A_1428 = arith.addi %add3A_1426, %add3A_1427 : i32
        %add3A_1429 = arith.constant 0 : i32
        %add3A_1430 = arith.addi %mul3A_1422, %add3A_1429 : i32
        %get3A_1431 = arith.index_cast %add3A_1428 : i32 to index
        %get3A_1432 = arith.index_cast %add3A_1430 : i32 to index
        %get3A_1433 = tpu.vector_load %arg9[%get3A_1431, %get3A_1432] {strides = array<i32>} : memref<200x128xf32, #tpu.memory_space<vmem>>, vector<1x16xf32>,
        %get3A_1434 = vector.shape_cast %get3A_1433 : vector<1x16xf32> to vector<16xf32>
        %add3A_1435 = arith.addf %add3A_1397, %get3A_1434 : vector<16xf32>
        %add3A_1436 = arith.constant 16 : i32
        %add3A_1437 = arith.addi %mul3A_1422, %add3A_1436 : i32
        %get3A_1438 = arith.index_cast %add3A_1428 : i32 to index
        %get3A_1439 = arith.index_cast %add3A_1437 : i32 to index
        %get3A_1440 = tpu.vector_load %arg9[%get3A_1438, %get3A_1439] {strides = array<i32>} : memref<200x128xf32, #tpu.memory_space<vmem>>, vector<1x16xf32>,
        %get3A_1441 = vector.shape_cast %get3A_1440 : vector<1x16xf32> to vector<16xf32>
        %add3A_1442 = arith.addf %add3A_1404, %get3A_1441 : vector<16xf32>
        %add3A_1443 = arith.constant 32 : i32
        %add3A_1444 = arith.addi %mul3A_1422, %add3A_1443 : i32
        %get3A_1445 = arith.index_cast %add3A_1428 : i32 to index
        %get3A_1446 = arith.index_cast %add3A_1444 : i32 to index
        %get3A_1447 = tpu.vector_load %arg9[%get3A_1445, %get3A_1446] {strides = array<i32>} : memref<200x128xf32, #tpu.memory_space<vmem>>, vector<1x16xf32>,
        %get3A_1448 = vector.shape_cast %get3A_1447 : vector<1x16xf32> to vector<16xf32>
        %add3A_1449 = arith.addf %add3A_1411, %get3A_1448 : vector<16xf32>
        %add3A_1450 = arith.constant 48 : i32
        %add3A_1451 = arith.addi %mul3A_1422, %add3A_1450 : i32
        %get3A_1452 = arith.index_cast %add3A_1428 : i32 to index
        %get3A_1453 = arith.index_cast %add3A_1451 : i32 to index
        %get3A_1454 = tpu.vector_load %arg9[%get3A_1452, %get3A_1453] {strides = array<i32>} : memref<200x128xf32, #tpu.memory_space<vmem>>, vector<1x16xf32>,
        %get3A_1455 = vector.shape_cast %get3A_1454 : vector<1x16xf32> to vector<16xf32>
        %add3A_1456 = arith.addf %add3A_1418, %get3A_1455 : vector<16xf32>
        %slice3A_1457 = vector.extract_strided_slice %and3A_1000 {offsets = [12], sizes = [1], strides = [1]} : vector<16xi32> to vector<1xi32>
        %squeeze3A_1458 = vector.extract %slice3A_1457[0] : i32 from vector<1xi32>
        %mul3A_1459 = arith.constant 64 : i32
        %mul3A_1460 = arith.muli %squeeze3A_1458, %mul3A_1459 : i32
        %mul3A_1461 = arith.constant 16 : i32
        %mul3A_1462 = arith.muli %scan3A_985, %mul3A_1461 : i32
        %add3A_1463 = arith.constant 0 : i32
        %add3A_1464 = arith.addi %add3A_1463, %mul3A_1462 : i32
        %add3A_1465 = arith.constant 12 : i32
        %add3A_1466 = arith.addi %add3A_1464, %add3A_1465 : i32
        %add3A_1467 = arith.constant 0 : i32
        %add3A_1468 = arith.addi %mul3A_1460, %add3A_1467 : i32
        %get3A_1469 = arith.index_cast %add3A_1466 : i32 to index
        %get3A_1470 = arith.index_cast %add3A_1468 : i32 to index
        %get3A_1471 = tpu.vector_load %arg9[%get3A_1469, %get3A_1470] {strides = array<i32>} : memref<200x128xf32, #tpu.memory_space<vmem>>, vector<1x16xf32>,
        %get3A_1472 = vector.shape_cast %get3A_1471 : vector<1x16xf32> to vector<16xf32>
        %add3A_1473 = arith.addf %add3A_1435, %get3A_1472 : vector<16xf32>
        %add3A_1474 = arith.constant 16 : i32
        %add3A_1475 = arith.addi %mul3A_1460, %add3A_1474 : i32
        %get3A_1476 = arith.index_cast %add3A_1466 : i32 to index
        %get3A_1477 = arith.index_cast %add3A_1475 : i32 to index
        %get3A_1478 = tpu.vector_load %arg9[%get3A_1476, %get3A_1477] {strides = array<i32>} : memref<200x128xf32, #tpu.memory_space<vmem>>, vector<1x16xf32>,
        %get3A_1479 = vector.shape_cast %get3A_1478 : vector<1x16xf32> to vector<16xf32>
        %add3A_1480 = arith.addf %add3A_1442, %get3A_1479 : vector<16xf32>
        %add3A_1481 = arith.constant 32 : i32
        %add3A_1482 = arith.addi %mul3A_1460, %add3A_1481 : i32
        %get3A_1483 = arith.index_cast %add3A_1466 : i32 to index
        %get3A_1484 = arith.index_cast %add3A_1482 : i32 to index
        %get3A_1485 = tpu.vector_load %arg9[%get3A_1483, %get3A_1484] {strides = array<i32>} : memref<200x128xf32, #tpu.memory_space<vmem>>, vector<1x16xf32>,
        %get3A_1486 = vector.shape_cast %get3A_1485 : vector<1x16xf32> to vector<16xf32>
        %add3A_1487 = arith.addf %add3A_1449, %get3A_1486 : vector<16xf32>
        %add3A_1488 = arith.constant 48 : i32
        %add3A_1489 = arith.addi %mul3A_1460, %add3A_1488 : i32
        %get3A_1490 = arith.index_cast %add3A_1466 : i32 to index
        %get3A_1491 = arith.index_cast %add3A_1489 : i32 to index
        %get3A_1492 = tpu.vector_load %arg9[%get3A_1490, %get3A_1491] {strides = array<i32>} : memref<200x128xf32, #tpu.memory_space<vmem>>, vector<1x16xf32>,
        %get3A_1493 = vector.shape_cast %get3A_1492 : vector<1x16xf32> to vector<16xf32>
        %add3A_1494 = arith.addf %add3A_1456, %get3A_1493 : vector<16xf32>
        %slice3A_1495 = vector.extract_strided_slice %and3A_1000 {offsets = [13], sizes = [1], strides = [1]} : vector<16xi32> to vector<1xi32>
        %squeeze3A_1496 = vector.extract %slice3A_1495[0] : i32 from vector<1xi32>
        %mul3A_1497 = arith.constant 64 : i32
        %mul3A_1498 = arith.muli %squeeze3A_1496, %mul3A_1497 : i32
        %mul3A_1499 = arith.constant 16 : i32
        %mul3A_1500 = arith.muli %scan3A_985, %mul3A_1499 : i32
        %add3A_1501 = arith.constant 0 : i32
        %add3A_1502 = arith.addi %add3A_1501, %mul3A_1500 : i32
        %add3A_1503 = arith.constant 13 : i32
        %add3A_1504 = arith.addi %add3A_1502, %add3A_1503 : i32
        %add3A_1505 = arith.constant 0 : i32
        %add3A_1506 = arith.addi %mul3A_1498, %add3A_1505 : i32
        %get3A_1507 = arith.index_cast %add3A_1504 : i32 to index
        %get3A_1508 = arith.index_cast %add3A_1506 : i32 to index
        %get3A_1509 = tpu.vector_load %arg9[%get3A_1507, %get3A_1508] {strides = array<i32>} : memref<200x128xf32, #tpu.memory_space<vmem>>, vector<1x16xf32>,
        %get3A_1510 = vector.shape_cast %get3A_1509 : vector<1x16xf32> to vector<16xf32>
        %add3A_1511 = arith.addf %add3A_1473, %get3A_1510 : vector<16xf32>
        %add3A_1512 = arith.constant 16 : i32
        %add3A_1513 = arith.addi %mul3A_1498, %add3A_1512 : i32
        %get3A_1514 = arith.index_cast %add3A_1504 : i32 to index
        %get3A_1515 = arith.index_cast %add3A_1513 : i32 to index
        %get3A_1516 = tpu.vector_load %arg9[%get3A_1514, %get3A_1515] {strides = array<i32>} : memref<200x128xf32, #tpu.memory_space<vmem>>, vector<1x16xf32>,
        %get3A_1517 = vector.shape_cast %get3A_1516 : vector<1x16xf32> to vector<16xf32>
        %add3A_1518 = arith.addf %add3A_1480, %get3A_1517 : vector<16xf32>
        %add3A_1519 = arith.constant 32 : i32
        %add3A_1520 = arith.addi %mul3A_1498, %add3A_1519 : i32
        %get3A_1521 = arith.index_cast %add3A_1504 : i32 to index
        %get3A_1522 = arith.index_cast %add3A_1520 : i32 to index
        %get3A_1523 = tpu.vector_load %arg9[%get3A_1521, %get3A_1522] {strides = array<i32>} : memref<200x128xf32, #tpu.memory_space<vmem>>, vector<1x16xf32>,
        %get3A_1524 = vector.shape_cast %get3A_1523 : vector<1x16xf32> to vector<16xf32>
        %add3A_1525 = arith.addf %add3A_1487, %get3A_1524 : vector<16xf32>
        %add3A_1526 = arith.constant 48 : i32
        %add3A_1527 = arith.addi %mul3A_1498, %add3A_1526 : i32
        %get3A_1528 = arith.index_cast %add3A_1504 : i32 to index
        %get3A_1529 = arith.index_cast %add3A_1527 : i32 to index
        %get3A_1530 = tpu.vector_load %arg9[%get3A_1528, %get3A_1529] {strides = array<i32>} : memref<200x128xf32, #tpu.memory_space<vmem>>, vector<1x16xf32>,
        %get3A_1531 = vector.shape_cast %get3A_1530 : vector<1x16xf32> to vector<16xf32>
        %add3A_1532 = arith.addf %add3A_1494, %get3A_1531 : vector<16xf32>
        %slice3A_1533 = vector.extract_strided_slice %and3A_1000 {offsets = [14], sizes = [1], strides = [1]} : vector<16xi32> to vector<1xi32>
        %squeeze3A_1534 = vector.extract %slice3A_1533[0] : i32 from vector<1xi32>
        %mul3A_1535 = arith.constant 64 : i32
        %mul3A_1536 = arith.muli %squeeze3A_1534, %mul3A_1535 : i32
        %mul3A_1537 = arith.constant 16 : i32
        %mul3A_1538 = arith.muli %scan3A_985, %mul3A_1537 : i32
        %add3A_1539 = arith.constant 0 : i32
        %add3A_1540 = arith.addi %add3A_1539, %mul3A_1538 : i32
        %add3A_1541 = arith.constant 14 : i32
        %add3A_1542 = arith.addi %add3A_1540, %add3A_1541 : i32
        %add3A_1543 = arith.constant 0 : i32
        %add3A_1544 = arith.addi %mul3A_1536, %add3A_1543 : i32
        %get3A_1545 = arith.index_cast %add3A_1542 : i32 to index
        %get3A_1546 = arith.index_cast %add3A_1544 : i32 to index
        %get3A_1547 = tpu.vector_load %arg9[%get3A_1545, %get3A_1546] {strides = array<i32>} : memref<200x128xf32, #tpu.memory_space<vmem>>, vector<1x16xf32>,
        %get3A_1548 = vector.shape_cast %get3A_1547 : vector<1x16xf32> to vector<16xf32>
        %add3A_1549 = arith.addf %add3A_1511, %get3A_1548 : vector<16xf32>
        %add3A_1550 = arith.constant 16 : i32
        %add3A_1551 = arith.addi %mul3A_1536, %add3A_1550 : i32
        %get3A_1552 = arith.index_cast %add3A_1542 : i32 to index
        %get3A_1553 = arith.index_cast %add3A_1551 : i32 to index
        %get3A_1554 = tpu.vector_load %arg9[%get3A_1552, %get3A_1553] {strides = array<i32>} : memref<200x128xf32, #tpu.memory_space<vmem>>, vector<1x16xf32>,
        %get3A_1555 = vector.shape_cast %get3A_1554 : vector<1x16xf32> to vector<16xf32>
        %add3A_1556 = arith.addf %add3A_1518, %get3A_1555 : vector<16xf32>
        %add3A_1557 = arith.constant 32 : i32
        %add3A_1558 = arith.addi %mul3A_1536, %add3A_1557 : i32
        %get3A_1559 = arith.index_cast %add3A_1542 : i32 to index
        %get3A_1560 = arith.index_cast %add3A_1558 : i32 to index
        %get3A_1561 = tpu.vector_load %arg9[%get3A_1559, %get3A_1560] {strides = array<i32>} : memref<200x128xf32, #tpu.memory_space<vmem>>, vector<1x16xf32>,
        %get3A_1562 = vector.shape_cast %get3A_1561 : vector<1x16xf32> to vector<16xf32>
        %add3A_1563 = arith.addf %add3A_1525, %get3A_1562 : vector<16xf32>
        %add3A_1564 = arith.constant 48 : i32
        %add3A_1565 = arith.addi %mul3A_1536, %add3A_1564 : i32
        %get3A_1566 = arith.index_cast %add3A_1542 : i32 to index
        %get3A_1567 = arith.index_cast %add3A_1565 : i32 to index
        %get3A_1568 = tpu.vector_load %arg9[%get3A_1566, %get3A_1567] {strides = array<i32>} : memref<200x128xf32, #tpu.memory_space<vmem>>, vector<1x16xf32>,
        %get3A_1569 = vector.shape_cast %get3A_1568 : vector<1x16xf32> to vector<16xf32>
        %add3A_1570 = arith.addf %add3A_1532, %get3A_1569 : vector<16xf32>
        %slice3A_1571 = vector.extract_strided_slice %and3A_1000 {offsets = [15], sizes = [1], strides = [1]} : vector<16xi32> to vector<1xi32>
        %squeeze3A_1572 = vector.extract %slice3A_1571[0] : i32 from vector<1xi32>
        %mul3A_1573 = arith.constant 64 : i32
        %mul3A_1574 = arith.muli %squeeze3A_1572, %mul3A_1573 : i32
        %mul3A_1575 = arith.constant 16 : i32
        %mul3A_1576 = arith.muli %scan3A_985, %mul3A_1575 : i32
        %add3A_1577 = arith.constant 0 : i32
        %add3A_1578 = arith.addi %add3A_1577, %mul3A_1576 : i32
        %add3A_1579 = arith.constant 15 : i32
        %add3A_1580 = arith.addi %add3A_1578, %add3A_1579 : i32
        %add3A_1581 = arith.constant 0 : i32
        %add3A_1582 = arith.addi %mul3A_1574, %add3A_1581 : i32
        %get3A_1583 = arith.index_cast %add3A_1580 : i32 to index
        %get3A_1584 = arith.index_cast %add3A_1582 : i32 to index
        %get3A_1585 = tpu.vector_load %arg9[%get3A_1583, %get3A_1584] {strides = array<i32>} : memref<200x128xf32, #tpu.memory_space<vmem>>, vector<1x16xf32>,
        %get3A_1586 = vector.shape_cast %get3A_1585 : vector<1x16xf32> to vector<16xf32>
        %add3A_1587 = arith.addf %add3A_1549, %get3A_1586 : vector<16xf32>
        %add3A_1588 = arith.constant 16 : i32
        %add3A_1589 = arith.addi %mul3A_1574, %add3A_1588 : i32
        %get3A_1590 = arith.index_cast %add3A_1580 : i32 to index
        %get3A_1591 = arith.index_cast %add3A_1589 : i32 to index
        %get3A_1592 = tpu.vector_load %arg9[%get3A_1590, %get3A_1591] {strides = array<i32>} : memref<200x128xf32, #tpu.memory_space<vmem>>, vector<1x16xf32>,
        %get3A_1593 = vector.shape_cast %get3A_1592 : vector<1x16xf32> to vector<16xf32>
        %add3A_1594 = arith.addf %add3A_1556, %get3A_1593 : vector<16xf32>
        %add3A_1595 = arith.constant 32 : i32
        %add3A_1596 = arith.addi %mul3A_1574, %add3A_1595 : i32
        %get3A_1597 = arith.index_cast %add3A_1580 : i32 to index
        %get3A_1598 = arith.index_cast %add3A_1596 : i32 to index
        %get3A_1599 = tpu.vector_load %arg9[%get3A_1597, %get3A_1598] {strides = array<i32>} : memref<200x128xf32, #tpu.memory_space<vmem>>, vector<1x16xf32>,
        %get3A_1600 = vector.shape_cast %get3A_1599 : vector<1x16xf32> to vector<16xf32>
        %add3A_1601 = arith.addf %add3A_1563, %get3A_1600 : vector<16xf32>
        %add3A_1602 = arith.constant 48 : i32
        %add3A_1603 = arith.addi %mul3A_1574, %add3A_1602 : i32
        %get3A_1604 = arith.index_cast %add3A_1580 : i32 to index
        %get3A_1605 = arith.index_cast %add3A_1603 : i32 to index
        %get3A_1606 = tpu.vector_load %arg9[%get3A_1604, %get3A_1605] {strides = array<i32>} : memref<200x128xf32, #tpu.memory_space<vmem>>, vector<1x16xf32>,
        %get3A_1607 = vector.shape_cast %get3A_1606 : vector<1x16xf32> to vector<16xf32>
        %add3A_1608 = arith.addf %add3A_1570, %get3A_1607 : vector<16xf32>
        scf.yield %add3A_1587, %add3A_1594, %add3A_1601, %add3A_1608 : vector<16xf32>, vector<16xf32>, vector<16xf32>, vector<16xf32>
      }
      %scan3A_551 = arith.constant 8 : i32
      %scan3A_552 = arith.constant 0 : i32
      %scan3A_553 = arith.constant 4 : i32
      %scan3A_554 = arith.addi %scan3A_552, %scan3A_553 : i32
      %scan3A_555 = arith.constant 1 : i32
      %scan3A_556:4 = scf.for %scan3A_985 = %scan3A_552 to %scan3A_554 step %scan3A_555 iter_args(%scan3A_986 = %scan3A_550#0, %scan3A_987 = %scan3A_550#1, %scan3A_988 = %scan3A_550#2, %scan3A_989 = %scan3A_550#3) -> (vector<16xf32>, vector<16xf32>, vector<16xf32>, vector<16xf32>)  : i32 {
        %mul3A_990 = arith.constant 2 : i32
        %mul3A_991 = arith.muli %mul3A_990, %add3A_543 : i32
        %add3A_992 = arith.constant 1 : i32
        %add3A_993 = arith.addi %mul3A_991, %add3A_992 : i32
        %mul3A_994 = arith.constant 16 : i32
        %mul3A_995 = arith.muli %scan3A_985, %mul3A_994 : i32
        %get3A_996 = arith.index_cast %add3A_993 : i32 to index
        %get3A_997 = arith.index_cast %mul3A_995 : i32 to index
        %get3A_998 = tpu.vector_load %arg6[%get3A_996, %get3A_997] {strides = array<i32>} : memref<256x128xi32, #tpu.memory_space<vmem>>, vector<1x16xi32>,
        %get3A_999 = vector.shape_cast %get3A_998 : vector<1x16xi32> to vector<16xi32>
        %and3A_1000 = arith.constant 1 : i32
        %and3A_1001 = vector.broadcast %and3A_1000 : i32 to vector<16xi32>
        %and3A_1002 = arith.andi %get3A_999, %and3A_1001 : vector<16xi32>
        %slice3A_1003 = vector.extract_strided_slice %and3A_1002 {offsets = [0], sizes = [1], strides = [1]} : vector<16xi32> to vector<1xi32>
        %squeeze3A_1004 = vector.extract %slice3A_1003[0] : i32 from vector<1xi32>
        %mul3A_1005 = arith.constant 64 : i32
        %mul3A_1006 = arith.muli %squeeze3A_1004, %mul3A_1005 : i32
        %mul3A_1007 = arith.constant 16 : i32
        %mul3A_1008 = arith.muli %scan3A_985, %mul3A_1007 : i32
        %add3A_1009 = arith.constant 128 : i32
        %add3A_1010 = arith.addi %add3A_1009, %mul3A_1008 : i32
        %add3A_1011 = arith.constant 0 : i32
        %add3A_1012 = arith.addi %add3A_1010, %add3A_1011 : i32
        %add3A_1013 = arith.constant 0 : i32
        %add3A_1014 = arith.addi %mul3A_1006, %add3A_1013 : i32
        %get3A_1015 = arith.index_cast %add3A_1012 : i32 to index
        %get3A_1016 = arith.index_cast %add3A_1014 : i32 to index
        %get3A_1017 = tpu.vector_load %arg9[%get3A_1015, %get3A_1016] {strides = array<i32>} : memref<200x128xf32, #tpu.memory_space<vmem>>, vector<1x16xf32>,
        %get3A_1018 = vector.shape_cast %get3A_1017 : vector<1x16xf32> to vector<16xf32>
        %add3A_1019 = arith.addf %scan3A_986, %get3A_1018 : vector<16xf32>
        %add3A_1020 = arith.constant 16 : i32
        %add3A_1021 = arith.addi %mul3A_1006, %add3A_1020 : i32
        %get3A_1022 = arith.index_cast %add3A_1012 : i32 to index
        %get3A_1023 = arith.index_cast %add3A_1021 : i32 to index
        %get3A_1024 = tpu.vector_load %arg9[%get3A_1022, %get3A_1023] {strides = array<i32>} : memref<200x128xf32, #tpu.memory_space<vmem>>, vector<1x16xf32>,
        %get3A_1025 = vector.shape_cast %get3A_1024 : vector<1x16xf32> to vector<16xf32>
        %add3A_1026 = arith.addf %scan3A_987, %get3A_1025 : vector<16xf32>
        %add3A_1027 = arith.constant 32 : i32
        %add3A_1028 = arith.addi %mul3A_1006, %add3A_1027 : i32
        %get3A_1029 = arith.index_cast %add3A_1012 : i32 to index
        %get3A_1030 = arith.index_cast %add3A_1028 : i32 to index
        %get3A_1031 = tpu.vector_load %arg9[%get3A_1029, %get3A_1030] {strides = array<i32>} : memref<200x128xf32, #tpu.memory_space<vmem>>, vector<1x16xf32>,
        %get3A_1032 = vector.shape_cast %get3A_1031 : vector<1x16xf32> to vector<16xf32>
        %add3A_1033 = arith.addf %scan3A_988, %get3A_1032 : vector<16xf32>
        %add3A_1034 = arith.constant 48 : i32
        %add3A_1035 = arith.addi %mul3A_1006, %add3A_1034 : i32
        %get3A_1036 = arith.index_cast %add3A_1012 : i32 to index
        %get3A_1037 = arith.index_cast %add3A_1035 : i32 to index
        %get3A_1038 = tpu.vector_load %arg9[%get3A_1036, %get3A_1037] {strides = array<i32>} : memref<200x128xf32, #tpu.memory_space<vmem>>, vector<1x16xf32>,
        %get3A_1039 = vector.shape_cast %get3A_1038 : vector<1x16xf32> to vector<16xf32>
        %add3A_1040 = arith.addf %scan3A_989, %get3A_1039 : vector<16xf32>
        %slice3A_1041 = vector.extract_strided_slice %and3A_1002 {offsets = [1], sizes = [1], strides = [1]} : vector<16xi32> to vector<1xi32>
        %squeeze3A_1042 = vector.extract %slice3A_1041[0] : i32 from vector<1xi32>
        %mul3A_1043 = arith.constant 64 : i32
        %mul3A_1044 = arith.muli %squeeze3A_1042, %mul3A_1043 : i32
        %mul3A_1045 = arith.constant 16 : i32
        %mul3A_1046 = arith.muli %scan3A_985, %mul3A_1045 : i32
        %add3A_1047 = arith.constant 128 : i32
        %add3A_1048 = arith.addi %add3A_1047, %mul3A_1046 : i32
        %add3A_1049 = arith.constant 1 : i32
        %add3A_1050 = arith.addi %add3A_1048, %add3A_1049 : i32
        %add3A_1051 = arith.constant 0 : i32
        %add3A_1052 = arith.addi %mul3A_1044, %add3A_1051 : i32
        %get3A_1053 = arith.index_cast %add3A_1050 : i32 to index
        %get3A_1054 = arith.index_cast %add3A_1052 : i32 to index
        %get3A_1055 = tpu.vector_load %arg9[%get3A_1053, %get3A_1054] {strides = array<i32>} : memref<200x128xf32, #tpu.memory_space<vmem>>, vector<1x16xf32>,
        %get3A_1056 = vector.shape_cast %get3A_1055 : vector<1x16xf32> to vector<16xf32>
        %add3A_1057 = arith.addf %add3A_1019, %get3A_1056 : vector<16xf32>
        %add3A_1058 = arith.constant 16 : i32
        %add3A_1059 = arith.addi %mul3A_1044, %add3A_1058 : i32
        %get3A_1060 = arith.index_cast %add3A_1050 : i32 to index
        %get3A_1061 = arith.index_cast %add3A_1059 : i32 to index
        %get3A_1062 = tpu.vector_load %arg9[%get3A_1060, %get3A_1061] {strides = array<i32>} : memref<200x128xf32, #tpu.memory_space<vmem>>, vector<1x16xf32>,
        %get3A_1063 = vector.shape_cast %get3A_1062 : vector<1x16xf32> to vector<16xf32>
        %add3A_1064 = arith.addf %add3A_1026, %get3A_1063 : vector<16xf32>
        %add3A_1065 = arith.constant 32 : i32
        %add3A_1066 = arith.addi %mul3A_1044, %add3A_1065 : i32
        %get3A_1067 = arith.index_cast %add3A_1050 : i32 to index
        %get3A_1068 = arith.index_cast %add3A_1066 : i32 to index
        %get3A_1069 = tpu.vector_load %arg9[%get3A_1067, %get3A_1068] {strides = array<i32>} : memref<200x128xf32, #tpu.memory_space<vmem>>, vector<1x16xf32>,
        %get3A_1070 = vector.shape_cast %get3A_1069 : vector<1x16xf32> to vector<16xf32>
        %add3A_1071 = arith.addf %add3A_1033, %get3A_1070 : vector<16xf32>
        %add3A_1072 = arith.constant 48 : i32
        %add3A_1073 = arith.addi %mul3A_1044, %add3A_1072 : i32
        %get3A_1074 = arith.index_cast %add3A_1050 : i32 to index
        %get3A_1075 = arith.index_cast %add3A_1073 : i32 to index
        %get3A_1076 = tpu.vector_load %arg9[%get3A_1074, %get3A_1075] {strides = array<i32>} : memref<200x128xf32, #tpu.memory_space<vmem>>, vector<1x16xf32>,
        %get3A_1077 = vector.shape_cast %get3A_1076 : vector<1x16xf32> to vector<16xf32>
        %add3A_1078 = arith.addf %add3A_1040, %get3A_1077 : vector<16xf32>
        %slice3A_1079 = vector.extract_strided_slice %and3A_1002 {offsets = [2], sizes = [1], strides = [1]} : vector<16xi32> to vector<1xi32>
        %squeeze3A_1080 = vector.extract %slice3A_1079[0] : i32 from vector<1xi32>
        %mul3A_1081 = arith.constant 64 : i32
        %mul3A_1082 = arith.muli %squeeze3A_1080, %mul3A_1081 : i32
        %mul3A_1083 = arith.constant 16 : i32
        %mul3A_1084 = arith.muli %scan3A_985, %mul3A_1083 : i32
        %add3A_1085 = arith.constant 128 : i32
        %add3A_1086 = arith.addi %add3A_1085, %mul3A_1084 : i32
        %add3A_1087 = arith.constant 2 : i32
        %add3A_1088 = arith.addi %add3A_1086, %add3A_1087 : i32
        %add3A_1089 = arith.constant 0 : i32
        %add3A_1090 = arith.addi %mul3A_1082, %add3A_1089 : i32
        %get3A_1091 = arith.index_cast %add3A_1088 : i32 to index
        %get3A_1092 = arith.index_cast %add3A_1090 : i32 to index
        %get3A_1093 = tpu.vector_load %arg9[%get3A_1091, %get3A_1092] {strides = array<i32>} : memref<200x128xf32, #tpu.memory_space<vmem>>, vector<1x16xf32>,
        %get3A_1094 = vector.shape_cast %get3A_1093 : vector<1x16xf32> to vector<16xf32>
        %add3A_1095 = arith.addf %add3A_1057, %get3A_1094 : vector<16xf32>
        %add3A_1096 = arith.constant 16 : i32
        %add3A_1097 = arith.addi %mul3A_1082, %add3A_1096 : i32
        %get3A_1098 = arith.index_cast %add3A_1088 : i32 to index
        %get3A_1099 = arith.index_cast %add3A_1097 : i32 to index
        %get3A_1100 = tpu.vector_load %arg9[%get3A_1098, %get3A_1099] {strides = array<i32>} : memref<200x128xf32, #tpu.memory_space<vmem>>, vector<1x16xf32>,
        %get3A_1101 = vector.shape_cast %get3A_1100 : vector<1x16xf32> to vector<16xf32>
        %add3A_1102 = arith.addf %add3A_1064, %get3A_1101 : vector<16xf32>
        %add3A_1103 = arith.constant 32 : i32
        %add3A_1104 = arith.addi %mul3A_1082, %add3A_1103 : i32
        %get3A_1105 = arith.index_cast %add3A_1088 : i32 to index
        %get3A_1106 = arith.index_cast %add3A_1104 : i32 to index
        %get3A_1107 = tpu.vector_load %arg9[%get3A_1105, %get3A_1106] {strides = array<i32>} : memref<200x128xf32, #tpu.memory_space<vmem>>, vector<1x16xf32>,
        %get3A_1108 = vector.shape_cast %get3A_1107 : vector<1x16xf32> to vector<16xf32>
        %add3A_1109 = arith.addf %add3A_1071, %get3A_1108 : vector<16xf32>
        %add3A_1110 = arith.constant 48 : i32
        %add3A_1111 = arith.addi %mul3A_1082, %add3A_1110 : i32
        %get3A_1112 = arith.index_cast %add3A_1088 : i32 to index
        %get3A_1113 = arith.index_cast %add3A_1111 : i32 to index
        %get3A_1114 = tpu.vector_load %arg9[%get3A_1112, %get3A_1113] {strides = array<i32>} : memref<200x128xf32, #tpu.memory_space<vmem>>, vector<1x16xf32>,
        %get3A_1115 = vector.shape_cast %get3A_1114 : vector<1x16xf32> to vector<16xf32>
        %add3A_1116 = arith.addf %add3A_1078, %get3A_1115 : vector<16xf32>
        %slice3A_1117 = vector.extract_strided_slice %and3A_1002 {offsets = [3], sizes = [1], strides = [1]} : vector<16xi32> to vector<1xi32>
        %squeeze3A_1118 = vector.extract %slice3A_1117[0] : i32 from vector<1xi32>
        %mul3A_1119 = arith.constant 64 : i32
        %mul3A_1120 = arith.muli %squeeze3A_1118, %mul3A_1119 : i32
        %mul3A_1121 = arith.constant 16 : i32
        %mul3A_1122 = arith.muli %scan3A_985, %mul3A_1121 : i32
        %add3A_1123 = arith.constant 128 : i32
        %add3A_1124 = arith.addi %add3A_1123, %mul3A_1122 : i32
        %add3A_1125 = arith.constant 3 : i32
        %add3A_1126 = arith.addi %add3A_1124, %add3A_1125 : i32
        %add3A_1127 = arith.constant 0 : i32
        %add3A_1128 = arith.addi %mul3A_1120, %add3A_1127 : i32
        %get3A_1129 = arith.index_cast %add3A_1126 : i32 to index
        %get3A_1130 = arith.index_cast %add3A_1128 : i32 to index
        %get3A_1131 = tpu.vector_load %arg9[%get3A_1129, %get3A_1130] {strides = array<i32>} : memref<200x128xf32, #tpu.memory_space<vmem>>, vector<1x16xf32>,
        %get3A_1132 = vector.shape_cast %get3A_1131 : vector<1x16xf32> to vector<16xf32>
        %add3A_1133 = arith.addf %add3A_1095, %get3A_1132 : vector<16xf32>
        %add3A_1134 = arith.constant 16 : i32
        %add3A_1135 = arith.addi %mul3A_1120, %add3A_1134 : i32
        %get3A_1136 = arith.index_cast %add3A_1126 : i32 to index
        %get3A_1137 = arith.index_cast %add3A_1135 : i32 to index
        %get3A_1138 = tpu.vector_load %arg9[%get3A_1136, %get3A_1137] {strides = array<i32>} : memref<200x128xf32, #tpu.memory_space<vmem>>, vector<1x16xf32>,
        %get3A_1139 = vector.shape_cast %get3A_1138 : vector<1x16xf32> to vector<16xf32>
        %add3A_1140 = arith.addf %add3A_1102, %get3A_1139 : vector<16xf32>
        %add3A_1141 = arith.constant 32 : i32
        %add3A_1142 = arith.addi %mul3A_1120, %add3A_1141 : i32
        %get3A_1143 = arith.index_cast %add3A_1126 : i32 to index
        %get3A_1144 = arith.index_cast %add3A_1142 : i32 to index
        %get3A_1145 = tpu.vector_load %arg9[%get3A_1143, %get3A_1144] {strides = array<i32>} : memref<200x128xf32, #tpu.memory_space<vmem>>, vector<1x16xf32>,
        %get3A_1146 = vector.shape_cast %get3A_1145 : vector<1x16xf32> to vector<16xf32>
        %add3A_1147 = arith.addf %add3A_1109, %get3A_1146 : vector<16xf32>
        %add3A_1148 = arith.constant 48 : i32
        %add3A_1149 = arith.addi %mul3A_1120, %add3A_1148 : i32
        %get3A_1150 = arith.index_cast %add3A_1126 : i32 to index
        %get3A_1151 = arith.index_cast %add3A_1149 : i32 to index
        %get3A_1152 = tpu.vector_load %arg9[%get3A_1150, %get3A_1151] {strides = array<i32>} : memref<200x128xf32, #tpu.memory_space<vmem>>, vector<1x16xf32>,
        %get3A_1153 = vector.shape_cast %get3A_1152 : vector<1x16xf32> to vector<16xf32>
        %add3A_1154 = arith.addf %add3A_1116, %get3A_1153 : vector<16xf32>
        %slice3A_1155 = vector.extract_strided_slice %and3A_1002 {offsets = [4], sizes = [1], strides = [1]} : vector<16xi32> to vector<1xi32>
        %squeeze3A_1156 = vector.extract %slice3A_1155[0] : i32 from vector<1xi32>
        %mul3A_1157 = arith.constant 64 : i32
        %mul3A_1158 = arith.muli %squeeze3A_1156, %mul3A_1157 : i32
        %mul3A_1159 = arith.constant 16 : i32
        %mul3A_1160 = arith.muli %scan3A_985, %mul3A_1159 : i32
        %add3A_1161 = arith.constant 128 : i32
        %add3A_1162 = arith.addi %add3A_1161, %mul3A_1160 : i32
        %add3A_1163 = arith.constant 4 : i32
        %add3A_1164 = arith.addi %add3A_1162, %add3A_1163 : i32
        %add3A_1165 = arith.constant 0 : i32
        %add3A_1166 = arith.addi %mul3A_1158, %add3A_1165 : i32
        %get3A_1167 = arith.index_cast %add3A_1164 : i32 to index
        %get3A_1168 = arith.index_cast %add3A_1166 : i32 to index
        %get3A_1169 = tpu.vector_load %arg9[%get3A_1167, %get3A_1168] {strides = array<i32>} : memref<200x128xf32, #tpu.memory_space<vmem>>, vector<1x16xf32>,
        %get3A_1170 = vector.shape_cast %get3A_1169 : vector<1x16xf32> to vector<16xf32>
        %add3A_1171 = arith.addf %add3A_1133, %get3A_1170 : vector<16xf32>
        %add3A_1172 = arith.constant 16 : i32
        %add3A_1173 = arith.addi %mul3A_1158, %add3A_1172 : i32
        %get3A_1174 = arith.index_cast %add3A_1164 : i32 to index
        %get3A_1175 = arith.index_cast %add3A_1173 : i32 to index
        %get3A_1176 = tpu.vector_load %arg9[%get3A_1174, %get3A_1175] {strides = array<i32>} : memref<200x128xf32, #tpu.memory_space<vmem>>, vector<1x16xf32>,
        %get3A_1177 = vector.shape_cast %get3A_1176 : vector<1x16xf32> to vector<16xf32>
        %add3A_1178 = arith.addf %add3A_1140, %get3A_1177 : vector<16xf32>
        %add3A_1179 = arith.constant 32 : i32
        %add3A_1180 = arith.addi %mul3A_1158, %add3A_1179 : i32
        %get3A_1181 = arith.index_cast %add3A_1164 : i32 to index
        %get3A_1182 = arith.index_cast %add3A_1180 : i32 to index
        %get3A_1183 = tpu.vector_load %arg9[%get3A_1181, %get3A_1182] {strides = array<i32>} : memref<200x128xf32, #tpu.memory_space<vmem>>, vector<1x16xf32>,
        %get3A_1184 = vector.shape_cast %get3A_1183 : vector<1x16xf32> to vector<16xf32>
        %add3A_1185 = arith.addf %add3A_1147, %get3A_1184 : vector<16xf32>
        %add3A_1186 = arith.constant 48 : i32
        %add3A_1187 = arith.addi %mul3A_1158, %add3A_1186 : i32
        %get3A_1188 = arith.index_cast %add3A_1164 : i32 to index
        %get3A_1189 = arith.index_cast %add3A_1187 : i32 to index
        %get3A_1190 = tpu.vector_load %arg9[%get3A_1188, %get3A_1189] {strides = array<i32>} : memref<200x128xf32, #tpu.memory_space<vmem>>, vector<1x16xf32>,
        %get3A_1191 = vector.shape_cast %get3A_1190 : vector<1x16xf32> to vector<16xf32>
        %add3A_1192 = arith.addf %add3A_1154, %get3A_1191 : vector<16xf32>
        %slice3A_1193 = vector.extract_strided_slice %and3A_1002 {offsets = [5], sizes = [1], strides = [1]} : vector<16xi32> to vector<1xi32>
        %squeeze3A_1194 = vector.extract %slice3A_1193[0] : i32 from vector<1xi32>
        %mul3A_1195 = arith.constant 64 : i32
        %mul3A_1196 = arith.muli %squeeze3A_1194, %mul3A_1195 : i32
        %mul3A_1197 = arith.constant 16 : i32
        %mul3A_1198 = arith.muli %scan3A_985, %mul3A_1197 : i32
        %add3A_1199 = arith.constant 128 : i32
        %add3A_1200 = arith.addi %add3A_1199, %mul3A_1198 : i32
        %add3A_1201 = arith.constant 5 : i32
        %add3A_1202 = arith.addi %add3A_1200, %add3A_1201 : i32
        %add3A_1203 = arith.constant 0 : i32
        %add3A_1204 = arith.addi %mul3A_1196, %add3A_1203 : i32
        %get3A_1205 = arith.index_cast %add3A_1202 : i32 to index
        %get3A_1206 = arith.index_cast %add3A_1204 : i32 to index
        %get3A_1207 = tpu.vector_load %arg9[%get3A_1205, %get3A_1206] {strides = array<i32>} : memref<200x128xf32, #tpu.memory_space<vmem>>, vector<1x16xf32>,
        %get3A_1208 = vector.shape_cast %get3A_1207 : vector<1x16xf32> to vector<16xf32>
        %add3A_1209 = arith.addf %add3A_1171, %get3A_1208 : vector<16xf32>
        %add3A_1210 = arith.constant 16 : i32
        %add3A_1211 = arith.addi %mul3A_1196, %add3A_1210 : i32
        %get3A_1212 = arith.index_cast %add3A_1202 : i32 to index
        %get3A_1213 = arith.index_cast %add3A_1211 : i32 to index
        %get3A_1214 = tpu.vector_load %arg9[%get3A_1212, %get3A_1213] {strides = array<i32>} : memref<200x128xf32, #tpu.memory_space<vmem>>, vector<1x16xf32>,
        %get3A_1215 = vector.shape_cast %get3A_1214 : vector<1x16xf32> to vector<16xf32>
        %add3A_1216 = arith.addf %add3A_1178, %get3A_1215 : vector<16xf32>
        %add3A_1217 = arith.constant 32 : i32
        %add3A_1218 = arith.addi %mul3A_1196, %add3A_1217 : i32
        %get3A_1219 = arith.index_cast %add3A_1202 : i32 to index
        %get3A_1220 = arith.index_cast %add3A_1218 : i32 to index
        %get3A_1221 = tpu.vector_load %arg9[%get3A_1219, %get3A_1220] {strides = array<i32>} : memref<200x128xf32, #tpu.memory_space<vmem>>, vector<1x16xf32>,
        %get3A_1222 = vector.shape_cast %get3A_1221 : vector<1x16xf32> to vector<16xf32>
        %add3A_1223 = arith.addf %add3A_1185, %get3A_1222 : vector<16xf32>
        %add3A_1224 = arith.constant 48 : i32
        %add3A_1225 = arith.addi %mul3A_1196, %add3A_1224 : i32
        %get3A_1226 = arith.index_cast %add3A_1202 : i32 to index
        %get3A_1227 = arith.index_cast %add3A_1225 : i32 to index
        %get3A_1228 = tpu.vector_load %arg9[%get3A_1226, %get3A_1227] {strides = array<i32>} : memref<200x128xf32, #tpu.memory_space<vmem>>, vector<1x16xf32>,
        %get3A_1229 = vector.shape_cast %get3A_1228 : vector<1x16xf32> to vector<16xf32>
        %add3A_1230 = arith.addf %add3A_1192, %get3A_1229 : vector<16xf32>
        %slice3A_1231 = vector.extract_strided_slice %and3A_1002 {offsets = [6], sizes = [1], strides = [1]} : vector<16xi32> to vector<1xi32>
        %squeeze3A_1232 = vector.extract %slice3A_1231[0] : i32 from vector<1xi32>
        %mul3A_1233 = arith.constant 64 : i32
        %mul3A_1234 = arith.muli %squeeze3A_1232, %mul3A_1233 : i32
        %mul3A_1235 = arith.constant 16 : i32
        %mul3A_1236 = arith.muli %scan3A_985, %mul3A_1235 : i32
        %add3A_1237 = arith.constant 128 : i32
        %add3A_1238 = arith.addi %add3A_1237, %mul3A_1236 : i32
        %add3A_1239 = arith.constant 6 : i32
        %add3A_1240 = arith.addi %add3A_1238, %add3A_1239 : i32
        %add3A_1241 = arith.constant 0 : i32
        %add3A_1242 = arith.addi %mul3A_1234, %add3A_1241 : i32
        %get3A_1243 = arith.index_cast %add3A_1240 : i32 to index
        %get3A_1244 = arith.index_cast %add3A_1242 : i32 to index
        %get3A_1245 = tpu.vector_load %arg9[%get3A_1243, %get3A_1244] {strides = array<i32>} : memref<200x128xf32, #tpu.memory_space<vmem>>, vector<1x16xf32>,
        %get3A_1246 = vector.shape_cast %get3A_1245 : vector<1x16xf32> to vector<16xf32>
        %add3A_1247 = arith.addf %add3A_1209, %get3A_1246 : vector<16xf32>
        %add3A_1248 = arith.constant 16 : i32
        %add3A_1249 = arith.addi %mul3A_1234, %add3A_1248 : i32
        %get3A_1250 = arith.index_cast %add3A_1240 : i32 to index
        %get3A_1251 = arith.index_cast %add3A_1249 : i32 to index
        %get3A_1252 = tpu.vector_load %arg9[%get3A_1250, %get3A_1251] {strides = array<i32>} : memref<200x128xf32, #tpu.memory_space<vmem>>, vector<1x16xf32>,
        %get3A_1253 = vector.shape_cast %get3A_1252 : vector<1x16xf32> to vector<16xf32>
        %add3A_1254 = arith.addf %add3A_1216, %get3A_1253 : vector<16xf32>
        %add3A_1255 = arith.constant 32 : i32
        %add3A_1256 = arith.addi %mul3A_1234, %add3A_1255 : i32
        %get3A_1257 = arith.index_cast %add3A_1240 : i32 to index
        %get3A_1258 = arith.index_cast %add3A_1256 : i32 to index
        %get3A_1259 = tpu.vector_load %arg9[%get3A_1257, %get3A_1258] {strides = array<i32>} : memref<200x128xf32, #tpu.memory_space<vmem>>, vector<1x16xf32>,
        %get3A_1260 = vector.shape_cast %get3A_1259 : vector<1x16xf32> to vector<16xf32>
        %add3A_1261 = arith.addf %add3A_1223, %get3A_1260 : vector<16xf32>
        %add3A_1262 = arith.constant 48 : i32
        %add3A_1263 = arith.addi %mul3A_1234, %add3A_1262 : i32
        %get3A_1264 = arith.index_cast %add3A_1240 : i32 to index
        %get3A_1265 = arith.index_cast %add3A_1263 : i32 to index
        %get3A_1266 = tpu.vector_load %arg9[%get3A_1264, %get3A_1265] {strides = array<i32>} : memref<200x128xf32, #tpu.memory_space<vmem>>, vector<1x16xf32>,
        %get3A_1267 = vector.shape_cast %get3A_1266 : vector<1x16xf32> to vector<16xf32>
        %add3A_1268 = arith.addf %add3A_1230, %get3A_1267 : vector<16xf32>
        %slice3A_1269 = vector.extract_strided_slice %and3A_1002 {offsets = [7], sizes = [1], strides = [1]} : vector<16xi32> to vector<1xi32>
        %squeeze3A_1270 = vector.extract %slice3A_1269[0] : i32 from vector<1xi32>
        %mul3A_1271 = arith.constant 64 : i32
        %mul3A_1272 = arith.muli %squeeze3A_1270, %mul3A_1271 : i32
        %mul3A_1273 = arith.constant 16 : i32
        %mul3A_1274 = arith.muli %scan3A_985, %mul3A_1273 : i32
        %add3A_1275 = arith.constant 128 : i32
        %add3A_1276 = arith.addi %add3A_1275, %mul3A_1274 : i32
        %add3A_1277 = arith.constant 7 : i32
        %add3A_1278 = arith.addi %add3A_1276, %add3A_1277 : i32
        %add3A_1279 = arith.constant 0 : i32
        %add3A_1280 = arith.addi %mul3A_1272, %add3A_1279 : i32
        %get3A_1281 = arith.index_cast %add3A_1278 : i32 to index
        %get3A_1282 = arith.index_cast %add3A_1280 : i32 to index
        %get3A_1283 = tpu.vector_load %arg9[%get3A_1281, %get3A_1282] {strides = array<i32>} : memref<200x128xf32, #tpu.memory_space<vmem>>, vector<1x16xf32>,
        %get3A_1284 = vector.shape_cast %get3A_1283 : vector<1x16xf32> to vector<16xf32>
        %add3A_1285 = arith.addf %add3A_1247, %get3A_1284 : vector<16xf32>
        %add3A_1286 = arith.constant 16 : i32
        %add3A_1287 = arith.addi %mul3A_1272, %add3A_1286 : i32
        %get3A_1288 = arith.index_cast %add3A_1278 : i32 to index
        %get3A_1289 = arith.index_cast %add3A_1287 : i32 to index
        %get3A_1290 = tpu.vector_load %arg9[%get3A_1288, %get3A_1289] {strides = array<i32>} : memref<200x128xf32, #tpu.memory_space<vmem>>, vector<1x16xf32>,
        %get3A_1291 = vector.shape_cast %get3A_1290 : vector<1x16xf32> to vector<16xf32>
        %add3A_1292 = arith.addf %add3A_1254, %get3A_1291 : vector<16xf32>
        %add3A_1293 = arith.constant 32 : i32
        %add3A_1294 = arith.addi %mul3A_1272, %add3A_1293 : i32
        %get3A_1295 = arith.index_cast %add3A_1278 : i32 to index
        %get3A_1296 = arith.index_cast %add3A_1294 : i32 to index
        %get3A_1297 = tpu.vector_load %arg9[%get3A_1295, %get3A_1296] {strides = array<i32>} : memref<200x128xf32, #tpu.memory_space<vmem>>, vector<1x16xf32>,
        %get3A_1298 = vector.shape_cast %get3A_1297 : vector<1x16xf32> to vector<16xf32>
        %add3A_1299 = arith.addf %add3A_1261, %get3A_1298 : vector<16xf32>
        %add3A_1300 = arith.constant 48 : i32
        %add3A_1301 = arith.addi %mul3A_1272, %add3A_1300 : i32
        %get3A_1302 = arith.index_cast %add3A_1278 : i32 to index
        %get3A_1303 = arith.index_cast %add3A_1301 : i32 to index
        %get3A_1304 = tpu.vector_load %arg9[%get3A_1302, %get3A_1303] {strides = array<i32>} : memref<200x128xf32, #tpu.memory_space<vmem>>, vector<1x16xf32>,
        %get3A_1305 = vector.shape_cast %get3A_1304 : vector<1x16xf32> to vector<16xf32>
        %add3A_1306 = arith.addf %add3A_1268, %get3A_1305 : vector<16xf32>
        %slice3A_1307 = vector.extract_strided_slice %and3A_1002 {offsets = [8], sizes = [1], strides = [1]} : vector<16xi32> to vector<1xi32>
        %squeeze3A_1308 = vector.extract %slice3A_1307[0] : i32 from vector<1xi32>
        %mul3A_1309 = arith.constant 64 : i32
        %mul3A_1310 = arith.muli %squeeze3A_1308, %mul3A_1309 : i32
        %mul3A_1311 = arith.constant 16 : i32
        %mul3A_1312 = arith.muli %scan3A_985, %mul3A_1311 : i32
        %add3A_1313 = arith.constant 128 : i32
        %add3A_1314 = arith.addi %add3A_1313, %mul3A_1312 : i32
        %add3A_1315 = arith.constant 8 : i32
        %add3A_1316 = arith.addi %add3A_1314, %add3A_1315 : i32
        %add3A_1317 = arith.constant 0 : i32
        %add3A_1318 = arith.addi %mul3A_1310, %add3A_1317 : i32
        %get3A_1319 = arith.index_cast %add3A_1316 : i32 to index
        %get3A_1320 = arith.index_cast %add3A_1318 : i32 to index
        %get3A_1321 = tpu.vector_load %arg9[%get3A_1319, %get3A_1320] {strides = array<i32>} : memref<200x128xf32, #tpu.memory_space<vmem>>, vector<1x16xf32>,
        %get3A_1322 = vector.shape_cast %get3A_1321 : vector<1x16xf32> to vector<16xf32>
        %add3A_1323 = arith.addf %add3A_1285, %get3A_1322 : vector<16xf32>
        %add3A_1324 = arith.constant 16 : i32
        %add3A_1325 = arith.addi %mul3A_1310, %add3A_1324 : i32
        %get3A_1326 = arith.index_cast %add3A_1316 : i32 to index
        %get3A_1327 = arith.index_cast %add3A_1325 : i32 to index
        %get3A_1328 = tpu.vector_load %arg9[%get3A_1326, %get3A_1327] {strides = array<i32>} : memref<200x128xf32, #tpu.memory_space<vmem>>, vector<1x16xf32>,
        %get3A_1329 = vector.shape_cast %get3A_1328 : vector<1x16xf32> to vector<16xf32>
        %add3A_1330 = arith.addf %add3A_1292, %get3A_1329 : vector<16xf32>
        %add3A_1331 = arith.constant 32 : i32
        %add3A_1332 = arith.addi %mul3A_1310, %add3A_1331 : i32
        %get3A_1333 = arith.index_cast %add3A_1316 : i32 to index
        %get3A_1334 = arith.index_cast %add3A_1332 : i32 to index
        %get3A_1335 = tpu.vector_load %arg9[%get3A_1333, %get3A_1334] {strides = array<i32>} : memref<200x128xf32, #tpu.memory_space<vmem>>, vector<1x16xf32>,
        %get3A_1336 = vector.shape_cast %get3A_1335 : vector<1x16xf32> to vector<16xf32>
        %add3A_1337 = arith.addf %add3A_1299, %get3A_1336 : vector<16xf32>
        %add3A_1338 = arith.constant 48 : i32
        %add3A_1339 = arith.addi %mul3A_1310, %add3A_1338 : i32
        %get3A_1340 = arith.index_cast %add3A_1316 : i32 to index
        %get3A_1341 = arith.index_cast %add3A_1339 : i32 to index
        %get3A_1342 = tpu.vector_load %arg9[%get3A_1340, %get3A_1341] {strides = array<i32>} : memref<200x128xf32, #tpu.memory_space<vmem>>, vector<1x16xf32>,
        %get3A_1343 = vector.shape_cast %get3A_1342 : vector<1x16xf32> to vector<16xf32>
        %add3A_1344 = arith.addf %add3A_1306, %get3A_1343 : vector<16xf32>
        %slice3A_1345 = vector.extract_strided_slice %and3A_1002 {offsets = [9], sizes = [1], strides = [1]} : vector<16xi32> to vector<1xi32>
        %squeeze3A_1346 = vector.extract %slice3A_1345[0] : i32 from vector<1xi32>
        %mul3A_1347 = arith.constant 64 : i32
        %mul3A_1348 = arith.muli %squeeze3A_1346, %mul3A_1347 : i32
        %mul3A_1349 = arith.constant 16 : i32
        %mul3A_1350 = arith.muli %scan3A_985, %mul3A_1349 : i32
        %add3A_1351 = arith.constant 128 : i32
        %add3A_1352 = arith.addi %add3A_1351, %mul3A_1350 : i32
        %add3A_1353 = arith.constant 9 : i32
        %add3A_1354 = arith.addi %add3A_1352, %add3A_1353 : i32
        %add3A_1355 = arith.constant 0 : i32
        %add3A_1356 = arith.addi %mul3A_1348, %add3A_1355 : i32
        %get3A_1357 = arith.index_cast %add3A_1354 : i32 to index
        %get3A_1358 = arith.index_cast %add3A_1356 : i32 to index
        %get3A_1359 = tpu.vector_load %arg9[%get3A_1357, %get3A_1358] {strides = array<i32>} : memref<200x128xf32, #tpu.memory_space<vmem>>, vector<1x16xf32>,
        %get3A_1360 = vector.shape_cast %get3A_1359 : vector<1x16xf32> to vector<16xf32>
        %add3A_1361 = arith.addf %add3A_1323, %get3A_1360 : vector<16xf32>
        %add3A_1362 = arith.constant 16 : i32
        %add3A_1363 = arith.addi %mul3A_1348, %add3A_1362 : i32
        %get3A_1364 = arith.index_cast %add3A_1354 : i32 to index
        %get3A_1365 = arith.index_cast %add3A_1363 : i32 to index
        %get3A_1366 = tpu.vector_load %arg9[%get3A_1364, %get3A_1365] {strides = array<i32>} : memref<200x128xf32, #tpu.memory_space<vmem>>, vector<1x16xf32>,
        %get3A_1367 = vector.shape_cast %get3A_1366 : vector<1x16xf32> to vector<16xf32>
        %add3A_1368 = arith.addf %add3A_1330, %get3A_1367 : vector<16xf32>
        %add3A_1369 = arith.constant 32 : i32
        %add3A_1370 = arith.addi %mul3A_1348, %add3A_1369 : i32
        %get3A_1371 = arith.index_cast %add3A_1354 : i32 to index
        %get3A_1372 = arith.index_cast %add3A_1370 : i32 to index
        %get3A_1373 = tpu.vector_load %arg9[%get3A_1371, %get3A_1372] {strides = array<i32>} : memref<200x128xf32, #tpu.memory_space<vmem>>, vector<1x16xf32>,
        %get3A_1374 = vector.shape_cast %get3A_1373 : vector<1x16xf32> to vector<16xf32>
        %add3A_1375 = arith.addf %add3A_1337, %get3A_1374 : vector<16xf32>
        %add3A_1376 = arith.constant 48 : i32
        %add3A_1377 = arith.addi %mul3A_1348, %add3A_1376 : i32
        %get3A_1378 = arith.index_cast %add3A_1354 : i32 to index
        %get3A_1379 = arith.index_cast %add3A_1377 : i32 to index
        %get3A_1380 = tpu.vector_load %arg9[%get3A_1378, %get3A_1379] {strides = array<i32>} : memref<200x128xf32, #tpu.memory_space<vmem>>, vector<1x16xf32>,
        %get3A_1381 = vector.shape_cast %get3A_1380 : vector<1x16xf32> to vector<16xf32>
        %add3A_1382 = arith.addf %add3A_1344, %get3A_1381 : vector<16xf32>
        %slice3A_1383 = vector.extract_strided_slice %and3A_1002 {offsets = [10], sizes = [1], strides = [1]} : vector<16xi32> to vector<1xi32>
        %squeeze3A_1384 = vector.extract %slice3A_1383[0] : i32 from vector<1xi32>
        %mul3A_1385 = arith.constant 64 : i32
        %mul3A_1386 = arith.muli %squeeze3A_1384, %mul3A_1385 : i32
        %mul3A_1387 = arith.constant 16 : i32
        %mul3A_1388 = arith.muli %scan3A_985, %mul3A_1387 : i32
        %add3A_1389 = arith.constant 128 : i32
        %add3A_1390 = arith.addi %add3A_1389, %mul3A_1388 : i32
        %add3A_1391 = arith.constant 10 : i32
        %add3A_1392 = arith.addi %add3A_1390, %add3A_1391 : i32
        %add3A_1393 = arith.constant 0 : i32
        %add3A_1394 = arith.addi %mul3A_1386, %add3A_1393 : i32
        %get3A_1395 = arith.index_cast %add3A_1392 : i32 to index
        %get3A_1396 = arith.index_cast %add3A_1394 : i32 to index
        %get3A_1397 = tpu.vector_load %arg9[%get3A_1395, %get3A_1396] {strides = array<i32>} : memref<200x128xf32, #tpu.memory_space<vmem>>, vector<1x16xf32>,
        %get3A_1398 = vector.shape_cast %get3A_1397 : vector<1x16xf32> to vector<16xf32>
        %add3A_1399 = arith.addf %add3A_1361, %get3A_1398 : vector<16xf32>
        %add3A_1400 = arith.constant 16 : i32
        %add3A_1401 = arith.addi %mul3A_1386, %add3A_1400 : i32
        %get3A_1402 = arith.index_cast %add3A_1392 : i32 to index
        %get3A_1403 = arith.index_cast %add3A_1401 : i32 to index
        %get3A_1404 = tpu.vector_load %arg9[%get3A_1402, %get3A_1403] {strides = array<i32>} : memref<200x128xf32, #tpu.memory_space<vmem>>, vector<1x16xf32>,
        %get3A_1405 = vector.shape_cast %get3A_1404 : vector<1x16xf32> to vector<16xf32>
        %add3A_1406 = arith.addf %add3A_1368, %get3A_1405 : vector<16xf32>
        %add3A_1407 = arith.constant 32 : i32
        %add3A_1408 = arith.addi %mul3A_1386, %add3A_1407 : i32
        %get3A_1409 = arith.index_cast %add3A_1392 : i32 to index
        %get3A_1410 = arith.index_cast %add3A_1408 : i32 to index
        %get3A_1411 = tpu.vector_load %arg9[%get3A_1409, %get3A_1410] {strides = array<i32>} : memref<200x128xf32, #tpu.memory_space<vmem>>, vector<1x16xf32>,
        %get3A_1412 = vector.shape_cast %get3A_1411 : vector<1x16xf32> to vector<16xf32>
        %add3A_1413 = arith.addf %add3A_1375, %get3A_1412 : vector<16xf32>
        %add3A_1414 = arith.constant 48 : i32
        %add3A_1415 = arith.addi %mul3A_1386, %add3A_1414 : i32
        %get3A_1416 = arith.index_cast %add3A_1392 : i32 to index
        %get3A_1417 = arith.index_cast %add3A_1415 : i32 to index
        %get3A_1418 = tpu.vector_load %arg9[%get3A_1416, %get3A_1417] {strides = array<i32>} : memref<200x128xf32, #tpu.memory_space<vmem>>, vector<1x16xf32>,
        %get3A_1419 = vector.shape_cast %get3A_1418 : vector<1x16xf32> to vector<16xf32>
        %add3A_1420 = arith.addf %add3A_1382, %get3A_1419 : vector<16xf32>
        %slice3A_1421 = vector.extract_strided_slice %and3A_1002 {offsets = [11], sizes = [1], strides = [1]} : vector<16xi32> to vector<1xi32>
        %squeeze3A_1422 = vector.extract %slice3A_1421[0] : i32 from vector<1xi32>
        %mul3A_1423 = arith.constant 64 : i32
        %mul3A_1424 = arith.muli %squeeze3A_1422, %mul3A_1423 : i32
        %mul3A_1425 = arith.constant 16 : i32
        %mul3A_1426 = arith.muli %scan3A_985, %mul3A_1425 : i32
        %add3A_1427 = arith.constant 128 : i32
        %add3A_1428 = arith.addi %add3A_1427, %mul3A_1426 : i32
        %add3A_1429 = arith.constant 11 : i32
        %add3A_1430 = arith.addi %add3A_1428, %add3A_1429 : i32
        %add3A_1431 = arith.constant 0 : i32
        %add3A_1432 = arith.addi %mul3A_1424, %add3A_1431 : i32
        %get3A_1433 = arith.index_cast %add3A_1430 : i32 to index
        %get3A_1434 = arith.index_cast %add3A_1432 : i32 to index
        %get3A_1435 = tpu.vector_load %arg9[%get3A_1433, %get3A_1434] {strides = array<i32>} : memref<200x128xf32, #tpu.memory_space<vmem>>, vector<1x16xf32>,
        %get3A_1436 = vector.shape_cast %get3A_1435 : vector<1x16xf32> to vector<16xf32>
        %add3A_1437 = arith.addf %add3A_1399, %get3A_1436 : vector<16xf32>
        %add3A_1438 = arith.constant 16 : i32
        %add3A_1439 = arith.addi %mul3A_1424, %add3A_1438 : i32
        %get3A_1440 = arith.index_cast %add3A_1430 : i32 to index
        %get3A_1441 = arith.index_cast %add3A_1439 : i32 to index
        %get3A_1442 = tpu.vector_load %arg9[%get3A_1440, %get3A_1441] {strides = array<i32>} : memref<200x128xf32, #tpu.memory_space<vmem>>, vector<1x16xf32>,
        %get3A_1443 = vector.shape_cast %get3A_1442 : vector<1x16xf32> to vector<16xf32>
        %add3A_1444 = arith.addf %add3A_1406, %get3A_1443 : vector<16xf32>
        %add3A_1445 = arith.constant 32 : i32
        %add3A_1446 = arith.addi %mul3A_1424, %add3A_1445 : i32
        %get3A_1447 = arith.index_cast %add3A_1430 : i32 to index
        %get3A_1448 = arith.index_cast %add3A_1446 : i32 to index
        %get3A_1449 = tpu.vector_load %arg9[%get3A_1447, %get3A_1448] {strides = array<i32>} : memref<200x128xf32, #tpu.memory_space<vmem>>, vector<1x16xf32>,
        %get3A_1450 = vector.shape_cast %get3A_1449 : vector<1x16xf32> to vector<16xf32>
        %add3A_1451 = arith.addf %add3A_1413, %get3A_1450 : vector<16xf32>
        %add3A_1452 = arith.constant 48 : i32
        %add3A_1453 = arith.addi %mul3A_1424, %add3A_1452 : i32
        %get3A_1454 = arith.index_cast %add3A_1430 : i32 to index
        %get3A_1455 = arith.index_cast %add3A_1453 : i32 to index
        %get3A_1456 = tpu.vector_load %arg9[%get3A_1454, %get3A_1455] {strides = array<i32>} : memref<200x128xf32, #tpu.memory_space<vmem>>, vector<1x16xf32>,
        %get3A_1457 = vector.shape_cast %get3A_1456 : vector<1x16xf32> to vector<16xf32>
        %add3A_1458 = arith.addf %add3A_1420, %get3A_1457 : vector<16xf32>
        %slice3A_1459 = vector.extract_strided_slice %and3A_1002 {offsets = [12], sizes = [1], strides = [1]} : vector<16xi32> to vector<1xi32>
        %squeeze3A_1460 = vector.extract %slice3A_1459[0] : i32 from vector<1xi32>
        %mul3A_1461 = arith.constant 64 : i32
        %mul3A_1462 = arith.muli %squeeze3A_1460, %mul3A_1461 : i32
        %mul3A_1463 = arith.constant 16 : i32
        %mul3A_1464 = arith.muli %scan3A_985, %mul3A_1463 : i32
        %add3A_1465 = arith.constant 128 : i32
        %add3A_1466 = arith.addi %add3A_1465, %mul3A_1464 : i32
        %add3A_1467 = arith.constant 12 : i32
        %add3A_1468 = arith.addi %add3A_1466, %add3A_1467 : i32
        %add3A_1469 = arith.constant 0 : i32
        %add3A_1470 = arith.addi %mul3A_1462, %add3A_1469 : i32
        %get3A_1471 = arith.index_cast %add3A_1468 : i32 to index
        %get3A_1472 = arith.index_cast %add3A_1470 : i32 to index
        %get3A_1473 = tpu.vector_load %arg9[%get3A_1471, %get3A_1472] {strides = array<i32>} : memref<200x128xf32, #tpu.memory_space<vmem>>, vector<1x16xf32>,
        %get3A_1474 = vector.shape_cast %get3A_1473 : vector<1x16xf32> to vector<16xf32>
        %add3A_1475 = arith.addf %add3A_1437, %get3A_1474 : vector<16xf32>
        %add3A_1476 = arith.constant 16 : i32
        %add3A_1477 = arith.addi %mul3A_1462, %add3A_1476 : i32
        %get3A_1478 = arith.index_cast %add3A_1468 : i32 to index
        %get3A_1479 = arith.index_cast %add3A_1477 : i32 to index
        %get3A_1480 = tpu.vector_load %arg9[%get3A_1478, %get3A_1479] {strides = array<i32>} : memref<200x128xf32, #tpu.memory_space<vmem>>, vector<1x16xf32>,
        %get3A_1481 = vector.shape_cast %get3A_1480 : vector<1x16xf32> to vector<16xf32>
        %add3A_1482 = arith.addf %add3A_1444, %get3A_1481 : vector<16xf32>
        %add3A_1483 = arith.constant 32 : i32
        %add3A_1484 = arith.addi %mul3A_1462, %add3A_1483 : i32
        %get3A_1485 = arith.index_cast %add3A_1468 : i32 to index
        %get3A_1486 = arith.index_cast %add3A_1484 : i32 to index
        %get3A_1487 = tpu.vector_load %arg9[%get3A_1485, %get3A_1486] {strides = array<i32>} : memref<200x128xf32, #tpu.memory_space<vmem>>, vector<1x16xf32>,
        %get3A_1488 = vector.shape_cast %get3A_1487 : vector<1x16xf32> to vector<16xf32>
        %add3A_1489 = arith.addf %add3A_1451, %get3A_1488 : vector<16xf32>
        %add3A_1490 = arith.constant 48 : i32
        %add3A_1491 = arith.addi %mul3A_1462, %add3A_1490 : i32
        %get3A_1492 = arith.index_cast %add3A_1468 : i32 to index
        %get3A_1493 = arith.index_cast %add3A_1491 : i32 to index
        %get3A_1494 = tpu.vector_load %arg9[%get3A_1492, %get3A_1493] {strides = array<i32>} : memref<200x128xf32, #tpu.memory_space<vmem>>, vector<1x16xf32>,
        %get3A_1495 = vector.shape_cast %get3A_1494 : vector<1x16xf32> to vector<16xf32>
        %add3A_1496 = arith.addf %add3A_1458, %get3A_1495 : vector<16xf32>
        %slice3A_1497 = vector.extract_strided_slice %and3A_1002 {offsets = [13], sizes = [1], strides = [1]} : vector<16xi32> to vector<1xi32>
        %squeeze3A_1498 = vector.extract %slice3A_1497[0] : i32 from vector<1xi32>
        %mul3A_1499 = arith.constant 64 : i32
        %mul3A_1500 = arith.muli %squeeze3A_1498, %mul3A_1499 : i32
        %mul3A_1501 = arith.constant 16 : i32
        %mul3A_1502 = arith.muli %scan3A_985, %mul3A_1501 : i32
        %add3A_1503 = arith.constant 128 : i32
        %add3A_1504 = arith.addi %add3A_1503, %mul3A_1502 : i32
        %add3A_1505 = arith.constant 13 : i32
        %add3A_1506 = arith.addi %add3A_1504, %add3A_1505 : i32
        %add3A_1507 = arith.constant 0 : i32
        %add3A_1508 = arith.addi %mul3A_1500, %add3A_1507 : i32
        %get3A_1509 = arith.index_cast %add3A_1506 : i32 to index
        %get3A_1510 = arith.index_cast %add3A_1508 : i32 to index
        %get3A_1511 = tpu.vector_load %arg9[%get3A_1509, %get3A_1510] {strides = array<i32>} : memref<200x128xf32, #tpu.memory_space<vmem>>, vector<1x16xf32>,
        %get3A_1512 = vector.shape_cast %get3A_1511 : vector<1x16xf32> to vector<16xf32>
        %add3A_1513 = arith.addf %add3A_1475, %get3A_1512 : vector<16xf32>
        %add3A_1514 = arith.constant 16 : i32
        %add3A_1515 = arith.addi %mul3A_1500, %add3A_1514 : i32
        %get3A_1516 = arith.index_cast %add3A_1506 : i32 to index
        %get3A_1517 = arith.index_cast %add3A_1515 : i32 to index
        %get3A_1518 = tpu.vector_load %arg9[%get3A_1516, %get3A_1517] {strides = array<i32>} : memref<200x128xf32, #tpu.memory_space<vmem>>, vector<1x16xf32>,
        %get3A_1519 = vector.shape_cast %get3A_1518 : vector<1x16xf32> to vector<16xf32>
        %add3A_1520 = arith.addf %add3A_1482, %get3A_1519 : vector<16xf32>
        %add3A_1521 = arith.constant 32 : i32
        %add3A_1522 = arith.addi %mul3A_1500, %add3A_1521 : i32
        %get3A_1523 = arith.index_cast %add3A_1506 : i32 to index
        %get3A_1524 = arith.index_cast %add3A_1522 : i32 to index
        %get3A_1525 = tpu.vector_load %arg9[%get3A_1523, %get3A_1524] {strides = array<i32>} : memref<200x128xf32, #tpu.memory_space<vmem>>, vector<1x16xf32>,
        %get3A_1526 = vector.shape_cast %get3A_1525 : vector<1x16xf32> to vector<16xf32>
        %add3A_1527 = arith.addf %add3A_1489, %get3A_1526 : vector<16xf32>
        %add3A_1528 = arith.constant 48 : i32
        %add3A_1529 = arith.addi %mul3A_1500, %add3A_1528 : i32
        %get3A_1530 = arith.index_cast %add3A_1506 : i32 to index
        %get3A_1531 = arith.index_cast %add3A_1529 : i32 to index
        %get3A_1532 = tpu.vector_load %arg9[%get3A_1530, %get3A_1531] {strides = array<i32>} : memref<200x128xf32, #tpu.memory_space<vmem>>, vector<1x16xf32>,
        %get3A_1533 = vector.shape_cast %get3A_1532 : vector<1x16xf32> to vector<16xf32>
        %add3A_1534 = arith.addf %add3A_1496, %get3A_1533 : vector<16xf32>
        %slice3A_1535 = vector.extract_strided_slice %and3A_1002 {offsets = [14], sizes = [1], strides = [1]} : vector<16xi32> to vector<1xi32>
        %squeeze3A_1536 = vector.extract %slice3A_1535[0] : i32 from vector<1xi32>
        %mul3A_1537 = arith.constant 64 : i32
        %mul3A_1538 = arith.muli %squeeze3A_1536, %mul3A_1537 : i32
        %mul3A_1539 = arith.constant 16 : i32
        %mul3A_1540 = arith.muli %scan3A_985, %mul3A_1539 : i32
        %add3A_1541 = arith.constant 128 : i32
        %add3A_1542 = arith.addi %add3A_1541, %mul3A_1540 : i32
        %add3A_1543 = arith.constant 14 : i32
        %add3A_1544 = arith.addi %add3A_1542, %add3A_1543 : i32
        %add3A_1545 = arith.constant 0 : i32
        %add3A_1546 = arith.addi %mul3A_1538, %add3A_1545 : i32
        %get3A_1547 = arith.index_cast %add3A_1544 : i32 to index
        %get3A_1548 = arith.index_cast %add3A_1546 : i32 to index
        %get3A_1549 = tpu.vector_load %arg9[%get3A_1547, %get3A_1548] {strides = array<i32>} : memref<200x128xf32, #tpu.memory_space<vmem>>, vector<1x16xf32>,
        %get3A_1550 = vector.shape_cast %get3A_1549 : vector<1x16xf32> to vector<16xf32>
        %add3A_1551 = arith.addf %add3A_1513, %get3A_1550 : vector<16xf32>
        %add3A_1552 = arith.constant 16 : i32
        %add3A_1553 = arith.addi %mul3A_1538, %add3A_1552 : i32
        %get3A_1554 = arith.index_cast %add3A_1544 : i32 to index
        %get3A_1555 = arith.index_cast %add3A_1553 : i32 to index
        %get3A_1556 = tpu.vector_load %arg9[%get3A_1554, %get3A_1555] {strides = array<i32>} : memref<200x128xf32, #tpu.memory_space<vmem>>, vector<1x16xf32>,
        %get3A_1557 = vector.shape_cast %get3A_1556 : vector<1x16xf32> to vector<16xf32>
        %add3A_1558 = arith.addf %add3A_1520, %get3A_1557 : vector<16xf32>
        %add3A_1559 = arith.constant 32 : i32
        %add3A_1560 = arith.addi %mul3A_1538, %add3A_1559 : i32
        %get3A_1561 = arith.index_cast %add3A_1544 : i32 to index
        %get3A_1562 = arith.index_cast %add3A_1560 : i32 to index
        %get3A_1563 = tpu.vector_load %arg9[%get3A_1561, %get3A_1562] {strides = array<i32>} : memref<200x128xf32, #tpu.memory_space<vmem>>, vector<1x16xf32>,
        %get3A_1564 = vector.shape_cast %get3A_1563 : vector<1x16xf32> to vector<16xf32>
        %add3A_1565 = arith.addf %add3A_1527, %get3A_1564 : vector<16xf32>
        %add3A_1566 = arith.constant 48 : i32
        %add3A_1567 = arith.addi %mul3A_1538, %add3A_1566 : i32
        %get3A_1568 = arith.index_cast %add3A_1544 : i32 to index
        %get3A_1569 = arith.index_cast %add3A_1567 : i32 to index
        %get3A_1570 = tpu.vector_load %arg9[%get3A_1568, %get3A_1569] {strides = array<i32>} : memref<200x128xf32, #tpu.memory_space<vmem>>, vector<1x16xf32>,
        %get3A_1571 = vector.shape_cast %get3A_1570 : vector<1x16xf32> to vector<16xf32>
        %add3A_1572 = arith.addf %add3A_1534, %get3A_1571 : vector<16xf32>
        %slice3A_1573 = vector.extract_strided_slice %and3A_1002 {offsets = [15], sizes = [1], strides = [1]} : vector<16xi32> to vector<1xi32>
        %squeeze3A_1574 = vector.extract %slice3A_1573[0] : i32 from vector<1xi32>
        %mul3A_1575 = arith.constant 64 : i32
        %mul3A_1576 = arith.muli %squeeze3A_1574, %mul3A_1575 : i32
        %mul3A_1577 = arith.constant 16 : i32
        %mul3A_1578 = arith.muli %scan3A_985, %mul3A_1577 : i32
        %add3A_1579 = arith.constant 128 : i32
        %add3A_1580 = arith.addi %add3A_1579, %mul3A_1578 : i32
        %add3A_1581 = arith.constant 15 : i32
        %add3A_1582 = arith.addi %add3A_1580, %add3A_1581 : i32
        %add3A_1583 = arith.constant 0 : i32
        %add3A_1584 = arith.addi %mul3A_1576, %add3A_1583 : i32
        %get3A_1585 = arith.index_cast %add3A_1582 : i32 to index
        %get3A_1586 = arith.index_cast %add3A_1584 : i32 to index
        %get3A_1587 = tpu.vector_load %arg9[%get3A_1585, %get3A_1586] {strides = array<i32>} : memref<200x128xf32, #tpu.memory_space<vmem>>, vector<1x16xf32>,
        %get3A_1588 = vector.shape_cast %get3A_1587 : vector<1x16xf32> to vector<16xf32>
        %add3A_1589 = arith.addf %add3A_1551, %get3A_1588 : vector<16xf32>
        %add3A_1590 = arith.constant 16 : i32
        %add3A_1591 = arith.addi %mul3A_1576, %add3A_1590 : i32
        %get3A_1592 = arith.index_cast %add3A_1582 : i32 to index
        %get3A_1593 = arith.index_cast %add3A_1591 : i32 to index
        %get3A_1594 = tpu.vector_load %arg9[%get3A_1592, %get3A_1593] {strides = array<i32>} : memref<200x128xf32, #tpu.memory_space<vmem>>, vector<1x16xf32>,
        %get3A_1595 = vector.shape_cast %get3A_1594 : vector<1x16xf32> to vector<16xf32>
        %add3A_1596 = arith.addf %add3A_1558, %get3A_1595 : vector<16xf32>
        %add3A_1597 = arith.constant 32 : i32
        %add3A_1598 = arith.addi %mul3A_1576, %add3A_1597 : i32
        %get3A_1599 = arith.index_cast %add3A_1582 : i32 to index
        %get3A_1600 = arith.index_cast %add3A_1598 : i32 to index
        %get3A_1601 = tpu.vector_load %arg9[%get3A_1599, %get3A_1600] {strides = array<i32>} : memref<200x128xf32, #tpu.memory_space<vmem>>, vector<1x16xf32>,
        %get3A_1602 = vector.shape_cast %get3A_1601 : vector<1x16xf32> to vector<16xf32>
        %add3A_1603 = arith.addf %add3A_1565, %get3A_1602 : vector<16xf32>
        %add3A_1604 = arith.constant 48 : i32
        %add3A_1605 = arith.addi %mul3A_1576, %add3A_1604 : i32
        %get3A_1606 = arith.index_cast %add3A_1582 : i32 to index
        %get3A_1607 = arith.index_cast %add3A_1605 : i32 to index
        %get3A_1608 = tpu.vector_load %arg9[%get3A_1606, %get3A_1607] {strides = array<i32>} : memref<200x128xf32, #tpu.memory_space<vmem>>, vector<1x16xf32>,
        %get3A_1609 = vector.shape_cast %get3A_1608 : vector<1x16xf32> to vector<16xf32>
        %add3A_1610 = arith.addf %add3A_1572, %get3A_1609 : vector<16xf32>
        scf.yield %add3A_1589, %add3A_1596, %add3A_1603, %add3A_1610 : vector<16xf32>, vector<16xf32>, vector<16xf32>, vector<16xf32>
      }
      %scan3A_557 = arith.constant 4 : i32
      %mul3A_558 = arith.constant 2 : i32
      %mul3A_559 = arith.muli %mul3A_558, %add3A_543 : i32
      %add3A_560 = arith.constant 1 : i32
      %add3A_561 = arith.addi %mul3A_559, %add3A_560 : i32
      %get3A_562 = arith.index_cast %add3A_561 : i32 to index
      %get3A_563 = arith.constant 64 : index
      %get3A_564 = tpu.vector_load %arg6[%get3A_562, %get3A_563] {strides = array<i32>} : memref<256x128xi32, #tpu.memory_space<vmem>>, vector<1x16xi32>,
      %get3A_565 = vector.shape_cast %get3A_564 : vector<1x16xi32> to vector<16xi32>
      %and3A_566 = arith.constant 1 : i32
      %and3A_567 = vector.broadcast %and3A_566 : i32 to vector<16xi32>
      %and3A_568 = arith.andi %get3A_565, %and3A_567 : vector<16xi32>
      %slice3A_569 = vector.extract_strided_slice %and3A_568 {offsets = [0], sizes = [1], strides = [1]} : vector<16xi32> to vector<1xi32>
      %squeeze3A_570 = vector.extract %slice3A_569[0] : i32 from vector<1xi32>
      %mul3A_571 = arith.constant 64 : i32
      %mul3A_572 = arith.muli %squeeze3A_570, %mul3A_571 : i32
      %add3A_573 = arith.constant 0 : i32
      %add3A_574 = arith.addi %mul3A_572, %add3A_573 : i32
      %get3A_575 = arith.constant 192 : i32
      %get3A_576 = arith.index_cast %get3A_575 : i32 to index
      %get3A_577 = arith.index_cast %add3A_574 : i32 to index
      %get3A_578 = tpu.vector_load %arg9[%get3A_576, %get3A_577] {strides = array<i32>} : memref<200x128xf32, #tpu.memory_space<vmem>>, vector<1x16xf32>,
      %get3A_579 = vector.shape_cast %get3A_578 : vector<1x16xf32> to vector<16xf32>
      %add3A_580 = arith.addf %scan3A_556#0, %get3A_579 : vector<16xf32>
      %add3A_581 = arith.constant 16 : i32
      %add3A_582 = arith.addi %mul3A_572, %add3A_581 : i32
      %get3A_583 = arith.constant 192 : i32
      %get3A_584 = arith.index_cast %get3A_583 : i32 to index
      %get3A_585 = arith.index_cast %add3A_582 : i32 to index
      %get3A_586 = tpu.vector_load %arg9[%get3A_584, %get3A_585] {strides = array<i32>} : memref<200x128xf32, #tpu.memory_space<vmem>>, vector<1x16xf32>,
      %get3A_587 = vector.shape_cast %get3A_586 : vector<1x16xf32> to vector<16xf32>
      %add3A_588 = arith.addf %scan3A_556#1, %get3A_587 : vector<16xf32>
      %add3A_589 = arith.constant 32 : i32
      %add3A_590 = arith.addi %mul3A_572, %add3A_589 : i32
      %get3A_591 = arith.constant 192 : i32
      %get3A_592 = arith.index_cast %get3A_591 : i32 to index
      %get3A_593 = arith.index_cast %add3A_590 : i32 to index
      %get3A_594 = tpu.vector_load %arg9[%get3A_592, %get3A_593] {strides = array<i32>} : memref<200x128xf32, #tpu.memory_space<vmem>>, vector<1x16xf32>,
      %get3A_595 = vector.shape_cast %get3A_594 : vector<1x16xf32> to vector<16xf32>
      %add3A_596 = arith.addf %scan3A_556#2, %get3A_595 : vector<16xf32>
      %add3A_597 = arith.constant 48 : i32
      %add3A_598 = arith.addi %mul3A_572, %add3A_597 : i32
      %get3A_599 = arith.constant 192 : i32
      %get3A_600 = arith.index_cast %get3A_599 : i32 to index
      %get3A_601 = arith.index_cast %add3A_598 : i32 to index
      %get3A_602 = tpu.vector_load %arg9[%get3A_600, %get3A_601] {strides = array<i32>} : memref<200x128xf32, #tpu.memory_space<vmem>>, vector<1x16xf32>,
      %get3A_603 = vector.shape_cast %get3A_602 : vector<1x16xf32> to vector<16xf32>
      %add3A_604 = arith.addf %scan3A_556#3, %get3A_603 : vector<16xf32>
      %slice3A_605 = vector.extract_strided_slice %and3A_568 {offsets = [1], sizes = [1], strides = [1]} : vector<16xi32> to vector<1xi32>
      %squeeze3A_606 = vector.extract %slice3A_605[0] : i32 from vector<1xi32>
      %mul3A_607 = arith.constant 64 : i32
      %mul3A_608 = arith.muli %squeeze3A_606, %mul3A_607 : i32
      %add3A_609 = arith.constant 0 : i32
      %add3A_610 = arith.addi %mul3A_608, %add3A_609 : i32
      %get3A_611 = arith.constant 193 : i32
      %get3A_612 = arith.index_cast %get3A_611 : i32 to index
      %get3A_613 = arith.index_cast %add3A_610 : i32 to index
      %get3A_614 = tpu.vector_load %arg9[%get3A_612, %get3A_613] {strides = array<i32>} : memref<200x128xf32, #tpu.memory_space<vmem>>, vector<1x16xf32>,
      %get3A_615 = vector.shape_cast %get3A_614 : vector<1x16xf32> to vector<16xf32>
      %add3A_616 = arith.addf %add3A_580, %get3A_615 : vector<16xf32>
      %add3A_617 = arith.constant 16 : i32
      %add3A_618 = arith.addi %mul3A_608, %add3A_617 : i32
      %get3A_619 = arith.constant 193 : i32
      %get3A_620 = arith.index_cast %get3A_619 : i32 to index
      %get3A_621 = arith.index_cast %add3A_618 : i32 to index
      %get3A_622 = tpu.vector_load %arg9[%get3A_620, %get3A_621] {strides = array<i32>} : memref<200x128xf32, #tpu.memory_space<vmem>>, vector<1x16xf32>,
      %get3A_623 = vector.shape_cast %get3A_622 : vector<1x16xf32> to vector<16xf32>
      %add3A_624 = arith.addf %add3A_588, %get3A_623 : vector<16xf32>
      %add3A_625 = arith.constant 32 : i32
      %add3A_626 = arith.addi %mul3A_608, %add3A_625 : i32
      %get3A_627 = arith.constant 193 : i32
      %get3A_628 = arith.index_cast %get3A_627 : i32 to index
      %get3A_629 = arith.index_cast %add3A_626 : i32 to index
      %get3A_630 = tpu.vector_load %arg9[%get3A_628, %get3A_629] {strides = array<i32>} : memref<200x128xf32, #tpu.memory_space<vmem>>, vector<1x16xf32>,
      %get3A_631 = vector.shape_cast %get3A_630 : vector<1x16xf32> to vector<16xf32>
      %add3A_632 = arith.addf %add3A_596, %get3A_631 : vector<16xf32>
      %add3A_633 = arith.constant 48 : i32
      %add3A_634 = arith.addi %mul3A_608, %add3A_633 : i32
      %get3A_635 = arith.constant 193 : i32
      %get3A_636 = arith.index_cast %get3A_635 : i32 to index
      %get3A_637 = arith.index_cast %add3A_634 : i32 to index
      %get3A_638 = tpu.vector_load %arg9[%get3A_636, %get3A_637] {strides = array<i32>} : memref<200x128xf32, #tpu.memory_space<vmem>>, vector<1x16xf32>,
      %get3A_639 = vector.shape_cast %get3A_638 : vector<1x16xf32> to vector<16xf32>
      %add3A_640 = arith.addf %add3A_604, %get3A_639 : vector<16xf32>
      %slice3A_641 = vector.extract_strided_slice %and3A_568 {offsets = [2], sizes = [1], strides = [1]} : vector<16xi32> to vector<1xi32>
      %squeeze3A_642 = vector.extract %slice3A_641[0] : i32 from vector<1xi32>
      %mul3A_643 = arith.constant 64 : i32
      %mul3A_644 = arith.muli %squeeze3A_642, %mul3A_643 : i32
      %add3A_645 = arith.constant 0 : i32
      %add3A_646 = arith.addi %mul3A_644, %add3A_645 : i32
      %get3A_647 = arith.constant 194 : i32
      %get3A_648 = arith.index_cast %get3A_647 : i32 to index
      %get3A_649 = arith.index_cast %add3A_646 : i32 to index
      %get3A_650 = tpu.vector_load %arg9[%get3A_648, %get3A_649] {strides = array<i32>} : memref<200x128xf32, #tpu.memory_space<vmem>>, vector<1x16xf32>,
      %get3A_651 = vector.shape_cast %get3A_650 : vector<1x16xf32> to vector<16xf32>
      %add3A_652 = arith.addf %add3A_616, %get3A_651 : vector<16xf32>
      %add3A_653 = arith.constant 16 : i32
      %add3A_654 = arith.addi %mul3A_644, %add3A_653 : i32
      %get3A_655 = arith.constant 194 : i32
      %get3A_656 = arith.index_cast %get3A_655 : i32 to index
      %get3A_657 = arith.index_cast %add3A_654 : i32 to index
      %get3A_658 = tpu.vector_load %arg9[%get3A_656, %get3A_657] {strides = array<i32>} : memref<200x128xf32, #tpu.memory_space<vmem>>, vector<1x16xf32>,
      %get3A_659 = vector.shape_cast %get3A_658 : vector<1x16xf32> to vector<16xf32>
      %add3A_660 = arith.addf %add3A_624, %get3A_659 : vector<16xf32>
      %add3A_661 = arith.constant 32 : i32
      %add3A_662 = arith.addi %mul3A_644, %add3A_661 : i32
      %get3A_663 = arith.constant 194 : i32
      %get3A_664 = arith.index_cast %get3A_663 : i32 to index
      %get3A_665 = arith.index_cast %add3A_662 : i32 to index
      %get3A_666 = tpu.vector_load %arg9[%get3A_664, %get3A_665] {strides = array<i32>} : memref<200x128xf32, #tpu.memory_space<vmem>>, vector<1x16xf32>,
      %get3A_667 = vector.shape_cast %get3A_666 : vector<1x16xf32> to vector<16xf32>
      %add3A_668 = arith.addf %add3A_632, %get3A_667 : vector<16xf32>
      %add3A_669 = arith.constant 48 : i32
      %add3A_670 = arith.addi %mul3A_644, %add3A_669 : i32
      %get3A_671 = arith.constant 194 : i32
      %get3A_672 = arith.index_cast %get3A_671 : i32 to index
      %get3A_673 = arith.index_cast %add3A_670 : i32 to index
      %get3A_674 = tpu.vector_load %arg9[%get3A_672, %get3A_673] {strides = array<i32>} : memref<200x128xf32, #tpu.memory_space<vmem>>, vector<1x16xf32>,
      %get3A_675 = vector.shape_cast %get3A_674 : vector<1x16xf32> to vector<16xf32>
      %add3A_676 = arith.addf %add3A_640, %get3A_675 : vector<16xf32>
      %slice3A_677 = vector.extract_strided_slice %and3A_568 {offsets = [3], sizes = [1], strides = [1]} : vector<16xi32> to vector<1xi32>
      %squeeze3A_678 = vector.extract %slice3A_677[0] : i32 from vector<1xi32>
      %mul3A_679 = arith.constant 64 : i32
      %mul3A_680 = arith.muli %squeeze3A_678, %mul3A_679 : i32
      %add3A_681 = arith.constant 0 : i32
      %add3A_682 = arith.addi %mul3A_680, %add3A_681 : i32
      %get3A_683 = arith.constant 195 : i32
      %get3A_684 = arith.index_cast %get3A_683 : i32 to index
      %get3A_685 = arith.index_cast %add3A_682 : i32 to index
      %get3A_686 = tpu.vector_load %arg9[%get3A_684, %get3A_685] {strides = array<i32>} : memref<200x128xf32, #tpu.memory_space<vmem>>, vector<1x16xf32>,
      %get3A_687 = vector.shape_cast %get3A_686 : vector<1x16xf32> to vector<16xf32>
      %add3A_688 = arith.addf %add3A_652, %get3A_687 : vector<16xf32>
      %add3A_689 = arith.constant 16 : i32
      %add3A_690 = arith.addi %mul3A_680, %add3A_689 : i32
      %get3A_691 = arith.constant 195 : i32
      %get3A_692 = arith.index_cast %get3A_691 : i32 to index
      %get3A_693 = arith.index_cast %add3A_690 : i32 to index
      %get3A_694 = tpu.vector_load %arg9[%get3A_692, %get3A_693] {strides = array<i32>} : memref<200x128xf32, #tpu.memory_space<vmem>>, vector<1x16xf32>,
      %get3A_695 = vector.shape_cast %get3A_694 : vector<1x16xf32> to vector<16xf32>
      %add3A_696 = arith.addf %add3A_660, %get3A_695 : vector<16xf32>
      %add3A_697 = arith.constant 32 : i32
      %add3A_698 = arith.addi %mul3A_680, %add3A_697 : i32
      %get3A_699 = arith.constant 195 : i32
      %get3A_700 = arith.index_cast %get3A_699 : i32 to index
      %get3A_701 = arith.index_cast %add3A_698 : i32 to index
      %get3A_702 = tpu.vector_load %arg9[%get3A_700, %get3A_701] {strides = array<i32>} : memref<200x128xf32, #tpu.memory_space<vmem>>, vector<1x16xf32>,
      %get3A_703 = vector.shape_cast %get3A_702 : vector<1x16xf32> to vector<16xf32>
      %add3A_704 = arith.addf %add3A_668, %get3A_703 : vector<16xf32>
      %add3A_705 = arith.constant 48 : i32
      %add3A_706 = arith.addi %mul3A_680, %add3A_705 : i32
      %get3A_707 = arith.constant 195 : i32
      %get3A_708 = arith.index_cast %get3A_707 : i32 to index
      %get3A_709 = arith.index_cast %add3A_706 : i32 to index
      %get3A_710 = tpu.vector_load %arg9[%get3A_708, %get3A_709] {strides = array<i32>} : memref<200x128xf32, #tpu.memory_space<vmem>>, vector<1x16xf32>,
      %get3A_711 = vector.shape_cast %get3A_710 : vector<1x16xf32> to vector<16xf32>
      %add3A_712 = arith.addf %add3A_676, %get3A_711 : vector<16xf32>
      %slice3A_713 = vector.extract_strided_slice %and3A_568 {offsets = [4], sizes = [1], strides = [1]} : vector<16xi32> to vector<1xi32>
      %squeeze3A_714 = vector.extract %slice3A_713[0] : i32 from vector<1xi32>
      %mul3A_715 = arith.constant 64 : i32
      %mul3A_716 = arith.muli %squeeze3A_714, %mul3A_715 : i32
      %add3A_717 = arith.constant 0 : i32
      %add3A_718 = arith.addi %mul3A_716, %add3A_717 : i32
      %get3A_719 = arith.constant 196 : i32
      %get3A_720 = arith.index_cast %get3A_719 : i32 to index
      %get3A_721 = arith.index_cast %add3A_718 : i32 to index
      %get3A_722 = tpu.vector_load %arg9[%get3A_720, %get3A_721] {strides = array<i32>} : memref<200x128xf32, #tpu.memory_space<vmem>>, vector<1x16xf32>,
      %get3A_723 = vector.shape_cast %get3A_722 : vector<1x16xf32> to vector<16xf32>
      %add3A_724 = arith.addf %add3A_688, %get3A_723 : vector<16xf32>
      %add3A_725 = arith.constant 16 : i32
      %add3A_726 = arith.addi %mul3A_716, %add3A_725 : i32
      %get3A_727 = arith.constant 196 : i32
      %get3A_728 = arith.index_cast %get3A_727 : i32 to index
      %get3A_729 = arith.index_cast %add3A_726 : i32 to index
      %get3A_730 = tpu.vector_load %arg9[%get3A_728, %get3A_729] {strides = array<i32>} : memref<200x128xf32, #tpu.memory_space<vmem>>, vector<1x16xf32>,
      %get3A_731 = vector.shape_cast %get3A_730 : vector<1x16xf32> to vector<16xf32>
      %add3A_732 = arith.addf %add3A_696, %get3A_731 : vector<16xf32>
      %add3A_733 = arith.constant 32 : i32
      %add3A_734 = arith.addi %mul3A_716, %add3A_733 : i32
      %get3A_735 = arith.constant 196 : i32
      %get3A_736 = arith.index_cast %get3A_735 : i32 to index
      %get3A_737 = arith.index_cast %add3A_734 : i32 to index
      %get3A_738 = tpu.vector_load %arg9[%get3A_736, %get3A_737] {strides = array<i32>} : memref<200x128xf32, #tpu.memory_space<vmem>>, vector<1x16xf32>,
      %get3A_739 = vector.shape_cast %get3A_738 : vector<1x16xf32> to vector<16xf32>
      %add3A_740 = arith.addf %add3A_704, %get3A_739 : vector<16xf32>
      %add3A_741 = arith.constant 48 : i32
      %add3A_742 = arith.addi %mul3A_716, %add3A_741 : i32
      %get3A_743 = arith.constant 196 : i32
      %get3A_744 = arith.index_cast %get3A_743 : i32 to index
      %get3A_745 = arith.index_cast %add3A_742 : i32 to index
      %get3A_746 = tpu.vector_load %arg9[%get3A_744, %get3A_745] {strides = array<i32>} : memref<200x128xf32, #tpu.memory_space<vmem>>, vector<1x16xf32>,
      %get3A_747 = vector.shape_cast %get3A_746 : vector<1x16xf32> to vector<16xf32>
      %add3A_748 = arith.addf %add3A_712, %get3A_747 : vector<16xf32>
      %slice3A_749 = vector.extract_strided_slice %and3A_568 {offsets = [5], sizes = [1], strides = [1]} : vector<16xi32> to vector<1xi32>
      %squeeze3A_750 = vector.extract %slice3A_749[0] : i32 from vector<1xi32>
      %mul3A_751 = arith.constant 64 : i32
      %mul3A_752 = arith.muli %squeeze3A_750, %mul3A_751 : i32
      %add3A_753 = arith.constant 0 : i32
      %add3A_754 = arith.addi %mul3A_752, %add3A_753 : i32
      %get3A_755 = arith.constant 197 : i32
      %get3A_756 = arith.index_cast %get3A_755 : i32 to index
      %get3A_757 = arith.index_cast %add3A_754 : i32 to index
      %get3A_758 = tpu.vector_load %arg9[%get3A_756, %get3A_757] {strides = array<i32>} : memref<200x128xf32, #tpu.memory_space<vmem>>, vector<1x16xf32>,
      %get3A_759 = vector.shape_cast %get3A_758 : vector<1x16xf32> to vector<16xf32>
      %add3A_760 = arith.addf %add3A_724, %get3A_759 : vector<16xf32>
      %add3A_761 = arith.constant 16 : i32
      %add3A_762 = arith.addi %mul3A_752, %add3A_761 : i32
      %get3A_763 = arith.constant 197 : i32
      %get3A_764 = arith.index_cast %get3A_763 : i32 to index
      %get3A_765 = arith.index_cast %add3A_762 : i32 to index
      %get3A_766 = tpu.vector_load %arg9[%get3A_764, %get3A_765] {strides = array<i32>} : memref<200x128xf32, #tpu.memory_space<vmem>>, vector<1x16xf32>,
      %get3A_767 = vector.shape_cast %get3A_766 : vector<1x16xf32> to vector<16xf32>
      %add3A_768 = arith.addf %add3A_732, %get3A_767 : vector<16xf32>
      %add3A_769 = arith.constant 32 : i32
      %add3A_770 = arith.addi %mul3A_752, %add3A_769 : i32
      %get3A_771 = arith.constant 197 : i32
      %get3A_772 = arith.index_cast %get3A_771 : i32 to index
      %get3A_773 = arith.index_cast %add3A_770 : i32 to index
      %get3A_774 = tpu.vector_load %arg9[%get3A_772, %get3A_773] {strides = array<i32>} : memref<200x128xf32, #tpu.memory_space<vmem>>, vector<1x16xf32>,
      %get3A_775 = vector.shape_cast %get3A_774 : vector<1x16xf32> to vector<16xf32>
      %add3A_776 = arith.addf %add3A_740, %get3A_775 : vector<16xf32>
      %add3A_777 = arith.constant 48 : i32
      %add3A_778 = arith.addi %mul3A_752, %add3A_777 : i32
      %get3A_779 = arith.constant 197 : i32
      %get3A_780 = arith.index_cast %get3A_779 : i32 to index
      %get3A_781 = arith.index_cast %add3A_778 : i32 to index
      %get3A_782 = tpu.vector_load %arg9[%get3A_780, %get3A_781] {strides = array<i32>} : memref<200x128xf32, #tpu.memory_space<vmem>>, vector<1x16xf32>,
      %get3A_783 = vector.shape_cast %get3A_782 : vector<1x16xf32> to vector<16xf32>
      %add3A_784 = arith.addf %add3A_748, %get3A_783 : vector<16xf32>
      %slice3A_785 = vector.extract_strided_slice %and3A_568 {offsets = [6], sizes = [1], strides = [1]} : vector<16xi32> to vector<1xi32>
      %squeeze3A_786 = vector.extract %slice3A_785[0] : i32 from vector<1xi32>
      %mul3A_787 = arith.constant 64 : i32
      %mul3A_788 = arith.muli %squeeze3A_786, %mul3A_787 : i32
      %add3A_789 = arith.constant 0 : i32
      %add3A_790 = arith.addi %mul3A_788, %add3A_789 : i32
      %get3A_791 = arith.constant 198 : i32
      %get3A_792 = arith.index_cast %get3A_791 : i32 to index
      %get3A_793 = arith.index_cast %add3A_790 : i32 to index
      %get3A_794 = tpu.vector_load %arg9[%get3A_792, %get3A_793] {strides = array<i32>} : memref<200x128xf32, #tpu.memory_space<vmem>>, vector<1x16xf32>,
      %get3A_795 = vector.shape_cast %get3A_794 : vector<1x16xf32> to vector<16xf32>
      %add3A_796 = arith.addf %add3A_760, %get3A_795 : vector<16xf32>
      %add3A_797 = arith.constant 16 : i32
      %add3A_798 = arith.addi %mul3A_788, %add3A_797 : i32
      %get3A_799 = arith.constant 198 : i32
      %get3A_800 = arith.index_cast %get3A_799 : i32 to index
      %get3A_801 = arith.index_cast %add3A_798 : i32 to index
      %get3A_802 = tpu.vector_load %arg9[%get3A_800, %get3A_801] {strides = array<i32>} : memref<200x128xf32, #tpu.memory_space<vmem>>, vector<1x16xf32>,
      %get3A_803 = vector.shape_cast %get3A_802 : vector<1x16xf32> to vector<16xf32>
      %add3A_804 = arith.addf %add3A_768, %get3A_803 : vector<16xf32>
      %add3A_805 = arith.constant 32 : i32
      %add3A_806 = arith.addi %mul3A_788, %add3A_805 : i32
      %get3A_807 = arith.constant 198 : i32
      %get3A_808 = arith.index_cast %get3A_807 : i32 to index
      %get3A_809 = arith.index_cast %add3A_806 : i32 to index
      %get3A_810 = tpu.vector_load %arg9[%get3A_808, %get3A_809] {strides = array<i32>} : memref<200x128xf32, #tpu.memory_space<vmem>>, vector<1x16xf32>,
      %get3A_811 = vector.shape_cast %get3A_810 : vector<1x16xf32> to vector<16xf32>
      %add3A_812 = arith.addf %add3A_776, %get3A_811 : vector<16xf32>
      %add3A_813 = arith.constant 48 : i32
      %add3A_814 = arith.addi %mul3A_788, %add3A_813 : i32
      %get3A_815 = arith.constant 198 : i32
      %get3A_816 = arith.index_cast %get3A_815 : i32 to index
      %get3A_817 = arith.index_cast %add3A_814 : i32 to index
      %get3A_818 = tpu.vector_load %arg9[%get3A_816, %get3A_817] {strides = array<i32>} : memref<200x128xf32, #tpu.memory_space<vmem>>, vector<1x16xf32>,
      %get3A_819 = vector.shape_cast %get3A_818 : vector<1x16xf32> to vector<16xf32>
      %add3A_820 = arith.addf %add3A_784, %get3A_819 : vector<16xf32>
      %slice3A_821 = vector.extract_strided_slice %and3A_568 {offsets = [7], sizes = [1], strides = [1]} : vector<16xi32> to vector<1xi32>
      %squeeze3A_822 = vector.extract %slice3A_821[0] : i32 from vector<1xi32>
      %mul3A_823 = arith.constant 64 : i32
      %mul3A_824 = arith.muli %squeeze3A_822, %mul3A_823 : i32
      %add3A_825 = arith.constant 0 : i32
      %add3A_826 = arith.addi %mul3A_824, %add3A_825 : i32
      %get3A_827 = arith.constant 199 : i32
      %get3A_828 = arith.index_cast %get3A_827 : i32 to index
      %get3A_829 = arith.index_cast %add3A_826 : i32 to index
      %get3A_830 = tpu.vector_load %arg9[%get3A_828, %get3A_829] {strides = array<i32>} : memref<200x128xf32, #tpu.memory_space<vmem>>, vector<1x16xf32>,
      %get3A_831 = vector.shape_cast %get3A_830 : vector<1x16xf32> to vector<16xf32>
      %add3A_832 = arith.addf %add3A_796, %get3A_831 : vector<16xf32>
      %add3A_833 = arith.constant 16 : i32
      %add3A_834 = arith.addi %mul3A_824, %add3A_833 : i32
      %get3A_835 = arith.constant 199 : i32
      %get3A_836 = arith.index_cast %get3A_835 : i32 to index
      %get3A_837 = arith.index_cast %add3A_834 : i32 to index
      %get3A_838 = tpu.vector_load %arg9[%get3A_836, %get3A_837] {strides = array<i32>} : memref<200x128xf32, #tpu.memory_space<vmem>>, vector<1x16xf32>,
      %get3A_839 = vector.shape_cast %get3A_838 : vector<1x16xf32> to vector<16xf32>
      %add3A_840 = arith.addf %add3A_804, %get3A_839 : vector<16xf32>
      %add3A_841 = arith.constant 32 : i32
      %add3A_842 = arith.addi %mul3A_824, %add3A_841 : i32
      %get3A_843 = arith.constant 199 : i32
      %get3A_844 = arith.index_cast %get3A_843 : i32 to index
      %get3A_845 = arith.index_cast %add3A_842 : i32 to index
      %get3A_846 = tpu.vector_load %arg9[%get3A_844, %get3A_845] {strides = array<i32>} : memref<200x128xf32, #tpu.memory_space<vmem>>, vector<1x16xf32>,
      %get3A_847 = vector.shape_cast %get3A_846 : vector<1x16xf32> to vector<16xf32>
      %add3A_848 = arith.addf %add3A_812, %get3A_847 : vector<16xf32>
      %add3A_849 = arith.constant 48 : i32
      %add3A_850 = arith.addi %mul3A_824, %add3A_849 : i32
      %get3A_851 = arith.constant 199 : i32
      %get3A_852 = arith.index_cast %get3A_851 : i32 to index
      %get3A_853 = arith.index_cast %add3A_850 : i32 to index
      %get3A_854 = tpu.vector_load %arg9[%get3A_852, %get3A_853] {strides = array<i32>} : memref<200x128xf32, #tpu.memory_space<vmem>>, vector<1x16xf32>,
      %get3A_855 = vector.shape_cast %get3A_854 : vector<1x16xf32> to vector<16xf32>
      %add3A_856 = arith.addf %add3A_820, %get3A_855 : vector<16xf32>
      %and3A_857 = arith.constant 1 : i32
      %and3A_858 = arith.andi %add3A_543, %and3A_857 : i32
      %mul3A_859 = arith.constant 64 : i32
      %mul3A_860 = arith.muli %and3A_858, %mul3A_859 : i32
      %jit3A_861 = arith.constant 2 : i32
      %div3A_862 = arith.divsi %add3A_543, %jit3A_861 : i32
      %sign3A_863 = arith.constant 0 : i32
      %sign3A_864 = arith.cmpi sgt, %add3A_543, %sign3A_863 : i32
      %sign3A_865 = arith.extui %sign3A_864 : i1 to i32
      %sign3A_866 = arith.constant 0 : i32
      %sign3A_867 = arith.cmpi slt, %add3A_543, %sign3A_866 : i32
      %sign3A_868 = arith.extui %sign3A_867 : i1 to i32
      %sign3A_869 = arith.subi %sign3A_865, %sign3A_868 : i32
      %sign3A_870 = arith.constant 0 : i32
      %sign3A_871 = arith.cmpi sgt, %jit3A_861, %sign3A_870 : i32
      %sign3A_872 = arith.extui %sign3A_871 : i1 to i32
      %sign3A_873 = arith.constant 0 : i32
      %sign3A_874 = arith.cmpi slt, %jit3A_861, %sign3A_873 : i32
      %sign3A_875 = arith.extui %sign3A_874 : i1 to i32
      %sign3A_876 = arith.subi %sign3A_872, %sign3A_875 : i32
      %ne3A_877 = arith.cmpi ne, %sign3A_869, %sign3A_876 : i32
      %rem3A_878 = arith.remsi %add3A_543, %jit3A_861 : i32
      %ne3A_879 = arith.constant 0 : i32
      %ne3A_880 = arith.cmpi ne, %rem3A_878, %ne3A_879 : i32
      %and3A_881 = arith.andi %ne3A_877, %ne3A_880 : i1
      %sub3A_882 = arith.constant 1 : i32
      %sub3A_883 = arith.subi %div3A_862, %sub3A_882 : i32
      %select_n3A_884 = arith.select %and3A_881, %sub3A_883, %div3A_862 : i32
      %add3A_885 = arith.constant 0 : i32
      %add3A_886 = arith.addi %mul3A_860, %add3A_885 : i32
      %swap3A_887 = arith.index_cast %select_n3A_884 : i32 to index
      %swap3A_888 = arith.index_cast %add3A_886 : i32 to index
      %swap3A_889 = tpu.vector_load %arg10[%swap3A_887, %swap3A_888] {strides = array<i32>} : memref<64x128xf32, #tpu.memory_space<vmem>>, vector<1x16xf32>,
      %swap3A_890 = vector.shape_cast %swap3A_889 : vector<1x16xf32> to vector<16xf32>
      %swap3A_891 = vector.shape_cast %add3A_832 : vector<16xf32> to vector<1x16xf32>
      tpu.vector_store %arg10[%swap3A_887, %swap3A_888], %swap3A_891 {strides = array<i32>} : memref<64x128xf32, #tpu.memory_space<vmem>>, vector<1x16xf32>,
      %jit3A_892 = arith.constant 2 : i32
      %div3A_893 = arith.divsi %add3A_543, %jit3A_892 : i32
      %sign3A_894 = arith.constant 0 : i32
      %sign3A_895 = arith.cmpi sgt, %add3A_543, %sign3A_894 : i32
      %sign3A_896 = arith.extui %sign3A_895 : i1 to i32
      %sign3A_897 = arith.constant 0 : i32
      %sign3A_898 = arith.cmpi slt, %add3A_543, %sign3A_897 : i32
      %sign3A_899 = arith.extui %sign3A_898 : i1 to i32
      %sign3A_900 = arith.subi %sign3A_896, %sign3A_899 : i32
      %sign3A_901 = arith.constant 0 : i32
      %sign3A_902 = arith.cmpi sgt, %jit3A_892, %sign3A_901 : i32
      %sign3A_903 = arith.extui %sign3A_902 : i1 to i32
      %sign3A_904 = arith.constant 0 : i32
      %sign3A_905 = arith.cmpi slt, %jit3A_892, %sign3A_904 : i32
      %sign3A_906 = arith.extui %sign3A_905 : i1 to i32
      %sign3A_907 = arith.subi %sign3A_903, %sign3A_906 : i32
      %ne3A_908 = arith.cmpi ne, %sign3A_900, %sign3A_907 : i32
      %rem3A_909 = arith.remsi %add3A_543, %jit3A_892 : i32
      %ne3A_910 = arith.constant 0 : i32
      %ne3A_911 = arith.cmpi ne, %rem3A_909, %ne3A_910 : i32
      %and3A_912 = arith.andi %ne3A_908, %ne3A_911 : i1
      %sub3A_913 = arith.constant 1 : i32
      %sub3A_914 = arith.subi %div3A_893, %sub3A_913 : i32
      %select_n3A_915 = arith.select %and3A_912, %sub3A_914, %div3A_893 : i32
      %add3A_916 = arith.constant 16 : i32
      %add3A_917 = arith.addi %mul3A_860, %add3A_916 : i32
      %swap3A_918 = arith.index_cast %select_n3A_915 : i32 to index
      %swap3A_919 = arith.index_cast %add3A_917 : i32 to index
      %swap3A_920 = tpu.vector_load %arg10[%swap3A_918, %swap3A_919] {strides = array<i32>} : memref<64x128xf32, #tpu.memory_space<vmem>>, vector<1x16xf32>,
      %swap3A_921 = vector.shape_cast %swap3A_920 : vector<1x16xf32> to vector<16xf32>
      %swap3A_922 = vector.shape_cast %add3A_840 : vector<16xf32> to vector<1x16xf32>
      tpu.vector_store %arg10[%swap3A_918, %swap3A_919], %swap3A_922 {strides = array<i32>} : memref<64x128xf32, #tpu.memory_space<vmem>>, vector<1x16xf32>,
      %jit3A_923 = arith.constant 2 : i32
      %div3A_924 = arith.divsi %add3A_543, %jit3A_923 : i32
      %sign3A_925 = arith.constant 0 : i32
      %sign3A_926 = arith.cmpi sgt, %add3A_543, %sign3A_925 : i32
      %sign3A_927 = arith.extui %sign3A_926 : i1 to i32
      %sign3A_928 = arith.constant 0 : i32
      %sign3A_929 = arith.cmpi slt, %add3A_543, %sign3A_928 : i32
      %sign3A_930 = arith.extui %sign3A_929 : i1 to i32
      %sign3A_931 = arith.subi %sign3A_927, %sign3A_930 : i32
      %sign3A_932 = arith.constant 0 : i32
      %sign3A_933 = arith.cmpi sgt, %jit3A_923, %sign3A_932 : i32
      %sign3A_934 = arith.extui %sign3A_933 : i1 to i32
      %sign3A_935 = arith.constant 0 : i32
      %sign3A_936 = arith.cmpi slt, %jit3A_923, %sign3A_935 : i32
      %sign3A_937 = arith.extui %sign3A_936 : i1 to i32
      %sign3A_938 = arith.subi %sign3A_934, %sign3A_937 : i32
      %ne3A_939 = arith.cmpi ne, %sign3A_931, %sign3A_938 : i32
      %rem3A_940 = arith.remsi %add3A_543, %jit3A_923 : i32
      %ne3A_941 = arith.constant 0 : i32
      %ne3A_942 = arith.cmpi ne, %rem3A_940, %ne3A_941 : i32
      %and3A_943 = arith.andi %ne3A_939, %ne3A_942 : i1
      %sub3A_944 = arith.constant 1 : i32
      %sub3A_945 = arith.subi %div3A_924, %sub3A_944 : i32
      %select_n3A_946 = arith.select %and3A_943, %sub3A_945, %div3A_924 : i32
      %add3A_947 = arith.constant 32 : i32
      %add3A_948 = arith.addi %mul3A_860, %add3A_947 : i32
      %swap3A_949 = arith.index_cast %select_n3A_946 : i32 to index
      %swap3A_950 = arith.index_cast %add3A_948 : i32 to index
      %swap3A_951 = tpu.vector_load %arg10[%swap3A_949, %swap3A_950] {strides = array<i32>} : memref<64x128xf32, #tpu.memory_space<vmem>>, vector<1x16xf32>,
      %swap3A_952 = vector.shape_cast %swap3A_951 : vector<1x16xf32> to vector<16xf32>
      %swap3A_953 = vector.shape_cast %add3A_848 : vector<16xf32> to vector<1x16xf32>
      tpu.vector_store %arg10[%swap3A_949, %swap3A_950], %swap3A_953 {strides = array<i32>} : memref<64x128xf32, #tpu.memory_space<vmem>>, vector<1x16xf32>,
      %jit3A_954 = arith.constant 2 : i32
      %div3A_955 = arith.divsi %add3A_543, %jit3A_954 : i32
      %sign3A_956 = arith.constant 0 : i32
      %sign3A_957 = arith.cmpi sgt, %add3A_543, %sign3A_956 : i32
      %sign3A_958 = arith.extui %sign3A_957 : i1 to i32
      %sign3A_959 = arith.constant 0 : i32
      %sign3A_960 = arith.cmpi slt, %add3A_543, %sign3A_959 : i32
      %sign3A_961 = arith.extui %sign3A_960 : i1 to i32
      %sign3A_962 = arith.subi %sign3A_958, %sign3A_961 : i32
      %sign3A_963 = arith.constant 0 : i32
      %sign3A_964 = arith.cmpi sgt, %jit3A_954, %sign3A_963 : i32
      %sign3A_965 = arith.extui %sign3A_964 : i1 to i32
      %sign3A_966 = arith.constant 0 : i32
      %sign3A_967 = arith.cmpi slt, %jit3A_954, %sign3A_966 : i32
      %sign3A_968 = arith.extui %sign3A_967 : i1 to i32
      %sign3A_969 = arith.subi %sign3A_965, %sign3A_968 : i32
      %ne3A_970 = arith.cmpi ne, %sign3A_962, %sign3A_969 : i32
      %rem3A_971 = arith.remsi %add3A_543, %jit3A_954 : i32
      %ne3A_972 = arith.constant 0 : i32
      %ne3A_973 = arith.cmpi ne, %rem3A_971, %ne3A_972 : i32
      %and3A_974 = arith.andi %ne3A_970, %ne3A_973 : i1
      %sub3A_975 = arith.constant 1 : i32
      %sub3A_976 = arith.subi %div3A_955, %sub3A_975 : i32
      %select_n3A_977 = arith.select %and3A_974, %sub3A_976, %div3A_955 : i32
      %add3A_978 = arith.constant 48 : i32
      %add3A_979 = arith.addi %mul3A_860, %add3A_978 : i32
      %swap3A_980 = arith.index_cast %select_n3A_977 : i32 to index
      %swap3A_981 = arith.index_cast %add3A_979 : i32 to index
      %swap3A_982 = tpu.vector_load %arg10[%swap3A_980, %swap3A_981] {strides = array<i32>} : memref<64x128xf32, #tpu.memory_space<vmem>>, vector<1x16xf32>,
      %swap3A_983 = vector.shape_cast %swap3A_982 : vector<1x16xf32> to vector<16xf32>
      %swap3A_984 = vector.shape_cast %add3A_856 : vector<16xf32> to vector<1x16xf32>
      tpu.vector_store %arg10[%swap3A_980, %swap3A_981], %swap3A_984 {strides = array<i32>} : memref<64x128xf32, #tpu.memory_space<vmem>>, vector<1x16xf32>,
    }
    %scan3A_29 = arith.constant 64 : i32
    %mul3A_30 = arith.constant 64 : i32
    %mul3A_31 = arith.muli %add3A, %mul3A_30 : i32
    "tpu.region"() ({
      %run_scoped3A = tpu.sem_alloc : memref<!tpu.dma_semaphore, #tpu.memory_space<semaphore_mem>>
      %dma_start3A_32 = arith.constant 0 : i32
      %dma_start3A_33 = tpu.memref_slice %arg5[%mul3A_31, %dma_start3A_32] : memref<2048x128xf32, #tpu.memory_space<hbm>> -> memref<64x128xf32, #tpu.memory_space<hbm>>
      %dma_start3A_34 = arith.constant 0 : i32
      %dma_start3A_35 = tpu.memref_slice %arg5[%mul3A_31, %dma_start3A_34] : memref<2048x128xf32, #tpu.memory_space<hbm>> -> memref<64x128xf32, #tpu.memory_space<hbm>>
      tpu.enqueue_dma source(%arg10 : memref<64x128xf32, #tpu.memory_space<vmem>>) target(%dma_start3A_35 : memref<64x128xf32, #tpu.memory_space<hbm>>) target_semaphore(%run_scoped3A : memref<!tpu.dma_semaphore, #tpu.memory_space<semaphore_mem>>)
      %dma_wait3A = arith.constant 0 : i32
      %dma_wait3A_36 = tpu.memref_slice %arg5[%mul3A_31, %dma_wait3A] : memref<2048x128xf32, #tpu.memory_space<hbm>> -> memref<64x128xf32, #tpu.memory_space<hbm>>
      %dma_wait3A_37 = arith.constant 0 : i32
      %dma_wait3A_38 = tpu.memref_slice %arg5[%mul3A_31, %dma_wait3A_37] : memref<2048x128xf32, #tpu.memory_space<hbm>> -> memref<64x128xf32, #tpu.memory_space<hbm>>
      tpu.wait_dma2 semaphore(%run_scoped3A : memref<!tpu.dma_semaphore, #tpu.memory_space<semaphore_mem>>) src(%arg10 : memref<64x128xf32, #tpu.memory_space<vmem>>) dst(%dma_wait3A_38 : memref<64x128xf32, #tpu.memory_space<hbm>>)
      tpu.yield
    }) : () -> ()
    return
  }
}

module attributes {stable_mosaic.version = 14 : i64} {
  func.func @_tc_repack_body(%arg0: i32, %arg1: memref<64x4096xf32, #tpu.memory_space<vmem>>, %arg2: memref<2048x128xf32, #tpu.memory_space<vmem>>) attributes {dimension_semantics = [#tpu.dimension_semantics<arbitrary>], iteration_bounds = array<i64: 245>, scalar_prefetch = 0 : i64, scratch_operands = 0 : i64, tpu.core_type = #tpu.core_type<tc>, window_params = [{transform_indices = @transform_0, window_bounds = array<i64: 64, 4096>}, {transform_indices = @transform_1, window_bounds = array<i64: 2048, 128>}]} {
    %get3A = arith.constant 0 : index
    %get3A_0 = arith.constant 0 : index
    %get3A_1 = vector.load %arg1[%get3A, %get3A_0] : memref<64x4096xf32, #tpu.memory_space<vmem>>, vector<64x4096xf32>
    %transpose3A = tpu.transpose %get3A_1, [1, 0] : vector<64x4096xf32> -> vector<4096x64xf32>
    %reshape3A = vector.shape_cast %transpose3A : vector<4096x64xf32> to vector<2048x2x64xf32>
    %slice3A = vector.extract_strided_slice %reshape3A {offsets = [0, 0, 0], sizes = [2048, 1, 64], strides = [1, 1, 1]} : vector<2048x2x64xf32> to vector<2048x1x64xf32>
    %squeeze3A = vector.shape_cast %slice3A : vector<2048x1x64xf32> to vector<2048x64xf32>
    %slice3A_2 = vector.extract_strided_slice %reshape3A {offsets = [0, 1, 0], sizes = [2048, 1, 64], strides = [1, 1, 1]} : vector<2048x2x64xf32> to vector<2048x1x64xf32>
    %squeeze3A_3 = vector.shape_cast %slice3A_2 : vector<2048x1x64xf32> to vector<2048x64xf32>
    %concatenate3A = tpu.concatenate %squeeze3A, %squeeze3A_3 in 1 : vector<2048x64xf32>, vector<2048x64xf32> -> vector<2048x128xf32>
    %swap3A = arith.constant 0 : index
    %swap3A_4 = arith.constant 0 : index
    %swap3A_5 = vector.load %arg2[%swap3A, %swap3A_4] : memref<2048x128xf32, #tpu.memory_space<vmem>>, vector<2048x128xf32>
    tpu.vector_store %arg2[%swap3A, %swap3A_4], %concatenate3A {strides = array<i32>} : memref<2048x128xf32, #tpu.memory_space<vmem>>, vector<2048x128xf32>,
    return
  }
  func.func @transform_0(%arg0: i32) -> (i32, i32) {
    %c0_i32 = arith.constant 0 : i32
    %c0_i32_0 = arith.constant 0 : i32
    return %c0_i32, %arg0 : i32, i32
  }
  func.func @transform_1(%arg0: i32) -> (i32, i32) {
    %c0_i32 = arith.constant 0 : i32
    %c0_i32_0 = arith.constant 0 : i32
    return %arg0, %c0_i32 : i32, i32
  }
}

module attributes {stable_mosaic.version = 14 : i64} {
  func.func @_tc_body(%arg0: memref<4096x64xf32, #tpu.memory_space<vmem>>, %arg1: memref<4096x256xi32, #tpu.memory_space<vmem>>, %arg2: memref<1x64xf32, #tpu.memory_space<vmem>>, %arg3: memref<2x64xf32, #tpu.memory_space<vmem>>, %arg4: memref<1x2xf32, #tpu.memory_space<vmem>>, %arg5: memref<4096x2xf32, #tpu.memory_space<vmem>>) attributes {dimension_semantics = [], scalar_prefetch = 0 : i64, scratch_operands = 0 : i64, tpu.core_type = #tpu.core_type<tc>} {
    %get3A = arith.constant 0 : index
    %get3A_0 = arith.constant 0 : index
    %get3A_1 = vector.load %arg1[%get3A, %get3A_0] : memref<4096x256xi32, #tpu.memory_space<vmem>>, vector<4096x256xi32>
    %eq3A = arith.constant 0 : i32
    %eq3A_2 = vector.broadcast %eq3A : i32 to vector<4096x256xi32>
    %eq3A_3 = arith.cmpi eq, %get3A_1, %eq3A_2 : vector<4096x256xi32>
    %convert_element_type3A = arith.extui %eq3A_3 : vector<4096x256xi1> to vector<4096x256xi32>
    %convert_element_type3A_4 = arith.sitofp %convert_element_type3A : vector<4096x256xi32> to vector<4096x256xf32>
    %reduce_sum3A = arith.constant dense<0.000000e+00> : vector<4096xf32>
    %reduce_sum3A_5 = vector.multi_reduction <add>, %convert_element_type3A_4, %reduce_sum3A [1] : vector<4096x256xf32> to vector<4096xf32>
    %broadcast_in_dim3A = vector.shape_cast %reduce_sum3A_5 : vector<4096xf32> to vector<4096x1xf32>
    %sub3A = arith.constant 5.600000e+01 : f32
    %sub3A_6 = vector.broadcast %sub3A : f32 to vector<4096x1xf32>
    %sub3A_7 = arith.subf %broadcast_in_dim3A, %sub3A_6 : vector<4096x1xf32>
    %get3A_8 = arith.constant 0 : index
    %get3A_9 = arith.constant 0 : index
    %get3A_10 = vector.load %arg0[%get3A_8, %get3A_9] : memref<4096x64xf32, #tpu.memory_space<vmem>>, vector<4096x64xf32>
    %get3A_11 = arith.constant 0 : index
    %get3A_12 = arith.constant 0 : index
    %get3A_13 = vector.load %arg2[%get3A_11, %get3A_12] : memref<1x64xf32, #tpu.memory_space<vmem>>, vector<1x64xf32>
    %mul3A = vector.broadcast %sub3A_7 : vector<4096x1xf32> to vector<4096x64xf32>
    %mul3A_14 = vector.broadcast %get3A_13 : vector<1x64xf32> to vector<4096x64xf32>
    %mul3A_15 = arith.mulf %mul3A, %mul3A_14 : vector<4096x64xf32>
    %sub3A_16 = arith.subf %get3A_10, %mul3A_15 : vector<4096x64xf32>
    %mul3A_17 = arith.constant 5.000000e-03 : f32
    %mul3A_18 = vector.broadcast %mul3A_17 : f32 to vector<4096x64xf32>
    %mul3A_19 = arith.mulf %sub3A_16, %mul3A_18 : vector<4096x64xf32>
    %get3A_20 = arith.constant 0 : index
    %get3A_21 = arith.constant 0 : index
    %get3A_22 = vector.load %arg3[%get3A_20, %get3A_21] : memref<2x64xf32, #tpu.memory_space<vmem>>, vector<2x64xf32>
    %dot_general3A = arith.constant dense<0.000000e+00> : vector<4096x2xf32>
    %dot_general3A_23 = tpu.matmul %mul3A_19, %get3A_22, %dot_general3A {dimension_numbers = #tpu.dot_dimension_numbers<[1], [1], [0], [0], [0, 0, 1, 0], [], []>, precision = #tpu.contract_precision<fp32>, transpose_lhs_hint = false} : vector<4096x64xf32>, vector<2x64xf32>, vector<4096x2xf32> -> vector<4096x2xf32>
    %get3A_24 = arith.constant 0 : index
    %get3A_25 = arith.constant 0 : index
    %get3A_26 = vector.load %arg4[%get3A_24, %get3A_25] : memref<1x2xf32, #tpu.memory_space<vmem>>, vector<1x2xf32>
    %add3A = vector.broadcast %get3A_26 : vector<1x2xf32> to vector<4096x2xf32>
    %add3A_27 = arith.addf %dot_general3A_23, %add3A : vector<4096x2xf32>
    %swap3A = arith.constant 0 : index
    %swap3A_28 = arith.constant 0 : index
    %swap3A_29 = vector.load %arg5[%swap3A, %swap3A_28] : memref<4096x2xf32, #tpu.memory_space<vmem>>, vector<4096x2xf32>
    tpu.vector_store %arg5[%swap3A, %swap3A_28], %add3A_27 {strides = array<i32>} : memref<4096x2xf32, #tpu.memory_space<vmem>>, vector<4096x2xf32>,
    return
  }
}

</mosaic_0001>

<sc_bundles>
// kernel: kernel.5.cloned.1.call-start
scs
__scs_entry_jumppad:
0x0: {  	(pc) =	sbr.rel $0x88, $3  }
0x1: {  	(tag) =	ssettag $0x0;
	lr =	simm.s32 $0x1  }
0x2: {  	[smem:$0x3F9D] =	sst lr;
	_ =	strace $0xD0000000  }
0x3: {  	_ = 	snop  }
0x4: {  	_ = 	snop  }
0x5: {  	_ = 	snop  }
0x6: {  	_ = 	snop  }
0x7: {  	_ = 	snop  }
__scs_overlays_trampoline_lowered:
0x8: {  	[smem:$0x3FAC] =	sst s0  }
0x9: {  	[smem:$0x3FAD] =	sst s1  }
0xa: {  	[smem:$0x3FAE] =	sst s2  }
0xb: {  	[smem:$0x3FAF] =	sst s3  }
0xc: {  	[smem:$0x3FB0] =	sst s4  }
0xd: {  	[smem:$0x3FB1] =	sst s5  }
0xe: {  	[smem:$0x3FB2] =	sst s6  }
0xf: {  	[smem:$0x3FB3] =	sst s7  }
0x10: {  	[smem:$0x3FB4] =	sst s8  }
0x11: {  	[smem:$0x3FB5] =	sst s9;
	s0 =	simm.s32 @!p0 $0x0  }
0x12: {  	s1 =	sld [smem:$0x3F9B];
	s0 =	simm.s32 @p0 $0x1  }
0x13: {  	[smem:$0x3FB6] =	sst s0;
	s0 =	simm.s32 @!p1 $0x0  }
0x14: {  	s2 =	sld [smem:$0x3F9A];
	s0 =	simm.s32 @p1 $0x1  }
0x15: {  	[smem:$0x3FB7] =	sst s0;
	s0 =	simm.s32 @!p2 $0x0  }
0x16: {  	s3 =	sld [smem:$0x3FDB];
	s0 =	simm.s32 @p2 $0x1  }
0x17: {  	s4 =	simm.s32 $0x1BF5;
	[smem:$0x3FB9] =	sst s0  }
0x18: {  	s0 =	sld [smem:$0x3F9C];
	_ =	swait.ge [sflag:s4], $0x0  }
0x19: {  	s7 =	sld [smem:$0x3F9D]  }
0x1a: {  	s8 =	sadd.s32 $0xFFFFE003, lr  }
0x1b: {  	s9 =	sadd.s32 $0xFFFFFEF7, lr;
	s5 =	simm.s32 $0xFFFFFFFF;
	p2 =	slt.u32 s8, $0xFFFFF086  }
0x1c: {  	p1 =	slt.u32 s9, $0xF7A;
	s5 =	simm.s32 @!p2 $0x0  }
0x1d: {  	s5 =	simm.s32 @p1 $0x1;
	p0 =	seq.s32 s7, s2  }
0x1e: {  	s7 =	smul.u32 @!p0 $0xF7A, s2;
	p2 =	seq.s32 @!p0 s5, $0x0  }
0x1f: {  	s9 =	smul.u32 $0xF7A, s1;
	s8 =	simm.s32 @!p0 $0x1BF5;
	p2 =	por !p2, p0  }
0x20: {  	[sflag:s8] =	ssyncset.s32 @!p0 $0xFFFFF086;
	s6 =	sadd.s32 @!p0 s3, s7;
	s7 =	simm.s32 @!p0 $0x108  }
0x21: {  	s3 =	sadd.s32 s3, s9;
	s6 =	sadd.s32 @!p0 $0x88, s6;
	s7 =	simm.s32 @p2 $0x1082  }
0x22: {  	[simem:s7], [sflag:s8] =	dma.local @!p0 [hbm:s6], $0xF7A  }
0x23: {  	s9 =	sor.u32 $0xD0000000, s2;
	s6 =	simm.s32 $0x108;
	_ =	swait.ge @!p0 [sflag:s8], $0x0  }
0x24: {  	s3 =	sadd.s32 $0x88, s3;
	s6 =	simm.s32 @!p1 $0x1082;
	[sflag:s4] =	ssyncset.s32 $0xFFFFF086  }
0x25: {  	[simem:s6], [sflag:s4] =	dma.local [hbm:s3], $0xF7A  }
0x26: {  	[smem:$0x3F9D] =	sst s1;
	(tag) =	ssettag s2;
	_ =	strace s9  }
0x27: {  	s1 =	sld [smem:$0x3FAD]  }
0x28: {  	s2 =	sld [smem:$0x3FAE]  }
0x29: {  	s4 =	sld [smem:$0x3FB0]  }
0x2a: {  	p0 =	seq.s32 s5, $0x0;
	s5 =	sld [smem:$0x3FB1]  }
0x2b: {  	s6 =	sld [smem:$0x3FB2]  }
0x2c: {  	s7 =	sld [smem:$0x3FB3]  }
0x2d: {  	s3 =	simm.s32 $0x108;
	s8 =	sld [smem:$0x3FB4]  }
0x2e: {  	s3 =	simm.s32 @!p0 $0x1082;
	s9 =	sld [smem:$0x3FB5]  }
0x2f: {  	lr =	sadd.s32 s0, s3;
	s0 =	sld [smem:$0x3FAC]  }
0x30: {  	s3 =	sld [smem:$0x3FAF]  }
0x31: {  	[smem:$0x3FB8] =	sst s10  }
0x32: {  	s10 =	sld [smem:$0x3FB6];
	_ =	sdelay $0x3  }
0x33: {  	p0 =	seq.s32 s10, $0x1;
	s10 =	sld [smem:$0x3FB8];
	_ =	sdelay $0x3  }
0x34: {  	[smem:$0x3FB8] =	sst s10  }
0x35: {  	s10 =	sld [smem:$0x3FB7];
	_ =	sdelay $0x3  }
0x36: {  	p1 =	seq.s32 s10, $0x1;
	s10 =	sld [smem:$0x3FB8];
	_ =	sdelay $0x3  }
0x37: {  	[smem:$0x3FB8] =	sst s10  }
0x38: {  	s10 =	sld [smem:$0x3FB9]  }
0x39: {  	_ = 	snop;
	(pc) =	sbr.ind lr, $3  }
0x3a: {  	_ = 	snop  }
0x3b: {  	_ = 	snop  }
0x3c: {  	p2 =	seq.s32 s10, $0x1;
	s10 =	sld [smem:$0x3FB8]  }
0x3d: {  	_ =	shalt  }
0x3e: {  	_ =	shalt  }
0x3f: {  	_ =	shalt  }
0x40: {  	_ =	shalt  }
0x41: {  	_ =	shalt  }
0x42: {  	_ =	shalt  }
0x43: {  	_ =	shalt  }
0x44: {  	_ =	shalt  }
0x45: {  	_ =	shalt  }
0x46: {  	_ =	shalt  }
0x47: {  	_ =	shalt  }
0x48: {  	_ =	shalt  }
0x49: {  	_ =	shalt  }
0x4a: {  	_ =	shalt  }
0x4b: {  	_ =	shalt  }
0x4c: {  	_ =	shalt  }
0x4d: {  	_ =	shalt  }
0x4e: {  	_ =	shalt  }
0x4f: {  	_ =	shalt  }
0x50: {  	_ =	shalt  }
0x51: {  	_ =	shalt  }
0x52: {  	_ =	shalt  }
0x53: {  	_ =	shalt  }
0x54: {  	_ =	shalt  }
0x55: {  	_ =	shalt  }
0x56: {  	_ =	shalt  }
0x57: {  	_ =	shalt  }
0x58: {  	_ =	shalt  }
0x59: {  	_ =	shalt  }
0x5a: {  	_ =	shalt  }
0x5b: {  	_ =	shalt  }
0x5c: {  	_ =	shalt  }
0x5d: {  	_ =	shalt  }
0x5e: {  	_ =	shalt  }
0x5f: {  	_ =	shalt  }
0x60: {  	_ =	shalt  }
0x61: {  	_ =	shalt  }
0x62: {  	_ =	shalt  }
0x63: {  	_ =	shalt  }
0x64: {  	_ =	shalt  }
0x65: {  	_ =	shalt  }
0x66: {  	_ =	shalt  }
0x67: {  	_ =	shalt  }
0x68: {  	_ =	shalt  }
0x69: {  	_ =	shalt  }
0x6a: {  	_ =	shalt  }
0x6b: {  	_ =	shalt  }
0x6c: {  	_ =	shalt  }
0x6d: {  	_ =	shalt  }
0x6e: {  	_ =	shalt  }
0x6f: {  	_ =	shalt  }
0x70: {  	_ =	shalt  }
0x71: {  	_ =	shalt  }
0x72: {  	_ =	shalt  }
0x73: {  	_ =	shalt  }
0x74: {  	_ =	shalt  }
0x75: {  	_ =	shalt  }
0x76: {  	_ =	shalt  }
0x77: {  	_ =	shalt  }
0x78: {  	_ =	shalt  }
0x79: {  	_ =	shalt  }
0x7a: {  	_ =	shalt  }
0x7b: {  	_ =	shalt  }
0x7c: {  	_ =	shalt  }
0x7d: {  	_ =	shalt  }
0x7e: {  	_ =	shalt  }
0x7f: {  	_ =	shalt  }
0x80: {  	_ =	shalt  }
0x81: {  	_ =	shalt  }
0x82: {  	_ =	shalt  }
0x83: {  	_ =	shalt  }
0x84: {  	_ =	shalt  }
0x85: {  	_ =	shalt  }
0x86: {  	_ =	shalt  }
0x87: {  	_ =	shalt  }
.Lfunc_end0:
.L_simem_size_0:
called_computation_lowered:
.L_overlay_start_0:
0x88: {  	s2 =	sld [smem:$0x3FD9]  }
0x89: {  	s3 =	sld [smem:$0x3FFE];
	_ =	sdelay $0x1  }
0x8a: {  	s1 =	srdreg.scid  }
0x8b: {  	s0 =	sand.u32 $0x1, s1  }
0x8c: {  	s16 =	sshll.u32 s0, $0xA;
	s2 =	sadd.s32 s3, s2  }
0x8d: {  	s2 =	sadd.s32 s2, s16  }
0x8e: {  	[smem:$0x3FC4] =	sst s2  }
0x8f: {  	_ = 	snop  }
0x90: {  	(tm) =	ssettm $0x1  }
0x91: {  	s17 =	sld [smem:$0x3FFB];
	_ =	sdelay $0x3  }
0x92: {  	_ =	strace s17  }
0x93: {  	s2 =	sld [smem:$0x3FFC];
	_ =	sdelay $0x3  }
0x94: {  	_ =	strace s2  }
0x95: {  	s2 =	sld [smem:$0x3FFD];
	_ =	sdelay $0x3  }
0x96: {  	_ =	strace s2  }
0x97: {  	_ =	strace $0x8FFFFFFF  }
0x98: {  	s18 =	sld [smem:$0x3FDB];
	_ =	sdelay $0x1  }
0x99: {  	s19 =	simm.s32 $_scs_section_size  }
0x9a: {  	s4 =	simm.s32 $_size__tile_overlayer_lowered;
	s5 =	simm.s32 $_tile_overlayer_lowered  }
0x9b: {  	s22 =	simm.s32 $0x1BFF;
	s21 =	sshll.u32 s5, $0x1;
	s2 =	sadd.s32 s19, s18  }
0x9c: {  	s6 =	simm.s32 $0x0;
	s20 =	sshll.u32 s4, $0x1;
	s4 =	sadd.s32 s21, s2  }
0x9d: {  	[timem:s6], [sflag:s22] =	dma.local [hbm:s4], s20  }
0x9e: {  	_ =	swait.ge [sflag:s22], s20  }
0x9f: {  	s3 =	ssub.s32 $0x0, s20;
	[sflag:s22] =	ssyncset.done $0x0  }
0xa0: {  	[sflag:s22] =	ssyncadd.s32 s3;
	_ =	sdelay $0x1  }
0xa1: {  	s23 =	simm.s32 $0x1B8B  }
0xa2: {  	_ =	swait.ge [sflag:s23], $0x1  }
0xa3: {  	[sflag:s23] =	ssyncset.done $0x0  }
0xa4: {  	s25 =	simm.s32 $0x1B8E;
	s24 =	sld [smem:$0x3FFE];
	[sflag:s23] =	ssyncadd.s32 $0xFFFFFFFF  }
0xa5: {  	s26 =	simm.s32 $execute0_lowered;
	[smem:$0x3FD2] =	sst s25  }
0xa6: {  	s4 =	sshll.u32 s26, $0x1;
	_ =	strace $0x80000046;
	[dreg:$0x1] =	wrdreg $0xFFFFFFFF  }
0xa7: {  	s28 =	simm.s32 $_size_execute0_lowered;
	s2 =	sadd.s32 s2, s4;
	[dreg:$0x0] =	wrdreg $0x0  }
0xa8: {  	s4 =	sshll.u32 s28, $0x1;
	[dreg:$0x2] =	wrdreg s2  }
0xa9: {  	[dreg:$0x3] =	wrdreg s4  }
0xaa: {  	[dreg:$0x4] =	wrdreg $0xC0  }
0xab: {  	_ =	task [dreg:s6], $0x5FFFF  }
0xac: {  	[dreg:$0x1] =	wrdreg $0xFFFFFFFF  }
0xad: {  	[dreg:$0x0] =	wrdreg $0x60  }
0xae: {  	[dreg:$0x2] =	wrdreg s24  }
0xaf: {  	[dreg:$0x3] =	wrdreg $0x9  }
0xb0: {  	_ =	task.clear_ibuf [dreg:s6], $0x4FFFF;
	_ =	strace $0x90000046  }
0xb1: {  	s29 =	simm.s32 $0x9;
	_ =	strace $0x80000048  }
0xb2: {  	_ =	swait.ge [sflag:s29], $0x1  }
0xb3: {  	[sflag:s29] =	ssyncadd.s32 $0xFFFFFFFF  }
0xb4: {  	_ =	strace $0x90000048  }
0xb5: {  	_ =	sfence  }
0xb6: {  	s30 =	sld [smem:$0x0];
	_ =	sdelay $0x2  }
0xb7: {  	s31 =	sshll.u32 s1, $0xD;
	s1 =	sshrl.u32 s1, $0x2  }
0xb8: {  	s3 =	sand.u32 $0x4000, s31;
	s1 =	sadd.s32 s1, s30  }
0xb9: {  	s0 =	sor.u32 s3, s0;
	s1 =	sshll.u32 s1, $0x11  }
0xba: {  	s0 =	sor.u32 s1, s0  }
0xbb: {  	s0 =	sadd.s32 $0x8F2B, s0  }
0xbc: {  	[sflag:s0] =	ssyncadd.remote.s32 $0x1  }
0xbd: {  	_ =	sfence.sel $0xFFFF  }
0xbe: {  	[dreg:$0x0] =	wrdreg $0xFFFFFFFF;
	(pc) =	sbr.abs _section_cstart, $3  }
0xbf: {  	[dreg:$0x1] =	wrdreg $0xFFFFFFFF  }
0xc0: {  	_ =	task.clear_ibuf [dreg:s6], $0x2FFFF;
	_ =	strace $0x9FFFFFFF  }
0xc1: {  	(tm) =	ssettm $0x7FFFFFFF  }
tec
execute0_lowered:
.L_overlay_start_1:
0x0: {  	(tag) =	ssettag $0x1  }
0x1: {  	s0 =	srdreg.scid;
	s2 =	stileid.u32  }
0x2: {  	s1 =	rddreg [dreg:$0x0];
	s8 =	simm.s32 $0x5;
	s11 =	simm.s32 $0x48  }
0x3: {  	s14 =	simm.s32 $0x80;
	s15 =	simm.s32 $0x16400;
	s16 =	simm.s32 $0x1A400  }
0x4: {  	s17 =	simm.s32 $0x1;
	s0 =	sand.u32 $0x1, s0;
	s3 =	sshll.u32 s2, $0x1  }
0x5: {  	s18 =	simm.s32 $0x2;
	s2 =	simm.s32 $0x0;
	s4 =	sor.u32 s0, s3  }
0x6: {  	[smem:$0x7FF] =	sst s2;
	s0 =	ssub.s32 $0x2, s0;
	s3 =	sshll.u32 s4, $0xC  }
0x7: {  	_ =	strace $0x80000047;
	s4 =	sshll.u32 s4, $0xA;
	s5 =	sadd.s32 s3, s1  }
0x8: {  	s6 =	sshrl.u32 s0, $0x1;
	s3 =	sadd.s32 $0x60E00, s1;
	s30 =	sadd.s32 $0x20E00, s5  }
0x9: {  	s1 =	sadd.s32 s4, s1;
	s31 =	sadd.s32 $0x40E00, s5;
	[dreg:$0x2] =	wrdreg s30  }
0xa: {  	s0 =	ssub.s32 s0, s6;
	s1 =	sadd.s32 $0x802000, s1;
	[dreg:$0x3] =	wrdreg s31  }
0xb: {  	s19 =	simm.s32 $0x3;
	s0 =	smax.u32 s0, $0x1;
	[dreg:$0x4] =	wrdreg s1  }
0xc: {  	s20 =	simm.s32 $0x4;
	s22 =	simm.s32 $0x0;
	[dreg:$0x5] =	wrdreg s0  }
.LBB2_1:
0xd: {  	s0 =	rddreg [dreg:$0x2]  }
0xe: {  	[tilespmem:s2], [sflag:$0x5] =	stream.linear.gather [hbm4b:s0+s2], $0x8000, $0x38;
	[tilespmem:$0x1E800] =	vst v63  }
0xf: {  	_ =	swait.ge [sflag:s8], $0x8000  }
0x10: {  	[sflag:s8] =	ssyncset.done $0x0  }
0x11: {  	s1 =	simm.s32 $0x8000;
	s26 =	rddreg [dreg:$0x3];
	[sflag:s8] =	ssyncadd.s32 $0xFFFF8000  }
0x12: {  	[tilespmem:s1], [sflag:$0x5] =	stream.linear.gather [hbm4b:s26+s2], $0x8000, $0x38;
	[tilespmem:$0x1E800] =	vst v63  }
0x13: {  	s29 =	simm.s32 $0x10000;
	_ =	swait.ge [sflag:s8], $0x8000  }
0x14: {  	s30 =	simm.s32 $0x8080;
	s31 =	simm.s32 $0x14000;
	[sflag:s8] =	ssyncset.done $0x0  }
0x15: {  	s23 =	simm.s32 $0x100;
	s24 =	simm.s32 $0x180;
	[sflag:s8] =	ssyncadd.s32 $0xFFFF8000  }
0x16: {  	[tilespmem:s29], [sflag:$0x1] =	stream.indirect.gather [hbm4b:s3+s14], $0x80, s1, s14, $0xb8;
	[tilespmem:$0x1E800] =	vst v63  }
0x17: {  	s25 =	simm.s32 $0x80;
	s13 =	simm.s32 $0x0;
	s28 =	simm.s32 $0x0  }
0x18: {  	[tilespmem:s31], [sflag:$0x2] =	stream.indirect.gather [hbm4b:s3+s11], $0x80, s30, s11, $0xb8;
	[tilespmem:$0x1E800] =	vst v63  }
.LBB2_2:
0x19: {  	s30 =	sshll.u32 s28, $0x9  }
0x1a: {  	s0 =	sadd.s32 $0x8100, s30  }
0x1b: {  	[tilespmem:s15], [sflag:$0x3] =	stream.indirect.gather [hbm4b:s3+s14], $0x80, s0, s14, $0xb8;
	[tilespmem:$0x1E800] =	vst v63  }
0x1c: {  	s12 =	sadd.s32 $0x8180, s30  }
0x1d: {  	[tilespmem:s16], [sflag:$0x4] =	stream.indirect.gather [hbm4b:s3+s11], $0x80, s12, s11, $0xb8;
	[tilespmem:$0x1E800] =	vst v63  }
0x1e: {  	_ =	swait.ge [sflag:s17], $0x4000  }
0x1f: {  	[sflag:s17] =	ssyncset.done $0x0  }
0x20: {  	[sflag:s17] =	ssyncadd.s32 $0xFFFFC000  }
0x21: {  	_ =	swait.ge [sflag:s18], $0x2400  }
0x22: {  	[sflag:s18] =	ssyncset.done $0x0  }
0x23: {  	[sflag:s18] =	ssyncadd.s32 $0xFFFFDC00  }
0x24: {  	v0 =	vld [tilespmem:s13+$0x0];
	_ =	sdelay $0x4  }
0x25: {  	v0 =	vand.u32 $0x1, v0  }
0x26: {  	s10 =	simm.s32 $0x0;
	v0 =	vshll.u32 v0, $0x6  }
0x27: {  	v0 =	vadd.s32 s10, v0  }
0x28: {  	v0 =	vadd.s32 $0x10000, v0  }
0x29: {  	(v2sf) =	vpush v0, $0xD  }
0x2a: {  	(v2sf) =	vpush v0, $0x7  }
0x2b: {  	(v2sf) =	vpush v0, $0x6;
	_ =	sdelay $0x1  }
0x2c: {  	(v2sf) =	vpush v0, $0x5;
	_ =	sdelay $0x3  }
0x2d: {  	(v2sf) =	vpush v0, $0x4;
	_ =	sdelay $0x3  }
0x2e: {  	(v2sf) =	vpush v0, $0x3;
	_ =	sdelay $0x2  }
0x2f: {  	s0 =	spop (v2sf)  }
0x30: {  	(v2sf) =	vpush v0, $0x1;
	v1 =	vld [tilespmem:s0+$0x6A0];
	s9 =	spop (v2sf)  }
0x31: {  	v4 =	vld [tilespmem:s9+$0x3B0];
	s1 =	spop (v2sf)  }
0x32: {  	v8 =	vld [tilespmem:s1+$0x320]  }
0x33: {  	(v2sf) =	vpush v0, $0x2;
	s4 =	spop (v2sf);
	v5 =	vld [tilespmem:s1+$0x330]  }
0x34: {  	(v2sf) =	vpush v0, $0x0;
	v10 =	vld [tilespmem:s4+$0x290]  }
0x35: {  	(v2sf) =	vpush v0, $0xA;
	v12 =	vld [tilespmem:s4+$0x280]  }
0x36: {  	v9 =	vld [tilespmem:s4+$0x2A0]  }
0x37: {  	s5 =	spop (v2sf);
	v11 =	vld [tilespmem:s4+$0x2B0]  }
0x38: {  	v6 =	vld [tilespmem:s5+$0x220]  }
0x39: {  	v16 =	vld [tilespmem:s5+$0x200]  }
0x3a: {  	v15 =	vld [tilespmem:s5+$0x210]  }
0x3b: {  	s6 =	spop (v2sf);
	v7 =	vld [tilespmem:s5+$0x230]  }
0x3c: {  	(v2sf) =	vpush v0, $0x8;
	v17 =	vld [tilespmem:s6+$0x190]  }
0x3d: {  	v2 =	vld [tilespmem:s6+$0x180]  }
0x3e: {  	v20 =	vld [tilespmem:s6+$0x1A0]  }
0x3f: {  	(v2sf) =	vpush v0, $0x9;
	s21 =	spop (v2sf);
	v3 =	vld [tilespmem:s6+$0x1B0]  }
0x40: {  	v28 =	vld [tilespmem:s21+$0x90]  }
0x41: {  	v24 =	vld [tilespmem:s21+$0xA0]  }
0x42: {  	s12 =	spop (v2sf);
	v25 =	vld [tilespmem:s21+$0x80]  }
0x43: {  	v21 =	vld [tilespmem:s21+$0xB0];
	s26 =	spop (v2sf)  }
0x44: {  	v19 =	vld [tilespmem:s12+$0x110];
	s21 =	spop (v2sf);
	(v2sf) =	vpush v0, $0xC  }
0x45: {  	v26 =	vld [tilespmem:s12+$0x120]  }
0x46: {  	v23 =	vld [tilespmem:s12+$0x100];
	(v2sf) =	vpush v0, $0xB  }
0x47: {  	v13 =	vld [tilespmem:s26+$0x30]  }
0x48: {  	v22 =	vld [tilespmem:s26+$0x20]  }
0x49: {  	v29 =	vld [tilespmem:s26+$0x0]  }
0x4a: {  	v30 =	vld [tilespmem:s26+$0x10]  }
0x4b: {  	v27 =	vimm.f32 $0.0e+00;
	v18 =	vld [tilespmem:s12+$0x130];
	s5 =	spop (v2sf)  }
0x4c: {  	v14 =	vld [tilespmem:s5+$0x430];
	v13 =	vadd.f32 v13, v27  }
0x4d: {  	v32 =	vadd.f32 v22, v27;
	v22 =	vld [tilespmem:s9+$0x380]  }
0x4e: {  	s4 =	spop (v2sf);
	v29 =	vadd.f32 v29, v27;
	v31 =	vadd.f32 v21, v13;
	v21 =	vld [tilespmem:s1+$0x300]  }
0x4f: {  	v30 =	vadd.f32 v30, v27;
	v13 =	vld [tilespmem:s4+$0x4B0];
	v32 =	vadd.f32 v24, v32  }
0x50: {  	v27 =	vadd.f32 v25, v29;
	v25 =	vld [tilespmem:s1+$0x310];
	v31 =	vadd.f32 v18, v31  }
0x51: {  	s31 =	sshll.u32 s28, $0xB;
	s29 =	sor.u32 $0x100, s30;
	v28 =	vadd.f32 v28, v30;
	v18 =	vld [tilespmem:s5+$0x400]  }
0x52: {  	s12 =	simm.s32 $0x2000;
	s26 =	smov.u32 s13;
	s1 =	sshrl.u32 s31, $0x2;
	v29 =	vadd.f32 v26, v32;
	v26 =	vld [tilespmem:s9+$0x3A0];
	v24 =	vadd.f32 v3, v31  }
.LBB2_3:
0x53: {  	p0 =	sne.s32 s12, $0xE000;
	v3 =	vadd.f32 v23, v27;
	v23 =	vld [tilespmem:s9+$0x390];
	s26 =	sadd.s32 $0x10, s26;
	s6 =	spop (v2sf)  }
0x54: {  	s9 =	smov.u32 s12;
	s12 =	sadd.s32 $0x2000, s12;
	v19 =	vadd.f32 v19, v28;
	v20 =	vadd.f32 v20, v29;
	v27 =	vld [tilespmem:s6+$0x620]  }
0x55: {  	v3 =	vadd.f32 v2, v3;
	v2 =	vld [tilespmem:s0+$0x6B0];
	s7 =	spop (v2sf)  }
0x56: {  	v17 =	vadd.f32 v17, v19;
	v6 =	vadd.f32 v6, v20;
	v19 =	vld [tilespmem:s7+$0x5B0]  }
0x57: {  	v3 =	vadd.f32 v16, v3;
	v16 =	vld [tilespmem:s4+$0x480];
	(v2sf) =	vpush v0, $0xF  }
0x58: {  	v20 =	vld [tilespmem:s26+$0x0];
	v15 =	vadd.f32 v15, v17;
	v6 =	vadd.f32 v9, v6  }
0x59: {  	v3 =	vadd.f32 v12, v3;
	v9 =	vld [tilespmem:s21+$0x500];
	(v2sf) =	vpush v0, $0xE  }
0x5a: {  	v0 =	vadd.f32 v10, v15;
	v6 =	vadd.f32 v8, v6;
	v10 =	vld [tilespmem:s6+$0x630]  }
0x5b: {  	v3 =	vadd.f32 v21, v3;
	v8 =	vld [tilespmem:s7+$0x580]  }
0x5c: {  	v0 =	vadd.f32 v25, v0;
	v6 =	vadd.f32 v26, v6;
	v12 =	vld [tilespmem:s5+$0x420]  }
0x5d: {  	v15 =	vand.u32 $0x1, v20;
	v3 =	vadd.f32 v22, v3;
	v17 =	vld [tilespmem:s5+$0x410]  }
0x5e: {  	s5 =	sshra.s32 s9, $0x2;
	v15 =	vshll.u32 v15, $0x6;
	v20 =	vadd.f32 v23, v0;
	v21 =	vld [tilespmem:s4+$0x4A0]  }
0x5f: {  	v0 =	vadd.s32 s5, v15;
	v3 =	vadd.f32 v18, v3;
	v15 =	vld [tilespmem:s4+$0x490]  }
0x60: {  	v7 =	vadd.f32 v7, v24;
	v0 =	vadd.s32 $0x10000, v0;
	v18 =	vld [tilespmem:s21+$0x520]  }
0x61: {  	(v2sf) =	vpush v0, $0xD;
	v6 =	vadd.f32 v12, v6;
	v12 =	vld [tilespmem:s21+$0x510]  }
0x62: {  	v7 =	vadd.f32 v11, v7;
	(v2sf) =	vpush v0, $0x7;
	v11 =	vld [tilespmem:s7+$0x5A0]  }
0x63: {  	(v2sf) =	vpush v0, $0x6;
	v6 =	vadd.f32 v21, v6;
	v21 =	vld [tilespmem:s7+$0x590]  }
0x64: {  	v5 =	vadd.f32 v5, v7;
	(v2sf) =	vpush v0, $0x5;
	v7 =	vld [tilespmem:s6+$0x600]  }
0x65: {  	(v2sf) =	vpush v0, $0x4;
	v6 =	vadd.f32 v18, v6;
	v18 =	vld [tilespmem:s6+$0x610]  }
0x66: {  	v17 =	vadd.f32 v17, v20;
	(v2sf) =	vpush v0, $0x3;
	v20 =	vld [tilespmem:s0+$0x680];
	s4 =	spop (v2sf)  }
0x67: {  	v3 =	vadd.f32 v16, v3;
	(v2sf) =	vpush v0, $0x1;
	v16 =	vld [tilespmem:s21+$0x530]  }
0x68: {  	v4 =	vadd.f32 v4, v5;
	v5 =	vadd.f32 v11, v6;
	v11 =	vld [tilespmem:s4+$0x7B0];
	s5 =	spop (v2sf)  }
0x69: {  	v6 =	vadd.f32 v15, v17;
	(v2sf) =	vpush v0, $0x2;
	v15 =	vld [tilespmem:s5+$0x720]  }
0x6a: {  	v3 =	vadd.f32 v9, v3;
	v5 =	vadd.f32 v27, v5;
	v17 =	vld [tilespmem:s5+$0x730]  }
0x6b: {  	v4 =	vadd.f32 v14, v4;
	v6 =	vadd.f32 v12, v6;
	v9 =	vld [tilespmem:s4+$0x7A0]  }
0x6c: {  	v3 =	vadd.f32 v8, v3;
	v1 =	vadd.f32 v1, v5;
	v5 =	vld [tilespmem:s5+$0x700]  }
0x6d: {  	v4 =	vadd.f32 v13, v4;
	v6 =	vadd.f32 v21, v6;
	v8 =	vld [tilespmem:s0+$0x690]  }
0x6e: {  	v3 =	vadd.f32 v7, v3;
	v1 =	vadd.f32 v15, v1;
	v7 =	vld [tilespmem:s4+$0x780]  }
0x6f: {  	v4 =	vadd.f32 v16, v4;
	v6 =	vadd.f32 v18, v6;
	v12 =	vld [tilespmem:s5+$0x710]  }
0x70: {  	v3 =	vadd.f32 v20, v3;
	s0 =	spop (v2sf);
	v13 =	vld [tilespmem:s4+$0x790];
	v18 =	vadd.f32 v9, v1  }
0x71: {  	v9 =	vadd.f32 v19, v4;
	v1 =	vld [tilespmem:s0+$0x6A0];
	(v2sf) =	vpush v0, $0x0;
	s9 =	spop (v2sf)  }
0x72: {  	v3 =	vadd.f32 v5, v3;
	v4 =	vld [tilespmem:s9+$0x3B0];
	s6 =	spop (v2sf);
	v6 =	vadd.f32 v8, v6  }
0x73: {  	v5 =	vadd.f32 v10, v9;
	v8 =	vld [tilespmem:s6+$0x320];
	s4 =	spop (v2sf)  }
0x74: {  	v3 =	vadd.f32 v7, v3;
	v10 =	vld [tilespmem:s4+$0x290];
	s5 =	spop (v2sf);
	v9 =	vadd.f32 v12, v6  }
0x75: {  	v2 =	vadd.f32 v2, v5;
	v12 =	vld [tilespmem:s4+$0x280];
	s7 =	spop (v2sf)  }
0x76: {  	v6 =	vld [tilespmem:s5+$0x220];
	s21 =	spop (v2sf);
	v24 =	vadd.f32 v13, v9  }
0x77: {  	v2 =	vadd.f32 v17, v2;
	v9 =	vld [tilespmem:s4+$0x2A0]  }
0x78: {  	v5 =	vld [tilespmem:s6+$0x330];
	s2 =	spop (v2sf)  }
0x79: {  	v13 =	vadd.f32 v11, v2;
	v16 =	vld [tilespmem:s5+$0x200]  }
0x7a: {  	v15 =	vld [tilespmem:s5+$0x210]  }
0x7b: {  	v11 =	vld [tilespmem:s4+$0x2B0]  }
0x7c: {  	v17 =	vld [tilespmem:s7+$0x190];
	(v2sf) =	vpush v0, $0xA  }
0x7d: {  	v2 =	vld [tilespmem:s7+$0x180];
	(v2sf) =	vpush v0, $0x8  }
0x7e: {  	v19 =	vld [tilespmem:s2+$0x110]  }
0x7f: {  	v20 =	vld [tilespmem:s7+$0x1A0];
	(v2sf) =	vpush v0, $0x9  }
0x80: {  	v7 =	vld [tilespmem:s5+$0x230];
	s4 =	spop (v2sf)  }
0x81: {  	v25 =	vld [tilespmem:s7+$0x1B0]  }
0x82: {  	v26 =	vld [tilespmem:s2+$0x120]  }
0x83: {  	v23 =	vld [tilespmem:s2+$0x100]  }
0x84: {  	v22 =	vld [tilespmem:s2+$0x130]  }
0x85: {  	v28 =	vld [tilespmem:s21+$0x90];
	(v2sf) =	vpush v0, $0xC  }
0x86: {  	v14 =	vld [tilespmem:s4+$0x30]  }
0x87: {  	v27 =	vld [tilespmem:s21+$0xA0];
	(v2sf) =	vpush v0, $0xB  }
0x88: {  	v29 =	vld [tilespmem:s21+$0x80]  }
0x89: {  	v21 =	vld [tilespmem:s21+$0xB0]  }
0x8a: {  	v30 =	vld [tilespmem:s4+$0x20]  }
0x8b: {  	v31 =	vld [tilespmem:s4+$0x0];
	v13 =	vadd.f32 v14, v13;
	s21 =	spop (v2sf)  }
0x8c: {  	v32 =	vld [tilespmem:s4+$0x10];
	s5 =	spop (v2sf)  }
0x8d: {  	v14 =	vld [tilespmem:s5+$0x430]  }
0x8e: {  	v33 =	vadd.f32 v21, v13;
	v21 =	vld [tilespmem:s6+$0x300];
	s4 =	spop (v2sf)  }
.Ltmp0:
0x8f: {  	v18 =	vadd.f32 v30, v18;
	v13 =	vld [tilespmem:s4+$0x4B0];
	(pc) =	sbr.rel @p0 .LBB2_3-.Ltmp0, $4  }
0x90: {  	v3 =	vadd.f32 v31, v3;
	v30 =	vadd.f32 v22, v33;
	v22 =	vld [tilespmem:s9+$0x380]  }
0x91: {  	v31 =	vadd.f32 v32, v24;
	v32 =	vadd.f32 v27, v18;
	v18 =	vld [tilespmem:s5+$0x400]  }
0x92: {  	v27 =	vadd.f32 v29, v3;
	v24 =	vadd.f32 v25, v30;
	v25 =	vld [tilespmem:s6+$0x310]  }
0x93: {  	v28 =	vadd.f32 v28, v31;
	v29 =	vadd.f32 v26, v32;
	v26 =	vld [tilespmem:s9+$0x3A0]  }
0x94: {  	v30 =	vld [tilespmem:s9+$0x390]  }
0x95: {  	v32 =	vld [tilespmem:s0+$0x6B0]  }
0x96: {  	v34 =	vld [tilespmem:s4+$0x480]  }
0x97: {  	v3 =	vld [tilespmem:s25+$0x0]  }
0x98: {  	v35 =	vld [tilespmem:s21+$0x500]  }
0x99: {  	s2 =	spop (v2sf);
	(v2sf) =	vpush v0, $0xF;
	v38 =	vld [tilespmem:s5+$0x420]  }
0x9a: {  	v39 =	vld [tilespmem:s5+$0x410]  }
0x9b: {  	v40 =	vld [tilespmem:s4+$0x4A0]  }
0x9c: {  	v41 =	vld [tilespmem:s4+$0x490]  }
0x9d: {  	v42 =	vld [tilespmem:s21+$0x520]  }
0x9e: {  	v43 =	vld [tilespmem:s21+$0x510];
	(v2sf) =	vpush v0, $0xE;
	v0 =	vand.u32 $0x1, v3  }
0x9f: {  	v48 =	vld [tilespmem:s0+$0x680];
	v0 =	vshll.u32 v0, $0x6  }
0xa0: {  	v49 =	vld [tilespmem:s21+$0x530];
	v0 =	vadd.s32 s10, v0  }
0xa1: {  	v55 =	vld [tilespmem:s0+$0x690];
	v3 =	vadd.s32 $0x10000, v0  }
0xa2: {  	v31 =	vld [tilespmem:s2+$0x620];
	(v2sf) =	vpush v3, $0xD  }
0xa3: {  	v36 =	vld [tilespmem:s2+$0x630];
	(v2sf) =	vpush v3, $0x7  }
0xa4: {  	v46 =	vld [tilespmem:s2+$0x600];
	(v2sf) =	vpush v3, $0x6  }
0xa5: {  	v47 =	vld [tilespmem:s2+$0x610];
	s6 =	spop (v2sf);
	(v2sf) =	vpush v3, $0x5  }
0xa6: {  	v33 =	vld [tilespmem:s6+$0x5B0];
	(v2sf) =	vpush v3, $0x4  }
0xa7: {  	v37 =	vld [tilespmem:s6+$0x580];
	(v2sf) =	vpush v3, $0x3  }
0xa8: {  	v44 =	vld [tilespmem:s6+$0x5A0];
	s12 =	spop (v2sf);
	(v2sf) =	vpush v3, $0x1  }
0xa9: {  	v45 =	vld [tilespmem:s6+$0x590]  }
0xaa: {  	v50 =	vld [tilespmem:s12+$0x7B0]  }
0xab: {  	v53 =	vld [tilespmem:s12+$0x7A0]  }
0xac: {  	v56 =	vld [tilespmem:s12+$0x780]  }
0xad: {  	v23 =	vadd.f32 v23, v27;
	s26 =	spop (v2sf);
	v27 =	vld [tilespmem:s12+$0x790]  }
0xae: {  	v19 =	vadd.f32 v19, v28;
	v20 =	vadd.f32 v20, v29;
	v51 =	vld [tilespmem:s26+$0x720]  }
0xaf: {  	v52 =	vld [tilespmem:s26+$0x730]  }
0xb0: {  	v17 =	vadd.f32 v17, v19;
	v19 =	vadd.f32 v6, v20;
	v54 =	vld [tilespmem:s26+$0x700]  }
0xb1: {  	v20 =	vadd.f32 v7, v24;
	v57 =	vld [tilespmem:s26+$0x710];
	s0 =	spop (v2sf)  }
0xb2: {  	v15 =	vadd.f32 v15, v17;
	v17 =	vadd.f32 v9, v19;
	v0 =	vld [tilespmem:s0+$0x46A0];
	s26 =	spop (v2sf)  }
0xb3: {  	v23 =	vadd.f32 v2, v23;
	v19 =	vadd.f32 v11, v20;
	v2 =	vld [tilespmem:s26+$0x43B0];
	s9 =	spop (v2sf)  }
0xb4: {  	v8 =	vadd.f32 v8, v17;
	(v2sf) =	vpush v3, $0x2;
	v6 =	vld [tilespmem:s9+$0x4320];
	s4 =	spop (v2sf)  }
0xb5: {  	v17 =	vadd.f32 v5, v19;
	(v2sf) =	vpush v3, $0x0;
	v5 =	vld [tilespmem:s9+$0x4330];
	s5 =	spop (v2sf)  }
0xb6: {  	v16 =	vadd.f32 v16, v23;
	v7 =	vld [tilespmem:s4+$0x4290];
	s6 =	spop (v2sf);
	(v2sf) =	vpush v3, $0xA  }
0xb7: {  	v17 =	vadd.f32 v4, v17;
	v9 =	vld [tilespmem:s4+$0x4280];
	s7 =	spop (v2sf);
	(v2sf) =	vpush v3, $0x8  }
0xb8: {  	v12 =	vadd.f32 v12, v16;
	v15 =	vadd.f32 v10, v15;
	v10 =	vld [tilespmem:s4+$0x42A0]  }
0xb9: {  	v8 =	vadd.f32 v26, v8;
	v20 =	vadd.f32 v14, v17;
	v4 =	vld [tilespmem:s4+$0x42B0]  }
0xba: {  	v12 =	vadd.f32 v21, v12;
	v11 =	vld [tilespmem:s5+$0x4220]  }
0xbb: {  	v8 =	vadd.f32 v38, v8;
	v20 =	vadd.f32 v13, v20;
	v16 =	vld [tilespmem:s5+$0x4200]  }
0xbc: {  	v19 =	vadd.f32 v25, v15;
	v12 =	vadd.f32 v22, v12;
	v15 =	vld [tilespmem:s5+$0x4210]  }
0xbd: {  	v21 =	vadd.f32 v40, v8;
	v20 =	vadd.f32 v49, v20;
	v8 =	vld [tilespmem:s5+$0x4230]  }
0xbe: {  	v19 =	vadd.f32 v30, v19;
	v12 =	vadd.f32 v18, v12;
	v14 =	vld [tilespmem:s6+$0x4190]  }
0xbf: {  	v21 =	vadd.f32 v42, v21;
	v22 =	vadd.f32 v33, v20;
	v17 =	vld [tilespmem:s6+$0x4180]  }
0xc0: {  	v19 =	vadd.f32 v39, v19;
	v18 =	vld [tilespmem:s6+$0x41A0];
	(v2sf) =	vpush v3, $0x9  }
0xc1: {  	v21 =	vadd.f32 v44, v21;
	v22 =	vadd.f32 v36, v22;
	v23 =	vld [tilespmem:s6+$0x41B0]  }
0xc2: {  	v12 =	vadd.f32 v34, v12;
	v19 =	vadd.f32 v41, v19;
	v28 =	vld [tilespmem:s7+$0x4090]  }
0xc3: {  	v21 =	vadd.f32 v31, v21;
	v22 =	vadd.f32 v32, v22;
	s10 =	spop (v2sf);
	v29 =	vld [tilespmem:s7+$0x40A0]  }
0xc4: {  	v12 =	vadd.f32 v35, v12;
	v19 =	vadd.f32 v43, v19;
	v30 =	vld [tilespmem:s7+$0x4080];
	s12 =	spop (v2sf)  }
0xc5: {  	v1 =	vadd.f32 v1, v21;
	v21 =	vadd.f32 v52, v22;
	v22 =	vld [tilespmem:s7+$0x40B0];
	s21 =	spop (v2sf)  }
0xc6: {  	v12 =	vadd.f32 v37, v12;
	v13 =	vld [tilespmem:s10+$0x4110];
	s4 =	spop (v2sf);
	(v2sf) =	vpush v3, $0xC  }
0xc7: {  	v19 =	vadd.f32 v45, v19;
	v24 =	vld [tilespmem:s10+$0x4120]  }
0xc8: {  	v12 =	vadd.f32 v46, v12;
	v26 =	vld [tilespmem:s12+$0x4030];
	(v2sf) =	vpush v3, $0xB  }
0xc9: {  	v19 =	vadd.f32 v47, v19;
	v20 =	vld [tilespmem:s10+$0x4100]  }
0xca: {  	v12 =	vadd.f32 v48, v12;
	v25 =	vld [tilespmem:s10+$0x4130]  }
0xcb: {  	v19 =	vadd.f32 v55, v19;
	v21 =	vadd.f32 v50, v21;
	v31 =	vld [tilespmem:s12+$0x4020]  }
0xcc: {  	v1 =	vadd.f32 v51, v1;
	v12 =	vadd.f32 v54, v12;
	v61 =	vld [tilespmem:s12+$0x4000]  }
0xcd: {  	v19 =	vadd.f32 v57, v19;
	v21 =	vadd.f32 v26, v21;
	v26 =	vld [tilespmem:s12+$0x4010]  }
0xce: {  	v1 =	vadd.f32 v53, v1;
	v62 =	vadd.f32 v56, v12;
	v12 =	vld [tilespmem:s4+$0x4430]  }
0xcf: {  	s5 =	spop (v2sf);
	v22 =	vadd.f32 v22, v21;
	v21 =	vld [tilespmem:s9+$0x4300]  }
0xd0: {  	v19 =	vadd.f32 v27, v19;
	v27 =	vadd.f32 v31, v1;
	v1 =	vld [tilespmem:s5+$0x44B0]  }
0xd1: {  	v31 =	vadd.f32 v61, v62;
	v25 =	vadd.f32 v25, v22;
	v22 =	vld [tilespmem:s26+$0x4380]  }
0xd2: {  	v29 =	vadd.f32 v29, v27;
	v63 =	vadd.f32 v26, v19;
	v19 =	vld [tilespmem:s4+$0x4400]  }
0xd3: {  	v26 =	vadd.f32 v30, v31;
	v23 =	vadd.f32 v23, v25;
	v25 =	vld [tilespmem:s9+$0x4310]  }
0xd4: {  	s10 =	simm.s32 $0x2000;
	s12 =	smov.u32 s25;
	v27 =	vadd.f32 v28, v63;
	v28 =	vadd.f32 v24, v29;
	v24 =	vld [tilespmem:s26+$0x43A0]  }
.LBB2_5:
0xd5: {  	p0 =	sne.s32 s10, $0x6000;
	v20 =	vadd.f32 v20, v26;
	v26 =	vld [tilespmem:s26+$0x4390];
	s12 =	sadd.s32 $0x10, s12;
	s6 =	spop (v2sf)  }
0xd6: {  	s2 =	smov.u32 s10;
	s10 =	sadd.s32 $0x2000, s10;
	v27 =	vadd.f32 v13, v27;
	v18 =	vadd.f32 v18, v28;
	v28 =	vld [tilespmem:s6+$0x4620]  }
0xd7: {  	v17 =	vadd.f32 v17, v20;
	v13 =	vld [tilespmem:s0+$0x46B0];
	s7 =	spop (v2sf)  }
0xd8: {  	v14 =	vadd.f32 v14, v27;
	v11 =	vadd.f32 v11, v18;
	v18 =	vld [tilespmem:s7+$0x45B0]  }
0xd9: {  	v16 =	vadd.f32 v16, v17;
	v17 =	vld [tilespmem:s5+$0x4480];
	(v2sf) =	vpush v3, $0xF  }
0xda: {  	v20 =	vld [tilespmem:s12+$0x0];
	v14 =	vadd.f32 v15, v14;
	v10 =	vadd.f32 v10, v11  }
0xdb: {  	v9 =	vadd.f32 v9, v16;
	v11 =	vld [tilespmem:s21+$0x4500];
	(v2sf) =	vpush v3, $0xE  }
0xdc: {  	v3 =	vadd.f32 v7, v14;
	v6 =	vadd.f32 v6, v10;
	v7 =	vld [tilespmem:s6+$0x4630]  }
0xdd: {  	v9 =	vadd.f32 v21, v9;
	v10 =	vld [tilespmem:s7+$0x4580]  }
0xde: {  	v3 =	vadd.f32 v25, v3;
	v6 =	vadd.f32 v24, v6;
	v14 =	vld [tilespmem:s4+$0x4420]  }
0xdf: {  	v15 =	vand.u32 $0x1, v20;
	v9 =	vadd.f32 v22, v9;
	v16 =	vld [tilespmem:s4+$0x4410]  }
0xe0: {  	s2 =	sshra.s32 s2, $0x2;
	v15 =	vshll.u32 v15, $0x6;
	v20 =	vadd.f32 v26, v3;
	v21 =	vld [tilespmem:s5+$0x44A0]  }
0xe1: {  	v3 =	vadd.s32 s2, v15;
	v9 =	vadd.f32 v19, v9;
	v15 =	vld [tilespmem:s5+$0x4490]  }
0xe2: {  	v8 =	vadd.f32 v8, v23;
	v3 =	vadd.s32 $0x10000, v3;
	v19 =	vld [tilespmem:s21+$0x4520]  }
0xe3: {  	(v2sf) =	vpush v3, $0xD;
	v6 =	vadd.f32 v14, v6;
	v14 =	vld [tilespmem:s21+$0x4510]  }
0xe4: {  	v4 =	vadd.f32 v4, v8;
	(v2sf) =	vpush v3, $0x7;
	v8 =	vld [tilespmem:s7+$0x45A0]  }
0xe5: {  	(v2sf) =	vpush v3, $0x6;
	v6 =	vadd.f32 v21, v6;
	v21 =	vld [tilespmem:s7+$0x4590]  }
0xe6: {  	v4 =	vadd.f32 v5, v4;
	(v2sf) =	vpush v3, $0x5;
	v5 =	vld [tilespmem:s6+$0x4600]  }
0xe7: {  	(v2sf) =	vpush v3, $0x4;
	v6 =	vadd.f32 v19, v6;
	v19 =	vld [tilespmem:s6+$0x4610]  }
0xe8: {  	v16 =	vadd.f32 v16, v20;
	(v2sf) =	vpush v3, $0x3;
	v20 =	vld [tilespmem:s0+$0x4680];
	s2 =	spop (v2sf)  }
0xe9: {  	v9 =	vadd.f32 v17, v9;
	(v2sf) =	vpush v3, $0x1;
	v17 =	vld [tilespmem:s21+$0x4530]  }
0xea: {  	v2 =	vadd.f32 v2, v4;
	v4 =	vadd.f32 v8, v6;
	v8 =	vld [tilespmem:s2+$0x47B0];
	s4 =	spop (v2sf)  }
0xeb: {  	v6 =	vadd.f32 v15, v16;
	(v2sf) =	vpush v3, $0x2;
	v15 =	vld [tilespmem:s4+$0x4720]  }
0xec: {  	v9 =	vadd.f32 v11, v9;
	v4 =	vadd.f32 v28, v4;
	v16 =	vld [tilespmem:s4+$0x4730]  }
0xed: {  	v2 =	vadd.f32 v12, v2;
	v6 =	vadd.f32 v14, v6;
	v11 =	vld [tilespmem:s2+$0x47A0]  }
0xee: {  	v9 =	vadd.f32 v10, v9;
	v0 =	vadd.f32 v0, v4;
	v4 =	vld [tilespmem:s4+$0x4700]  }
0xef: {  	v1 =	vadd.f32 v1, v2;
	v2 =	vadd.f32 v21, v6;
	v6 =	vld [tilespmem:s0+$0x4690]  }
0xf0: {  	v5 =	vadd.f32 v5, v9;
	v0 =	vadd.f32 v15, v0;
	v9 =	vld [tilespmem:s2+$0x4780]  }
0xf1: {  	v1 =	vadd.f32 v17, v1;
	v10 =	vadd.f32 v19, v2;
	v12 =	vld [tilespmem:s4+$0x4710]  }
0xf2: {  	v5 =	vadd.f32 v20, v5;
	s0 =	spop (v2sf);
	v14 =	vld [tilespmem:s2+$0x4790];
	v19 =	vadd.f32 v11, v0  }
0xf3: {  	v1 =	vadd.f32 v18, v1;
	v0 =	vld [tilespmem:s0+$0x46A0];
	(v2sf) =	vpush v3, $0x0;
	s26 =	spop (v2sf)  }
0xf4: {  	v4 =	vadd.f32 v4, v5;
	v2 =	vld [tilespmem:s26+$0x43B0];
	s6 =	spop (v2sf);
	v10 =	vadd.f32 v6, v10  }
0xf5: {  	v1 =	vadd.f32 v7, v1;
	v6 =	vld [tilespmem:s6+$0x4320];
	s2 =	spop (v2sf)  }
0xf6: {  	v22 =	vadd.f32 v9, v4;
	v7 =	vld [tilespmem:s2+$0x4290];
	s4 =	spop (v2sf);
	v5 =	vadd.f32 v12, v10  }
0xf7: {  	v1 =	vadd.f32 v13, v1;
	v9 =	vld [tilespmem:s2+$0x4280];
	s5 =	spop (v2sf)  }
0xf8: {  	v11 =	vld [tilespmem:s4+$0x4220];
	s7 =	spop (v2sf);
	v23 =	vadd.f32 v14, v5  }
0xf9: {  	v1 =	vadd.f32 v16, v1;
	v10 =	vld [tilespmem:s2+$0x42A0]  }
0xfa: {  	v5 =	vld [tilespmem:s6+$0x4330];
	s9 =	spop (v2sf)  }
0xfb: {  	v1 =	vadd.f32 v8, v1;
	v16 =	vld [tilespmem:s4+$0x4200]  }
0xfc: {  	v15 =	vld [tilespmem:s4+$0x4210]  }
0xfd: {  	v4 =	vld [tilespmem:s2+$0x42B0]  }
0xfe: {  	v14 =	vld [tilespmem:s5+$0x4190];
	(v2sf) =	vpush v3, $0xA  }
0xff: {  	v17 =	vld [tilespmem:s5+$0x4180];
	(v2sf) =	vpush v3, $0x8  }
0x100: {  	v13 =	vld [tilespmem:s9+$0x4110]  }
0x101: {  	v18 =	vld [tilespmem:s5+$0x41A0];
	(v2sf) =	vpush v3, $0x9  }
0x102: {  	v8 =	vld [tilespmem:s4+$0x4230];
	s2 =	spop (v2sf)  }
0x103: {  	v24 =	vld [tilespmem:s5+$0x41B0]  }
0x104: {  	v28 =	vld [tilespmem:s9+$0x4120]  }
0x105: {  	v20 =	vld [tilespmem:s9+$0x4100]  }
0x106: {  	v25 =	vld [tilespmem:s9+$0x4130]  }
0x107: {  	v27 =	vld [tilespmem:s7+$0x4090];
	(v2sf) =	vpush v3, $0xC  }
0x108: {  	v12 =	vld [tilespmem:s2+$0x4030]  }
0x109: {  	v26 =	vld [tilespmem:s7+$0x40A0];
	(v2sf) =	vpush v3, $0xB  }
0x10a: {  	v29 =	vld [tilespmem:s7+$0x4080]  }
0x10b: {  	v21 =	vld [tilespmem:s7+$0x40B0]  }
0x10c: {  	v30 =	vld [tilespmem:s2+$0x4020]  }
0x10d: {  	v31 =	vld [tilespmem:s2+$0x4000];
	v1 =	vadd.f32 v12, v1;
	s21 =	spop (v2sf)  }
0x10e: {  	v32 =	vld [tilespmem:s2+$0x4010];
	s4 =	spop (v2sf)  }
0x10f: {  	v12 =	vld [tilespmem:s4+$0x4430]  }
0x110: {  	v33 =	vadd.f32 v21, v1;
	v21 =	vld [tilespmem:s6+$0x4300];
	s5 =	spop (v2sf)  }
.Ltmp1:
0x111: {  	v19 =	vadd.f32 v30, v19;
	v1 =	vld [tilespmem:s5+$0x44B0];
	(pc) =	sbr.rel @p0 .LBB2_5-.Ltmp1, $4  }
0x112: {  	v30 =	vadd.f32 v31, v22;
	v25 =	vadd.f32 v25, v33;
	v22 =	vld [tilespmem:s26+$0x4380]  }
0x113: {  	v31 =	vadd.f32 v32, v23;
	v32 =	vadd.f32 v26, v19;
	v19 =	vld [tilespmem:s4+$0x4400]  }
0x114: {  	v26 =	vadd.f32 v29, v30;
	v23 =	vadd.f32 v24, v25;
	v25 =	vld [tilespmem:s6+$0x4310]  }
0x115: {  	v27 =	vadd.f32 v27, v31;
	v28 =	vadd.f32 v28, v32;
	v24 =	vld [tilespmem:s26+$0x43A0]  }
0x116: {  	v29 =	vld [tilespmem:s26+$0x4390]  }
0x117: {  	v31 =	vld [tilespmem:s0+$0x46B0]  }
0x118: {  	v33 =	vld [tilespmem:s5+$0x4480]  }
0x119: {  	v34 =	vld [tilespmem:s21+$0x4500]  }
0x11a: {  	v37 =	vld [tilespmem:s4+$0x4420]  }
0x11b: {  	v38 =	vld [tilespmem:s4+$0x4410]  }
0x11c: {  	(v2sf) =	vpush v3, $0xF;
	v39 =	vld [tilespmem:s5+$0x44A0]  }
0x11d: {  	(v2sf) =	vpush v3, $0xE;
	v3 =	vld [tilespmem:s1+$0xC0]  }
0x11e: {  	v40 =	vld [tilespmem:s5+$0x4490]  }
0x11f: {  	v41 =	vld [tilespmem:s21+$0x4520]  }
0x120: {  	v42 =	vld [tilespmem:s21+$0x4510]  }
0x121: {  	s2 =	spop (v2sf);
	v20 =	vadd.f32 v20, v26;
	v26 =	vld [tilespmem:s0+$0x4680]  }
0x122: {  	v30 =	vld [tilespmem:s2+$0x4620];
	v3 =	vand.u32 $0x1, v3  }
0x123: {  	v35 =	vld [tilespmem:s2+$0x4630];
	v3 =	vshll.u32 v3, $0x6  }
0x124: {  	v45 =	vld [tilespmem:s2+$0x4600];
	(v2sf) =	vpush v3, $0x1  }
0x125: {  	v46 =	vld [tilespmem:s2+$0x4610];
	v13 =	vadd.f32 v13, v27  }
0x126: {  	v27 =	vld [tilespmem:s21+$0x4530];
	s6 =	spop (v2sf)  }
0x127: {  	v32 =	vld [tilespmem:s6+$0x45B0];
	v13 =	vadd.f32 v14, v13  }
0x128: {  	v18 =	vadd.f32 v18, v28;
	v36 =	vld [tilespmem:s6+$0x4580];
	(v2sf) =	vpush v3, $0x0  }
0x129: {  	v8 =	vadd.f32 v8, v23;
	v43 =	vld [tilespmem:s6+$0x45A0];
	v13 =	vadd.f32 v15, v13  }
0x12a: {  	v17 =	vadd.f32 v17, v20;
	v44 =	vld [tilespmem:s6+$0x4590];
	v11 =	vadd.f32 v11, v18  }
0x12b: {  	v4 =	vadd.f32 v4, v8;
	v7 =	vadd.f32 v7, v13;
	v13 =	vld [tilespmem:s0+$0x4690];
	s10 =	spop (v2sf)  }
0x12c: {  	v10 =	vadd.f32 v10, v11;
	(v2sf) =	vpush v3, $0x3;
	v20 =	vld [tilespmem:s10+$0x47B0]  }
0x12d: {  	v16 =	vadd.f32 v16, v17;
	(v2sf) =	vpush v3, $0x2;
	v15 =	vld [tilespmem:s10+$0x47A0]  }
0x12e: {  	v6 =	vadd.f32 v6, v10;
	v7 =	vadd.f32 v25, v7;
	v10 =	vld [tilespmem:s10+$0x4780]  }
0x12f: {  	v4 =	vadd.f32 v5, v4;
	s12 =	spop (v2sf);
	v18 =	vld [tilespmem:s10+$0x4790]  }
0x130: {  	v9 =	vadd.f32 v9, v16;
	v7 =	vadd.f32 v29, v7;
	v14 =	vld [tilespmem:s12+$0x4720]  }
0x131: {  	v2 =	vadd.f32 v2, v4;
	v17 =	vld [tilespmem:s12+$0x4730]  }
0x132: {  	v9 =	vadd.f32 v21, v9;
	v7 =	vadd.f32 v38, v7;
	v11 =	vld [tilespmem:s12+$0x4700]  }
0x133: {  	v2 =	vadd.f32 v12, v2;
	(v2sf) =	vpush v3, $0x5;
	v16 =	vld [tilespmem:s12+$0x4710];
	s21 =	spop (v2sf)  }
0x134: {  	v7 =	vadd.f32 v40, v7;
	(v2sf) =	vpush v3, $0x4;
	v4 =	vld [tilespmem:s21+$0x16080]  }
0x135: {  	v6 =	vadd.f32 v24, v6;
	v9 =	vadd.f32 v22, v9;
	v22 =	vld [tilespmem:s21+$0x16090]  }
0x136: {  	v1 =	vadd.f32 v1, v2;
	v7 =	vadd.f32 v42, v7;
	v12 =	vld [tilespmem:s21+$0x160A0]  }
0x137: {  	v6 =	vadd.f32 v37, v6;
	v9 =	vadd.f32 v19, v9;
	s26 =	spop (v2sf);
	v23 =	vld [tilespmem:s21+$0x160B0]  }
0x138: {  	v1 =	vadd.f32 v27, v1;
	v7 =	vadd.f32 v44, v7;
	v8 =	vld [tilespmem:s26+$0x16000]  }
0x139: {  	v6 =	vadd.f32 v39, v6;
	v9 =	vadd.f32 v33, v9;
	v21 =	vld [tilespmem:s26+$0x16010]  }
0x13a: {  	v1 =	vadd.f32 v32, v1;
	v7 =	vadd.f32 v46, v7;
	v5 =	vld [tilespmem:s26+$0x16020]  }
0x13b: {  	v9 =	vadd.f32 v34, v9;
	v19 =	vld [tilespmem:s26+$0x16030];
	s2 =	spop (v2sf);
	(v2sf) =	vpush v3, $0x7  }
0x13c: {  	v7 =	vadd.f32 v13, v7;
	s4 =	spop (v2sf);
	(v2sf) =	vpush v3, $0x6;
	v27 =	vld [tilespmem:s2+$0x16180]  }
0x13d: {  	v3 =	vadd.f32 v41, v6;
	v6 =	vadd.f32 v36, v9;
	v13 =	vld [tilespmem:s2+$0x161A0]  }
0x13e: {  	v1 =	vadd.f32 v35, v1;
	v2 =	vld [tilespmem:s4+$0x16100]  }
0x13f: {  	v9 =	vld [tilespmem:s4+$0x16110];
	v3 =	vadd.f32 v43, v3;
	v6 =	vadd.f32 v45, v6  }
0x140: {  	v1 =	vadd.f32 v31, v1;
	v24 =	vld [tilespmem:s4+$0x16120]  }
0x141: {  	v25 =	vld [tilespmem:s4+$0x16130];
	v3 =	vadd.f32 v30, v3;
	v6 =	vadd.f32 v26, v6  }
0x142: {  	v1 =	vadd.f32 v17, v1;
	v26 =	vld [tilespmem:s2+$0x16190];
	s5 =	spop (v2sf)  }
0x143: {  	s6 =	spop (v2sf);
	v0 =	vadd.f32 v0, v3;
	v3 =	vadd.f32 v11, v6;
	v6 =	vld [tilespmem:s2+$0x161B0]  }
0x144: {  	v1 =	vadd.f32 v20, v1;
	v7 =	vadd.f32 v16, v7;
	v11 =	vld [tilespmem:s6+$0x16200]  }
0x145: {  	v0 =	vadd.f32 v14, v0;
	v3 =	vadd.f32 v10, v3;
	v10 =	vld [tilespmem:s6+$0x16210]  }
0x146: {  	v7 =	vadd.f32 v18, v7;
	v1 =	vadd.f32 v19, v1;
	v14 =	vld [tilespmem:s6+$0x16220]  }
0x147: {  	v0 =	vadd.f32 v15, v0;
	v3 =	vadd.f32 v8, v3;
	v8 =	vld [tilespmem:s6+$0x16230]  }
0x148: {  	v7 =	vadd.f32 v21, v7;
	v1 =	vadd.f32 v23, v1;
	v15 =	vld [tilespmem:s5+$0x16280]  }
0x149: {  	v0 =	vadd.f32 v5, v0;
	v3 =	vadd.f32 v4, v3;
	v4 =	vld [tilespmem:s5+$0x16290]  }
0x14a: {  	v1 =	vadd.f32 v25, v1;
	v5 =	vadd.f32 v22, v7;
	v7 =	vld [tilespmem:s5+$0x162A0]  }
0x14b: {  	s7 =	spop (v2sf);
	v0 =	vadd.f32 v12, v0;
	v2 =	vadd.f32 v2, v3;
	v3 =	vld [tilespmem:s5+$0x162B0]  }
0x14c: {  	v1 =	vadd.f32 v6, v1;
	v5 =	vadd.f32 v9, v5;
	s9 =	spop (v2sf);
	v6 =	vld [tilespmem:s7+$0x16380]  }
0x14d: {  	v9 =	vld [tilespmem:s9+$0x16300];
	v0 =	vadd.f32 v24, v0;
	v2 =	vadd.f32 v27, v2  }
0x14e: {  	v12 =	vld [tilespmem:s9+$0x16310];
	v5 =	vadd.f32 v26, v5  }
0x14f: {  	v16 =	vld [tilespmem:s9+$0x16320];
	v0 =	vadd.f32 v13, v0;
	v2 =	vadd.f32 v11, v2  }
0x150: {  	v11 =	vld [tilespmem:s9+$0x16330];
	v5 =	vadd.f32 v10, v5  }
0x151: {  	v10 =	vld [tilespmem:s7+$0x16390];
	v0 =	vadd.f32 v14, v0;
	v2 =	vadd.f32 v15, v2  }
0x152: {  	v1 =	vadd.f32 v8, v1;
	v4 =	vadd.f32 v4, v5;
	v5 =	vld [tilespmem:s7+$0x163A0]  }
0x153: {  	v0 =	vadd.f32 v7, v0;
	v2 =	vadd.f32 v9, v2;
	v7 =	vld [tilespmem:s7+$0x163B0]  }
0x154: {  	v1 =	vadd.f32 v3, v1;
	v3 =	vadd.f32 v12, v4  }
0x155: {  	v0 =	vadd.f32 v16, v0;
	v2 =	vadd.f32 v6, v2  }
0x156: {  	s30 =	sshrl.u32 s30, $0x2;
	v1 =	vadd.f32 v11, v1;
	v3 =	vadd.f32 v10, v3  }
0x157: {  	v0 =	vadd.f32 v5, v0;
	[tilespmem:s30+$0x1C800] =	vst v2  }
0x158: {  	p0 =	seq.s32 s28, $0x3F;
	[tilespmem:s30+$0x1C810] =	vst v3;
	v1 =	vadd.f32 v7, v1  }
0x159: {  	s0 =	sshrl.u32 @!p0 s31, $0x2;
	[tilespmem:s30+$0x1C820] =	vst v0  }
0x15a: {  	s1 =	sadd.s32 @!p0 $0x8200, s0;
	s4 =	simm.s32 @!p0 $0x10000;
	s2 =	simm.s32 @!p0 $0x80;
	[tilespmem:s30+$0x1C830] =	vst v1  }
0x15b: {  	[tilespmem:s4], [sflag:$0x1] =	stream.indirect.gather @!p0 [hbm4b:s3+s2], $0x80, s1, s2, $0xb8;
	[tilespmem:$0x1E800] =	vst v63  }
0x15c: {  	s0 =	sadd.s32 @!p0 $0x8280, s0;
	s1 =	simm.s32 @!p0 $0x48;
	s2 =	simm.s32 @!p0 $0x14000  }
0x15d: {  	[tilespmem:s2], [sflag:$0x2] =	stream.indirect.gather @!p0 [hbm4b:s3+s1], $0x80, s0, s1, $0xb8;
	[tilespmem:$0x1E800] =	vst v63  }
0x15e: {  	_ =	swait.ge [sflag:s19], $0x4000  }
0x15f: {  	[sflag:s19] =	ssyncset.done $0x0  }
0x160: {  	[sflag:s19] =	ssyncadd.s32 $0xFFFFC000  }
0x161: {  	_ =	swait.ge [sflag:s20], $0x2400  }
0x162: {  	[sflag:s20] =	ssyncset.done $0x0  }
0x163: {  	[sflag:s20] =	ssyncadd.s32 $0xFFFFDC00  }
0x164: {  	v0 =	vld [tilespmem:s23+$0x0];
	_ =	sdelay $0x4  }
0x165: {  	v0 =	vand.u32 $0x1, v0  }
0x166: {  	s1 =	simm.s32 $0x0;
	v0 =	vshll.u32 v0, $0x6  }
0x167: {  	v0 =	vadd.s32 s1, v0  }
0x168: {  	v0 =	vadd.s32 $0x16400, v0  }
0x169: {  	(v2sf) =	vpush v0, $0xD  }
0x16a: {  	(v2sf) =	vpush v0, $0x7  }
0x16b: {  	(v2sf) =	vpush v0, $0x6;
	_ =	sdelay $0x1  }
0x16c: {  	(v2sf) =	vpush v0, $0x5;
	_ =	sdelay $0x3  }
0x16d: {  	(v2sf) =	vpush v0, $0x4;
	_ =	sdelay $0x3  }
0x16e: {  	(v2sf) =	vpush v0, $0x3;
	_ =	sdelay $0x2  }
0x16f: {  	s0 =	spop (v2sf)  }
0x170: {  	(v2sf) =	vpush v0, $0x1;
	v1 =	vld [tilespmem:s0+$0x6A0];
	s9 =	spop (v2sf)  }
0x171: {  	v4 =	vld [tilespmem:s9+$0x3B0];
	s2 =	spop (v2sf)  }
0x172: {  	v8 =	vld [tilespmem:s2+$0x320]  }
0x173: {  	(v2sf) =	vpush v0, $0x2;
	s10 =	spop (v2sf);
	v5 =	vld [tilespmem:s2+$0x330]  }
0x174: {  	(v2sf) =	vpush v0, $0x0;
	v10 =	vld [tilespmem:s10+$0x290]  }
0x175: {  	(v2sf) =	vpush v0, $0xA;
	v12 =	vld [tilespmem:s10+$0x280]  }
0x176: {  	v9 =	vld [tilespmem:s10+$0x2A0]  }
0x177: {  	s12 =	spop (v2sf);
	v11 =	vld [tilespmem:s10+$0x2B0]  }
0x178: {  	v6 =	vld [tilespmem:s12+$0x220]  }
0x179: {  	v16 =	vld [tilespmem:s12+$0x200]  }
0x17a: {  	v15 =	vld [tilespmem:s12+$0x210]  }
0x17b: {  	s21 =	spop (v2sf);
	v7 =	vld [tilespmem:s12+$0x230]  }
0x17c: {  	(v2sf) =	vpush v0, $0x8;
	v17 =	vld [tilespmem:s21+$0x190]  }
0x17d: {  	v2 =	vld [tilespmem:s21+$0x180]  }
0x17e: {  	v20 =	vld [tilespmem:s21+$0x1A0]  }
0x17f: {  	(v2sf) =	vpush v0, $0x9;
	s26 =	spop (v2sf);
	v3 =	vld [tilespmem:s21+$0x1B0]  }
0x180: {  	v28 =	vld [tilespmem:s26+$0x90]  }
0x181: {  	v24 =	vld [tilespmem:s26+$0xA0]  }
0x182: {  	s7 =	spop (v2sf);
	v25 =	vld [tilespmem:s26+$0x80]  }
0x183: {  	v21 =	vld [tilespmem:s26+$0xB0];
	s31 =	spop (v2sf)  }
0x184: {  	v19 =	vld [tilespmem:s7+$0x110];
	s21 =	spop (v2sf);
	(v2sf) =	vpush v0, $0xC  }
0x185: {  	v26 =	vld [tilespmem:s7+$0x120]  }
0x186: {  	v23 =	vld [tilespmem:s7+$0x100];
	(v2sf) =	vpush v0, $0xB  }
0x187: {  	v13 =	vld [tilespmem:s31+$0x30]  }
0x188: {  	v22 =	vld [tilespmem:s31+$0x20]  }
0x189: {  	v29 =	vld [tilespmem:s31+$0x0]  }
0x18a: {  	v30 =	vld [tilespmem:s31+$0x10]  }
0x18b: {  	v27 =	vimm.f32 $0.0e+00;
	v18 =	vld [tilespmem:s7+$0x130];
	s5 =	spop (v2sf)  }
0x18c: {  	v14 =	vld [tilespmem:s5+$0x430];
	v13 =	vadd.f32 v13, v27  }
0x18d: {  	v63 =	vadd.f32 v22, v27;
	v22 =	vld [tilespmem:s9+$0x380]  }
0x18e: {  	s4 =	spop (v2sf);
	v29 =	vadd.f32 v29, v27;
	v31 =	vadd.f32 v21, v13;
	v21 =	vld [tilespmem:s2+$0x300]  }
0x18f: {  	v30 =	vadd.f32 v30, v27;
	v13 =	vld [tilespmem:s4+$0x4B0];
	v32 =	vadd.f32 v24, v63  }
0x190: {  	v27 =	vadd.f32 v25, v29;
	v25 =	vld [tilespmem:s2+$0x310];
	v31 =	vadd.f32 v18, v31  }
0x191: {  	v28 =	vadd.f32 v28, v30;
	v18 =	vld [tilespmem:s5+$0x400]  }
0x192: {  	s10 =	simm.s32 $0x2000;
	s12 =	smov.u32 s23;
	v29 =	vadd.f32 v26, v32;
	v26 =	vld [tilespmem:s9+$0x3A0];
	v24 =	vadd.f32 v3, v31  }
.LBB2_7:
0x193: {  	p0 =	sne.s32 s10, $0xE000;
	v3 =	vadd.f32 v23, v27;
	v23 =	vld [tilespmem:s9+$0x390];
	s12 =	sadd.s32 $0x10, s12;
	s6 =	spop (v2sf)  }
0x194: {  	s2 =	smov.u32 s10;
	s10 =	sadd.s32 $0x2000, s10;
	v19 =	vadd.f32 v19, v28;
	v20 =	vadd.f32 v20, v29;
	v27 =	vld [tilespmem:s6+$0x620]  }
0x195: {  	v3 =	vadd.f32 v2, v3;
	v2 =	vld [tilespmem:s0+$0x6B0];
	s7 =	spop (v2sf)  }
0x196: {  	v17 =	vadd.f32 v17, v19;
	v6 =	vadd.f32 v6, v20;
	v19 =	vld [tilespmem:s7+$0x5B0]  }
0x197: {  	v3 =	vadd.f32 v16, v3;
	v16 =	vld [tilespmem:s4+$0x480];
	(v2sf) =	vpush v0, $0xF  }
0x198: {  	v20 =	vld [tilespmem:s12+$0x0];
	v15 =	vadd.f32 v15, v17;
	v6 =	vadd.f32 v9, v6  }
0x199: {  	v3 =	vadd.f32 v12, v3;
	v9 =	vld [tilespmem:s21+$0x500];
	(v2sf) =	vpush v0, $0xE  }
0x19a: {  	v0 =	vadd.f32 v10, v15;
	v6 =	vadd.f32 v8, v6;
	v10 =	vld [tilespmem:s6+$0x630]  }
0x19b: {  	v3 =	vadd.f32 v21, v3;
	v8 =	vld [tilespmem:s7+$0x580]  }
0x19c: {  	v0 =	vadd.f32 v25, v0;
	v6 =	vadd.f32 v26, v6;
	v12 =	vld [tilespmem:s5+$0x420]  }
0x19d: {  	v15 =	vand.u32 $0x1, v20;
	v3 =	vadd.f32 v22, v3;
	v17 =	vld [tilespmem:s5+$0x410]  }
0x19e: {  	s2 =	sshra.s32 s2, $0x2;
	v15 =	vshll.u32 v15, $0x6;
	v20 =	vadd.f32 v23, v0;
	v21 =	vld [tilespmem:s4+$0x4A0]  }
0x19f: {  	v0 =	vadd.s32 s2, v15;
	v3 =	vadd.f32 v18, v3;
	v15 =	vld [tilespmem:s4+$0x490]  }
0x1a0: {  	v7 =	vadd.f32 v7, v24;
	v0 =	vadd.s32 $0x16400, v0;
	v18 =	vld [tilespmem:s21+$0x520]  }
0x1a1: {  	(v2sf) =	vpush v0, $0xD;
	v6 =	vadd.f32 v12, v6;
	v12 =	vld [tilespmem:s21+$0x510]  }
0x1a2: {  	v7 =	vadd.f32 v11, v7;
	(v2sf) =	vpush v0, $0x7;
	v11 =	vld [tilespmem:s7+$0x5A0]  }
0x1a3: {  	(v2sf) =	vpush v0, $0x6;
	v6 =	vadd.f32 v21, v6;
	v21 =	vld [tilespmem:s7+$0x590]  }
0x1a4: {  	v5 =	vadd.f32 v5, v7;
	(v2sf) =	vpush v0, $0x5;
	v7 =	vld [tilespmem:s6+$0x600]  }
0x1a5: {  	(v2sf) =	vpush v0, $0x4;
	v6 =	vadd.f32 v18, v6;
	v18 =	vld [tilespmem:s6+$0x610]  }
0x1a6: {  	v17 =	vadd.f32 v17, v20;
	(v2sf) =	vpush v0, $0x3;
	v20 =	vld [tilespmem:s0+$0x680];
	s2 =	spop (v2sf)  }
0x1a7: {  	v3 =	vadd.f32 v16, v3;
	(v2sf) =	vpush v0, $0x1;
	v16 =	vld [tilespmem:s21+$0x530]  }
0x1a8: {  	v4 =	vadd.f32 v4, v5;
	v5 =	vadd.f32 v11, v6;
	v11 =	vld [tilespmem:s2+$0x7B0];
	s4 =	spop (v2sf)  }
0x1a9: {  	v6 =	vadd.f32 v15, v17;
	(v2sf) =	vpush v0, $0x2;
	v15 =	vld [tilespmem:s4+$0x720]  }
0x1aa: {  	v3 =	vadd.f32 v9, v3;
	v5 =	vadd.f32 v27, v5;
	v17 =	vld [tilespmem:s4+$0x730]  }
0x1ab: {  	v4 =	vadd.f32 v14, v4;
	v6 =	vadd.f32 v12, v6;
	v9 =	vld [tilespmem:s2+$0x7A0]  }
0x1ac: {  	v3 =	vadd.f32 v8, v3;
	v1 =	vadd.f32 v1, v5;
	v5 =	vld [tilespmem:s4+$0x700]  }
0x1ad: {  	v4 =	vadd.f32 v13, v4;
	v6 =	vadd.f32 v21, v6;
	v8 =	vld [tilespmem:s0+$0x690]  }
0x1ae: {  	v3 =	vadd.f32 v7, v3;
	v1 =	vadd.f32 v15, v1;
	v7 =	vld [tilespmem:s2+$0x780]  }
0x1af: {  	v4 =	vadd.f32 v16, v4;
	v6 =	vadd.f32 v18, v6;
	v12 =	vld [tilespmem:s4+$0x710]  }
0x1b0: {  	v3 =	vadd.f32 v20, v3;
	s0 =	spop (v2sf);
	v13 =	vld [tilespmem:s2+$0x790];
	v18 =	vadd.f32 v9, v1  }
0x1b1: {  	v9 =	vadd.f32 v19, v4;
	v1 =	vld [tilespmem:s0+$0x6A0];
	(v2sf) =	vpush v0, $0x0;
	s9 =	spop (v2sf)  }
0x1b2: {  	v3 =	vadd.f32 v5, v3;
	v4 =	vld [tilespmem:s9+$0x3B0];
	s6 =	spop (v2sf);
	v6 =	vadd.f32 v8, v6  }
0x1b3: {  	v5 =	vadd.f32 v10, v9;
	v8 =	vld [tilespmem:s6+$0x320];
	s2 =	spop (v2sf)  }
0x1b4: {  	v3 =	vadd.f32 v7, v3;
	v10 =	vld [tilespmem:s2+$0x290];
	s4 =	spop (v2sf);
	v9 =	vadd.f32 v12, v6  }
0x1b5: {  	v2 =	vadd.f32 v2, v5;
	v12 =	vld [tilespmem:s2+$0x280];
	s5 =	spop (v2sf)  }
0x1b6: {  	v6 =	vld [tilespmem:s4+$0x220];
	s7 =	spop (v2sf);
	v24 =	vadd.f32 v13, v9  }
0x1b7: {  	v2 =	vadd.f32 v17, v2;
	v9 =	vld [tilespmem:s2+$0x2A0]  }
0x1b8: {  	v5 =	vld [tilespmem:s6+$0x330];
	s21 =	spop (v2sf)  }
0x1b9: {  	v13 =	vadd.f32 v11, v2;
	v16 =	vld [tilespmem:s4+$0x200]  }
0x1ba: {  	v15 =	vld [tilespmem:s4+$0x210]  }
0x1bb: {  	v11 =	vld [tilespmem:s2+$0x2B0]  }
0x1bc: {  	v17 =	vld [tilespmem:s5+$0x190];
	(v2sf) =	vpush v0, $0xA  }
0x1bd: {  	v2 =	vld [tilespmem:s5+$0x180];
	(v2sf) =	vpush v0, $0x8  }
0x1be: {  	v19 =	vld [tilespmem:s21+$0x110]  }
0x1bf: {  	v20 =	vld [tilespmem:s5+$0x1A0];
	(v2sf) =	vpush v0, $0x9  }
0x1c0: {  	v7 =	vld [tilespmem:s4+$0x230];
	s2 =	spop (v2sf)  }
0x1c1: {  	v25 =	vld [tilespmem:s5+$0x1B0]  }
0x1c2: {  	v26 =	vld [tilespmem:s21+$0x120]  }
0x1c3: {  	v23 =	vld [tilespmem:s21+$0x100]  }
0x1c4: {  	v22 =	vld [tilespmem:s21+$0x130]  }
0x1c5: {  	v28 =	vld [tilespmem:s7+$0x90];
	(v2sf) =	vpush v0, $0xC  }
0x1c6: {  	v14 =	vld [tilespmem:s2+$0x30]  }
0x1c7: {  	v27 =	vld [tilespmem:s7+$0xA0];
	(v2sf) =	vpush v0, $0xB  }
0x1c8: {  	v29 =	vld [tilespmem:s7+$0x80]  }
0x1c9: {  	v21 =	vld [tilespmem:s7+$0xB0]  }
0x1ca: {  	v30 =	vld [tilespmem:s2+$0x20]  }
0x1cb: {  	v31 =	vld [tilespmem:s2+$0x0];
	v13 =	vadd.f32 v14, v13;
	s21 =	spop (v2sf)  }
0x1cc: {  	v32 =	vld [tilespmem:s2+$0x10];
	s5 =	spop (v2sf)  }
0x1cd: {  	v14 =	vld [tilespmem:s5+$0x430]  }
0x1ce: {  	v33 =	vadd.f32 v21, v13;
	v21 =	vld [tilespmem:s6+$0x300];
	s4 =	spop (v2sf)  }
.Ltmp2:
0x1cf: {  	v18 =	vadd.f32 v30, v18;
	v13 =	vld [tilespmem:s4+$0x4B0];
	(pc) =	sbr.rel @p0 .LBB2_7-.Ltmp2, $4  }
0x1d0: {  	v3 =	vadd.f32 v31, v3;
	v30 =	vadd.f32 v22, v33;
	v22 =	vld [tilespmem:s9+$0x380]  }
0x1d1: {  	v31 =	vadd.f32 v32, v24;
	v32 =	vadd.f32 v27, v18;
	v18 =	vld [tilespmem:s5+$0x400]  }
0x1d2: {  	v27 =	vadd.f32 v29, v3;
	v24 =	vadd.f32 v25, v30;
	v25 =	vld [tilespmem:s6+$0x310]  }
0x1d3: {  	v28 =	vadd.f32 v28, v31;
	v29 =	vadd.f32 v26, v32;
	v26 =	vld [tilespmem:s9+$0x3A0]  }
0x1d4: {  	v30 =	vld [tilespmem:s9+$0x390]  }
0x1d5: {  	v32 =	vld [tilespmem:s0+$0x6B0]  }
0x1d6: {  	v34 =	vld [tilespmem:s4+$0x480]  }
0x1d7: {  	v3 =	vld [tilespmem:s24+$0x0]  }
0x1d8: {  	v35 =	vld [tilespmem:s21+$0x500]  }
0x1d9: {  	s2 =	spop (v2sf);
	(v2sf) =	vpush v0, $0xF;
	v38 =	vld [tilespmem:s5+$0x420]  }
0x1da: {  	v39 =	vld [tilespmem:s5+$0x410]  }
0x1db: {  	v40 =	vld [tilespmem:s4+$0x4A0]  }
0x1dc: {  	v41 =	vld [tilespmem:s4+$0x490]  }
0x1dd: {  	v42 =	vld [tilespmem:s21+$0x520]  }
0x1de: {  	v43 =	vld [tilespmem:s21+$0x510];
	(v2sf) =	vpush v0, $0xE;
	v0 =	vand.u32 $0x1, v3  }
0x1df: {  	v48 =	vld [tilespmem:s0+$0x680];
	v0 =	vshll.u32 v0, $0x6  }
0x1e0: {  	v49 =	vld [tilespmem:s21+$0x530];
	v0 =	vadd.s32 s1, v0  }
0x1e1: {  	v55 =	vld [tilespmem:s0+$0x690];
	v3 =	vadd.s32 $0x16400, v0  }
0x1e2: {  	v31 =	vld [tilespmem:s2+$0x620];
	(v2sf) =	vpush v3, $0xD  }
0x1e3: {  	v36 =	vld [tilespmem:s2+$0x630];
	(v2sf) =	vpush v3, $0x7  }
0x1e4: {  	v46 =	vld [tilespmem:s2+$0x600];
	(v2sf) =	vpush v3, $0x6  }
0x1e5: {  	v47 =	vld [tilespmem:s2+$0x610];
	s6 =	spop (v2sf);
	(v2sf) =	vpush v3, $0x5  }
0x1e6: {  	v33 =	vld [tilespmem:s6+$0x5B0];
	(v2sf) =	vpush v3, $0x4  }
0x1e7: {  	v37 =	vld [tilespmem:s6+$0x580];
	(v2sf) =	vpush v3, $0x3  }
0x1e8: {  	v44 =	vld [tilespmem:s6+$0x5A0];
	s5 =	spop (v2sf);
	(v2sf) =	vpush v3, $0x1  }
0x1e9: {  	v45 =	vld [tilespmem:s6+$0x590]  }
0x1ea: {  	v50 =	vld [tilespmem:s5+$0x7B0]  }
0x1eb: {  	v53 =	vld [tilespmem:s5+$0x7A0]  }
0x1ec: {  	v56 =	vld [tilespmem:s5+$0x780]  }
0x1ed: {  	v23 =	vadd.f32 v23, v27;
	s6 =	spop (v2sf);
	v27 =	vld [tilespmem:s5+$0x790]  }
0x1ee: {  	v19 =	vadd.f32 v19, v28;
	v20 =	vadd.f32 v20, v29;
	v51 =	vld [tilespmem:s6+$0x720]  }
0x1ef: {  	v52 =	vld [tilespmem:s6+$0x730]  }
0x1f0: {  	v17 =	vadd.f32 v17, v19;
	v19 =	vadd.f32 v6, v20;
	v54 =	vld [tilespmem:s6+$0x700]  }
0x1f1: {  	v20 =	vadd.f32 v7, v24;
	v57 =	vld [tilespmem:s6+$0x710];
	s0 =	spop (v2sf)  }
0x1f2: {  	v15 =	vadd.f32 v15, v17;
	v17 =	vadd.f32 v9, v19;
	v0 =	vld [tilespmem:s0+$0x46A0];
	s12 =	spop (v2sf)  }
0x1f3: {  	v23 =	vadd.f32 v2, v23;
	v19 =	vadd.f32 v11, v20;
	v2 =	vld [tilespmem:s12+$0x43B0];
	s1 =	spop (v2sf)  }
0x1f4: {  	v8 =	vadd.f32 v8, v17;
	(v2sf) =	vpush v3, $0x2;
	v6 =	vld [tilespmem:s1+$0x4320];
	s7 =	spop (v2sf)  }
0x1f5: {  	v17 =	vadd.f32 v5, v19;
	(v2sf) =	vpush v3, $0x0;
	v5 =	vld [tilespmem:s1+$0x4330];
	s9 =	spop (v2sf)  }
0x1f6: {  	v16 =	vadd.f32 v16, v23;
	v7 =	vld [tilespmem:s7+$0x4290];
	s10 =	spop (v2sf);
	(v2sf) =	vpush v3, $0xA  }
0x1f7: {  	v17 =	vadd.f32 v4, v17;
	v9 =	vld [tilespmem:s7+$0x4280];
	s21 =	spop (v2sf);
	(v2sf) =	vpush v3, $0x8  }
0x1f8: {  	v12 =	vadd.f32 v12, v16;
	v15 =	vadd.f32 v10, v15;
	v10 =	vld [tilespmem:s7+$0x42A0]  }
0x1f9: {  	v8 =	vadd.f32 v26, v8;
	v20 =	vadd.f32 v14, v17;
	v4 =	vld [tilespmem:s7+$0x42B0]  }
0x1fa: {  	v12 =	vadd.f32 v21, v12;
	v11 =	vld [tilespmem:s9+$0x4220]  }
0x1fb: {  	v8 =	vadd.f32 v38, v8;
	v20 =	vadd.f32 v13, v20;
	v16 =	vld [tilespmem:s9+$0x4200]  }
0x1fc: {  	v19 =	vadd.f32 v25, v15;
	v12 =	vadd.f32 v22, v12;
	v15 =	vld [tilespmem:s9+$0x4210]  }
0x1fd: {  	v21 =	vadd.f32 v40, v8;
	v20 =	vadd.f32 v49, v20;
	v8 =	vld [tilespmem:s9+$0x4230]  }
0x1fe: {  	v19 =	vadd.f32 v30, v19;
	v12 =	vadd.f32 v18, v12;
	v14 =	vld [tilespmem:s10+$0x4190]  }
0x1ff: {  	v21 =	vadd.f32 v42, v21;
	v22 =	vadd.f32 v33, v20;
	v17 =	vld [tilespmem:s10+$0x4180]  }
0x200: {  	v19 =	vadd.f32 v39, v19;
	v18 =	vld [tilespmem:s10+$0x41A0];
	(v2sf) =	vpush v3, $0x9  }
0x201: {  	v21 =	vadd.f32 v44, v21;
	v22 =	vadd.f32 v36, v22;
	v23 =	vld [tilespmem:s10+$0x41B0]  }
0x202: {  	v12 =	vadd.f32 v34, v12;
	v19 =	vadd.f32 v41, v19;
	v28 =	vld [tilespmem:s21+$0x4090]  }
0x203: {  	v21 =	vadd.f32 v31, v21;
	v22 =	vadd.f32 v32, v22;
	s26 =	spop (v2sf);
	v29 =	vld [tilespmem:s21+$0x40A0]  }
0x204: {  	v12 =	vadd.f32 v35, v12;
	v19 =	vadd.f32 v43, v19;
	v30 =	vld [tilespmem:s21+$0x4080];
	s31 =	spop (v2sf)  }
0x205: {  	v1 =	vadd.f32 v1, v21;
	v21 =	vadd.f32 v52, v22;
	v22 =	vld [tilespmem:s21+$0x40B0];
	s21 =	spop (v2sf)  }
0x206: {  	v12 =	vadd.f32 v37, v12;
	v13 =	vld [tilespmem:s26+$0x4110];
	s4 =	spop (v2sf);
	(v2sf) =	vpush v3, $0xC  }
0x207: {  	v19 =	vadd.f32 v45, v19;
	v24 =	vld [tilespmem:s26+$0x4120]  }
0x208: {  	v12 =	vadd.f32 v46, v12;
	v26 =	vld [tilespmem:s31+$0x4030];
	(v2sf) =	vpush v3, $0xB  }
0x209: {  	v19 =	vadd.f32 v47, v19;
	v20 =	vld [tilespmem:s26+$0x4100]  }
0x20a: {  	v12 =	vadd.f32 v48, v12;
	v25 =	vld [tilespmem:s26+$0x4130]  }
0x20b: {  	v19 =	vadd.f32 v55, v19;
	v21 =	vadd.f32 v50, v21;
	v31 =	vld [tilespmem:s31+$0x4020]  }
0x20c: {  	v1 =	vadd.f32 v51, v1;
	v12 =	vadd.f32 v54, v12;
	v61 =	vld [tilespmem:s31+$0x4000]  }
0x20d: {  	v19 =	vadd.f32 v57, v19;
	v21 =	vadd.f32 v26, v21;
	v26 =	vld [tilespmem:s31+$0x4010]  }
0x20e: {  	v1 =	vadd.f32 v53, v1;
	v62 =	vadd.f32 v56, v12;
	v12 =	vld [tilespmem:s4+$0x4430]  }
0x20f: {  	s5 =	spop (v2sf);
	v22 =	vadd.f32 v22, v21;
	v21 =	vld [tilespmem:s1+$0x4300]  }
0x210: {  	v19 =	vadd.f32 v27, v19;
	v27 =	vadd.f32 v31, v1;
	v1 =	vld [tilespmem:s5+$0x44B0]  }
0x211: {  	v31 =	vadd.f32 v61, v62;
	v25 =	vadd.f32 v25, v22;
	v22 =	vld [tilespmem:s12+$0x4380]  }
0x212: {  	v29 =	vadd.f32 v29, v27;
	v63 =	vadd.f32 v26, v19;
	v19 =	vld [tilespmem:s4+$0x4400]  }
0x213: {  	v26 =	vadd.f32 v30, v31;
	v23 =	vadd.f32 v23, v25;
	v25 =	vld [tilespmem:s1+$0x4310]  }
0x214: {  	s10 =	smov.u32 s24;
	s1 =	simm.s32 $0x2000;
	v27 =	vadd.f32 v28, v63;
	v28 =	vadd.f32 v24, v29;
	v24 =	vld [tilespmem:s12+$0x43A0]  }
.LBB2_9:
0x215: {  	p0 =	sne.s32 s1, $0x6000;
	v20 =	vadd.f32 v20, v26;
	v26 =	vld [tilespmem:s12+$0x4390];
	s10 =	sadd.s32 $0x10, s10;
	s6 =	spop (v2sf)  }
0x216: {  	s2 =	smov.u32 s1;
	s1 =	sadd.s32 $0x2000, s1;
	v27 =	vadd.f32 v13, v27;
	v18 =	vadd.f32 v18, v28;
	v28 =	vld [tilespmem:s6+$0x4620]  }
0x217: {  	v17 =	vadd.f32 v17, v20;
	v13 =	vld [tilespmem:s0+$0x46B0];
	s7 =	spop (v2sf)  }
0x218: {  	v14 =	vadd.f32 v14, v27;
	v11 =	vadd.f32 v11, v18;
	v18 =	vld [tilespmem:s7+$0x45B0]  }
0x219: {  	v16 =	vadd.f32 v16, v17;
	v17 =	vld [tilespmem:s5+$0x4480];
	(v2sf) =	vpush v3, $0xF  }
0x21a: {  	v20 =	vld [tilespmem:s10+$0x0];
	v14 =	vadd.f32 v15, v14;
	v10 =	vadd.f32 v10, v11  }
0x21b: {  	v9 =	vadd.f32 v9, v16;
	v11 =	vld [tilespmem:s21+$0x4500];
	(v2sf) =	vpush v3, $0xE  }
0x21c: {  	v3 =	vadd.f32 v7, v14;
	v6 =	vadd.f32 v6, v10;
	v7 =	vld [tilespmem:s6+$0x4630]  }
0x21d: {  	v9 =	vadd.f32 v21, v9;
	v10 =	vld [tilespmem:s7+$0x4580]  }
0x21e: {  	v3 =	vadd.f32 v25, v3;
	v6 =	vadd.f32 v24, v6;
	v14 =	vld [tilespmem:s4+$0x4420]  }
0x21f: {  	v15 =	vand.u32 $0x1, v20;
	v9 =	vadd.f32 v22, v9;
	v16 =	vld [tilespmem:s4+$0x4410]  }
0x220: {  	s2 =	sshra.s32 s2, $0x2;
	v15 =	vshll.u32 v15, $0x6;
	v20 =	vadd.f32 v26, v3;
	v21 =	vld [tilespmem:s5+$0x44A0]  }
0x221: {  	v3 =	vadd.s32 s2, v15;
	v9 =	vadd.f32 v19, v9;
	v15 =	vld [tilespmem:s5+$0x4490]  }
0x222: {  	v8 =	vadd.f32 v8, v23;
	v3 =	vadd.s32 $0x16400, v3;
	v19 =	vld [tilespmem:s21+$0x4520]  }
0x223: {  	(v2sf) =	vpush v3, $0xD;
	v6 =	vadd.f32 v14, v6;
	v14 =	vld [tilespmem:s21+$0x4510]  }
0x224: {  	v4 =	vadd.f32 v4, v8;
	(v2sf) =	vpush v3, $0x7;
	v8 =	vld [tilespmem:s7+$0x45A0]  }
0x225: {  	(v2sf) =	vpush v3, $0x6;
	v6 =	vadd.f32 v21, v6;
	v21 =	vld [tilespmem:s7+$0x4590]  }
0x226: {  	v4 =	vadd.f32 v5, v4;
	(v2sf) =	vpush v3, $0x5;
	v5 =	vld [tilespmem:s6+$0x4600]  }
0x227: {  	(v2sf) =	vpush v3, $0x4;
	v6 =	vadd.f32 v19, v6;
	v19 =	vld [tilespmem:s6+$0x4610]  }
0x228: {  	v16 =	vadd.f32 v16, v20;
	(v2sf) =	vpush v3, $0x3;
	v20 =	vld [tilespmem:s0+$0x4680];
	s2 =	spop (v2sf)  }
0x229: {  	v9 =	vadd.f32 v17, v9;
	(v2sf) =	vpush v3, $0x1;
	v17 =	vld [tilespmem:s21+$0x4530]  }
0x22a: {  	v2 =	vadd.f32 v2, v4;
	v4 =	vadd.f32 v8, v6;
	v8 =	vld [tilespmem:s2+$0x47B0];
	s4 =	spop (v2sf)  }
0x22b: {  	v6 =	vadd.f32 v15, v16;
	(v2sf) =	vpush v3, $0x2;
	v15 =	vld [tilespmem:s4+$0x4720]  }
0x22c: {  	v9 =	vadd.f32 v11, v9;
	v4 =	vadd.f32 v28, v4;
	v16 =	vld [tilespmem:s4+$0x4730]  }
0x22d: {  	v2 =	vadd.f32 v12, v2;
	v6 =	vadd.f32 v14, v6;
	v11 =	vld [tilespmem:s2+$0x47A0]  }
0x22e: {  	v9 =	vadd.f32 v10, v9;
	v0 =	vadd.f32 v0, v4;
	v4 =	vld [tilespmem:s4+$0x4700]  }
0x22f: {  	v1 =	vadd.f32 v1, v2;
	v2 =	vadd.f32 v21, v6;
	v6 =	vld [tilespmem:s0+$0x4690]  }
0x230: {  	v5 =	vadd.f32 v5, v9;
	v0 =	vadd.f32 v15, v0;
	v9 =	vld [tilespmem:s2+$0x4780]  }
0x231: {  	v1 =	vadd.f32 v17, v1;
	v10 =	vadd.f32 v19, v2;
	v12 =	vld [tilespmem:s4+$0x4710]  }
0x232: {  	v5 =	vadd.f32 v20, v5;
	s0 =	spop (v2sf);
	v14 =	vld [tilespmem:s2+$0x4790];
	v19 =	vadd.f32 v11, v0  }
0x233: {  	v1 =	vadd.f32 v18, v1;
	v0 =	vld [tilespmem:s0+$0x46A0];
	(v2sf) =	vpush v3, $0x0;
	s12 =	spop (v2sf)  }
0x234: {  	v4 =	vadd.f32 v4, v5;
	v2 =	vld [tilespmem:s12+$0x43B0];
	s6 =	spop (v2sf);
	v10 =	vadd.f32 v6, v10  }
0x235: {  	v1 =	vadd.f32 v7, v1;
	v6 =	vld [tilespmem:s6+$0x4320];
	s2 =	spop (v2sf)  }
0x236: {  	v22 =	vadd.f32 v9, v4;
	v7 =	vld [tilespmem:s2+$0x4290];
	s4 =	spop (v2sf);
	v5 =	vadd.f32 v12, v10  }
0x237: {  	v1 =	vadd.f32 v13, v1;
	v9 =	vld [tilespmem:s2+$0x4280];
	s5 =	spop (v2sf)  }
0x238: {  	v11 =	vld [tilespmem:s4+$0x4220];
	s7 =	spop (v2sf);
	v23 =	vadd.f32 v14, v5  }
0x239: {  	v1 =	vadd.f32 v16, v1;
	v10 =	vld [tilespmem:s2+$0x42A0]  }
0x23a: {  	v5 =	vld [tilespmem:s6+$0x4330];
	s9 =	spop (v2sf)  }
0x23b: {  	v1 =	vadd.f32 v8, v1;
	v16 =	vld [tilespmem:s4+$0x4200]  }
0x23c: {  	v15 =	vld [tilespmem:s4+$0x4210]  }
0x23d: {  	v4 =	vld [tilespmem:s2+$0x42B0]  }
0x23e: {  	v14 =	vld [tilespmem:s5+$0x4190];
	(v2sf) =	vpush v3, $0xA  }
0x23f: {  	v17 =	vld [tilespmem:s5+$0x4180];
	(v2sf) =	vpush v3, $0x8  }
0x240: {  	v13 =	vld [tilespmem:s9+$0x4110]  }
0x241: {  	v18 =	vld [tilespmem:s5+$0x41A0];
	(v2sf) =	vpush v3, $0x9  }
0x242: {  	v8 =	vld [tilespmem:s4+$0x4230];
	s2 =	spop (v2sf)  }
0x243: {  	v24 =	vld [tilespmem:s5+$0x41B0]  }
0x244: {  	v28 =	vld [tilespmem:s9+$0x4120]  }
0x245: {  	v20 =	vld [tilespmem:s9+$0x4100]  }
0x246: {  	v25 =	vld [tilespmem:s9+$0x4130]  }
0x247: {  	v27 =	vld [tilespmem:s7+$0x4090];
	(v2sf) =	vpush v3, $0xC  }
0x248: {  	v12 =	vld [tilespmem:s2+$0x4030]  }
0x249: {  	v26 =	vld [tilespmem:s7+$0x40A0];
	(v2sf) =	vpush v3, $0xB  }
0x24a: {  	v29 =	vld [tilespmem:s7+$0x4080]  }
0x24b: {  	v21 =	vld [tilespmem:s7+$0x40B0]  }
0x24c: {  	v30 =	vld [tilespmem:s2+$0x4020]  }
0x24d: {  	v31 =	vld [tilespmem:s2+$0x4000];
	v1 =	vadd.f32 v12, v1;
	s21 =	spop (v2sf)  }
0x24e: {  	v32 =	vld [tilespmem:s2+$0x4010];
	s4 =	spop (v2sf)  }
0x24f: {  	v12 =	vld [tilespmem:s4+$0x4430]  }
0x250: {  	v33 =	vadd.f32 v21, v1;
	v21 =	vld [tilespmem:s6+$0x4300];
	s5 =	spop (v2sf)  }
.Ltmp3:
0x251: {  	v19 =	vadd.f32 v30, v19;
	v1 =	vld [tilespmem:s5+$0x44B0];
	(pc) =	sbr.rel @p0 .LBB2_9-.Ltmp3, $4  }
0x252: {  	v30 =	vadd.f32 v31, v22;
	v25 =	vadd.f32 v25, v33;
	v22 =	vld [tilespmem:s12+$0x4380]  }
0x253: {  	v31 =	vadd.f32 v32, v23;
	v32 =	vadd.f32 v26, v19;
	v19 =	vld [tilespmem:s4+$0x4400]  }
0x254: {  	v26 =	vadd.f32 v29, v30;
	v23 =	vadd.f32 v24, v25;
	v25 =	vld [tilespmem:s6+$0x4310]  }
0x255: {  	v27 =	vadd.f32 v27, v31;
	v28 =	vadd.f32 v28, v32;
	v24 =	vld [tilespmem:s12+$0x43A0]  }
0x256: {  	v29 =	vld [tilespmem:s12+$0x4390]  }
0x257: {  	v31 =	vld [tilespmem:s0+$0x46B0]  }
0x258: {  	v33 =	vld [tilespmem:s5+$0x4480]  }
0x259: {  	v34 =	vld [tilespmem:s21+$0x4500]  }
0x25a: {  	v46 =	vld [tilespmem:s29+$0xC0]  }
0x25b: {  	s1 =	spop (v2sf);
	v37 =	vld [tilespmem:s4+$0x4420]  }
0x25c: {  	v38 =	vld [tilespmem:s4+$0x4410];
	s2 =	spop (v2sf);
	(v2sf) =	vpush v3, $0xF  }
0x25d: {  	v39 =	vld [tilespmem:s5+$0x44A0]  }
0x25e: {  	v40 =	vld [tilespmem:s5+$0x4490]  }
0x25f: {  	v41 =	vld [tilespmem:s21+$0x4520]  }
0x260: {  	v42 =	vld [tilespmem:s21+$0x4510];
	(v2sf) =	vpush v3, $0xE  }
0x261: {  	v20 =	vadd.f32 v20, v26;
	v26 =	vld [tilespmem:s0+$0x4680]  }
0x262: {  	v47 =	vld [tilespmem:s21+$0x4530];
	v3 =	vand.u32 $0x1, v46  }
0x263: {  	v52 =	vld [tilespmem:s0+$0x4690];
	v3 =	vshll.u32 v3, $0x6  }
0x264: {  	v30 =	vld [tilespmem:s1+$0x4620];
	(v2sf) =	vpush v3, $0x1  }
0x265: {  	v35 =	vld [tilespmem:s1+$0x4630]  }
0x266: {  	v45 =	vld [tilespmem:s1+$0x4600]  }
0x267: {  	v32 =	vld [tilespmem:s2+$0x45B0]  }
0x268: {  	v36 =	vld [tilespmem:s2+$0x4580];
	(v2sf) =	vpush v3, $0x0  }
0x269: {  	v43 =	vld [tilespmem:s2+$0x45A0]  }
0x26a: {  	v8 =	vadd.f32 v8, v23;
	v44 =	vld [tilespmem:s2+$0x4590]  }
0x26b: {  	v13 =	vadd.f32 v13, v27;
	v18 =	vadd.f32 v18, v28;
	v46 =	vld [tilespmem:s1+$0x4610];
	s5 =	spop (v2sf)  }
0x26c: {  	v17 =	vadd.f32 v17, v20;
	(v2sf) =	vpush v3, $0x3;
	v20 =	vld [tilespmem:s5+$0x47B0]  }
0x26d: {  	v4 =	vadd.f32 v4, v8;
	v13 =	vadd.f32 v14, v13;
	v50 =	vld [tilespmem:s5+$0x47A0]  }
0x26e: {  	v11 =	vadd.f32 v11, v18;
	v16 =	vadd.f32 v16, v17;
	v53 =	vld [tilespmem:s5+$0x4780]  }
0x26f: {  	v13 =	vadd.f32 v15, v13;
	s6 =	spop (v2sf);
	(v2sf) =	vpush v3, $0x2;
	v55 =	vld [tilespmem:s5+$0x4790]  }
0x270: {  	v4 =	vadd.f32 v5, v4;
	v9 =	vadd.f32 v9, v16;
	v48 =	vld [tilespmem:s6+$0x4720]  }
0x271: {  	v10 =	vadd.f32 v10, v11;
	v7 =	vadd.f32 v7, v13;
	v49 =	vld [tilespmem:s6+$0x4730]  }
0x272: {  	v2 =	vadd.f32 v2, v4;
	v9 =	vadd.f32 v21, v9;
	v51 =	vld [tilespmem:s6+$0x4700]  }
0x273: {  	v6 =	vadd.f32 v6, v10;
	v7 =	vadd.f32 v25, v7;
	v54 =	vld [tilespmem:s6+$0x4710];
	s7 =	spop (v2sf)  }
0x274: {  	v9 =	vadd.f32 v22, v9;
	(v2sf) =	vpush v3, $0x5;
	v60 =	vld [tilespmem:s7+$0x1C480]  }
0x275: {  	v2 =	vadd.f32 v12, v2;
	v7 =	vadd.f32 v29, v7;
	v61 =	vld [tilespmem:s7+$0x1C490]  }
0x276: {  	v6 =	vadd.f32 v24, v6;
	v9 =	vadd.f32 v19, v9;
	v62 =	vld [tilespmem:s7+$0x1C4A0]  }
0x277: {  	v7 =	vadd.f32 v38, v7;
	s9 =	spop (v2sf);
	(v2sf) =	vpush v3, $0x4;
	v63 =	vld [tilespmem:s7+$0x1C4B0]  }
0x278: {  	v1 =	vadd.f32 v1, v2;
	v6 =	vadd.f32 v37, v6;
	v56 =	vld [tilespmem:s9+$0x1C400]  }
0x279: {  	v9 =	vadd.f32 v33, v9;
	v7 =	vadd.f32 v40, v7;
	v57 =	vld [tilespmem:s9+$0x1C410]  }
0x27a: {  	v1 =	vadd.f32 v47, v1;
	v6 =	vadd.f32 v39, v6;
	v58 =	vld [tilespmem:s9+$0x1C420]  }
0x27b: {  	v9 =	vadd.f32 v34, v9;
	v7 =	vadd.f32 v42, v7;
	v59 =	vld [tilespmem:s9+$0x1C430];
	s10 =	spop (v2sf)  }
0x27c: {  	v34 =	vadd.f32 v41, v6;
	(v2sf) =	vpush v3, $0x7;
	v41 =	vld [tilespmem:s10+$0x1C580]  }
0x27d: {  	v37 =	vadd.f32 v36, v9;
	v7 =	vadd.f32 v44, v7;
	v42 =	vld [tilespmem:s10+$0x1C590]  }
0x27e: {  	s12 =	spop (v2sf);
	(v2sf) =	vpush v3, $0x6;
	v3 =	vadd.f32 v43, v34;
	v43 =	vld [tilespmem:s10+$0x1C5A0]  }
0x27f: {  	v1 =	vadd.f32 v32, v1;
	v6 =	vadd.f32 v45, v37;
	v45 =	vld [tilespmem:s10+$0x1C5B0]  }
0x280: {  	v7 =	vadd.f32 v46, v7;
	v33 =	vld [tilespmem:s12+$0x1C500]  }
0x281: {  	v1 =	vadd.f32 v35, v1;
	v6 =	vadd.f32 v26, v6;
	v38 =	vld [tilespmem:s12+$0x1C510]  }
0x282: {  	v7 =	vadd.f32 v52, v7;
	v39 =	vld [tilespmem:s12+$0x1C520];
	v3 =	vadd.f32 v30, v3  }
0x283: {  	v1 =	vadd.f32 v31, v1;
	v44 =	vadd.f32 v51, v6;
	v40 =	vld [tilespmem:s12+$0x1C530];
	s21 =	spop (v2sf)  }
0x284: {  	v7 =	vadd.f32 v54, v7;
	v0 =	vadd.f32 v0, v3;
	v51 =	vld [tilespmem:s21+$0x1C690]  }
0x285: {  	v1 =	vadd.f32 v49, v1;
	v3 =	vadd.f32 v53, v44;
	v53 =	vld [tilespmem:s21+$0x1C6A0]  }
0x286: {  	v7 =	vadd.f32 v55, v7;
	s26 =	spop (v2sf);
	v54 =	vld [tilespmem:s21+$0x1C6B0];
	v0 =	vadd.f32 v48, v0  }
0x287: {  	v1 =	vadd.f32 v20, v1;
	v46 =	vld [tilespmem:s26+$0x1C600];
	v3 =	vadd.f32 v56, v3  }
0x288: {  	v7 =	vadd.f32 v57, v7;
	v47 =	vld [tilespmem:s26+$0x1C610];
	v0 =	vadd.f32 v50, v0  }
0x289: {  	v1 =	vadd.f32 v59, v1;
	v48 =	vld [tilespmem:s26+$0x1C620];
	v3 =	vadd.f32 v60, v3  }
0x28a: {  	v52 =	vadd.f32 v61, v7;
	v49 =	vld [tilespmem:s26+$0x1C630];
	v0 =	vadd.f32 v58, v0  }
0x28b: {  	v1 =	vadd.f32 v63, v1;
	v50 =	vld [tilespmem:s21+$0x1C680];
	v2 =	vadd.f32 v33, v3;
	s29 =	spop (v2sf)  }
0x28c: {  	v5 =	vadd.f32 v38, v52;
	v0 =	vadd.f32 v62, v0;
	v59 =	vld [tilespmem:s29+$0x1C780]  }
0x28d: {  	v1 =	vadd.f32 v40, v1;
	v2 =	vadd.f32 v41, v2;
	s31 =	spop (v2sf);
	v60 =	vld [tilespmem:s29+$0x1C790]  }
0x28e: {  	v5 =	vadd.f32 v42, v5;
	v0 =	vadd.f32 v39, v0;
	v55 =	vld [tilespmem:s31+$0x1C700]  }
0x28f: {  	v1 =	vadd.f32 v45, v1;
	v2 =	vadd.f32 v46, v2;
	v56 =	vld [tilespmem:s31+$0x1C710]  }
0x290: {  	v5 =	vadd.f32 v47, v5;
	v0 =	vadd.f32 v43, v0;
	v58 =	vld [tilespmem:s31+$0x1C730]  }
0x291: {  	v1 =	vadd.f32 v49, v1;
	v57 =	vld [tilespmem:s31+$0x1C720];
	v2 =	vadd.f32 v50, v2  }
0x292: {  	v4 =	vadd.f32 v51, v5;
	v62 =	vld [tilespmem:s29+$0x1C7B0];
	v0 =	vadd.f32 v48, v0  }
0x293: {  	v1 =	vadd.f32 v54, v1;
	v61 =	vld [tilespmem:s29+$0x1C7A0];
	v2 =	vadd.f32 v55, v2  }
0x294: {  	s28 =	sadd.s32 $0x1, s28;
	v0 =	vadd.f32 v53, v0;
	v63 =	vadd.f32 v56, v4  }
0x295: {  	p0 =	sne.s32 s28, $0x40;
	v1 =	vadd.f32 v58, v1;
	v2 =	vadd.f32 v59, v2  }
.Ltmp4:
0x296: {  	v0 =	vadd.f32 v57, v0;
	v3 =	vadd.f32 v60, v63;
	(pc) =	sbr.rel @p0 .LBB2_2-.Ltmp4, $4  }
0x297: {  	v1 =	vadd.f32 v62, v1;
	[tilespmem:s30+$0x1C840] =	vst v2  }
0x298: {  	v0 =	vadd.f32 v61, v0;
	[tilespmem:s30+$0x1C850] =	vst v3  }
0x299: {  	s13 =	sadd.s32 $0x200, s13;
	[tilespmem:s30+$0x1C870] =	vst v1  }
0x29a: {  	s25 =	sadd.s32 $0x200, s25;
	s23 =	sadd.s32 $0x200, s23;
	s24 =	sadd.s32 $0x200, s24;
	[tilespmem:s30+$0x1C860] =	vst v0  }
0x29b: {  	s2 =	simm.s32 $0x0;
	s0 =	rddreg [dreg:$0x4];
	s1 =	simm.s32 $0x1C800  }
0x29c: {  	[hbm4b:s0+s2] =	stream.linear.scatter [tilespmem:s1], [sflag:$0x5], $0x2000, $0x38;
	[tilespmem:$0x1E800] =	vst v63  }
0x29d: {  	_ =	swait.ge [sflag:s8], $0x2000  }
0x29e: {  	s22 =	sadd.s32 $0x1, s22;
	s31 =	rddreg [dreg:$0x5]  }
0x29f: {  	p0 =	sne.s32 s22, s31  }
.Ltmp5:
0x2a0: {  	_ = 	snop;
	(pc) =	sbr.rel @p0 .LBB2_1-.Ltmp5, $3  }
0x2a1: {  	_ =	sdelay $0x1  }
0x2a2: {  	[sflag:s8] =	ssyncset.done $0x0  }
0x2a3: {  	[sflag:s8] =	ssyncadd.s32 $0xFFFFE000  }
0x2a4: {  	_ =	sfence.sel $0x180000  }
0x2a5: {  	[bflag:$0x0] =	sbarrier.arrive $0xFFFF  }
0x2a6: {  	_ =	strace $0x90000047  }
0x2a7: {  	s0 =	stileid.u32;
	[bflag:$0x2] =	sbarrier.arrive $0xFFFF  }
0x2a8: {  	p0 =	sne.s32 s0, $0x0;
	s0 =	rddreg [dreg:$0x1]  }
0x2a9: {  	s0 =	sadd.s32 @!p0 $0x100000, s0  }
0x2aa: {  	[sflag:s0] =	ssyncadd.tile.s32 @!p0 $0x1;
	_ =	shalt  }
.Lfunc_end2:
_tile_overlayer_lowered:
.L_overlay_start_2:
0x2ab: {  	(tag) =	ssettag $0x2  }
0x2ac: {  	s0 =	rddreg [dreg:$0x0];
	s2 =	stileid.u32  }
0x2ad: {  	s1 =	rddreg [dreg:$0x1];
	p0 =	sne.s32 s2, $0x0  }
0x2ae: {  	s3 =	rddreg [dreg:$0x2];
	[bflag:$0x3] =	sbarrier.arrive $0xFFFF;
	s2 =	simm.s32 @!p0 $0x1C05  }
0x2af: {  	[timem:s3], [sflag:s2] =	dma.local @!p0 [hbm:s0], s1  }
0x2b0: {  	s0 =	simm.s32 @!p0 $0x5  }
0x2b1: {  	_ =	swait.ge @!p0 [sflag:s0], s1  }
0x2b2: {  	s1 =	ssub.s32 @!p0 $0x0, s1;
	[sflag:s0] =	ssyncset.done @!p0 $0x0  }
0x2b3: {  	[sflag:s0] =	ssyncadd.s32 @!p0 s1  }
0x2b4: {  	[bflag:$0x3] =	sbarrier.arrive $0xFFFF  }
0x2b5: {  	_ =	shalt  }

</sc_bundles>
